<compile_context>
chip_gen: v7x
topology: tpu7x:2x2x1
jax: 0.10.2.dev20260603
libtpu: 0.0.44.dev20260713+nightly
codegen_flags: <defaults>
</compile_context>

<pallas_src>
import functools

import jax
import jax.numpy as jnp
from jax import lax
from jax.experimental import pallas as pl
from jax.experimental.pallas import tpu as pltpu
from jax.experimental.pallas import tpu_sc as plsc

N_NODES = 10000
N_EDGES = 320000
D = 128

NC = 2
NS = 16
NW = NC * NS
CHUNK = 128
GROUP = 16
GROUPS_PER_TILE = 5
CHUNKS_PER_TILE = GROUP * GROUPS_PER_TILE
E_PAD = NW * CHUNKS_PER_TILE * CHUNK
N_ACC = 10112
N_JUNK = N_ACC - N_NODES
ROWS_PER_TILE = N_ACC // NS
DROWS = N_ACC // CHUNK


def _sc_body(x_hbm, src_hbm, dst_hbm,
             agg_out, deg_out,
             agg_sh, src_v, dst_v, rows_a, rows_b, deg_v,
             gsem_a, gsem_b):
    c = lax.axis_index("c")
    s = lax.axis_index("s")
    wid = c * NS + s

    zero16 = jnp.zeros((16,), jnp.float32)

    def zrow(r, carry):
        for k in range(CHUNK // 16):
            deg_v[pl.ds(r * CHUNK + k * 16, 16)] = zero16
        return carry

    lax.fori_loop(0, DROWS, zrow, 0)

    def zbuf(r, carry):
        for k in range(CHUNK // 16):
            rows_a[r, pl.ds(k * 16, 16)] = zero16
        return carry

    lax.fori_loop(0, CHUNK, zbuf, 0)
    for q in range(4):
        pltpu.sync_copy(
            rows_a,
            agg_sh.at[pl.ds(s * ROWS_PER_TILE + q * CHUNK, CHUNK)])
    pltpu.sync_copy(
        rows_a.at[pl.ds(0, ROWS_PER_TILE - 4 * CHUNK)],
        agg_sh.at[pl.ds(s * ROWS_PER_TILE + 4 * CHUNK,
                        ROWS_PER_TILE - 4 * CHUNK)])
    plsc.subcore_barrier()

    one16 = jnp.ones((16,), jnp.float32)
    rows_bufs = (rows_a, rows_b)
    gsems = (gsem_a, gsem_b)

    def group(g, carry):
        pltpu.sync_copy(src_hbm.at[wid, pl.ds(g * GROUP, GROUP)], src_v)
        pltpu.sync_copy(dst_hbm.at[wid, pl.ds(g * GROUP, GROUP)], dst_v)
        gathers = [
            pltpu.async_copy(x_hbm.at[src_v.at[0]], rows_bufs[0], gsems[0]),
            pltpu.async_copy(x_hbm.at[src_v.at[1]], rows_bufs[1], gsems[1]),
        ]
        for jj in range(GROUP):
            b = jj % 2
            for k in range(CHUNK // 16):
                dk = dst_v[jj, pl.ds(k * 16, 16)]
                plsc.addupdate_scatter(deg_v, [dk], one16)
            gathers[b].wait()
            pltpu.sync_copy(rows_bufs[b], agg_sh.at[dst_v.at[jj]], add=True)
            if jj + 2 < GROUP:
                gathers[b] = pltpu.async_copy(
                    x_hbm.at[src_v.at[jj + 2]], rows_bufs[b], gsems[b])
        return carry

    lax.fori_loop(0, GROUPS_PER_TILE, group, 0)

    plsc.subcore_barrier()
    pltpu.sync_copy(agg_sh.at[pl.ds(s * ROWS_PER_TILE, ROWS_PER_TILE)],
                    agg_out.at[c, pl.ds(s * ROWS_PER_TILE, ROWS_PER_TILE)])
    pltpu.sync_copy(deg_v, deg_out.at[pl.ds(wid * N_ACC, N_ACC)])


_sc_aggregate = functools.partial(
    pl.kernel,
    out_type=[
        jax.ShapeDtypeStruct((NC, N_ACC, D), jnp.float32),
        jax.ShapeDtypeStruct((NW * N_ACC + 1024,), jnp.float32),
    ],
    mesh=plsc.VectorSubcoreMesh(core_axis_name="c", subcore_axis_name="s"),
    compiler_params=pltpu.CompilerParams(needs_layout_passes=False),
    scratch_types=[
        pltpu.VMEM_SHARED((N_ACC, D), jnp.float32),
        pltpu.VMEM((GROUP, CHUNK), jnp.int32),
        pltpu.VMEM((GROUP, CHUNK), jnp.int32),
        pltpu.VMEM((CHUNK, D), jnp.float32),
        pltpu.VMEM((CHUNK, D), jnp.float32),
        pltpu.VMEM((N_ACC,), jnp.float32),
        pltpu.SemaphoreType.DMA,
        pltpu.SemaphoreType.DMA,
    ],
)(_sc_body)


TC_TILES = 8
TC_BLOCK = TC_TILES * CHUNK
TC_GRID = -(-N_ACC // TC_BLOCK)


def _tc_body(alpha_ref, aggP_ref, degf_ref, w1_ref, w2_ref, out_ref):
    i = pl.program_id(0)
    a0 = alpha_ref[0]
    a1 = alpha_ref[1]
    m = jnp.maximum(a0, a1)
    e0 = jnp.exp(a0 - m)
    e1 = jnp.exp(a1 - m)
    inv = 1.0 / (e0 + e1)
    wc = (e0 * inv) * w1_ref[...] + (e1 * inv) * w2_ref[...]
    agg = aggP_ref[0] + aggP_ref[1]
    row_i = lax.broadcasted_iota(jnp.int32, (CHUNK, CHUNK), 0)
    col_i = lax.broadcasted_iota(jnp.int32, (CHUNK, CHUNK), 1)
    is_diag = row_i == col_i
    for t in range(TC_TILES):
        deg = degf_ref[pl.ds(i * TC_BLOCK + t * CHUNK, CHUNK)]
        for w in range(1, NW):
            deg = deg + degf_ref[pl.ds(w * N_ACC + i * TC_BLOCK + t * CHUNK,
                                       CHUNK)]
        scale = 1.0 / jnp.maximum(deg, 1.0)
        srow = jnp.broadcast_to(scale.reshape(1, CHUNK), (CHUNK, CHUNK))
        diag = jnp.where(is_diag, srow, 0.0)
        sub = agg[t * CHUNK:(t + 1) * CHUNK, :]
        aggn = jnp.dot(diag, sub, preferred_element_type=jnp.float32)
        out_ref[t * CHUNK:(t + 1) * CHUNK, :] = jnp.dot(
            aggn, wc, preferred_element_type=jnp.float32)


def _tc_finalize(alpha, agg_p, deg_p, w1, w2):
    return pl.pallas_call(
        _tc_body,
        grid=(TC_GRID,),
        in_specs=[
            pl.BlockSpec(memory_space=pltpu.SMEM),
            pl.BlockSpec((NC, TC_BLOCK, D), lambda i: (0, i, 0)),
            pl.BlockSpec((NW * N_ACC + TC_BLOCK,), lambda i: (0,)),
            pl.BlockSpec((D, D), lambda i: (0, 0)),
            pl.BlockSpec((D, D), lambda i: (0, 0)),
        ],
        out_specs=pl.BlockSpec((TC_BLOCK, D), lambda i: (i, 0)),
        out_shape=jax.ShapeDtypeStruct((N_NODES, D), jnp.float32),
    )(alpha, agg_p, deg_p, w1, w2)


def kernel(x, edge_index, alpha, W1, W2):
    src = edge_index[0]
    dst = edge_index[1]
    pad = E_PAD - N_EDGES
    pad_ar = jnp.arange(pad, dtype=jnp.int32)
    src_p = jnp.concatenate([src, pad_ar % N_NODES])
    dst_p = jnp.concatenate([dst, N_NODES + pad_ar % N_JUNK])
    src3 = src_p.reshape(NW, CHUNKS_PER_TILE, CHUNK)
    dst3 = dst_p.reshape(NW, CHUNKS_PER_TILE, CHUNK)
    agg_p, deg_p = _sc_aggregate(x, src3, dst3)
    return _tc_finalize(alpha, agg_p, deg_p, W1, W2)

# --- scband reference (transcript-rebuilt; emitter-appended) ---
"""Pipeline reference for scband-dynamic-cell-49959059587117 (READ-ONLY COPY).

The authoritative reference and input builder live on the scoring server;
editing this copy changes nothing except your own understanding.
"""

import jax, jax.numpy as jnp
import numpy as np

N = 10000
E = 320000
D_IN = 128
D_OUT = 128
N_OPS = 2


def gcn_op(x, edge_index, W):
    # GCN-style message passing: gather from src, scatter-add to dst, mean-normalize, then linear.
    src = edge_index[0]
    dst = edge_index[1]
    msgs = x[src]  # gather [E, D_IN]
    agg = jax.ops.segment_sum(msgs, dst, num_segments=N)  # scatter-add [N, D_IN]
    deg = jax.ops.segment_sum(jnp.ones((msgs.shape[0], 1), dtype=x.dtype), dst, num_segments=N)
    agg = agg / jnp.clip(deg, 1.0)
    return agg @ W


def setup_inputs(seed: int = 0) -> dict:
    key = jax.random.key(seed)
    k1, k2, k3, k4, k5 = jax.random.split(key, 5)
    x = jax.random.normal(k1, (N, D_IN), dtype=jnp.float32)
    edge_index = jax.random.randint(k2, (2, E), 0, N, dtype=jnp.int32)
    alpha = jax.random.normal(k3, (N_OPS,), dtype=jnp.float32)
    W1 = jax.random.normal(k4, (D_IN, D_OUT), dtype=jnp.float32) * (1.0 / np.sqrt(D_IN))
    W2 = jax.random.normal(k5, (D_IN, D_OUT), dtype=jnp.float32) * (1.0 / np.sqrt(D_IN))
    return {"x": x, "edge_index": edge_index, "alpha": alpha, "W1": W1, "W2": W2}


def reference(x, edge_index, alpha, W1, W2):
    # DynamicCell.forward: softmax-weighted mixture of graph ops
    a = jax.nn.softmax(alpha, axis=0)
    out = a[0] * gcn_op(x, edge_index, W1)
    out = out + a[1] * gcn_op(x, edge_index, W2)
    return out

if __name__ == "__main__":
    import jax
    _d = setup_inputs()
    print(jax.jit(kernel)(*tuple(_d.values())))

</pallas_src>

<mosaic_0001>
#map = affine_map<(d0, d1) -> (0, 0)>
#map1 = affine_map<(d0, d1) -> (0, 0, 0)>
#map2 = affine_map<(d0, d1) -> (0)>
module attributes {stable_mosaic.version = 14 : i64} {
  func.func @_sc_body(%arg0: i32, %arg1: i32, %arg2: memref<10000x128xf32, #tpu.memory_space<hbm>>, %arg3: memref<32x80x128xi32, #tpu.memory_space<hbm>>, %arg4: memref<32x80x128xi32, #tpu.memory_space<hbm>>, %arg5: memref<2x10112x128xf32, #tpu.memory_space<hbm>>, %arg6: memref<324608xf32, #tpu.memory_space<hbm>>, %arg7: memref<10112x128xf32, #tpu.memory_space<vmem_shared>>, %arg8: memref<16x128xi32, #tpu.memory_space<vmem>>, %arg9: memref<16x128xi32, #tpu.memory_space<vmem>>, %arg10: memref<128x128xf32, #tpu.memory_space<vmem>>, %arg11: memref<128x128xf32, #tpu.memory_space<vmem>>, %arg12: memref<10112xf32, #tpu.memory_space<vmem>>, %arg13: memref<!tpu.dma_semaphore, #tpu.memory_space<semaphore_mem>>, %arg14: memref<!tpu.dma_semaphore, #tpu.memory_space<semaphore_mem>>) attributes {dimension_semantics = [#tpu.dimension_semantics<core_parallel>, #tpu.dimension_semantics<subcore_parallel>], iteration_bounds = array<i64: 2, 16>, scalar_prefetch = 0 : i64, scratch_operands = 8 : i64, tpu.core_type = #tpu.core_type<sc_vector_subcore>, window_params = [{transform_indices = #map}, {transform_indices = #map1}, {transform_indices = #map1}, {transform_indices = #map1}, {transform_indices = #map2}]} {
    %mul3A = arith.constant 16 : i32
    %mul3A_0 = arith.muli %arg0, %mul3A : i32
    %add3A = arith.addi %mul3A_0, %arg1 : i32
    %broadcast_in_dim3A = arith.constant 0.000000e+00 : f32
    %broadcast_in_dim3A_1 = vector.broadcast %broadcast_in_dim3A : f32 to vector<16xf32>
    %scan3A = arith.constant 0 : i32
    %scan3A_2 = arith.constant 0 : i32
    %scan3A_3 = arith.constant 79 : i32
    %scan3A_4 = arith.addi %scan3A_2, %scan3A_3 : i32
    %scan3A_5 = arith.constant 1 : i32
    scf.for %scan3A_48 = %scan3A_2 to %scan3A_4 step %scan3A_5  : i32 {
      %mul3A_49 = arith.constant 128 : i32
      %mul3A_50 = arith.muli %scan3A_48, %mul3A_49 : i32
      %add3A_51 = arith.constant 0 : i32
      %add3A_52 = arith.addi %mul3A_50, %add3A_51 : i32
      %swap3A = arith.index_cast %add3A_52 : i32 to index
      %swap3A_53 = tpu.vector_load %arg12[%swap3A] {strides = array<i32>} : memref<10112xf32, #tpu.memory_space<vmem>>, vector<16xf32>,
      tpu.vector_store %arg12[%swap3A], %broadcast_in_dim3A_1 {strides = array<i32>} : memref<10112xf32, #tpu.memory_space<vmem>>, vector<16xf32>,
      %mul3A_54 = arith.constant 128 : i32
      %mul3A_55 = arith.muli %scan3A_48, %mul3A_54 : i32
      %add3A_56 = arith.constant 16 : i32
      %add3A_57 = arith.addi %mul3A_55, %add3A_56 : i32
      %swap3A_58 = arith.index_cast %add3A_57 : i32 to index
      %swap3A_59 = tpu.vector_load %arg12[%swap3A_58] {strides = array<i32>} : memref<10112xf32, #tpu.memory_space<vmem>>, vector<16xf32>,
      tpu.vector_store %arg12[%swap3A_58], %broadcast_in_dim3A_1 {strides = array<i32>} : memref<10112xf32, #tpu.memory_space<vmem>>, vector<16xf32>,
      %mul3A_60 = arith.constant 128 : i32
      %mul3A_61 = arith.muli %scan3A_48, %mul3A_60 : i32
      %add3A_62 = arith.constant 32 : i32
      %add3A_63 = arith.addi %mul3A_61, %add3A_62 : i32
      %swap3A_64 = arith.index_cast %add3A_63 : i32 to index
      %swap3A_65 = tpu.vector_load %arg12[%swap3A_64] {strides = array<i32>} : memref<10112xf32, #tpu.memory_space<vmem>>, vector<16xf32>,
      tpu.vector_store %arg12[%swap3A_64], %broadcast_in_dim3A_1 {strides = array<i32>} : memref<10112xf32, #tpu.memory_space<vmem>>, vector<16xf32>,
      %mul3A_66 = arith.constant 128 : i32
      %mul3A_67 = arith.muli %scan3A_48, %mul3A_66 : i32
      %add3A_68 = arith.constant 48 : i32
      %add3A_69 = arith.addi %mul3A_67, %add3A_68 : i32
      %swap3A_70 = arith.index_cast %add3A_69 : i32 to index
      %swap3A_71 = tpu.vector_load %arg12[%swap3A_70] {strides = array<i32>} : memref<10112xf32, #tpu.memory_space<vmem>>, vector<16xf32>,
      tpu.vector_store %arg12[%swap3A_70], %broadcast_in_dim3A_1 {strides = array<i32>} : memref<10112xf32, #tpu.memory_space<vmem>>, vector<16xf32>,
      %mul3A_72 = arith.constant 128 : i32
      %mul3A_73 = arith.muli %scan3A_48, %mul3A_72 : i32
      %add3A_74 = arith.constant 64 : i32
      %add3A_75 = arith.addi %mul3A_73, %add3A_74 : i32
      %swap3A_76 = arith.index_cast %add3A_75 : i32 to index
      %swap3A_77 = tpu.vector_load %arg12[%swap3A_76] {strides = array<i32>} : memref<10112xf32, #tpu.memory_space<vmem>>, vector<16xf32>,
      tpu.vector_store %arg12[%swap3A_76], %broadcast_in_dim3A_1 {strides = array<i32>} : memref<10112xf32, #tpu.memory_space<vmem>>, vector<16xf32>,
      %mul3A_78 = arith.constant 128 : i32
      %mul3A_79 = arith.muli %scan3A_48, %mul3A_78 : i32
      %add3A_80 = arith.constant 80 : i32
      %add3A_81 = arith.addi %mul3A_79, %add3A_80 : i32
      %swap3A_82 = arith.index_cast %add3A_81 : i32 to index
      %swap3A_83 = tpu.vector_load %arg12[%swap3A_82] {strides = array<i32>} : memref<10112xf32, #tpu.memory_space<vmem>>, vector<16xf32>,
      tpu.vector_store %arg12[%swap3A_82], %broadcast_in_dim3A_1 {strides = array<i32>} : memref<10112xf32, #tpu.memory_space<vmem>>, vector<16xf32>,
      %mul3A_84 = arith.constant 128 : i32
      %mul3A_85 = arith.muli %scan3A_48, %mul3A_84 : i32
      %add3A_86 = arith.constant 96 : i32
      %add3A_87 = arith.addi %mul3A_85, %add3A_86 : i32
      %swap3A_88 = arith.index_cast %add3A_87 : i32 to index
      %swap3A_89 = tpu.vector_load %arg12[%swap3A_88] {strides = array<i32>} : memref<10112xf32, #tpu.memory_space<vmem>>, vector<16xf32>,
      tpu.vector_store %arg12[%swap3A_88], %broadcast_in_dim3A_1 {strides = array<i32>} : memref<10112xf32, #tpu.memory_space<vmem>>, vector<16xf32>,
      %mul3A_90 = arith.constant 128 : i32
      %mul3A_91 = arith.muli %scan3A_48, %mul3A_90 : i32
      %add3A_92 = arith.constant 112 : i32
      %add3A_93 = arith.addi %mul3A_91, %add3A_92 : i32
      %swap3A_94 = arith.index_cast %add3A_93 : i32 to index
      %swap3A_95 = tpu.vector_load %arg12[%swap3A_94] {strides = array<i32>} : memref<10112xf32, #tpu.memory_space<vmem>>, vector<16xf32>,
      tpu.vector_store %arg12[%swap3A_94], %broadcast_in_dim3A_1 {strides = array<i32>} : memref<10112xf32, #tpu.memory_space<vmem>>, vector<16xf32>,
    }
    %scan3A_6 = arith.constant 79 : i32
    %scan3A_7 = arith.constant 0 : i32
    %scan3A_8 = arith.constant 0 : i32
    %scan3A_9 = arith.constant 128 : i32
    %scan3A_10 = arith.addi %scan3A_8, %scan3A_9 : i32
    %scan3A_11 = arith.constant 1 : i32
    scf.for %scan3A_48 = %scan3A_8 to %scan3A_10 step %scan3A_11  : i32 {
      %swap3A = arith.index_cast %scan3A_48 : i32 to index
      %swap3A_49 = arith.constant 0 : index
      %swap3A_50 = tpu.vector_load %arg10[%swap3A, %swap3A_49] {strides = array<i32>} : memref<128x128xf32, #tpu.memory_space<vmem>>, vector<16xf32>,
      tpu.vector_store %arg10[%swap3A, %swap3A_49], %broadcast_in_dim3A_1 {strides = array<i32>} : memref<128x128xf32, #tpu.memory_space<vmem>>, vector<16xf32>,
      %swap3A_51 = arith.index_cast %scan3A_48 : i32 to index
      %swap3A_52 = arith.constant 16 : index
      %swap3A_53 = tpu.vector_load %arg10[%swap3A_51, %swap3A_52] {strides = array<i32>} : memref<128x128xf32, #tpu.memory_space<vmem>>, vector<16xf32>,
      tpu.vector_store %arg10[%swap3A_51, %swap3A_52], %broadcast_in_dim3A_1 {strides = array<i32>} : memref<128x128xf32, #tpu.memory_space<vmem>>, vector<16xf32>,
      %swap3A_54 = arith.index_cast %scan3A_48 : i32 to index
      %swap3A_55 = arith.constant 32 : index
      %swap3A_56 = tpu.vector_load %arg10[%swap3A_54, %swap3A_55] {strides = array<i32>} : memref<128x128xf32, #tpu.memory_space<vmem>>, vector<16xf32>,
      tpu.vector_store %arg10[%swap3A_54, %swap3A_55], %broadcast_in_dim3A_1 {strides = array<i32>} : memref<128x128xf32, #tpu.memory_space<vmem>>, vector<16xf32>,
      %swap3A_57 = arith.index_cast %scan3A_48 : i32 to index
      %swap3A_58 = arith.constant 48 : index
      %swap3A_59 = tpu.vector_load %arg10[%swap3A_57, %swap3A_58] {strides = array<i32>} : memref<128x128xf32, #tpu.memory_space<vmem>>, vector<16xf32>,
      tpu.vector_store %arg10[%swap3A_57, %swap3A_58], %broadcast_in_dim3A_1 {strides = array<i32>} : memref<128x128xf32, #tpu.memory_space<vmem>>, vector<16xf32>,
      %swap3A_60 = arith.index_cast %scan3A_48 : i32 to index
      %swap3A_61 = arith.constant 64 : index
      %swap3A_62 = tpu.vector_load %arg10[%swap3A_60, %swap3A_61] {strides = array<i32>} : memref<128x128xf32, #tpu.memory_space<vmem>>, vector<16xf32>,
      tpu.vector_store %arg10[%swap3A_60, %swap3A_61], %broadcast_in_dim3A_1 {strides = array<i32>} : memref<128x128xf32, #tpu.memory_space<vmem>>, vector<16xf32>,
      %swap3A_63 = arith.index_cast %scan3A_48 : i32 to index
      %swap3A_64 = arith.constant 80 : index
      %swap3A_65 = tpu.vector_load %arg10[%swap3A_63, %swap3A_64] {strides = array<i32>} : memref<128x128xf32, #tpu.memory_space<vmem>>, vector<16xf32>,
      tpu.vector_store %arg10[%swap3A_63, %swap3A_64], %broadcast_in_dim3A_1 {strides = array<i32>} : memref<128x128xf32, #tpu.memory_space<vmem>>, vector<16xf32>,
      %swap3A_66 = arith.index_cast %scan3A_48 : i32 to index
      %swap3A_67 = arith.constant 96 : index
      %swap3A_68 = tpu.vector_load %arg10[%swap3A_66, %swap3A_67] {strides = array<i32>} : memref<128x128xf32, #tpu.memory_space<vmem>>, vector<16xf32>,
      tpu.vector_store %arg10[%swap3A_66, %swap3A_67], %broadcast_in_dim3A_1 {strides = array<i32>} : memref<128x128xf32, #tpu.memory_space<vmem>>, vector<16xf32>,
      %swap3A_69 = arith.index_cast %scan3A_48 : i32 to index
      %swap3A_70 = arith.constant 112 : index
      %swap3A_71 = tpu.vector_load %arg10[%swap3A_69, %swap3A_70] {strides = array<i32>} : memref<128x128xf32, #tpu.memory_space<vmem>>, vector<16xf32>,
      tpu.vector_store %arg10[%swap3A_69, %swap3A_70], %broadcast_in_dim3A_1 {strides = array<i32>} : memref<128x128xf32, #tpu.memory_space<vmem>>, vector<16xf32>,
    }
    %scan3A_12 = arith.constant 128 : i32
    %mul3A_13 = arith.constant 632 : i32
    %mul3A_14 = arith.muli %arg1, %mul3A_13 : i32
    %add3A_15 = arith.constant 0 : i32
    %add3A_16 = arith.addi %mul3A_14, %add3A_15 : i32
    "tpu.region"() ({
      %run_scoped3A = tpu.sem_alloc : memref<!tpu.dma_semaphore, #tpu.memory_space<semaphore_mem>>
      %dma_start3A = arith.constant 0 : i32
      %dma_start3A_48 = tpu.memref_slice %arg7[%add3A_16, %dma_start3A] : memref<10112x128xf32, #tpu.memory_space<vmem_shared>> -> memref<128x128xf32, #tpu.memory_space<vmem_shared>>
      %dma_start3A_49 = arith.constant 0 : i32
      %dma_start3A_50 = tpu.memref_slice %arg7[%add3A_16, %dma_start3A_49] : memref<10112x128xf32, #tpu.memory_space<vmem_shared>> -> memref<128x128xf32, #tpu.memory_space<vmem_shared>>
      tpu.enqueue_dma source(%arg10 : memref<128x128xf32, #tpu.memory_space<vmem>>) target(%dma_start3A_50 : memref<128x128xf32, #tpu.memory_space<vmem_shared>>) target_semaphore(%run_scoped3A : memref<!tpu.dma_semaphore, #tpu.memory_space<semaphore_mem>>)
      %dma_wait3A = arith.constant 0 : i32
      %dma_wait3A_51 = tpu.memref_slice %arg7[%add3A_16, %dma_wait3A] : memref<10112x128xf32, #tpu.memory_space<vmem_shared>> -> memref<128x128xf32, #tpu.memory_space<vmem_shared>>
      %dma_wait3A_52 = arith.constant 0 : i32
      %dma_wait3A_53 = tpu.memref_slice %arg7[%add3A_16, %dma_wait3A_52] : memref<10112x128xf32, #tpu.memory_space<vmem_shared>> -> memref<128x128xf32, #tpu.memory_space<vmem_shared>>
      tpu.wait_dma2 semaphore(%run_scoped3A : memref<!tpu.dma_semaphore, #tpu.memory_space<semaphore_mem>>) src(%arg10 : memref<128x128xf32, #tpu.memory_space<vmem>>) dst(%dma_wait3A_53 : memref<128x128xf32, #tpu.memory_space<vmem_shared>>)
      tpu.yield
    }) : () -> ()
    %mul3A_17 = arith.constant 632 : i32
    %mul3A_18 = arith.muli %arg1, %mul3A_17 : i32
    %add3A_19 = arith.constant 128 : i32
    %add3A_20 = arith.addi %mul3A_18, %add3A_19 : i32
    "tpu.region"() ({
      %run_scoped3A = tpu.sem_alloc : memref<!tpu.dma_semaphore, #tpu.memory_space<semaphore_mem>>
      %dma_start3A = arith.constant 0 : i32
      %dma_start3A_48 = tpu.memref_slice %arg7[%add3A_20, %dma_start3A] : memref<10112x128xf32, #tpu.memory_space<vmem_shared>> -> memref<128x128xf32, #tpu.memory_space<vmem_shared>>
      %dma_start3A_49 = arith.constant 0 : i32
      %dma_start3A_50 = tpu.memref_slice %arg7[%add3A_20, %dma_start3A_49] : memref<10112x128xf32, #tpu.memory_space<vmem_shared>> -> memref<128x128xf32, #tpu.memory_space<vmem_shared>>
      tpu.enqueue_dma source(%arg10 : memref<128x128xf32, #tpu.memory_space<vmem>>) target(%dma_start3A_50 : memref<128x128xf32, #tpu.memory_space<vmem_shared>>) target_semaphore(%run_scoped3A : memref<!tpu.dma_semaphore, #tpu.memory_space<semaphore_mem>>)
      %dma_wait3A = arith.constant 0 : i32
      %dma_wait3A_51 = tpu.memref_slice %arg7[%add3A_20, %dma_wait3A] : memref<10112x128xf32, #tpu.memory_space<vmem_shared>> -> memref<128x128xf32, #tpu.memory_space<vmem_shared>>
      %dma_wait3A_52 = arith.constant 0 : i32
      %dma_wait3A_53 = tpu.memref_slice %arg7[%add3A_20, %dma_wait3A_52] : memref<10112x128xf32, #tpu.memory_space<vmem_shared>> -> memref<128x128xf32, #tpu.memory_space<vmem_shared>>
      tpu.wait_dma2 semaphore(%run_scoped3A : memref<!tpu.dma_semaphore, #tpu.memory_space<semaphore_mem>>) src(%arg10 : memref<128x128xf32, #tpu.memory_space<vmem>>) dst(%dma_wait3A_53 : memref<128x128xf32, #tpu.memory_space<vmem_shared>>)
      tpu.yield
    }) : () -> ()
    %mul3A_21 = arith.constant 632 : i32
    %mul3A_22 = arith.muli %arg1, %mul3A_21 : i32
    %add3A_23 = arith.constant 256 : i32
    %add3A_24 = arith.addi %mul3A_22, %add3A_23 : i32
    "tpu.region"() ({
      %run_scoped3A = tpu.sem_alloc : memref<!tpu.dma_semaphore, #tpu.memory_space<semaphore_mem>>
      %dma_start3A = arith.constant 0 : i32
      %dma_start3A_48 = tpu.memref_slice %arg7[%add3A_24, %dma_start3A] : memref<10112x128xf32, #tpu.memory_space<vmem_shared>> -> memref<128x128xf32, #tpu.memory_space<vmem_shared>>
      %dma_start3A_49 = arith.constant 0 : i32
      %dma_start3A_50 = tpu.memref_slice %arg7[%add3A_24, %dma_start3A_49] : memref<10112x128xf32, #tpu.memory_space<vmem_shared>> -> memref<128x128xf32, #tpu.memory_space<vmem_shared>>
      tpu.enqueue_dma source(%arg10 : memref<128x128xf32, #tpu.memory_space<vmem>>) target(%dma_start3A_50 : memref<128x128xf32, #tpu.memory_space<vmem_shared>>) target_semaphore(%run_scoped3A : memref<!tpu.dma_semaphore, #tpu.memory_space<semaphore_mem>>)
      %dma_wait3A = arith.constant 0 : i32
      %dma_wait3A_51 = tpu.memref_slice %arg7[%add3A_24, %dma_wait3A] : memref<10112x128xf32, #tpu.memory_space<vmem_shared>> -> memref<128x128xf32, #tpu.memory_space<vmem_shared>>
      %dma_wait3A_52 = arith.constant 0 : i32
      %dma_wait3A_53 = tpu.memref_slice %arg7[%add3A_24, %dma_wait3A_52] : memref<10112x128xf32, #tpu.memory_space<vmem_shared>> -> memref<128x128xf32, #tpu.memory_space<vmem_shared>>
      tpu.wait_dma2 semaphore(%run_scoped3A : memref<!tpu.dma_semaphore, #tpu.memory_space<semaphore_mem>>) src(%arg10 : memref<128x128xf32, #tpu.memory_space<vmem>>) dst(%dma_wait3A_53 : memref<128x128xf32, #tpu.memory_space<vmem_shared>>)
      tpu.yield
    }) : () -> ()
    %mul3A_25 = arith.constant 632 : i32
    %mul3A_26 = arith.muli %arg1, %mul3A_25 : i32
    %add3A_27 = arith.constant 384 : i32
    %add3A_28 = arith.addi %mul3A_26, %add3A_27 : i32
    "tpu.region"() ({
      %run_scoped3A = tpu.sem_alloc : memref<!tpu.dma_semaphore, #tpu.memory_space<semaphore_mem>>
      %dma_start3A = arith.constant 0 : i32
      %dma_start3A_48 = tpu.memref_slice %arg7[%add3A_28, %dma_start3A] : memref<10112x128xf32, #tpu.memory_space<vmem_shared>> -> memref<128x128xf32, #tpu.memory_space<vmem_shared>>
      %dma_start3A_49 = arith.constant 0 : i32
      %dma_start3A_50 = tpu.memref_slice %arg7[%add3A_28, %dma_start3A_49] : memref<10112x128xf32, #tpu.memory_space<vmem_shared>> -> memref<128x128xf32, #tpu.memory_space<vmem_shared>>
      tpu.enqueue_dma source(%arg10 : memref<128x128xf32, #tpu.memory_space<vmem>>) target(%dma_start3A_50 : memref<128x128xf32, #tpu.memory_space<vmem_shared>>) target_semaphore(%run_scoped3A : memref<!tpu.dma_semaphore, #tpu.memory_space<semaphore_mem>>)
      %dma_wait3A = arith.constant 0 : i32
      %dma_wait3A_51 = tpu.memref_slice %arg7[%add3A_28, %dma_wait3A] : memref<10112x128xf32, #tpu.memory_space<vmem_shared>> -> memref<128x128xf32, #tpu.memory_space<vmem_shared>>
      %dma_wait3A_52 = arith.constant 0 : i32
      %dma_wait3A_53 = tpu.memref_slice %arg7[%add3A_28, %dma_wait3A_52] : memref<10112x128xf32, #tpu.memory_space<vmem_shared>> -> memref<128x128xf32, #tpu.memory_space<vmem_shared>>
      tpu.wait_dma2 semaphore(%run_scoped3A : memref<!tpu.dma_semaphore, #tpu.memory_space<semaphore_mem>>) src(%arg10 : memref<128x128xf32, #tpu.memory_space<vmem>>) dst(%dma_wait3A_53 : memref<128x128xf32, #tpu.memory_space<vmem_shared>>)
      tpu.yield
    }) : () -> ()
    %mul3A_29 = arith.constant 632 : i32
    %mul3A_30 = arith.muli %arg1, %mul3A_29 : i32
    %add3A_31 = arith.constant 512 : i32
    %add3A_32 = arith.addi %mul3A_30, %add3A_31 : i32
    "tpu.region"() ({
      %run_scoped3A = tpu.sem_alloc : memref<!tpu.dma_semaphore, #tpu.memory_space<semaphore_mem>>
      %dma_start3A = arith.constant 0 : i32
      %dma_start3A_48 = arith.constant 0 : i32
      %dma_start3A_49 = tpu.memref_slice %arg10[%dma_start3A, %dma_start3A_48] : memref<128x128xf32, #tpu.memory_space<vmem>> -> memref<120x128xf32, #tpu.memory_space<vmem>>
      %dma_start3A_50 = arith.constant 0 : i32
      %dma_start3A_51 = tpu.memref_slice %arg7[%add3A_32, %dma_start3A_50] : memref<10112x128xf32, #tpu.memory_space<vmem_shared>> -> memref<120x128xf32, #tpu.memory_space<vmem_shared>>
      %dma_start3A_52 = arith.constant 0 : i32
      %dma_start3A_53 = tpu.memref_slice %arg7[%add3A_32, %dma_start3A_52] : memref<10112x128xf32, #tpu.memory_space<vmem_shared>> -> memref<120x128xf32, #tpu.memory_space<vmem_shared>>
      %dma_start3A_54 = arith.constant 0 : i32
      %dma_start3A_55 = arith.constant 0 : i32
      %dma_start3A_56 = tpu.memref_slice %arg10[%dma_start3A_54, %dma_start3A_55] : memref<128x128xf32, #tpu.memory_space<vmem>> -> memref<120x128xf32, #tpu.memory_space<vmem>>
      tpu.enqueue_dma source(%dma_start3A_56 : memref<120x128xf32, #tpu.memory_space<vmem>>) target(%dma_start3A_53 : memref<120x128xf32, #tpu.memory_space<vmem_shared>>) target_semaphore(%run_scoped3A : memref<!tpu.dma_semaphore, #tpu.memory_space<semaphore_mem>>)
      %dma_wait3A = arith.constant 0 : i32
      %dma_wait3A_57 = arith.constant 0 : i32
      %dma_wait3A_58 = tpu.memref_slice %arg10[%dma_wait3A, %dma_wait3A_57] : memref<128x128xf32, #tpu.memory_space<vmem>> -> memref<120x128xf32, #tpu.memory_space<vmem>>
      %dma_wait3A_59 = arith.constant 0 : i32
      %dma_wait3A_60 = tpu.memref_slice %arg7[%add3A_32, %dma_wait3A_59] : memref<10112x128xf32, #tpu.memory_space<vmem_shared>> -> memref<120x128xf32, #tpu.memory_space<vmem_shared>>
      %dma_wait3A_61 = arith.constant 0 : i32
      %dma_wait3A_62 = tpu.memref_slice %arg7[%add3A_32, %dma_wait3A_61] : memref<10112x128xf32, #tpu.memory_space<vmem_shared>> -> memref<120x128xf32, #tpu.memory_space<vmem_shared>>
      %dma_wait3A_63 = arith.constant 0 : i32
      %dma_wait3A_64 = arith.constant 0 : i32
      %dma_wait3A_65 = tpu.memref_slice %arg10[%dma_wait3A_63, %dma_wait3A_64] : memref<128x128xf32, #tpu.memory_space<vmem>> -> memref<120x128xf32, #tpu.memory_space<vmem>>
      tpu.wait_dma2 semaphore(%run_scoped3A : memref<!tpu.dma_semaphore, #tpu.memory_space<semaphore_mem>>) src(%dma_wait3A_65 : memref<120x128xf32, #tpu.memory_space<vmem>>) dst(%dma_wait3A_62 : memref<120x128xf32, #tpu.memory_space<vmem_shared>>)
      tpu.yield
    }) : () -> ()
    %barrier3A = arith.constant 0 : index
    tpu.barrier barrier_id(%barrier3A)
    %broadcast_in_dim3A_33 = arith.constant 1.000000e+00 : f32
    %broadcast_in_dim3A_34 = vector.broadcast %broadcast_in_dim3A_33 : f32 to vector<16xf32>
    %scan3A_35 = arith.constant 0 : i32
    %scan3A_36 = arith.constant 0 : i32
    %scan3A_37 = arith.constant 5 : i32
    %scan3A_38 = arith.addi %scan3A_36, %scan3A_37 : i32
    %scan3A_39 = arith.constant 1 : i32
    scf.for %scan3A_48 = %scan3A_36 to %scan3A_38 step %scan3A_39  : i32 {
      %mul3A_49 = arith.constant 16 : i32
      %mul3A_50 = arith.muli %scan3A_48, %mul3A_49 : i32
      "tpu.region"() ({
        %run_scoped3A_801 = tpu.sem_alloc : memref<!tpu.dma_semaphore, #tpu.memory_space<semaphore_mem>>
        %dma_start3A_802 = arith.constant 0 : i32
        %dma_start3A_803 = tpu.memref_slice %arg3[%add3A, %mul3A_50, %dma_start3A_802] : memref<32x80x128xi32, #tpu.memory_space<hbm>> -> memref<1x16x128xi32, #tpu.memory_space<hbm>>
        %dma_start3A_804 = tpu.memref_squeeze %dma_start3A_803 : memref<1x16x128xi32, #tpu.memory_space<hbm>> -> memref<16x128xi32, #tpu.memory_space<hbm>>
        %dma_start3A_805 = arith.constant 0 : i32
        %dma_start3A_806 = tpu.memref_slice %arg3[%add3A, %mul3A_50, %dma_start3A_805] : memref<32x80x128xi32, #tpu.memory_space<hbm>> -> memref<1x16x128xi32, #tpu.memory_space<hbm>>
        %dma_start3A_807 = tpu.memref_squeeze %dma_start3A_806 : memref<1x16x128xi32, #tpu.memory_space<hbm>> -> memref<16x128xi32, #tpu.memory_space<hbm>>
        tpu.enqueue_dma source(%dma_start3A_807 : memref<16x128xi32, #tpu.memory_space<hbm>>) target(%arg8 : memref<16x128xi32, #tpu.memory_space<vmem>>) target_semaphore(%run_scoped3A_801 : memref<!tpu.dma_semaphore, #tpu.memory_space<semaphore_mem>>)
        %dma_wait3A_808 = arith.constant 0 : i32
        %dma_wait3A_809 = tpu.memref_slice %arg3[%add3A, %mul3A_50, %dma_wait3A_808] : memref<32x80x128xi32, #tpu.memory_space<hbm>> -> memref<1x16x128xi32, #tpu.memory_space<hbm>>
        %dma_wait3A_810 = tpu.memref_squeeze %dma_wait3A_809 : memref<1x16x128xi32, #tpu.memory_space<hbm>> -> memref<16x128xi32, #tpu.memory_space<hbm>>
        %dma_wait3A_811 = arith.constant 0 : i32
        %dma_wait3A_812 = tpu.memref_slice %arg3[%add3A, %mul3A_50, %dma_wait3A_811] : memref<32x80x128xi32, #tpu.memory_space<hbm>> -> memref<1x16x128xi32, #tpu.memory_space<hbm>>
        %dma_wait3A_813 = tpu.memref_squeeze %dma_wait3A_812 : memref<1x16x128xi32, #tpu.memory_space<hbm>> -> memref<16x128xi32, #tpu.memory_space<hbm>>
        tpu.wait_dma2 semaphore(%run_scoped3A_801 : memref<!tpu.dma_semaphore, #tpu.memory_space<semaphore_mem>>) src(%dma_wait3A_813 : memref<16x128xi32, #tpu.memory_space<hbm>>) dst(%arg8 : memref<16x128xi32, #tpu.memory_space<vmem>>)
        tpu.yield
      }) : () -> ()
      %mul3A_51 = arith.constant 16 : i32
      %mul3A_52 = arith.muli %scan3A_48, %mul3A_51 : i32
      "tpu.region"() ({
        %run_scoped3A_801 = tpu.sem_alloc : memref<!tpu.dma_semaphore, #tpu.memory_space<semaphore_mem>>
        %dma_start3A_802 = arith.constant 0 : i32
        %dma_start3A_803 = tpu.memref_slice %arg4[%add3A, %mul3A_52, %dma_start3A_802] : memref<32x80x128xi32, #tpu.memory_space<hbm>> -> memref<1x16x128xi32, #tpu.memory_space<hbm>>
        %dma_start3A_804 = tpu.memref_squeeze %dma_start3A_803 : memref<1x16x128xi32, #tpu.memory_space<hbm>> -> memref<16x128xi32, #tpu.memory_space<hbm>>
        %dma_start3A_805 = arith.constant 0 : i32
        %dma_start3A_806 = tpu.memref_slice %arg4[%add3A, %mul3A_52, %dma_start3A_805] : memref<32x80x128xi32, #tpu.memory_space<hbm>> -> memref<1x16x128xi32, #tpu.memory_space<hbm>>
        %dma_start3A_807 = tpu.memref_squeeze %dma_start3A_806 : memref<1x16x128xi32, #tpu.memory_space<hbm>> -> memref<16x128xi32, #tpu.memory_space<hbm>>
        tpu.enqueue_dma source(%dma_start3A_807 : memref<16x128xi32, #tpu.memory_space<hbm>>) target(%arg9 : memref<16x128xi32, #tpu.memory_space<vmem>>) target_semaphore(%run_scoped3A_801 : memref<!tpu.dma_semaphore, #tpu.memory_space<semaphore_mem>>)
        %dma_wait3A_808 = arith.constant 0 : i32
        %dma_wait3A_809 = tpu.memref_slice %arg4[%add3A, %mul3A_52, %dma_wait3A_808] : memref<32x80x128xi32, #tpu.memory_space<hbm>> -> memref<1x16x128xi32, #tpu.memory_space<hbm>>
        %dma_wait3A_810 = tpu.memref_squeeze %dma_wait3A_809 : memref<1x16x128xi32, #tpu.memory_space<hbm>> -> memref<16x128xi32, #tpu.memory_space<hbm>>
        %dma_wait3A_811 = arith.constant 0 : i32
        %dma_wait3A_812 = tpu.memref_slice %arg4[%add3A, %mul3A_52, %dma_wait3A_811] : memref<32x80x128xi32, #tpu.memory_space<hbm>> -> memref<1x16x128xi32, #tpu.memory_space<hbm>>
        %dma_wait3A_813 = tpu.memref_squeeze %dma_wait3A_812 : memref<1x16x128xi32, #tpu.memory_space<hbm>> -> memref<16x128xi32, #tpu.memory_space<hbm>>
        tpu.wait_dma2 semaphore(%run_scoped3A_801 : memref<!tpu.dma_semaphore, #tpu.memory_space<semaphore_mem>>) src(%dma_wait3A_813 : memref<16x128xi32, #tpu.memory_space<hbm>>) dst(%arg9 : memref<16x128xi32, #tpu.memory_space<vmem>>)
        tpu.yield
      }) : () -> ()
      %dma_start3A = arith.constant 0 : i32
      %dma_start3A_53 = arith.constant 0 : i32
      %dma_start3A_54 = tpu.memref_slice %arg8[%dma_start3A, %dma_start3A_53] : memref<16x128xi32, #tpu.memory_space<vmem>> -> memref<1x128xi32, #tpu.memory_space<vmem>>
      %dma_start3A_55 = tpu.memref_squeeze %dma_start3A_54 : memref<1x128xi32, #tpu.memory_space<vmem>> -> memref<128xi32, #tpu.memory_space<vmem>>
      %dma_start3A_56 = arith.constant 0 : i32
      %dma_start3A_57 = arith.constant 0 : i32
      %dma_start3A_58 = tpu.memref_slice %arg2[%dma_start3A_56, %dma_start3A_57] : memref<10000x128xf32, #tpu.memory_space<hbm>> -> memref<10000x128xf32, #tpu.memory_space<hbm>>
      tpu.enqueue_indirect_dma source(%dma_start3A_58 : memref<10000x128xf32, #tpu.memory_space<hbm>>) target(%arg10 : memref<128x128xf32, #tpu.memory_space<vmem>>) offsets(%dma_start3A_55 : memref<128xi32, #tpu.memory_space<vmem>>) semaphore(%arg13 : memref<!tpu.dma_semaphore, #tpu.memory_space<semaphore_mem>>)
      %dma_start3A_59 = arith.constant 1 : i32
      %dma_start3A_60 = arith.constant 0 : i32
      %dma_start3A_61 = tpu.memref_slice %arg8[%dma_start3A_59, %dma_start3A_60] : memref<16x128xi32, #tpu.memory_space<vmem>> -> memref<1x128xi32, #tpu.memory_space<vmem>>
      %dma_start3A_62 = tpu.memref_squeeze %dma_start3A_61 : memref<1x128xi32, #tpu.memory_space<vmem>> -> memref<128xi32, #tpu.memory_space<vmem>>
      %dma_start3A_63 = arith.constant 0 : i32
      %dma_start3A_64 = arith.constant 0 : i32
      %dma_start3A_65 = tpu.memref_slice %arg2[%dma_start3A_63, %dma_start3A_64] : memref<10000x128xf32, #tpu.memory_space<hbm>> -> memref<10000x128xf32, #tpu.memory_space<hbm>>
      tpu.enqueue_indirect_dma source(%dma_start3A_65 : memref<10000x128xf32, #tpu.memory_space<hbm>>) target(%arg11 : memref<128x128xf32, #tpu.memory_space<vmem>>) offsets(%dma_start3A_62 : memref<128xi32, #tpu.memory_space<vmem>>) semaphore(%arg14 : memref<!tpu.dma_semaphore, #tpu.memory_space<semaphore_mem>>)
      %get3A = arith.constant 0 : i32
      %get3A_66 = arith.index_cast %get3A : i32 to index
      %get3A_67 = arith.constant 0 : index
      %get3A_68 = tpu.vector_load %arg9[%get3A_66, %get3A_67] {strides = array<i32>} : memref<16x128xi32, #tpu.memory_space<vmem>>, vector<16xi32>,
      tpu.vector_store_idx %arg12[%get3A_68], %broadcast_in_dim3A_34 {add = true} : memref<10112xf32, #tpu.memory_space<vmem>>[vector<16xi32>], vector<16xf32>,
      %get3A_69 = arith.constant 0 : i32
      %get3A_70 = arith.index_cast %get3A_69 : i32 to index
      %get3A_71 = arith.constant 16 : index
      %get3A_72 = tpu.vector_load %arg9[%get3A_70, %get3A_71] {strides = array<i32>} : memref<16x128xi32, #tpu.memory_space<vmem>>, vector<16xi32>,
      tpu.vector_store_idx %arg12[%get3A_72], %broadcast_in_dim3A_34 {add = true} : memref<10112xf32, #tpu.memory_space<vmem>>[vector<16xi32>], vector<16xf32>,
      %get3A_73 = arith.constant 0 : i32
      %get3A_74 = arith.index_cast %get3A_73 : i32 to index
      %get3A_75 = arith.constant 32 : index
      %get3A_76 = tpu.vector_load %arg9[%get3A_74, %get3A_75] {strides = array<i32>} : memref<16x128xi32, #tpu.memory_space<vmem>>, vector<16xi32>,
      tpu.vector_store_idx %arg12[%get3A_76], %broadcast_in_dim3A_34 {add = true} : memref<10112xf32, #tpu.memory_space<vmem>>[vector<16xi32>], vector<16xf32>,
      %get3A_77 = arith.constant 0 : i32
      %get3A_78 = arith.index_cast %get3A_77 : i32 to index
      %get3A_79 = arith.constant 48 : index
      %get3A_80 = tpu.vector_load %arg9[%get3A_78, %get3A_79] {strides = array<i32>} : memref<16x128xi32, #tpu.memory_space<vmem>>, vector<16xi32>,
      tpu.vector_store_idx %arg12[%get3A_80], %broadcast_in_dim3A_34 {add = true} : memref<10112xf32, #tpu.memory_space<vmem>>[vector<16xi32>], vector<16xf32>,
      %get3A_81 = arith.constant 0 : i32
      %get3A_82 = arith.index_cast %get3A_81 : i32 to index
      %get3A_83 = arith.constant 64 : index
      %get3A_84 = tpu.vector_load %arg9[%get3A_82, %get3A_83] {strides = array<i32>} : memref<16x128xi32, #tpu.memory_space<vmem>>, vector<16xi32>,
      tpu.vector_store_idx %arg12[%get3A_84], %broadcast_in_dim3A_34 {add = true} : memref<10112xf32, #tpu.memory_space<vmem>>[vector<16xi32>], vector<16xf32>,
      %get3A_85 = arith.constant 0 : i32
      %get3A_86 = arith.index_cast %get3A_85 : i32 to index
      %get3A_87 = arith.constant 80 : index
      %get3A_88 = tpu.vector_load %arg9[%get3A_86, %get3A_87] {strides = array<i32>} : memref<16x128xi32, #tpu.memory_space<vmem>>, vector<16xi32>,
      tpu.vector_store_idx %arg12[%get3A_88], %broadcast_in_dim3A_34 {add = true} : memref<10112xf32, #tpu.memory_space<vmem>>[vector<16xi32>], vector<16xf32>,
      %get3A_89 = arith.constant 0 : i32
      %get3A_90 = arith.index_cast %get3A_89 : i32 to index
      %get3A_91 = arith.constant 96 : index
      %get3A_92 = tpu.vector_load %arg9[%get3A_90, %get3A_91] {strides = array<i32>} : memref<16x128xi32, #tpu.memory_space<vmem>>, vector<16xi32>,
      tpu.vector_store_idx %arg12[%get3A_92], %broadcast_in_dim3A_34 {add = true} : memref<10112xf32, #tpu.memory_space<vmem>>[vector<16xi32>], vector<16xf32>,
      %get3A_93 = arith.constant 0 : i32
      %get3A_94 = arith.index_cast %get3A_93 : i32 to index
      %get3A_95 = arith.constant 112 : index
      %get3A_96 = tpu.vector_load %arg9[%get3A_94, %get3A_95] {strides = array<i32>} : memref<16x128xi32, #tpu.memory_space<vmem>>, vector<16xi32>,
      tpu.vector_store_idx %arg12[%get3A_96], %broadcast_in_dim3A_34 {add = true} : memref<10112xf32, #tpu.memory_space<vmem>>[vector<16xi32>], vector<16xf32>,
      %dma_wait3A = arith.constant 0 : i32
      %dma_wait3A_97 = arith.constant 0 : i32
      %dma_wait3A_98 = tpu.memref_slice %arg8[%dma_wait3A, %dma_wait3A_97] : memref<16x128xi32, #tpu.memory_space<vmem>> -> memref<1x128xi32, #tpu.memory_space<vmem>>
      %dma_wait3A_99 = tpu.memref_squeeze %dma_wait3A_98 : memref<1x128xi32, #tpu.memory_space<vmem>> -> memref<128xi32, #tpu.memory_space<vmem>>
      %dma_wait3A_100 = arith.constant 0 : i32
      %dma_wait3A_101 = arith.constant 0 : i32
      %dma_wait3A_102 = tpu.memref_slice %arg2[%dma_wait3A_100, %dma_wait3A_101] : memref<10000x128xf32, #tpu.memory_space<hbm>> -> memref<10000x128xf32, #tpu.memory_space<hbm>>
      tpu.wait_indirect_dma semaphore(%arg13 : memref<!tpu.dma_semaphore, #tpu.memory_space<semaphore_mem>>) src(%dma_wait3A_102 : memref<10000x128xf32, #tpu.memory_space<hbm>>) dst(%arg10 : memref<128x128xf32, #tpu.memory_space<vmem>>)
      %run_scoped3A = arith.constant 0 : i32
      "tpu.region"() ({
        %run_scoped3A_801 = tpu.sem_alloc : memref<!tpu.dma_semaphore, #tpu.memory_space<semaphore_mem>>
        %dma_start3A_802 = arith.constant 0 : i32
        %dma_start3A_803 = tpu.memref_slice %arg9[%run_scoped3A, %dma_start3A_802] : memref<16x128xi32, #tpu.memory_space<vmem>> -> memref<1x128xi32, #tpu.memory_space<vmem>>
        %dma_start3A_804 = tpu.memref_squeeze %dma_start3A_803 : memref<1x128xi32, #tpu.memory_space<vmem>> -> memref<128xi32, #tpu.memory_space<vmem>>
        %dma_start3A_805 = arith.constant 0 : i32
        %dma_start3A_806 = arith.constant 0 : i32
        %dma_start3A_807 = tpu.memref_slice %arg7[%dma_start3A_805, %dma_start3A_806] : memref<10112x128xf32, #tpu.memory_space<vmem_shared>> -> memref<10112x128xf32, #tpu.memory_space<vmem_shared>>
        tpu.enqueue_indirect_dma source(%arg10 : memref<128x128xf32, #tpu.memory_space<vmem>>) target(%dma_start3A_807 : memref<10112x128xf32, #tpu.memory_space<vmem_shared>>) offsets(%dma_start3A_804 : memref<128xi32, #tpu.memory_space<vmem>>) semaphore(%run_scoped3A_801 : memref<!tpu.dma_semaphore, #tpu.memory_space<semaphore_mem>>) {add = true}
        %dma_wait3A_808 = arith.constant 0 : i32
        %dma_wait3A_809 = tpu.memref_slice %arg9[%run_scoped3A, %dma_wait3A_808] : memref<16x128xi32, #tpu.memory_space<vmem>> -> memref<1x128xi32, #tpu.memory_space<vmem>>
        %dma_wait3A_810 = tpu.memref_squeeze %dma_wait3A_809 : memref<1x128xi32, #tpu.memory_space<vmem>> -> memref<128xi32, #tpu.memory_space<vmem>>
        %dma_wait3A_811 = arith.constant 0 : i32
        %dma_wait3A_812 = arith.constant 0 : i32
        %dma_wait3A_813 = tpu.memref_slice %arg7[%dma_wait3A_811, %dma_wait3A_812] : memref<10112x128xf32, #tpu.memory_space<vmem_shared>> -> memref<10112x128xf32, #tpu.memory_space<vmem_shared>>
        tpu.wait_indirect_dma semaphore(%run_scoped3A_801 : memref<!tpu.dma_semaphore, #tpu.memory_space<semaphore_mem>>) src(%arg10 : memref<128x128xf32, #tpu.memory_space<vmem>>) dst(%dma_wait3A_813 : memref<10112x128xf32, #tpu.memory_space<vmem_shared>>)
        tpu.yield
      }) : () -> ()
      %dma_start3A_103 = arith.constant 2 : i32
      %dma_start3A_104 = arith.constant 0 : i32
      %dma_start3A_105 = tpu.memref_slice %arg8[%dma_start3A_103, %dma_start3A_104] : memref<16x128xi32, #tpu.memory_space<vmem>> -> memref<1x128xi32, #tpu.memory_space<vmem>>
      %dma_start3A_106 = tpu.memref_squeeze %dma_start3A_105 : memref<1x128xi32, #tpu.memory_space<vmem>> -> memref<128xi32, #tpu.memory_space<vmem>>
      %dma_start3A_107 = arith.constant 0 : i32
      %dma_start3A_108 = arith.constant 0 : i32
      %dma_start3A_109 = tpu.memref_slice %arg2[%dma_start3A_107, %dma_start3A_108] : memref<10000x128xf32, #tpu.memory_space<hbm>> -> memref<10000x128xf32, #tpu.memory_space<hbm>>
      tpu.enqueue_indirect_dma source(%dma_start3A_109 : memref<10000x128xf32, #tpu.memory_space<hbm>>) target(%arg10 : memref<128x128xf32, #tpu.memory_space<vmem>>) offsets(%dma_start3A_106 : memref<128xi32, #tpu.memory_space<vmem>>) semaphore(%arg13 : memref<!tpu.dma_semaphore, #tpu.memory_space<semaphore_mem>>)
      %get3A_110 = arith.constant 1 : i32
      %get3A_111 = arith.index_cast %get3A_110 : i32 to index
      %get3A_112 = arith.constant 0 : index
      %get3A_113 = tpu.vector_load %arg9[%get3A_111, %get3A_112] {strides = array<i32>} : memref<16x128xi32, #tpu.memory_space<vmem>>, vector<16xi32>,
      tpu.vector_store_idx %arg12[%get3A_113], %broadcast_in_dim3A_34 {add = true} : memref<10112xf32, #tpu.memory_space<vmem>>[vector<16xi32>], vector<16xf32>,
      %get3A_114 = arith.constant 1 : i32
      %get3A_115 = arith.index_cast %get3A_114 : i32 to index
      %get3A_116 = arith.constant 16 : index
      %get3A_117 = tpu.vector_load %arg9[%get3A_115, %get3A_116] {strides = array<i32>} : memref<16x128xi32, #tpu.memory_space<vmem>>, vector<16xi32>,
      tpu.vector_store_idx %arg12[%get3A_117], %broadcast_in_dim3A_34 {add = true} : memref<10112xf32, #tpu.memory_space<vmem>>[vector<16xi32>], vector<16xf32>,
      %get3A_118 = arith.constant 1 : i32
      %get3A_119 = arith.index_cast %get3A_118 : i32 to index
      %get3A_120 = arith.constant 32 : index
      %get3A_121 = tpu.vector_load %arg9[%get3A_119, %get3A_120] {strides = array<i32>} : memref<16x128xi32, #tpu.memory_space<vmem>>, vector<16xi32>,
      tpu.vector_store_idx %arg12[%get3A_121], %broadcast_in_dim3A_34 {add = true} : memref<10112xf32, #tpu.memory_space<vmem>>[vector<16xi32>], vector<16xf32>,
      %get3A_122 = arith.constant 1 : i32
      %get3A_123 = arith.index_cast %get3A_122 : i32 to index
      %get3A_124 = arith.constant 48 : index
      %get3A_125 = tpu.vector_load %arg9[%get3A_123, %get3A_124] {strides = array<i32>} : memref<16x128xi32, #tpu.memory_space<vmem>>, vector<16xi32>,
      tpu.vector_store_idx %arg12[%get3A_125], %broadcast_in_dim3A_34 {add = true} : memref<10112xf32, #tpu.memory_space<vmem>>[vector<16xi32>], vector<16xf32>,
      %get3A_126 = arith.constant 1 : i32
      %get3A_127 = arith.index_cast %get3A_126 : i32 to index
      %get3A_128 = arith.constant 64 : index
      %get3A_129 = tpu.vector_load %arg9[%get3A_127, %get3A_128] {strides = array<i32>} : memref<16x128xi32, #tpu.memory_space<vmem>>, vector<16xi32>,
      tpu.vector_store_idx %arg12[%get3A_129], %broadcast_in_dim3A_34 {add = true} : memref<10112xf32, #tpu.memory_space<vmem>>[vector<16xi32>], vector<16xf32>,
      %get3A_130 = arith.constant 1 : i32
      %get3A_131 = arith.index_cast %get3A_130 : i32 to index
      %get3A_132 = arith.constant 80 : index
      %get3A_133 = tpu.vector_load %arg9[%get3A_131, %get3A_132] {strides = array<i32>} : memref<16x128xi32, #tpu.memory_space<vmem>>, vector<16xi32>,
      tpu.vector_store_idx %arg12[%get3A_133], %broadcast_in_dim3A_34 {add = true} : memref<10112xf32, #tpu.memory_space<vmem>>[vector<16xi32>], vector<16xf32>,
      %get3A_134 = arith.constant 1 : i32
      %get3A_135 = arith.index_cast %get3A_134 : i32 to index
      %get3A_136 = arith.constant 96 : index
      %get3A_137 = tpu.vector_load %arg9[%get3A_135, %get3A_136] {strides = array<i32>} : memref<16x128xi32, #tpu.memory_space<vmem>>, vector<16xi32>,
      tpu.vector_store_idx %arg12[%get3A_137], %broadcast_in_dim3A_34 {add = true} : memref<10112xf32, #tpu.memory_space<vmem>>[vector<16xi32>], vector<16xf32>,
      %get3A_138 = arith.constant 1 : i32
      %get3A_139 = arith.index_cast %get3A_138 : i32 to index
      %get3A_140 = arith.constant 112 : index
      %get3A_141 = tpu.vector_load %arg9[%get3A_139, %get3A_140] {strides = array<i32>} : memref<16x128xi32, #tpu.memory_space<vmem>>, vector<16xi32>,
      tpu.vector_store_idx %arg12[%get3A_141], %broadcast_in_dim3A_34 {add = true} : memref<10112xf32, #tpu.memory_space<vmem>>[vector<16xi32>], vector<16xf32>,
      %dma_wait3A_142 = arith.constant 1 : i32
      %dma_wait3A_143 = arith.constant 0 : i32
      %dma_wait3A_144 = tpu.memref_slice %arg8[%dma_wait3A_142, %dma_wait3A_143] : memref<16x128xi32, #tpu.memory_space<vmem>> -> memref<1x128xi32, #tpu.memory_space<vmem>>
      %dma_wait3A_145 = tpu.memref_squeeze %dma_wait3A_144 : memref<1x128xi32, #tpu.memory_space<vmem>> -> memref<128xi32, #tpu.memory_space<vmem>>
      %dma_wait3A_146 = arith.constant 0 : i32
      %dma_wait3A_147 = arith.constant 0 : i32
      %dma_wait3A_148 = tpu.memref_slice %arg2[%dma_wait3A_146, %dma_wait3A_147] : memref<10000x128xf32, #tpu.memory_space<hbm>> -> memref<10000x128xf32, #tpu.memory_space<hbm>>
      tpu.wait_indirect_dma semaphore(%arg14 : memref<!tpu.dma_semaphore, #tpu.memory_space<semaphore_mem>>) src(%dma_wait3A_148 : memref<10000x128xf32, #tpu.memory_space<hbm>>) dst(%arg11 : memref<128x128xf32, #tpu.memory_space<vmem>>)
      %run_scoped3A_149 = arith.constant 1 : i32
      "tpu.region"() ({
        %run_scoped3A_801 = tpu.sem_alloc : memref<!tpu.dma_semaphore, #tpu.memory_space<semaphore_mem>>
        %dma_start3A_802 = arith.constant 0 : i32
        %dma_start3A_803 = tpu.memref_slice %arg9[%run_scoped3A_149, %dma_start3A_802] : memref<16x128xi32, #tpu.memory_space<vmem>> -> memref<1x128xi32, #tpu.memory_space<vmem>>
        %dma_start3A_804 = tpu.memref_squeeze %dma_start3A_803 : memref<1x128xi32, #tpu.memory_space<vmem>> -> memref<128xi32, #tpu.memory_space<vmem>>
        %dma_start3A_805 = arith.constant 0 : i32
        %dma_start3A_806 = arith.constant 0 : i32
        %dma_start3A_807 = tpu.memref_slice %arg7[%dma_start3A_805, %dma_start3A_806] : memref<10112x128xf32, #tpu.memory_space<vmem_shared>> -> memref<10112x128xf32, #tpu.memory_space<vmem_shared>>
        tpu.enqueue_indirect_dma source(%arg11 : memref<128x128xf32, #tpu.memory_space<vmem>>) target(%dma_start3A_807 : memref<10112x128xf32, #tpu.memory_space<vmem_shared>>) offsets(%dma_start3A_804 : memref<128xi32, #tpu.memory_space<vmem>>) semaphore(%run_scoped3A_801 : memref<!tpu.dma_semaphore, #tpu.memory_space<semaphore_mem>>) {add = true}
        %dma_wait3A_808 = arith.constant 0 : i32
        %dma_wait3A_809 = tpu.memref_slice %arg9[%run_scoped3A_149, %dma_wait3A_808] : memref<16x128xi32, #tpu.memory_space<vmem>> -> memref<1x128xi32, #tpu.memory_space<vmem>>
        %dma_wait3A_810 = tpu.memref_squeeze %dma_wait3A_809 : memref<1x128xi32, #tpu.memory_space<vmem>> -> memref<128xi32, #tpu.memory_space<vmem>>
        %dma_wait3A_811 = arith.constant 0 : i32
        %dma_wait3A_812 = arith.constant 0 : i32
        %dma_wait3A_813 = tpu.memref_slice %arg7[%dma_wait3A_811, %dma_wait3A_812] : memref<10112x128xf32, #tpu.memory_space<vmem_shared>> -> memref<10112x128xf32, #tpu.memory_space<vmem_shared>>
        tpu.wait_indirect_dma semaphore(%run_scoped3A_801 : memref<!tpu.dma_semaphore, #tpu.memory_space<semaphore_mem>>) src(%arg11 : memref<128x128xf32, #tpu.memory_space<vmem>>) dst(%dma_wait3A_813 : memref<10112x128xf32, #tpu.memory_space<vmem_shared>>)
        tpu.yield
      }) : () -> ()
      %dma_start3A_150 = arith.constant 3 : i32
      %dma_start3A_151 = arith.constant 0 : i32
      %dma_start3A_152 = tpu.memref_slice %arg8[%dma_start3A_150, %dma_start3A_151] : memref<16x128xi32, #tpu.memory_space<vmem>> -> memref<1x128xi32, #tpu.memory_space<vmem>>
      %dma_start3A_153 = tpu.memref_squeeze %dma_start3A_152 : memref<1x128xi32, #tpu.memory_space<vmem>> -> memref<128xi32, #tpu.memory_space<vmem>>
      %dma_start3A_154 = arith.constant 0 : i32
      %dma_start3A_155 = arith.constant 0 : i32
      %dma_start3A_156 = tpu.memref_slice %arg2[%dma_start3A_154, %dma_start3A_155] : memref<10000x128xf32, #tpu.memory_space<hbm>> -> memref<10000x128xf32, #tpu.memory_space<hbm>>
      tpu.enqueue_indirect_dma source(%dma_start3A_156 : memref<10000x128xf32, #tpu.memory_space<hbm>>) target(%arg11 : memref<128x128xf32, #tpu.memory_space<vmem>>) offsets(%dma_start3A_153 : memref<128xi32, #tpu.memory_space<vmem>>) semaphore(%arg14 : memref<!tpu.dma_semaphore, #tpu.memory_space<semaphore_mem>>)
      %get3A_157 = arith.constant 2 : i32
      %get3A_158 = arith.index_cast %get3A_157 : i32 to index
      %get3A_159 = arith.constant 0 : index
      %get3A_160 = tpu.vector_load %arg9[%get3A_158, %get3A_159] {strides = array<i32>} : memref<16x128xi32, #tpu.memory_space<vmem>>, vector<16xi32>,
      tpu.vector_store_idx %arg12[%get3A_160], %broadcast_in_dim3A_34 {add = true} : memref<10112xf32, #tpu.memory_space<vmem>>[vector<16xi32>], vector<16xf32>,
      %get3A_161 = arith.constant 2 : i32
      %get3A_162 = arith.index_cast %get3A_161 : i32 to index
      %get3A_163 = arith.constant 16 : index
      %get3A_164 = tpu.vector_load %arg9[%get3A_162, %get3A_163] {strides = array<i32>} : memref<16x128xi32, #tpu.memory_space<vmem>>, vector<16xi32>,
      tpu.vector_store_idx %arg12[%get3A_164], %broadcast_in_dim3A_34 {add = true} : memref<10112xf32, #tpu.memory_space<vmem>>[vector<16xi32>], vector<16xf32>,
      %get3A_165 = arith.constant 2 : i32
      %get3A_166 = arith.index_cast %get3A_165 : i32 to index
      %get3A_167 = arith.constant 32 : index
      %get3A_168 = tpu.vector_load %arg9[%get3A_166, %get3A_167] {strides = array<i32>} : memref<16x128xi32, #tpu.memory_space<vmem>>, vector<16xi32>,
      tpu.vector_store_idx %arg12[%get3A_168], %broadcast_in_dim3A_34 {add = true} : memref<10112xf32, #tpu.memory_space<vmem>>[vector<16xi32>], vector<16xf32>,
      %get3A_169 = arith.constant 2 : i32
      %get3A_170 = arith.index_cast %get3A_169 : i32 to index
      %get3A_171 = arith.constant 48 : index
      %get3A_172 = tpu.vector_load %arg9[%get3A_170, %get3A_171] {strides = array<i32>} : memref<16x128xi32, #tpu.memory_space<vmem>>, vector<16xi32>,
      tpu.vector_store_idx %arg12[%get3A_172], %broadcast_in_dim3A_34 {add = true} : memref<10112xf32, #tpu.memory_space<vmem>>[vector<16xi32>], vector<16xf32>,
      %get3A_173 = arith.constant 2 : i32
      %get3A_174 = arith.index_cast %get3A_173 : i32 to index
      %get3A_175 = arith.constant 64 : index
      %get3A_176 = tpu.vector_load %arg9[%get3A_174, %get3A_175] {strides = array<i32>} : memref<16x128xi32, #tpu.memory_space<vmem>>, vector<16xi32>,
      tpu.vector_store_idx %arg12[%get3A_176], %broadcast_in_dim3A_34 {add = true} : memref<10112xf32, #tpu.memory_space<vmem>>[vector<16xi32>], vector<16xf32>,
      %get3A_177 = arith.constant 2 : i32
      %get3A_178 = arith.index_cast %get3A_177 : i32 to index
      %get3A_179 = arith.constant 80 : index
      %get3A_180 = tpu.vector_load %arg9[%get3A_178, %get3A_179] {strides = array<i32>} : memref<16x128xi32, #tpu.memory_space<vmem>>, vector<16xi32>,
      tpu.vector_store_idx %arg12[%get3A_180], %broadcast_in_dim3A_34 {add = true} : memref<10112xf32, #tpu.memory_space<vmem>>[vector<16xi32>], vector<16xf32>,
      %get3A_181 = arith.constant 2 : i32
      %get3A_182 = arith.index_cast %get3A_181 : i32 to index
      %get3A_183 = arith.constant 96 : index
      %get3A_184 = tpu.vector_load %arg9[%get3A_182, %get3A_183] {strides = array<i32>} : memref<16x128xi32, #tpu.memory_space<vmem>>, vector<16xi32>,
      tpu.vector_store_idx %arg12[%get3A_184], %broadcast_in_dim3A_34 {add = true} : memref<10112xf32, #tpu.memory_space<vmem>>[vector<16xi32>], vector<16xf32>,
      %get3A_185 = arith.constant 2 : i32
      %get3A_186 = arith.index_cast %get3A_185 : i32 to index
      %get3A_187 = arith.constant 112 : index
      %get3A_188 = tpu.vector_load %arg9[%get3A_186, %get3A_187] {strides = array<i32>} : memref<16x128xi32, #tpu.memory_space<vmem>>, vector<16xi32>,
      tpu.vector_store_idx %arg12[%get3A_188], %broadcast_in_dim3A_34 {add = true} : memref<10112xf32, #tpu.memory_space<vmem>>[vector<16xi32>], vector<16xf32>,
      %dma_wait3A_189 = arith.constant 2 : i32
      %dma_wait3A_190 = arith.constant 0 : i32
      %dma_wait3A_191 = tpu.memref_slice %arg8[%dma_wait3A_189, %dma_wait3A_190] : memref<16x128xi32, #tpu.memory_space<vmem>> -> memref<1x128xi32, #tpu.memory_space<vmem>>
      %dma_wait3A_192 = tpu.memref_squeeze %dma_wait3A_191 : memref<1x128xi32, #tpu.memory_space<vmem>> -> memref<128xi32, #tpu.memory_space<vmem>>
      %dma_wait3A_193 = arith.constant 0 : i32
      %dma_wait3A_194 = arith.constant 0 : i32
      %dma_wait3A_195 = tpu.memref_slice %arg2[%dma_wait3A_193, %dma_wait3A_194] : memref<10000x128xf32, #tpu.memory_space<hbm>> -> memref<10000x128xf32, #tpu.memory_space<hbm>>
      tpu.wait_indirect_dma semaphore(%arg13 : memref<!tpu.dma_semaphore, #tpu.memory_space<semaphore_mem>>) src(%dma_wait3A_195 : memref<10000x128xf32, #tpu.memory_space<hbm>>) dst(%arg10 : memref<128x128xf32, #tpu.memory_space<vmem>>)
      %run_scoped3A_196 = arith.constant 2 : i32
      "tpu.region"() ({
        %run_scoped3A_801 = tpu.sem_alloc : memref<!tpu.dma_semaphore, #tpu.memory_space<semaphore_mem>>
        %dma_start3A_802 = arith.constant 0 : i32
        %dma_start3A_803 = tpu.memref_slice %arg9[%run_scoped3A_196, %dma_start3A_802] : memref<16x128xi32, #tpu.memory_space<vmem>> -> memref<1x128xi32, #tpu.memory_space<vmem>>
        %dma_start3A_804 = tpu.memref_squeeze %dma_start3A_803 : memref<1x128xi32, #tpu.memory_space<vmem>> -> memref<128xi32, #tpu.memory_space<vmem>>
        %dma_start3A_805 = arith.constant 0 : i32
        %dma_start3A_806 = arith.constant 0 : i32
        %dma_start3A_807 = tpu.memref_slice %arg7[%dma_start3A_805, %dma_start3A_806] : memref<10112x128xf32, #tpu.memory_space<vmem_shared>> -> memref<10112x128xf32, #tpu.memory_space<vmem_shared>>
        tpu.enqueue_indirect_dma source(%arg10 : memref<128x128xf32, #tpu.memory_space<vmem>>) target(%dma_start3A_807 : memref<10112x128xf32, #tpu.memory_space<vmem_shared>>) offsets(%dma_start3A_804 : memref<128xi32, #tpu.memory_space<vmem>>) semaphore(%run_scoped3A_801 : memref<!tpu.dma_semaphore, #tpu.memory_space<semaphore_mem>>) {add = true}
        %dma_wait3A_808 = arith.constant 0 : i32
        %dma_wait3A_809 = tpu.memref_slice %arg9[%run_scoped3A_196, %dma_wait3A_808] : memref<16x128xi32, #tpu.memory_space<vmem>> -> memref<1x128xi32, #tpu.memory_space<vmem>>
        %dma_wait3A_810 = tpu.memref_squeeze %dma_wait3A_809 : memref<1x128xi32, #tpu.memory_space<vmem>> -> memref<128xi32, #tpu.memory_space<vmem>>
        %dma_wait3A_811 = arith.constant 0 : i32
        %dma_wait3A_812 = arith.constant 0 : i32
        %dma_wait3A_813 = tpu.memref_slice %arg7[%dma_wait3A_811, %dma_wait3A_812] : memref<10112x128xf32, #tpu.memory_space<vmem_shared>> -> memref<10112x128xf32, #tpu.memory_space<vmem_shared>>
        tpu.wait_indirect_dma semaphore(%run_scoped3A_801 : memref<!tpu.dma_semaphore, #tpu.memory_space<semaphore_mem>>) src(%arg10 : memref<128x128xf32, #tpu.memory_space<vmem>>) dst(%dma_wait3A_813 : memref<10112x128xf32, #tpu.memory_space<vmem_shared>>)
        tpu.yield
      }) : () -> ()
      %dma_start3A_197 = arith.constant 4 : i32
      %dma_start3A_198 = arith.constant 0 : i32
      %dma_start3A_199 = tpu.memref_slice %arg8[%dma_start3A_197, %dma_start3A_198] : memref<16x128xi32, #tpu.memory_space<vmem>> -> memref<1x128xi32, #tpu.memory_space<vmem>>
      %dma_start3A_200 = tpu.memref_squeeze %dma_start3A_199 : memref<1x128xi32, #tpu.memory_space<vmem>> -> memref<128xi32, #tpu.memory_space<vmem>>
      %dma_start3A_201 = arith.constant 0 : i32
      %dma_start3A_202 = arith.constant 0 : i32
      %dma_start3A_203 = tpu.memref_slice %arg2[%dma_start3A_201, %dma_start3A_202] : memref<10000x128xf32, #tpu.memory_space<hbm>> -> memref<10000x128xf32, #tpu.memory_space<hbm>>
      tpu.enqueue_indirect_dma source(%dma_start3A_203 : memref<10000x128xf32, #tpu.memory_space<hbm>>) target(%arg10 : memref<128x128xf32, #tpu.memory_space<vmem>>) offsets(%dma_start3A_200 : memref<128xi32, #tpu.memory_space<vmem>>) semaphore(%arg13 : memref<!tpu.dma_semaphore, #tpu.memory_space<semaphore_mem>>)
      %get3A_204 = arith.constant 3 : i32
      %get3A_205 = arith.index_cast %get3A_204 : i32 to index
      %get3A_206 = arith.constant 0 : index
      %get3A_207 = tpu.vector_load %arg9[%get3A_205, %get3A_206] {strides = array<i32>} : memref<16x128xi32, #tpu.memory_space<vmem>>, vector<16xi32>,
      tpu.vector_store_idx %arg12[%get3A_207], %broadcast_in_dim3A_34 {add = true} : memref<10112xf32, #tpu.memory_space<vmem>>[vector<16xi32>], vector<16xf32>,
      %get3A_208 = arith.constant 3 : i32
      %get3A_209 = arith.index_cast %get3A_208 : i32 to index
      %get3A_210 = arith.constant 16 : index
      %get3A_211 = tpu.vector_load %arg9[%get3A_209, %get3A_210] {strides = array<i32>} : memref<16x128xi32, #tpu.memory_space<vmem>>, vector<16xi32>,
      tpu.vector_store_idx %arg12[%get3A_211], %broadcast_in_dim3A_34 {add = true} : memref<10112xf32, #tpu.memory_space<vmem>>[vector<16xi32>], vector<16xf32>,
      %get3A_212 = arith.constant 3 : i32
      %get3A_213 = arith.index_cast %get3A_212 : i32 to index
      %get3A_214 = arith.constant 32 : index
      %get3A_215 = tpu.vector_load %arg9[%get3A_213, %get3A_214] {strides = array<i32>} : memref<16x128xi32, #tpu.memory_space<vmem>>, vector<16xi32>,
      tpu.vector_store_idx %arg12[%get3A_215], %broadcast_in_dim3A_34 {add = true} : memref<10112xf32, #tpu.memory_space<vmem>>[vector<16xi32>], vector<16xf32>,
      %get3A_216 = arith.constant 3 : i32
      %get3A_217 = arith.index_cast %get3A_216 : i32 to index
      %get3A_218 = arith.constant 48 : index
      %get3A_219 = tpu.vector_load %arg9[%get3A_217, %get3A_218] {strides = array<i32>} : memref<16x128xi32, #tpu.memory_space<vmem>>, vector<16xi32>,
      tpu.vector_store_idx %arg12[%get3A_219], %broadcast_in_dim3A_34 {add = true} : memref<10112xf32, #tpu.memory_space<vmem>>[vector<16xi32>], vector<16xf32>,
      %get3A_220 = arith.constant 3 : i32
      %get3A_221 = arith.index_cast %get3A_220 : i32 to index
      %get3A_222 = arith.constant 64 : index
      %get3A_223 = tpu.vector_load %arg9[%get3A_221, %get3A_222] {strides = array<i32>} : memref<16x128xi32, #tpu.memory_space<vmem>>, vector<16xi32>,
      tpu.vector_store_idx %arg12[%get3A_223], %broadcast_in_dim3A_34 {add = true} : memref<10112xf32, #tpu.memory_space<vmem>>[vector<16xi32>], vector<16xf32>,
      %get3A_224 = arith.constant 3 : i32
      %get3A_225 = arith.index_cast %get3A_224 : i32 to index
      %get3A_226 = arith.constant 80 : index
      %get3A_227 = tpu.vector_load %arg9[%get3A_225, %get3A_226] {strides = array<i32>} : memref<16x128xi32, #tpu.memory_space<vmem>>, vector<16xi32>,
      tpu.vector_store_idx %arg12[%get3A_227], %broadcast_in_dim3A_34 {add = true} : memref<10112xf32, #tpu.memory_space<vmem>>[vector<16xi32>], vector<16xf32>,
      %get3A_228 = arith.constant 3 : i32
      %get3A_229 = arith.index_cast %get3A_228 : i32 to index
      %get3A_230 = arith.constant 96 : index
      %get3A_231 = tpu.vector_load %arg9[%get3A_229, %get3A_230] {strides = array<i32>} : memref<16x128xi32, #tpu.memory_space<vmem>>, vector<16xi32>,
      tpu.vector_store_idx %arg12[%get3A_231], %broadcast_in_dim3A_34 {add = true} : memref<10112xf32, #tpu.memory_space<vmem>>[vector<16xi32>], vector<16xf32>,
      %get3A_232 = arith.constant 3 : i32
      %get3A_233 = arith.index_cast %get3A_232 : i32 to index
      %get3A_234 = arith.constant 112 : index
      %get3A_235 = tpu.vector_load %arg9[%get3A_233, %get3A_234] {strides = array<i32>} : memref<16x128xi32, #tpu.memory_space<vmem>>, vector<16xi32>,
      tpu.vector_store_idx %arg12[%get3A_235], %broadcast_in_dim3A_34 {add = true} : memref<10112xf32, #tpu.memory_space<vmem>>[vector<16xi32>], vector<16xf32>,
      %dma_wait3A_236 = arith.constant 3 : i32
      %dma_wait3A_237 = arith.constant 0 : i32
      %dma_wait3A_238 = tpu.memref_slice %arg8[%dma_wait3A_236, %dma_wait3A_237] : memref<16x128xi32, #tpu.memory_space<vmem>> -> memref<1x128xi32, #tpu.memory_space<vmem>>
      %dma_wait3A_239 = tpu.memref_squeeze %dma_wait3A_238 : memref<1x128xi32, #tpu.memory_space<vmem>> -> memref<128xi32, #tpu.memory_space<vmem>>
      %dma_wait3A_240 = arith.constant 0 : i32
      %dma_wait3A_241 = arith.constant 0 : i32
      %dma_wait3A_242 = tpu.memref_slice %arg2[%dma_wait3A_240, %dma_wait3A_241] : memref<10000x128xf32, #tpu.memory_space<hbm>> -> memref<10000x128xf32, #tpu.memory_space<hbm>>
      tpu.wait_indirect_dma semaphore(%arg14 : memref<!tpu.dma_semaphore, #tpu.memory_space<semaphore_mem>>) src(%dma_wait3A_242 : memref<10000x128xf32, #tpu.memory_space<hbm>>) dst(%arg11 : memref<128x128xf32, #tpu.memory_space<vmem>>)
      %run_scoped3A_243 = arith.constant 3 : i32
      "tpu.region"() ({
        %run_scoped3A_801 = tpu.sem_alloc : memref<!tpu.dma_semaphore, #tpu.memory_space<semaphore_mem>>
        %dma_start3A_802 = arith.constant 0 : i32
        %dma_start3A_803 = tpu.memref_slice %arg9[%run_scoped3A_243, %dma_start3A_802] : memref<16x128xi32, #tpu.memory_space<vmem>> -> memref<1x128xi32, #tpu.memory_space<vmem>>
        %dma_start3A_804 = tpu.memref_squeeze %dma_start3A_803 : memref<1x128xi32, #tpu.memory_space<vmem>> -> memref<128xi32, #tpu.memory_space<vmem>>
        %dma_start3A_805 = arith.constant 0 : i32
        %dma_start3A_806 = arith.constant 0 : i32
        %dma_start3A_807 = tpu.memref_slice %arg7[%dma_start3A_805, %dma_start3A_806] : memref<10112x128xf32, #tpu.memory_space<vmem_shared>> -> memref<10112x128xf32, #tpu.memory_space<vmem_shared>>
        tpu.enqueue_indirect_dma source(%arg11 : memref<128x128xf32, #tpu.memory_space<vmem>>) target(%dma_start3A_807 : memref<10112x128xf32, #tpu.memory_space<vmem_shared>>) offsets(%dma_start3A_804 : memref<128xi32, #tpu.memory_space<vmem>>) semaphore(%run_scoped3A_801 : memref<!tpu.dma_semaphore, #tpu.memory_space<semaphore_mem>>) {add = true}
        %dma_wait3A_808 = arith.constant 0 : i32
        %dma_wait3A_809 = tpu.memref_slice %arg9[%run_scoped3A_243, %dma_wait3A_808] : memref<16x128xi32, #tpu.memory_space<vmem>> -> memref<1x128xi32, #tpu.memory_space<vmem>>
        %dma_wait3A_810 = tpu.memref_squeeze %dma_wait3A_809 : memref<1x128xi32, #tpu.memory_space<vmem>> -> memref<128xi32, #tpu.memory_space<vmem>>
        %dma_wait3A_811 = arith.constant 0 : i32
        %dma_wait3A_812 = arith.constant 0 : i32
        %dma_wait3A_813 = tpu.memref_slice %arg7[%dma_wait3A_811, %dma_wait3A_812] : memref<10112x128xf32, #tpu.memory_space<vmem_shared>> -> memref<10112x128xf32, #tpu.memory_space<vmem_shared>>
        tpu.wait_indirect_dma semaphore(%run_scoped3A_801 : memref<!tpu.dma_semaphore, #tpu.memory_space<semaphore_mem>>) src(%arg11 : memref<128x128xf32, #tpu.memory_space<vmem>>) dst(%dma_wait3A_813 : memref<10112x128xf32, #tpu.memory_space<vmem_shared>>)
        tpu.yield
      }) : () -> ()
      %dma_start3A_244 = arith.constant 5 : i32
      %dma_start3A_245 = arith.constant 0 : i32
      %dma_start3A_246 = tpu.memref_slice %arg8[%dma_start3A_244, %dma_start3A_245] : memref<16x128xi32, #tpu.memory_space<vmem>> -> memref<1x128xi32, #tpu.memory_space<vmem>>
      %dma_start3A_247 = tpu.memref_squeeze %dma_start3A_246 : memref<1x128xi32, #tpu.memory_space<vmem>> -> memref<128xi32, #tpu.memory_space<vmem>>
      %dma_start3A_248 = arith.constant 0 : i32
      %dma_start3A_249 = arith.constant 0 : i32
      %dma_start3A_250 = tpu.memref_slice %arg2[%dma_start3A_248, %dma_start3A_249] : memref<10000x128xf32, #tpu.memory_space<hbm>> -> memref<10000x128xf32, #tpu.memory_space<hbm>>
      tpu.enqueue_indirect_dma source(%dma_start3A_250 : memref<10000x128xf32, #tpu.memory_space<hbm>>) target(%arg11 : memref<128x128xf32, #tpu.memory_space<vmem>>) offsets(%dma_start3A_247 : memref<128xi32, #tpu.memory_space<vmem>>) semaphore(%arg14 : memref<!tpu.dma_semaphore, #tpu.memory_space<semaphore_mem>>)
      %get3A_251 = arith.constant 4 : i32
      %get3A_252 = arith.index_cast %get3A_251 : i32 to index
      %get3A_253 = arith.constant 0 : index
      %get3A_254 = tpu.vector_load %arg9[%get3A_252, %get3A_253] {strides = array<i32>} : memref<16x128xi32, #tpu.memory_space<vmem>>, vector<16xi32>,
      tpu.vector_store_idx %arg12[%get3A_254], %broadcast_in_dim3A_34 {add = true} : memref<10112xf32, #tpu.memory_space<vmem>>[vector<16xi32>], vector<16xf32>,
      %get3A_255 = arith.constant 4 : i32
      %get3A_256 = arith.index_cast %get3A_255 : i32 to index
      %get3A_257 = arith.constant 16 : index
      %get3A_258 = tpu.vector_load %arg9[%get3A_256, %get3A_257] {strides = array<i32>} : memref<16x128xi32, #tpu.memory_space<vmem>>, vector<16xi32>,
      tpu.vector_store_idx %arg12[%get3A_258], %broadcast_in_dim3A_34 {add = true} : memref<10112xf32, #tpu.memory_space<vmem>>[vector<16xi32>], vector<16xf32>,
      %get3A_259 = arith.constant 4 : i32
      %get3A_260 = arith.index_cast %get3A_259 : i32 to index
      %get3A_261 = arith.constant 32 : index
      %get3A_262 = tpu.vector_load %arg9[%get3A_260, %get3A_261] {strides = array<i32>} : memref<16x128xi32, #tpu.memory_space<vmem>>, vector<16xi32>,
      tpu.vector_store_idx %arg12[%get3A_262], %broadcast_in_dim3A_34 {add = true} : memref<10112xf32, #tpu.memory_space<vmem>>[vector<16xi32>], vector<16xf32>,
      %get3A_263 = arith.constant 4 : i32
      %get3A_264 = arith.index_cast %get3A_263 : i32 to index
      %get3A_265 = arith.constant 48 : index
      %get3A_266 = tpu.vector_load %arg9[%get3A_264, %get3A_265] {strides = array<i32>} : memref<16x128xi32, #tpu.memory_space<vmem>>, vector<16xi32>,
      tpu.vector_store_idx %arg12[%get3A_266], %broadcast_in_dim3A_34 {add = true} : memref<10112xf32, #tpu.memory_space<vmem>>[vector<16xi32>], vector<16xf32>,
      %get3A_267 = arith.constant 4 : i32
      %get3A_268 = arith.index_cast %get3A_267 : i32 to index
      %get3A_269 = arith.constant 64 : index
      %get3A_270 = tpu.vector_load %arg9[%get3A_268, %get3A_269] {strides = array<i32>} : memref<16x128xi32, #tpu.memory_space<vmem>>, vector<16xi32>,
      tpu.vector_store_idx %arg12[%get3A_270], %broadcast_in_dim3A_34 {add = true} : memref<10112xf32, #tpu.memory_space<vmem>>[vector<16xi32>], vector<16xf32>,
      %get3A_271 = arith.constant 4 : i32
      %get3A_272 = arith.index_cast %get3A_271 : i32 to index
      %get3A_273 = arith.constant 80 : index
      %get3A_274 = tpu.vector_load %arg9[%get3A_272, %get3A_273] {strides = array<i32>} : memref<16x128xi32, #tpu.memory_space<vmem>>, vector<16xi32>,
      tpu.vector_store_idx %arg12[%get3A_274], %broadcast_in_dim3A_34 {add = true} : memref<10112xf32, #tpu.memory_space<vmem>>[vector<16xi32>], vector<16xf32>,
      %get3A_275 = arith.constant 4 : i32
      %get3A_276 = arith.index_cast %get3A_275 : i32 to index
      %get3A_277 = arith.constant 96 : index
      %get3A_278 = tpu.vector_load %arg9[%get3A_276, %get3A_277] {strides = array<i32>} : memref<16x128xi32, #tpu.memory_space<vmem>>, vector<16xi32>,
      tpu.vector_store_idx %arg12[%get3A_278], %broadcast_in_dim3A_34 {add = true} : memref<10112xf32, #tpu.memory_space<vmem>>[vector<16xi32>], vector<16xf32>,
      %get3A_279 = arith.constant 4 : i32
      %get3A_280 = arith.index_cast %get3A_279 : i32 to index
      %get3A_281 = arith.constant 112 : index
      %get3A_282 = tpu.vector_load %arg9[%get3A_280, %get3A_281] {strides = array<i32>} : memref<16x128xi32, #tpu.memory_space<vmem>>, vector<16xi32>,
      tpu.vector_store_idx %arg12[%get3A_282], %broadcast_in_dim3A_34 {add = true} : memref<10112xf32, #tpu.memory_space<vmem>>[vector<16xi32>], vector<16xf32>,
      %dma_wait3A_283 = arith.constant 4 : i32
      %dma_wait3A_284 = arith.constant 0 : i32
      %dma_wait3A_285 = tpu.memref_slice %arg8[%dma_wait3A_283, %dma_wait3A_284] : memref<16x128xi32, #tpu.memory_space<vmem>> -> memref<1x128xi32, #tpu.memory_space<vmem>>
      %dma_wait3A_286 = tpu.memref_squeeze %dma_wait3A_285 : memref<1x128xi32, #tpu.memory_space<vmem>> -> memref<128xi32, #tpu.memory_space<vmem>>
      %dma_wait3A_287 = arith.constant 0 : i32
      %dma_wait3A_288 = arith.constant 0 : i32
      %dma_wait3A_289 = tpu.memref_slice %arg2[%dma_wait3A_287, %dma_wait3A_288] : memref<10000x128xf32, #tpu.memory_space<hbm>> -> memref<10000x128xf32, #tpu.memory_space<hbm>>
      tpu.wait_indirect_dma semaphore(%arg13 : memref<!tpu.dma_semaphore, #tpu.memory_space<semaphore_mem>>) src(%dma_wait3A_289 : memref<10000x128xf32, #tpu.memory_space<hbm>>) dst(%arg10 : memref<128x128xf32, #tpu.memory_space<vmem>>)
      %run_scoped3A_290 = arith.constant 4 : i32
      "tpu.region"() ({
        %run_scoped3A_801 = tpu.sem_alloc : memref<!tpu.dma_semaphore, #tpu.memory_space<semaphore_mem>>
        %dma_start3A_802 = arith.constant 0 : i32
        %dma_start3A_803 = tpu.memref_slice %arg9[%run_scoped3A_290, %dma_start3A_802] : memref<16x128xi32, #tpu.memory_space<vmem>> -> memref<1x128xi32, #tpu.memory_space<vmem>>
        %dma_start3A_804 = tpu.memref_squeeze %dma_start3A_803 : memref<1x128xi32, #tpu.memory_space<vmem>> -> memref<128xi32, #tpu.memory_space<vmem>>
        %dma_start3A_805 = arith.constant 0 : i32
        %dma_start3A_806 = arith.constant 0 : i32
        %dma_start3A_807 = tpu.memref_slice %arg7[%dma_start3A_805, %dma_start3A_806] : memref<10112x128xf32, #tpu.memory_space<vmem_shared>> -> memref<10112x128xf32, #tpu.memory_space<vmem_shared>>
        tpu.enqueue_indirect_dma source(%arg10 : memref<128x128xf32, #tpu.memory_space<vmem>>) target(%dma_start3A_807 : memref<10112x128xf32, #tpu.memory_space<vmem_shared>>) offsets(%dma_start3A_804 : memref<128xi32, #tpu.memory_space<vmem>>) semaphore(%run_scoped3A_801 : memref<!tpu.dma_semaphore, #tpu.memory_space<semaphore_mem>>) {add = true}
        %dma_wait3A_808 = arith.constant 0 : i32
        %dma_wait3A_809 = tpu.memref_slice %arg9[%run_scoped3A_290, %dma_wait3A_808] : memref<16x128xi32, #tpu.memory_space<vmem>> -> memref<1x128xi32, #tpu.memory_space<vmem>>
        %dma_wait3A_810 = tpu.memref_squeeze %dma_wait3A_809 : memref<1x128xi32, #tpu.memory_space<vmem>> -> memref<128xi32, #tpu.memory_space<vmem>>
        %dma_wait3A_811 = arith.constant 0 : i32
        %dma_wait3A_812 = arith.constant 0 : i32
        %dma_wait3A_813 = tpu.memref_slice %arg7[%dma_wait3A_811, %dma_wait3A_812] : memref<10112x128xf32, #tpu.memory_space<vmem_shared>> -> memref<10112x128xf32, #tpu.memory_space<vmem_shared>>
        tpu.wait_indirect_dma semaphore(%run_scoped3A_801 : memref<!tpu.dma_semaphore, #tpu.memory_space<semaphore_mem>>) src(%arg10 : memref<128x128xf32, #tpu.memory_space<vmem>>) dst(%dma_wait3A_813 : memref<10112x128xf32, #tpu.memory_space<vmem_shared>>)
        tpu.yield
      }) : () -> ()
      %dma_start3A_291 = arith.constant 6 : i32
      %dma_start3A_292 = arith.constant 0 : i32
      %dma_start3A_293 = tpu.memref_slice %arg8[%dma_start3A_291, %dma_start3A_292] : memref<16x128xi32, #tpu.memory_space<vmem>> -> memref<1x128xi32, #tpu.memory_space<vmem>>
      %dma_start3A_294 = tpu.memref_squeeze %dma_start3A_293 : memref<1x128xi32, #tpu.memory_space<vmem>> -> memref<128xi32, #tpu.memory_space<vmem>>
      %dma_start3A_295 = arith.constant 0 : i32
      %dma_start3A_296 = arith.constant 0 : i32
      %dma_start3A_297 = tpu.memref_slice %arg2[%dma_start3A_295, %dma_start3A_296] : memref<10000x128xf32, #tpu.memory_space<hbm>> -> memref<10000x128xf32, #tpu.memory_space<hbm>>
      tpu.enqueue_indirect_dma source(%dma_start3A_297 : memref<10000x128xf32, #tpu.memory_space<hbm>>) target(%arg10 : memref<128x128xf32, #tpu.memory_space<vmem>>) offsets(%dma_start3A_294 : memref<128xi32, #tpu.memory_space<vmem>>) semaphore(%arg13 : memref<!tpu.dma_semaphore, #tpu.memory_space<semaphore_mem>>)
      %get3A_298 = arith.constant 5 : i32
      %get3A_299 = arith.index_cast %get3A_298 : i32 to index
      %get3A_300 = arith.constant 0 : index
      %get3A_301 = tpu.vector_load %arg9[%get3A_299, %get3A_300] {strides = array<i32>} : memref<16x128xi32, #tpu.memory_space<vmem>>, vector<16xi32>,
      tpu.vector_store_idx %arg12[%get3A_301], %broadcast_in_dim3A_34 {add = true} : memref<10112xf32, #tpu.memory_space<vmem>>[vector<16xi32>], vector<16xf32>,
      %get3A_302 = arith.constant 5 : i32
      %get3A_303 = arith.index_cast %get3A_302 : i32 to index
      %get3A_304 = arith.constant 16 : index
      %get3A_305 = tpu.vector_load %arg9[%get3A_303, %get3A_304] {strides = array<i32>} : memref<16x128xi32, #tpu.memory_space<vmem>>, vector<16xi32>,
      tpu.vector_store_idx %arg12[%get3A_305], %broadcast_in_dim3A_34 {add = true} : memref<10112xf32, #tpu.memory_space<vmem>>[vector<16xi32>], vector<16xf32>,
      %get3A_306 = arith.constant 5 : i32
      %get3A_307 = arith.index_cast %get3A_306 : i32 to index
      %get3A_308 = arith.constant 32 : index
      %get3A_309 = tpu.vector_load %arg9[%get3A_307, %get3A_308] {strides = array<i32>} : memref<16x128xi32, #tpu.memory_space<vmem>>, vector<16xi32>,
      tpu.vector_store_idx %arg12[%get3A_309], %broadcast_in_dim3A_34 {add = true} : memref<10112xf32, #tpu.memory_space<vmem>>[vector<16xi32>], vector<16xf32>,
      %get3A_310 = arith.constant 5 : i32
      %get3A_311 = arith.index_cast %get3A_310 : i32 to index
      %get3A_312 = arith.constant 48 : index
      %get3A_313 = tpu.vector_load %arg9[%get3A_311, %get3A_312] {strides = array<i32>} : memref<16x128xi32, #tpu.memory_space<vmem>>, vector<16xi32>,
      tpu.vector_store_idx %arg12[%get3A_313], %broadcast_in_dim3A_34 {add = true} : memref<10112xf32, #tpu.memory_space<vmem>>[vector<16xi32>], vector<16xf32>,
      %get3A_314 = arith.constant 5 : i32
      %get3A_315 = arith.index_cast %get3A_314 : i32 to index
      %get3A_316 = arith.constant 64 : index
      %get3A_317 = tpu.vector_load %arg9[%get3A_315, %get3A_316] {strides = array<i32>} : memref<16x128xi32, #tpu.memory_space<vmem>>, vector<16xi32>,
      tpu.vector_store_idx %arg12[%get3A_317], %broadcast_in_dim3A_34 {add = true} : memref<10112xf32, #tpu.memory_space<vmem>>[vector<16xi32>], vector<16xf32>,
      %get3A_318 = arith.constant 5 : i32
      %get3A_319 = arith.index_cast %get3A_318 : i32 to index
      %get3A_320 = arith.constant 80 : index
      %get3A_321 = tpu.vector_load %arg9[%get3A_319, %get3A_320] {strides = array<i32>} : memref<16x128xi32, #tpu.memory_space<vmem>>, vector<16xi32>,
      tpu.vector_store_idx %arg12[%get3A_321], %broadcast_in_dim3A_34 {add = true} : memref<10112xf32, #tpu.memory_space<vmem>>[vector<16xi32>], vector<16xf32>,
      %get3A_322 = arith.constant 5 : i32
      %get3A_323 = arith.index_cast %get3A_322 : i32 to index
      %get3A_324 = arith.constant 96 : index
      %get3A_325 = tpu.vector_load %arg9[%get3A_323, %get3A_324] {strides = array<i32>} : memref<16x128xi32, #tpu.memory_space<vmem>>, vector<16xi32>,
      tpu.vector_store_idx %arg12[%get3A_325], %broadcast_in_dim3A_34 {add = true} : memref<10112xf32, #tpu.memory_space<vmem>>[vector<16xi32>], vector<16xf32>,
      %get3A_326 = arith.constant 5 : i32
      %get3A_327 = arith.index_cast %get3A_326 : i32 to index
      %get3A_328 = arith.constant 112 : index
      %get3A_329 = tpu.vector_load %arg9[%get3A_327, %get3A_328] {strides = array<i32>} : memref<16x128xi32, #tpu.memory_space<vmem>>, vector<16xi32>,
      tpu.vector_store_idx %arg12[%get3A_329], %broadcast_in_dim3A_34 {add = true} : memref<10112xf32, #tpu.memory_space<vmem>>[vector<16xi32>], vector<16xf32>,
      %dma_wait3A_330 = arith.constant 5 : i32
      %dma_wait3A_331 = arith.constant 0 : i32
      %dma_wait3A_332 = tpu.memref_slice %arg8[%dma_wait3A_330, %dma_wait3A_331] : memref<16x128xi32, #tpu.memory_space<vmem>> -> memref<1x128xi32, #tpu.memory_space<vmem>>
      %dma_wait3A_333 = tpu.memref_squeeze %dma_wait3A_332 : memref<1x128xi32, #tpu.memory_space<vmem>> -> memref<128xi32, #tpu.memory_space<vmem>>
      %dma_wait3A_334 = arith.constant 0 : i32
      %dma_wait3A_335 = arith.constant 0 : i32
      %dma_wait3A_336 = tpu.memref_slice %arg2[%dma_wait3A_334, %dma_wait3A_335] : memref<10000x128xf32, #tpu.memory_space<hbm>> -> memref<10000x128xf32, #tpu.memory_space<hbm>>
      tpu.wait_indirect_dma semaphore(%arg14 : memref<!tpu.dma_semaphore, #tpu.memory_space<semaphore_mem>>) src(%dma_wait3A_336 : memref<10000x128xf32, #tpu.memory_space<hbm>>) dst(%arg11 : memref<128x128xf32, #tpu.memory_space<vmem>>)
      %run_scoped3A_337 = arith.constant 5 : i32
      "tpu.region"() ({
        %run_scoped3A_801 = tpu.sem_alloc : memref<!tpu.dma_semaphore, #tpu.memory_space<semaphore_mem>>
        %dma_start3A_802 = arith.constant 0 : i32
        %dma_start3A_803 = tpu.memref_slice %arg9[%run_scoped3A_337, %dma_start3A_802] : memref<16x128xi32, #tpu.memory_space<vmem>> -> memref<1x128xi32, #tpu.memory_space<vmem>>
        %dma_start3A_804 = tpu.memref_squeeze %dma_start3A_803 : memref<1x128xi32, #tpu.memory_space<vmem>> -> memref<128xi32, #tpu.memory_space<vmem>>
        %dma_start3A_805 = arith.constant 0 : i32
        %dma_start3A_806 = arith.constant 0 : i32
        %dma_start3A_807 = tpu.memref_slice %arg7[%dma_start3A_805, %dma_start3A_806] : memref<10112x128xf32, #tpu.memory_space<vmem_shared>> -> memref<10112x128xf32, #tpu.memory_space<vmem_shared>>
        tpu.enqueue_indirect_dma source(%arg11 : memref<128x128xf32, #tpu.memory_space<vmem>>) target(%dma_start3A_807 : memref<10112x128xf32, #tpu.memory_space<vmem_shared>>) offsets(%dma_start3A_804 : memref<128xi32, #tpu.memory_space<vmem>>) semaphore(%run_scoped3A_801 : memref<!tpu.dma_semaphore, #tpu.memory_space<semaphore_mem>>) {add = true}
        %dma_wait3A_808 = arith.constant 0 : i32
        %dma_wait3A_809 = tpu.memref_slice %arg9[%run_scoped3A_337, %dma_wait3A_808] : memref<16x128xi32, #tpu.memory_space<vmem>> -> memref<1x128xi32, #tpu.memory_space<vmem>>
        %dma_wait3A_810 = tpu.memref_squeeze %dma_wait3A_809 : memref<1x128xi32, #tpu.memory_space<vmem>> -> memref<128xi32, #tpu.memory_space<vmem>>
        %dma_wait3A_811 = arith.constant 0 : i32
        %dma_wait3A_812 = arith.constant 0 : i32
        %dma_wait3A_813 = tpu.memref_slice %arg7[%dma_wait3A_811, %dma_wait3A_812] : memref<10112x128xf32, #tpu.memory_space<vmem_shared>> -> memref<10112x128xf32, #tpu.memory_space<vmem_shared>>
        tpu.wait_indirect_dma semaphore(%run_scoped3A_801 : memref<!tpu.dma_semaphore, #tpu.memory_space<semaphore_mem>>) src(%arg11 : memref<128x128xf32, #tpu.memory_space<vmem>>) dst(%dma_wait3A_813 : memref<10112x128xf32, #tpu.memory_space<vmem_shared>>)
        tpu.yield
      }) : () -> ()
      %dma_start3A_338 = arith.constant 7 : i32
      %dma_start3A_339 = arith.constant 0 : i32
      %dma_start3A_340 = tpu.memref_slice %arg8[%dma_start3A_338, %dma_start3A_339] : memref<16x128xi32, #tpu.memory_space<vmem>> -> memref<1x128xi32, #tpu.memory_space<vmem>>
      %dma_start3A_341 = tpu.memref_squeeze %dma_start3A_340 : memref<1x128xi32, #tpu.memory_space<vmem>> -> memref<128xi32, #tpu.memory_space<vmem>>
      %dma_start3A_342 = arith.constant 0 : i32
      %dma_start3A_343 = arith.constant 0 : i32
      %dma_start3A_344 = tpu.memref_slice %arg2[%dma_start3A_342, %dma_start3A_343] : memref<10000x128xf32, #tpu.memory_space<hbm>> -> memref<10000x128xf32, #tpu.memory_space<hbm>>
      tpu.enqueue_indirect_dma source(%dma_start3A_344 : memref<10000x128xf32, #tpu.memory_space<hbm>>) target(%arg11 : memref<128x128xf32, #tpu.memory_space<vmem>>) offsets(%dma_start3A_341 : memref<128xi32, #tpu.memory_space<vmem>>) semaphore(%arg14 : memref<!tpu.dma_semaphore, #tpu.memory_space<semaphore_mem>>)
      %get3A_345 = arith.constant 6 : i32
      %get3A_346 = arith.index_cast %get3A_345 : i32 to index
      %get3A_347 = arith.constant 0 : index
      %get3A_348 = tpu.vector_load %arg9[%get3A_346, %get3A_347] {strides = array<i32>} : memref<16x128xi32, #tpu.memory_space<vmem>>, vector<16xi32>,
      tpu.vector_store_idx %arg12[%get3A_348], %broadcast_in_dim3A_34 {add = true} : memref<10112xf32, #tpu.memory_space<vmem>>[vector<16xi32>], vector<16xf32>,
      %get3A_349 = arith.constant 6 : i32
      %get3A_350 = arith.index_cast %get3A_349 : i32 to index
      %get3A_351 = arith.constant 16 : index
      %get3A_352 = tpu.vector_load %arg9[%get3A_350, %get3A_351] {strides = array<i32>} : memref<16x128xi32, #tpu.memory_space<vmem>>, vector<16xi32>,
      tpu.vector_store_idx %arg12[%get3A_352], %broadcast_in_dim3A_34 {add = true} : memref<10112xf32, #tpu.memory_space<vmem>>[vector<16xi32>], vector<16xf32>,
      %get3A_353 = arith.constant 6 : i32
      %get3A_354 = arith.index_cast %get3A_353 : i32 to index
      %get3A_355 = arith.constant 32 : index
      %get3A_356 = tpu.vector_load %arg9[%get3A_354, %get3A_355] {strides = array<i32>} : memref<16x128xi32, #tpu.memory_space<vmem>>, vector<16xi32>,
      tpu.vector_store_idx %arg12[%get3A_356], %broadcast_in_dim3A_34 {add = true} : memref<10112xf32, #tpu.memory_space<vmem>>[vector<16xi32>], vector<16xf32>,
      %get3A_357 = arith.constant 6 : i32
      %get3A_358 = arith.index_cast %get3A_357 : i32 to index
      %get3A_359 = arith.constant 48 : index
      %get3A_360 = tpu.vector_load %arg9[%get3A_358, %get3A_359] {strides = array<i32>} : memref<16x128xi32, #tpu.memory_space<vmem>>, vector<16xi32>,
      tpu.vector_store_idx %arg12[%get3A_360], %broadcast_in_dim3A_34 {add = true} : memref<10112xf32, #tpu.memory_space<vmem>>[vector<16xi32>], vector<16xf32>,
      %get3A_361 = arith.constant 6 : i32
      %get3A_362 = arith.index_cast %get3A_361 : i32 to index
      %get3A_363 = arith.constant 64 : index
      %get3A_364 = tpu.vector_load %arg9[%get3A_362, %get3A_363] {strides = array<i32>} : memref<16x128xi32, #tpu.memory_space<vmem>>, vector<16xi32>,
      tpu.vector_store_idx %arg12[%get3A_364], %broadcast_in_dim3A_34 {add = true} : memref<10112xf32, #tpu.memory_space<vmem>>[vector<16xi32>], vector<16xf32>,
      %get3A_365 = arith.constant 6 : i32
      %get3A_366 = arith.index_cast %get3A_365 : i32 to index
      %get3A_367 = arith.constant 80 : index
      %get3A_368 = tpu.vector_load %arg9[%get3A_366, %get3A_367] {strides = array<i32>} : memref<16x128xi32, #tpu.memory_space<vmem>>, vector<16xi32>,
      tpu.vector_store_idx %arg12[%get3A_368], %broadcast_in_dim3A_34 {add = true} : memref<10112xf32, #tpu.memory_space<vmem>>[vector<16xi32>], vector<16xf32>,
      %get3A_369 = arith.constant 6 : i32
      %get3A_370 = arith.index_cast %get3A_369 : i32 to index
      %get3A_371 = arith.constant 96 : index
      %get3A_372 = tpu.vector_load %arg9[%get3A_370, %get3A_371] {strides = array<i32>} : memref<16x128xi32, #tpu.memory_space<vmem>>, vector<16xi32>,
      tpu.vector_store_idx %arg12[%get3A_372], %broadcast_in_dim3A_34 {add = true} : memref<10112xf32, #tpu.memory_space<vmem>>[vector<16xi32>], vector<16xf32>,
      %get3A_373 = arith.constant 6 : i32
      %get3A_374 = arith.index_cast %get3A_373 : i32 to index
      %get3A_375 = arith.constant 112 : index
      %get3A_376 = tpu.vector_load %arg9[%get3A_374, %get3A_375] {strides = array<i32>} : memref<16x128xi32, #tpu.memory_space<vmem>>, vector<16xi32>,
      tpu.vector_store_idx %arg12[%get3A_376], %broadcast_in_dim3A_34 {add = true} : memref<10112xf32, #tpu.memory_space<vmem>>[vector<16xi32>], vector<16xf32>,
      %dma_wait3A_377 = arith.constant 6 : i32
      %dma_wait3A_378 = arith.constant 0 : i32
      %dma_wait3A_379 = tpu.memref_slice %arg8[%dma_wait3A_377, %dma_wait3A_378] : memref<16x128xi32, #tpu.memory_space<vmem>> -> memref<1x128xi32, #tpu.memory_space<vmem>>
      %dma_wait3A_380 = tpu.memref_squeeze %dma_wait3A_379 : memref<1x128xi32, #tpu.memory_space<vmem>> -> memref<128xi32, #tpu.memory_space<vmem>>
      %dma_wait3A_381 = arith.constant 0 : i32
      %dma_wait3A_382 = arith.constant 0 : i32
      %dma_wait3A_383 = tpu.memref_slice %arg2[%dma_wait3A_381, %dma_wait3A_382] : memref<10000x128xf32, #tpu.memory_space<hbm>> -> memref<10000x128xf32, #tpu.memory_space<hbm>>
      tpu.wait_indirect_dma semaphore(%arg13 : memref<!tpu.dma_semaphore, #tpu.memory_space<semaphore_mem>>) src(%dma_wait3A_383 : memref<10000x128xf32, #tpu.memory_space<hbm>>) dst(%arg10 : memref<128x128xf32, #tpu.memory_space<vmem>>)
      %run_scoped3A_384 = arith.constant 6 : i32
      "tpu.region"() ({
        %run_scoped3A_801 = tpu.sem_alloc : memref<!tpu.dma_semaphore, #tpu.memory_space<semaphore_mem>>
        %dma_start3A_802 = arith.constant 0 : i32
        %dma_start3A_803 = tpu.memref_slice %arg9[%run_scoped3A_384, %dma_start3A_802] : memref<16x128xi32, #tpu.memory_space<vmem>> -> memref<1x128xi32, #tpu.memory_space<vmem>>
        %dma_start3A_804 = tpu.memref_squeeze %dma_start3A_803 : memref<1x128xi32, #tpu.memory_space<vmem>> -> memref<128xi32, #tpu.memory_space<vmem>>
        %dma_start3A_805 = arith.constant 0 : i32
        %dma_start3A_806 = arith.constant 0 : i32
        %dma_start3A_807 = tpu.memref_slice %arg7[%dma_start3A_805, %dma_start3A_806] : memref<10112x128xf32, #tpu.memory_space<vmem_shared>> -> memref<10112x128xf32, #tpu.memory_space<vmem_shared>>
        tpu.enqueue_indirect_dma source(%arg10 : memref<128x128xf32, #tpu.memory_space<vmem>>) target(%dma_start3A_807 : memref<10112x128xf32, #tpu.memory_space<vmem_shared>>) offsets(%dma_start3A_804 : memref<128xi32, #tpu.memory_space<vmem>>) semaphore(%run_scoped3A_801 : memref<!tpu.dma_semaphore, #tpu.memory_space<semaphore_mem>>) {add = true}
        %dma_wait3A_808 = arith.constant 0 : i32
        %dma_wait3A_809 = tpu.memref_slice %arg9[%run_scoped3A_384, %dma_wait3A_808] : memref<16x128xi32, #tpu.memory_space<vmem>> -> memref<1x128xi32, #tpu.memory_space<vmem>>
        %dma_wait3A_810 = tpu.memref_squeeze %dma_wait3A_809 : memref<1x128xi32, #tpu.memory_space<vmem>> -> memref<128xi32, #tpu.memory_space<vmem>>
        %dma_wait3A_811 = arith.constant 0 : i32
        %dma_wait3A_812 = arith.constant 0 : i32
        %dma_wait3A_813 = tpu.memref_slice %arg7[%dma_wait3A_811, %dma_wait3A_812] : memref<10112x128xf32, #tpu.memory_space<vmem_shared>> -> memref<10112x128xf32, #tpu.memory_space<vmem_shared>>
        tpu.wait_indirect_dma semaphore(%run_scoped3A_801 : memref<!tpu.dma_semaphore, #tpu.memory_space<semaphore_mem>>) src(%arg10 : memref<128x128xf32, #tpu.memory_space<vmem>>) dst(%dma_wait3A_813 : memref<10112x128xf32, #tpu.memory_space<vmem_shared>>)
        tpu.yield
      }) : () -> ()
      %dma_start3A_385 = arith.constant 8 : i32
      %dma_start3A_386 = arith.constant 0 : i32
      %dma_start3A_387 = tpu.memref_slice %arg8[%dma_start3A_385, %dma_start3A_386] : memref<16x128xi32, #tpu.memory_space<vmem>> -> memref<1x128xi32, #tpu.memory_space<vmem>>
      %dma_start3A_388 = tpu.memref_squeeze %dma_start3A_387 : memref<1x128xi32, #tpu.memory_space<vmem>> -> memref<128xi32, #tpu.memory_space<vmem>>
      %dma_start3A_389 = arith.constant 0 : i32
      %dma_start3A_390 = arith.constant 0 : i32
      %dma_start3A_391 = tpu.memref_slice %arg2[%dma_start3A_389, %dma_start3A_390] : memref<10000x128xf32, #tpu.memory_space<hbm>> -> memref<10000x128xf32, #tpu.memory_space<hbm>>
      tpu.enqueue_indirect_dma source(%dma_start3A_391 : memref<10000x128xf32, #tpu.memory_space<hbm>>) target(%arg10 : memref<128x128xf32, #tpu.memory_space<vmem>>) offsets(%dma_start3A_388 : memref<128xi32, #tpu.memory_space<vmem>>) semaphore(%arg13 : memref<!tpu.dma_semaphore, #tpu.memory_space<semaphore_mem>>)
      %get3A_392 = arith.constant 7 : i32
      %get3A_393 = arith.index_cast %get3A_392 : i32 to index
      %get3A_394 = arith.constant 0 : index
      %get3A_395 = tpu.vector_load %arg9[%get3A_393, %get3A_394] {strides = array<i32>} : memref<16x128xi32, #tpu.memory_space<vmem>>, vector<16xi32>,
      tpu.vector_store_idx %arg12[%get3A_395], %broadcast_in_dim3A_34 {add = true} : memref<10112xf32, #tpu.memory_space<vmem>>[vector<16xi32>], vector<16xf32>,
      %get3A_396 = arith.constant 7 : i32
      %get3A_397 = arith.index_cast %get3A_396 : i32 to index
      %get3A_398 = arith.constant 16 : index
      %get3A_399 = tpu.vector_load %arg9[%get3A_397, %get3A_398] {strides = array<i32>} : memref<16x128xi32, #tpu.memory_space<vmem>>, vector<16xi32>,
      tpu.vector_store_idx %arg12[%get3A_399], %broadcast_in_dim3A_34 {add = true} : memref<10112xf32, #tpu.memory_space<vmem>>[vector<16xi32>], vector<16xf32>,
      %get3A_400 = arith.constant 7 : i32
      %get3A_401 = arith.index_cast %get3A_400 : i32 to index
      %get3A_402 = arith.constant 32 : index
      %get3A_403 = tpu.vector_load %arg9[%get3A_401, %get3A_402] {strides = array<i32>} : memref<16x128xi32, #tpu.memory_space<vmem>>, vector<16xi32>,
      tpu.vector_store_idx %arg12[%get3A_403], %broadcast_in_dim3A_34 {add = true} : memref<10112xf32, #tpu.memory_space<vmem>>[vector<16xi32>], vector<16xf32>,
      %get3A_404 = arith.constant 7 : i32
      %get3A_405 = arith.index_cast %get3A_404 : i32 to index
      %get3A_406 = arith.constant 48 : index
      %get3A_407 = tpu.vector_load %arg9[%get3A_405, %get3A_406] {strides = array<i32>} : memref<16x128xi32, #tpu.memory_space<vmem>>, vector<16xi32>,
      tpu.vector_store_idx %arg12[%get3A_407], %broadcast_in_dim3A_34 {add = true} : memref<10112xf32, #tpu.memory_space<vmem>>[vector<16xi32>], vector<16xf32>,
      %get3A_408 = arith.constant 7 : i32
      %get3A_409 = arith.index_cast %get3A_408 : i32 to index
      %get3A_410 = arith.constant 64 : index
      %get3A_411 = tpu.vector_load %arg9[%get3A_409, %get3A_410] {strides = array<i32>} : memref<16x128xi32, #tpu.memory_space<vmem>>, vector<16xi32>,
      tpu.vector_store_idx %arg12[%get3A_411], %broadcast_in_dim3A_34 {add = true} : memref<10112xf32, #tpu.memory_space<vmem>>[vector<16xi32>], vector<16xf32>,
      %get3A_412 = arith.constant 7 : i32
      %get3A_413 = arith.index_cast %get3A_412 : i32 to index
      %get3A_414 = arith.constant 80 : index
      %get3A_415 = tpu.vector_load %arg9[%get3A_413, %get3A_414] {strides = array<i32>} : memref<16x128xi32, #tpu.memory_space<vmem>>, vector<16xi32>,
      tpu.vector_store_idx %arg12[%get3A_415], %broadcast_in_dim3A_34 {add = true} : memref<10112xf32, #tpu.memory_space<vmem>>[vector<16xi32>], vector<16xf32>,
      %get3A_416 = arith.constant 7 : i32
      %get3A_417 = arith.index_cast %get3A_416 : i32 to index
      %get3A_418 = arith.constant 96 : index
      %get3A_419 = tpu.vector_load %arg9[%get3A_417, %get3A_418] {strides = array<i32>} : memref<16x128xi32, #tpu.memory_space<vmem>>, vector<16xi32>,
      tpu.vector_store_idx %arg12[%get3A_419], %broadcast_in_dim3A_34 {add = true} : memref<10112xf32, #tpu.memory_space<vmem>>[vector<16xi32>], vector<16xf32>,
      %get3A_420 = arith.constant 7 : i32
      %get3A_421 = arith.index_cast %get3A_420 : i32 to index
      %get3A_422 = arith.constant 112 : index
      %get3A_423 = tpu.vector_load %arg9[%get3A_421, %get3A_422] {strides = array<i32>} : memref<16x128xi32, #tpu.memory_space<vmem>>, vector<16xi32>,
      tpu.vector_store_idx %arg12[%get3A_423], %broadcast_in_dim3A_34 {add = true} : memref<10112xf32, #tpu.memory_space<vmem>>[vector<16xi32>], vector<16xf32>,
      %dma_wait3A_424 = arith.constant 7 : i32
      %dma_wait3A_425 = arith.constant 0 : i32
      %dma_wait3A_426 = tpu.memref_slice %arg8[%dma_wait3A_424, %dma_wait3A_425] : memref<16x128xi32, #tpu.memory_space<vmem>> -> memref<1x128xi32, #tpu.memory_space<vmem>>
      %dma_wait3A_427 = tpu.memref_squeeze %dma_wait3A_426 : memref<1x128xi32, #tpu.memory_space<vmem>> -> memref<128xi32, #tpu.memory_space<vmem>>
      %dma_wait3A_428 = arith.constant 0 : i32
      %dma_wait3A_429 = arith.constant 0 : i32
      %dma_wait3A_430 = tpu.memref_slice %arg2[%dma_wait3A_428, %dma_wait3A_429] : memref<10000x128xf32, #tpu.memory_space<hbm>> -> memref<10000x128xf32, #tpu.memory_space<hbm>>
      tpu.wait_indirect_dma semaphore(%arg14 : memref<!tpu.dma_semaphore, #tpu.memory_space<semaphore_mem>>) src(%dma_wait3A_430 : memref<10000x128xf32, #tpu.memory_space<hbm>>) dst(%arg11 : memref<128x128xf32, #tpu.memory_space<vmem>>)
      %run_scoped3A_431 = arith.constant 7 : i32
      "tpu.region"() ({
        %run_scoped3A_801 = tpu.sem_alloc : memref<!tpu.dma_semaphore, #tpu.memory_space<semaphore_mem>>
        %dma_start3A_802 = arith.constant 0 : i32
        %dma_start3A_803 = tpu.memref_slice %arg9[%run_scoped3A_431, %dma_start3A_802] : memref<16x128xi32, #tpu.memory_space<vmem>> -> memref<1x128xi32, #tpu.memory_space<vmem>>
        %dma_start3A_804 = tpu.memref_squeeze %dma_start3A_803 : memref<1x128xi32, #tpu.memory_space<vmem>> -> memref<128xi32, #tpu.memory_space<vmem>>
        %dma_start3A_805 = arith.constant 0 : i32
        %dma_start3A_806 = arith.constant 0 : i32
        %dma_start3A_807 = tpu.memref_slice %arg7[%dma_start3A_805, %dma_start3A_806] : memref<10112x128xf32, #tpu.memory_space<vmem_shared>> -> memref<10112x128xf32, #tpu.memory_space<vmem_shared>>
        tpu.enqueue_indirect_dma source(%arg11 : memref<128x128xf32, #tpu.memory_space<vmem>>) target(%dma_start3A_807 : memref<10112x128xf32, #tpu.memory_space<vmem_shared>>) offsets(%dma_start3A_804 : memref<128xi32, #tpu.memory_space<vmem>>) semaphore(%run_scoped3A_801 : memref<!tpu.dma_semaphore, #tpu.memory_space<semaphore_mem>>) {add = true}
        %dma_wait3A_808 = arith.constant 0 : i32
        %dma_wait3A_809 = tpu.memref_slice %arg9[%run_scoped3A_431, %dma_wait3A_808] : memref<16x128xi32, #tpu.memory_space<vmem>> -> memref<1x128xi32, #tpu.memory_space<vmem>>
        %dma_wait3A_810 = tpu.memref_squeeze %dma_wait3A_809 : memref<1x128xi32, #tpu.memory_space<vmem>> -> memref<128xi32, #tpu.memory_space<vmem>>
        %dma_wait3A_811 = arith.constant 0 : i32
        %dma_wait3A_812 = arith.constant 0 : i32
        %dma_wait3A_813 = tpu.memref_slice %arg7[%dma_wait3A_811, %dma_wait3A_812] : memref<10112x128xf32, #tpu.memory_space<vmem_shared>> -> memref<10112x128xf32, #tpu.memory_space<vmem_shared>>
        tpu.wait_indirect_dma semaphore(%run_scoped3A_801 : memref<!tpu.dma_semaphore, #tpu.memory_space<semaphore_mem>>) src(%arg11 : memref<128x128xf32, #tpu.memory_space<vmem>>) dst(%dma_wait3A_813 : memref<10112x128xf32, #tpu.memory_space<vmem_shared>>)
        tpu.yield
      }) : () -> ()
      %dma_start3A_432 = arith.constant 9 : i32
      %dma_start3A_433 = arith.constant 0 : i32
      %dma_start3A_434 = tpu.memref_slice %arg8[%dma_start3A_432, %dma_start3A_433] : memref<16x128xi32, #tpu.memory_space<vmem>> -> memref<1x128xi32, #tpu.memory_space<vmem>>
      %dma_start3A_435 = tpu.memref_squeeze %dma_start3A_434 : memref<1x128xi32, #tpu.memory_space<vmem>> -> memref<128xi32, #tpu.memory_space<vmem>>
      %dma_start3A_436 = arith.constant 0 : i32
      %dma_start3A_437 = arith.constant 0 : i32
      %dma_start3A_438 = tpu.memref_slice %arg2[%dma_start3A_436, %dma_start3A_437] : memref<10000x128xf32, #tpu.memory_space<hbm>> -> memref<10000x128xf32, #tpu.memory_space<hbm>>
      tpu.enqueue_indirect_dma source(%dma_start3A_438 : memref<10000x128xf32, #tpu.memory_space<hbm>>) target(%arg11 : memref<128x128xf32, #tpu.memory_space<vmem>>) offsets(%dma_start3A_435 : memref<128xi32, #tpu.memory_space<vmem>>) semaphore(%arg14 : memref<!tpu.dma_semaphore, #tpu.memory_space<semaphore_mem>>)
      %get3A_439 = arith.constant 8 : i32
      %get3A_440 = arith.index_cast %get3A_439 : i32 to index
      %get3A_441 = arith.constant 0 : index
      %get3A_442 = tpu.vector_load %arg9[%get3A_440, %get3A_441] {strides = array<i32>} : memref<16x128xi32, #tpu.memory_space<vmem>>, vector<16xi32>,
      tpu.vector_store_idx %arg12[%get3A_442], %broadcast_in_dim3A_34 {add = true} : memref<10112xf32, #tpu.memory_space<vmem>>[vector<16xi32>], vector<16xf32>,
      %get3A_443 = arith.constant 8 : i32
      %get3A_444 = arith.index_cast %get3A_443 : i32 to index
      %get3A_445 = arith.constant 16 : index
      %get3A_446 = tpu.vector_load %arg9[%get3A_444, %get3A_445] {strides = array<i32>} : memref<16x128xi32, #tpu.memory_space<vmem>>, vector<16xi32>,
      tpu.vector_store_idx %arg12[%get3A_446], %broadcast_in_dim3A_34 {add = true} : memref<10112xf32, #tpu.memory_space<vmem>>[vector<16xi32>], vector<16xf32>,
      %get3A_447 = arith.constant 8 : i32
      %get3A_448 = arith.index_cast %get3A_447 : i32 to index
      %get3A_449 = arith.constant 32 : index
      %get3A_450 = tpu.vector_load %arg9[%get3A_448, %get3A_449] {strides = array<i32>} : memref<16x128xi32, #tpu.memory_space<vmem>>, vector<16xi32>,
      tpu.vector_store_idx %arg12[%get3A_450], %broadcast_in_dim3A_34 {add = true} : memref<10112xf32, #tpu.memory_space<vmem>>[vector<16xi32>], vector<16xf32>,
      %get3A_451 = arith.constant 8 : i32
      %get3A_452 = arith.index_cast %get3A_451 : i32 to index
      %get3A_453 = arith.constant 48 : index
      %get3A_454 = tpu.vector_load %arg9[%get3A_452, %get3A_453] {strides = array<i32>} : memref<16x128xi32, #tpu.memory_space<vmem>>, vector<16xi32>,
      tpu.vector_store_idx %arg12[%get3A_454], %broadcast_in_dim3A_34 {add = true} : memref<10112xf32, #tpu.memory_space<vmem>>[vector<16xi32>], vector<16xf32>,
      %get3A_455 = arith.constant 8 : i32
      %get3A_456 = arith.index_cast %get3A_455 : i32 to index
      %get3A_457 = arith.constant 64 : index
      %get3A_458 = tpu.vector_load %arg9[%get3A_456, %get3A_457] {strides = array<i32>} : memref<16x128xi32, #tpu.memory_space<vmem>>, vector<16xi32>,
      tpu.vector_store_idx %arg12[%get3A_458], %broadcast_in_dim3A_34 {add = true} : memref<10112xf32, #tpu.memory_space<vmem>>[vector<16xi32>], vector<16xf32>,
      %get3A_459 = arith.constant 8 : i32
      %get3A_460 = arith.index_cast %get3A_459 : i32 to index
      %get3A_461 = arith.constant 80 : index
      %get3A_462 = tpu.vector_load %arg9[%get3A_460, %get3A_461] {strides = array<i32>} : memref<16x128xi32, #tpu.memory_space<vmem>>, vector<16xi32>,
      tpu.vector_store_idx %arg12[%get3A_462], %broadcast_in_dim3A_34 {add = true} : memref<10112xf32, #tpu.memory_space<vmem>>[vector<16xi32>], vector<16xf32>,
      %get3A_463 = arith.constant 8 : i32
      %get3A_464 = arith.index_cast %get3A_463 : i32 to index
      %get3A_465 = arith.constant 96 : index
      %get3A_466 = tpu.vector_load %arg9[%get3A_464, %get3A_465] {strides = array<i32>} : memref<16x128xi32, #tpu.memory_space<vmem>>, vector<16xi32>,
      tpu.vector_store_idx %arg12[%get3A_466], %broadcast_in_dim3A_34 {add = true} : memref<10112xf32, #tpu.memory_space<vmem>>[vector<16xi32>], vector<16xf32>,
      %get3A_467 = arith.constant 8 : i32
      %get3A_468 = arith.index_cast %get3A_467 : i32 to index
      %get3A_469 = arith.constant 112 : index
      %get3A_470 = tpu.vector_load %arg9[%get3A_468, %get3A_469] {strides = array<i32>} : memref<16x128xi32, #tpu.memory_space<vmem>>, vector<16xi32>,
      tpu.vector_store_idx %arg12[%get3A_470], %broadcast_in_dim3A_34 {add = true} : memref<10112xf32, #tpu.memory_space<vmem>>[vector<16xi32>], vector<16xf32>,
      %dma_wait3A_471 = arith.constant 8 : i32
      %dma_wait3A_472 = arith.constant 0 : i32
      %dma_wait3A_473 = tpu.memref_slice %arg8[%dma_wait3A_471, %dma_wait3A_472] : memref<16x128xi32, #tpu.memory_space<vmem>> -> memref<1x128xi32, #tpu.memory_space<vmem>>
      %dma_wait3A_474 = tpu.memref_squeeze %dma_wait3A_473 : memref<1x128xi32, #tpu.memory_space<vmem>> -> memref<128xi32, #tpu.memory_space<vmem>>
      %dma_wait3A_475 = arith.constant 0 : i32
      %dma_wait3A_476 = arith.constant 0 : i32
      %dma_wait3A_477 = tpu.memref_slice %arg2[%dma_wait3A_475, %dma_wait3A_476] : memref<10000x128xf32, #tpu.memory_space<hbm>> -> memref<10000x128xf32, #tpu.memory_space<hbm>>
      tpu.wait_indirect_dma semaphore(%arg13 : memref<!tpu.dma_semaphore, #tpu.memory_space<semaphore_mem>>) src(%dma_wait3A_477 : memref<10000x128xf32, #tpu.memory_space<hbm>>) dst(%arg10 : memref<128x128xf32, #tpu.memory_space<vmem>>)
      %run_scoped3A_478 = arith.constant 8 : i32
      "tpu.region"() ({
        %run_scoped3A_801 = tpu.sem_alloc : memref<!tpu.dma_semaphore, #tpu.memory_space<semaphore_mem>>
        %dma_start3A_802 = arith.constant 0 : i32
        %dma_start3A_803 = tpu.memref_slice %arg9[%run_scoped3A_478, %dma_start3A_802] : memref<16x128xi32, #tpu.memory_space<vmem>> -> memref<1x128xi32, #tpu.memory_space<vmem>>
        %dma_start3A_804 = tpu.memref_squeeze %dma_start3A_803 : memref<1x128xi32, #tpu.memory_space<vmem>> -> memref<128xi32, #tpu.memory_space<vmem>>
        %dma_start3A_805 = arith.constant 0 : i32
        %dma_start3A_806 = arith.constant 0 : i32
        %dma_start3A_807 = tpu.memref_slice %arg7[%dma_start3A_805, %dma_start3A_806] : memref<10112x128xf32, #tpu.memory_space<vmem_shared>> -> memref<10112x128xf32, #tpu.memory_space<vmem_shared>>
        tpu.enqueue_indirect_dma source(%arg10 : memref<128x128xf32, #tpu.memory_space<vmem>>) target(%dma_start3A_807 : memref<10112x128xf32, #tpu.memory_space<vmem_shared>>) offsets(%dma_start3A_804 : memref<128xi32, #tpu.memory_space<vmem>>) semaphore(%run_scoped3A_801 : memref<!tpu.dma_semaphore, #tpu.memory_space<semaphore_mem>>) {add = true}
        %dma_wait3A_808 = arith.constant 0 : i32
        %dma_wait3A_809 = tpu.memref_slice %arg9[%run_scoped3A_478, %dma_wait3A_808] : memref<16x128xi32, #tpu.memory_space<vmem>> -> memref<1x128xi32, #tpu.memory_space<vmem>>
        %dma_wait3A_810 = tpu.memref_squeeze %dma_wait3A_809 : memref<1x128xi32, #tpu.memory_space<vmem>> -> memref<128xi32, #tpu.memory_space<vmem>>
        %dma_wait3A_811 = arith.constant 0 : i32
        %dma_wait3A_812 = arith.constant 0 : i32
        %dma_wait3A_813 = tpu.memref_slice %arg7[%dma_wait3A_811, %dma_wait3A_812] : memref<10112x128xf32, #tpu.memory_space<vmem_shared>> -> memref<10112x128xf32, #tpu.memory_space<vmem_shared>>
        tpu.wait_indirect_dma semaphore(%run_scoped3A_801 : memref<!tpu.dma_semaphore, #tpu.memory_space<semaphore_mem>>) src(%arg10 : memref<128x128xf32, #tpu.memory_space<vmem>>) dst(%dma_wait3A_813 : memref<10112x128xf32, #tpu.memory_space<vmem_shared>>)
        tpu.yield
      }) : () -> ()
      %dma_start3A_479 = arith.constant 10 : i32
      %dma_start3A_480 = arith.constant 0 : i32
      %dma_start3A_481 = tpu.memref_slice %arg8[%dma_start3A_479, %dma_start3A_480] : memref<16x128xi32, #tpu.memory_space<vmem>> -> memref<1x128xi32, #tpu.memory_space<vmem>>
      %dma_start3A_482 = tpu.memref_squeeze %dma_start3A_481 : memref<1x128xi32, #tpu.memory_space<vmem>> -> memref<128xi32, #tpu.memory_space<vmem>>
      %dma_start3A_483 = arith.constant 0 : i32
      %dma_start3A_484 = arith.constant 0 : i32
      %dma_start3A_485 = tpu.memref_slice %arg2[%dma_start3A_483, %dma_start3A_484] : memref<10000x128xf32, #tpu.memory_space<hbm>> -> memref<10000x128xf32, #tpu.memory_space<hbm>>
      tpu.enqueue_indirect_dma source(%dma_start3A_485 : memref<10000x128xf32, #tpu.memory_space<hbm>>) target(%arg10 : memref<128x128xf32, #tpu.memory_space<vmem>>) offsets(%dma_start3A_482 : memref<128xi32, #tpu.memory_space<vmem>>) semaphore(%arg13 : memref<!tpu.dma_semaphore, #tpu.memory_space<semaphore_mem>>)
      %get3A_486 = arith.constant 9 : i32
      %get3A_487 = arith.index_cast %get3A_486 : i32 to index
      %get3A_488 = arith.constant 0 : index
      %get3A_489 = tpu.vector_load %arg9[%get3A_487, %get3A_488] {strides = array<i32>} : memref<16x128xi32, #tpu.memory_space<vmem>>, vector<16xi32>,
      tpu.vector_store_idx %arg12[%get3A_489], %broadcast_in_dim3A_34 {add = true} : memref<10112xf32, #tpu.memory_space<vmem>>[vector<16xi32>], vector<16xf32>,
      %get3A_490 = arith.constant 9 : i32
      %get3A_491 = arith.index_cast %get3A_490 : i32 to index
      %get3A_492 = arith.constant 16 : index
      %get3A_493 = tpu.vector_load %arg9[%get3A_491, %get3A_492] {strides = array<i32>} : memref<16x128xi32, #tpu.memory_space<vmem>>, vector<16xi32>,
      tpu.vector_store_idx %arg12[%get3A_493], %broadcast_in_dim3A_34 {add = true} : memref<10112xf32, #tpu.memory_space<vmem>>[vector<16xi32>], vector<16xf32>,
      %get3A_494 = arith.constant 9 : i32
      %get3A_495 = arith.index_cast %get3A_494 : i32 to index
      %get3A_496 = arith.constant 32 : index
      %get3A_497 = tpu.vector_load %arg9[%get3A_495, %get3A_496] {strides = array<i32>} : memref<16x128xi32, #tpu.memory_space<vmem>>, vector<16xi32>,
      tpu.vector_store_idx %arg12[%get3A_497], %broadcast_in_dim3A_34 {add = true} : memref<10112xf32, #tpu.memory_space<vmem>>[vector<16xi32>], vector<16xf32>,
      %get3A_498 = arith.constant 9 : i32
      %get3A_499 = arith.index_cast %get3A_498 : i32 to index
      %get3A_500 = arith.constant 48 : index
      %get3A_501 = tpu.vector_load %arg9[%get3A_499, %get3A_500] {strides = array<i32>} : memref<16x128xi32, #tpu.memory_space<vmem>>, vector<16xi32>,
      tpu.vector_store_idx %arg12[%get3A_501], %broadcast_in_dim3A_34 {add = true} : memref<10112xf32, #tpu.memory_space<vmem>>[vector<16xi32>], vector<16xf32>,
      %get3A_502 = arith.constant 9 : i32
      %get3A_503 = arith.index_cast %get3A_502 : i32 to index
      %get3A_504 = arith.constant 64 : index
      %get3A_505 = tpu.vector_load %arg9[%get3A_503, %get3A_504] {strides = array<i32>} : memref<16x128xi32, #tpu.memory_space<vmem>>, vector<16xi32>,
      tpu.vector_store_idx %arg12[%get3A_505], %broadcast_in_dim3A_34 {add = true} : memref<10112xf32, #tpu.memory_space<vmem>>[vector<16xi32>], vector<16xf32>,
      %get3A_506 = arith.constant 9 : i32
      %get3A_507 = arith.index_cast %get3A_506 : i32 to index
      %get3A_508 = arith.constant 80 : index
      %get3A_509 = tpu.vector_load %arg9[%get3A_507, %get3A_508] {strides = array<i32>} : memref<16x128xi32, #tpu.memory_space<vmem>>, vector<16xi32>,
      tpu.vector_store_idx %arg12[%get3A_509], %broadcast_in_dim3A_34 {add = true} : memref<10112xf32, #tpu.memory_space<vmem>>[vector<16xi32>], vector<16xf32>,
      %get3A_510 = arith.constant 9 : i32
      %get3A_511 = arith.index_cast %get3A_510 : i32 to index
      %get3A_512 = arith.constant 96 : index
      %get3A_513 = tpu.vector_load %arg9[%get3A_511, %get3A_512] {strides = array<i32>} : memref<16x128xi32, #tpu.memory_space<vmem>>, vector<16xi32>,
      tpu.vector_store_idx %arg12[%get3A_513], %broadcast_in_dim3A_34 {add = true} : memref<10112xf32, #tpu.memory_space<vmem>>[vector<16xi32>], vector<16xf32>,
      %get3A_514 = arith.constant 9 : i32
      %get3A_515 = arith.index_cast %get3A_514 : i32 to index
      %get3A_516 = arith.constant 112 : index
      %get3A_517 = tpu.vector_load %arg9[%get3A_515, %get3A_516] {strides = array<i32>} : memref<16x128xi32, #tpu.memory_space<vmem>>, vector<16xi32>,
      tpu.vector_store_idx %arg12[%get3A_517], %broadcast_in_dim3A_34 {add = true} : memref<10112xf32, #tpu.memory_space<vmem>>[vector<16xi32>], vector<16xf32>,
      %dma_wait3A_518 = arith.constant 9 : i32
      %dma_wait3A_519 = arith.constant 0 : i32
      %dma_wait3A_520 = tpu.memref_slice %arg8[%dma_wait3A_518, %dma_wait3A_519] : memref<16x128xi32, #tpu.memory_space<vmem>> -> memref<1x128xi32, #tpu.memory_space<vmem>>
      %dma_wait3A_521 = tpu.memref_squeeze %dma_wait3A_520 : memref<1x128xi32, #tpu.memory_space<vmem>> -> memref<128xi32, #tpu.memory_space<vmem>>
      %dma_wait3A_522 = arith.constant 0 : i32
      %dma_wait3A_523 = arith.constant 0 : i32
      %dma_wait3A_524 = tpu.memref_slice %arg2[%dma_wait3A_522, %dma_wait3A_523] : memref<10000x128xf32, #tpu.memory_space<hbm>> -> memref<10000x128xf32, #tpu.memory_space<hbm>>
      tpu.wait_indirect_dma semaphore(%arg14 : memref<!tpu.dma_semaphore, #tpu.memory_space<semaphore_mem>>) src(%dma_wait3A_524 : memref<10000x128xf32, #tpu.memory_space<hbm>>) dst(%arg11 : memref<128x128xf32, #tpu.memory_space<vmem>>)
      %run_scoped3A_525 = arith.constant 9 : i32
      "tpu.region"() ({
        %run_scoped3A_801 = tpu.sem_alloc : memref<!tpu.dma_semaphore, #tpu.memory_space<semaphore_mem>>
        %dma_start3A_802 = arith.constant 0 : i32
        %dma_start3A_803 = tpu.memref_slice %arg9[%run_scoped3A_525, %dma_start3A_802] : memref<16x128xi32, #tpu.memory_space<vmem>> -> memref<1x128xi32, #tpu.memory_space<vmem>>
        %dma_start3A_804 = tpu.memref_squeeze %dma_start3A_803 : memref<1x128xi32, #tpu.memory_space<vmem>> -> memref<128xi32, #tpu.memory_space<vmem>>
        %dma_start3A_805 = arith.constant 0 : i32
        %dma_start3A_806 = arith.constant 0 : i32
        %dma_start3A_807 = tpu.memref_slice %arg7[%dma_start3A_805, %dma_start3A_806] : memref<10112x128xf32, #tpu.memory_space<vmem_shared>> -> memref<10112x128xf32, #tpu.memory_space<vmem_shared>>
        tpu.enqueue_indirect_dma source(%arg11 : memref<128x128xf32, #tpu.memory_space<vmem>>) target(%dma_start3A_807 : memref<10112x128xf32, #tpu.memory_space<vmem_shared>>) offsets(%dma_start3A_804 : memref<128xi32, #tpu.memory_space<vmem>>) semaphore(%run_scoped3A_801 : memref<!tpu.dma_semaphore, #tpu.memory_space<semaphore_mem>>) {add = true}
        %dma_wait3A_808 = arith.constant 0 : i32
        %dma_wait3A_809 = tpu.memref_slice %arg9[%run_scoped3A_525, %dma_wait3A_808] : memref<16x128xi32, #tpu.memory_space<vmem>> -> memref<1x128xi32, #tpu.memory_space<vmem>>
        %dma_wait3A_810 = tpu.memref_squeeze %dma_wait3A_809 : memref<1x128xi32, #tpu.memory_space<vmem>> -> memref<128xi32, #tpu.memory_space<vmem>>
        %dma_wait3A_811 = arith.constant 0 : i32
        %dma_wait3A_812 = arith.constant 0 : i32
        %dma_wait3A_813 = tpu.memref_slice %arg7[%dma_wait3A_811, %dma_wait3A_812] : memref<10112x128xf32, #tpu.memory_space<vmem_shared>> -> memref<10112x128xf32, #tpu.memory_space<vmem_shared>>
        tpu.wait_indirect_dma semaphore(%run_scoped3A_801 : memref<!tpu.dma_semaphore, #tpu.memory_space<semaphore_mem>>) src(%arg11 : memref<128x128xf32, #tpu.memory_space<vmem>>) dst(%dma_wait3A_813 : memref<10112x128xf32, #tpu.memory_space<vmem_shared>>)
        tpu.yield
      }) : () -> ()
      %dma_start3A_526 = arith.constant 11 : i32
      %dma_start3A_527 = arith.constant 0 : i32
      %dma_start3A_528 = tpu.memref_slice %arg8[%dma_start3A_526, %dma_start3A_527] : memref<16x128xi32, #tpu.memory_space<vmem>> -> memref<1x128xi32, #tpu.memory_space<vmem>>
      %dma_start3A_529 = tpu.memref_squeeze %dma_start3A_528 : memref<1x128xi32, #tpu.memory_space<vmem>> -> memref<128xi32, #tpu.memory_space<vmem>>
      %dma_start3A_530 = arith.constant 0 : i32
      %dma_start3A_531 = arith.constant 0 : i32
      %dma_start3A_532 = tpu.memref_slice %arg2[%dma_start3A_530, %dma_start3A_531] : memref<10000x128xf32, #tpu.memory_space<hbm>> -> memref<10000x128xf32, #tpu.memory_space<hbm>>
      tpu.enqueue_indirect_dma source(%dma_start3A_532 : memref<10000x128xf32, #tpu.memory_space<hbm>>) target(%arg11 : memref<128x128xf32, #tpu.memory_space<vmem>>) offsets(%dma_start3A_529 : memref<128xi32, #tpu.memory_space<vmem>>) semaphore(%arg14 : memref<!tpu.dma_semaphore, #tpu.memory_space<semaphore_mem>>)
      %get3A_533 = arith.constant 10 : i32
      %get3A_534 = arith.index_cast %get3A_533 : i32 to index
      %get3A_535 = arith.constant 0 : index
      %get3A_536 = tpu.vector_load %arg9[%get3A_534, %get3A_535] {strides = array<i32>} : memref<16x128xi32, #tpu.memory_space<vmem>>, vector<16xi32>,
      tpu.vector_store_idx %arg12[%get3A_536], %broadcast_in_dim3A_34 {add = true} : memref<10112xf32, #tpu.memory_space<vmem>>[vector<16xi32>], vector<16xf32>,
      %get3A_537 = arith.constant 10 : i32
      %get3A_538 = arith.index_cast %get3A_537 : i32 to index
      %get3A_539 = arith.constant 16 : index
      %get3A_540 = tpu.vector_load %arg9[%get3A_538, %get3A_539] {strides = array<i32>} : memref<16x128xi32, #tpu.memory_space<vmem>>, vector<16xi32>,
      tpu.vector_store_idx %arg12[%get3A_540], %broadcast_in_dim3A_34 {add = true} : memref<10112xf32, #tpu.memory_space<vmem>>[vector<16xi32>], vector<16xf32>,
      %get3A_541 = arith.constant 10 : i32
      %get3A_542 = arith.index_cast %get3A_541 : i32 to index
      %get3A_543 = arith.constant 32 : index
      %get3A_544 = tpu.vector_load %arg9[%get3A_542, %get3A_543] {strides = array<i32>} : memref<16x128xi32, #tpu.memory_space<vmem>>, vector<16xi32>,
      tpu.vector_store_idx %arg12[%get3A_544], %broadcast_in_dim3A_34 {add = true} : memref<10112xf32, #tpu.memory_space<vmem>>[vector<16xi32>], vector<16xf32>,
      %get3A_545 = arith.constant 10 : i32
      %get3A_546 = arith.index_cast %get3A_545 : i32 to index
      %get3A_547 = arith.constant 48 : index
      %get3A_548 = tpu.vector_load %arg9[%get3A_546, %get3A_547] {strides = array<i32>} : memref<16x128xi32, #tpu.memory_space<vmem>>, vector<16xi32>,
      tpu.vector_store_idx %arg12[%get3A_548], %broadcast_in_dim3A_34 {add = true} : memref<10112xf32, #tpu.memory_space<vmem>>[vector<16xi32>], vector<16xf32>,
      %get3A_549 = arith.constant 10 : i32
      %get3A_550 = arith.index_cast %get3A_549 : i32 to index
      %get3A_551 = arith.constant 64 : index
      %get3A_552 = tpu.vector_load %arg9[%get3A_550, %get3A_551] {strides = array<i32>} : memref<16x128xi32, #tpu.memory_space<vmem>>, vector<16xi32>,
      tpu.vector_store_idx %arg12[%get3A_552], %broadcast_in_dim3A_34 {add = true} : memref<10112xf32, #tpu.memory_space<vmem>>[vector<16xi32>], vector<16xf32>,
      %get3A_553 = arith.constant 10 : i32
      %get3A_554 = arith.index_cast %get3A_553 : i32 to index
      %get3A_555 = arith.constant 80 : index
      %get3A_556 = tpu.vector_load %arg9[%get3A_554, %get3A_555] {strides = array<i32>} : memref<16x128xi32, #tpu.memory_space<vmem>>, vector<16xi32>,
      tpu.vector_store_idx %arg12[%get3A_556], %broadcast_in_dim3A_34 {add = true} : memref<10112xf32, #tpu.memory_space<vmem>>[vector<16xi32>], vector<16xf32>,
      %get3A_557 = arith.constant 10 : i32
      %get3A_558 = arith.index_cast %get3A_557 : i32 to index
      %get3A_559 = arith.constant 96 : index
      %get3A_560 = tpu.vector_load %arg9[%get3A_558, %get3A_559] {strides = array<i32>} : memref<16x128xi32, #tpu.memory_space<vmem>>, vector<16xi32>,
      tpu.vector_store_idx %arg12[%get3A_560], %broadcast_in_dim3A_34 {add = true} : memref<10112xf32, #tpu.memory_space<vmem>>[vector<16xi32>], vector<16xf32>,
      %get3A_561 = arith.constant 10 : i32
      %get3A_562 = arith.index_cast %get3A_561 : i32 to index
      %get3A_563 = arith.constant 112 : index
      %get3A_564 = tpu.vector_load %arg9[%get3A_562, %get3A_563] {strides = array<i32>} : memref<16x128xi32, #tpu.memory_space<vmem>>, vector<16xi32>,
      tpu.vector_store_idx %arg12[%get3A_564], %broadcast_in_dim3A_34 {add = true} : memref<10112xf32, #tpu.memory_space<vmem>>[vector<16xi32>], vector<16xf32>,
      %dma_wait3A_565 = arith.constant 10 : i32
      %dma_wait3A_566 = arith.constant 0 : i32
      %dma_wait3A_567 = tpu.memref_slice %arg8[%dma_wait3A_565, %dma_wait3A_566] : memref<16x128xi32, #tpu.memory_space<vmem>> -> memref<1x128xi32, #tpu.memory_space<vmem>>
      %dma_wait3A_568 = tpu.memref_squeeze %dma_wait3A_567 : memref<1x128xi32, #tpu.memory_space<vmem>> -> memref<128xi32, #tpu.memory_space<vmem>>
      %dma_wait3A_569 = arith.constant 0 : i32
      %dma_wait3A_570 = arith.constant 0 : i32
      %dma_wait3A_571 = tpu.memref_slice %arg2[%dma_wait3A_569, %dma_wait3A_570] : memref<10000x128xf32, #tpu.memory_space<hbm>> -> memref<10000x128xf32, #tpu.memory_space<hbm>>
      tpu.wait_indirect_dma semaphore(%arg13 : memref<!tpu.dma_semaphore, #tpu.memory_space<semaphore_mem>>) src(%dma_wait3A_571 : memref<10000x128xf32, #tpu.memory_space<hbm>>) dst(%arg10 : memref<128x128xf32, #tpu.memory_space<vmem>>)
      %run_scoped3A_572 = arith.constant 10 : i32
      "tpu.region"() ({
        %run_scoped3A_801 = tpu.sem_alloc : memref<!tpu.dma_semaphore, #tpu.memory_space<semaphore_mem>>
        %dma_start3A_802 = arith.constant 0 : i32
        %dma_start3A_803 = tpu.memref_slice %arg9[%run_scoped3A_572, %dma_start3A_802] : memref<16x128xi32, #tpu.memory_space<vmem>> -> memref<1x128xi32, #tpu.memory_space<vmem>>
        %dma_start3A_804 = tpu.memref_squeeze %dma_start3A_803 : memref<1x128xi32, #tpu.memory_space<vmem>> -> memref<128xi32, #tpu.memory_space<vmem>>
        %dma_start3A_805 = arith.constant 0 : i32
        %dma_start3A_806 = arith.constant 0 : i32
        %dma_start3A_807 = tpu.memref_slice %arg7[%dma_start3A_805, %dma_start3A_806] : memref<10112x128xf32, #tpu.memory_space<vmem_shared>> -> memref<10112x128xf32, #tpu.memory_space<vmem_shared>>
        tpu.enqueue_indirect_dma source(%arg10 : memref<128x128xf32, #tpu.memory_space<vmem>>) target(%dma_start3A_807 : memref<10112x128xf32, #tpu.memory_space<vmem_shared>>) offsets(%dma_start3A_804 : memref<128xi32, #tpu.memory_space<vmem>>) semaphore(%run_scoped3A_801 : memref<!tpu.dma_semaphore, #tpu.memory_space<semaphore_mem>>) {add = true}
        %dma_wait3A_808 = arith.constant 0 : i32
        %dma_wait3A_809 = tpu.memref_slice %arg9[%run_scoped3A_572, %dma_wait3A_808] : memref<16x128xi32, #tpu.memory_space<vmem>> -> memref<1x128xi32, #tpu.memory_space<vmem>>
        %dma_wait3A_810 = tpu.memref_squeeze %dma_wait3A_809 : memref<1x128xi32, #tpu.memory_space<vmem>> -> memref<128xi32, #tpu.memory_space<vmem>>
        %dma_wait3A_811 = arith.constant 0 : i32
        %dma_wait3A_812 = arith.constant 0 : i32
        %dma_wait3A_813 = tpu.memref_slice %arg7[%dma_wait3A_811, %dma_wait3A_812] : memref<10112x128xf32, #tpu.memory_space<vmem_shared>> -> memref<10112x128xf32, #tpu.memory_space<vmem_shared>>
        tpu.wait_indirect_dma semaphore(%run_scoped3A_801 : memref<!tpu.dma_semaphore, #tpu.memory_space<semaphore_mem>>) src(%arg10 : memref<128x128xf32, #tpu.memory_space<vmem>>) dst(%dma_wait3A_813 : memref<10112x128xf32, #tpu.memory_space<vmem_shared>>)
        tpu.yield
      }) : () -> ()
      %dma_start3A_573 = arith.constant 12 : i32
      %dma_start3A_574 = arith.constant 0 : i32
      %dma_start3A_575 = tpu.memref_slice %arg8[%dma_start3A_573, %dma_start3A_574] : memref<16x128xi32, #tpu.memory_space<vmem>> -> memref<1x128xi32, #tpu.memory_space<vmem>>
      %dma_start3A_576 = tpu.memref_squeeze %dma_start3A_575 : memref<1x128xi32, #tpu.memory_space<vmem>> -> memref<128xi32, #tpu.memory_space<vmem>>
      %dma_start3A_577 = arith.constant 0 : i32
      %dma_start3A_578 = arith.constant 0 : i32
      %dma_start3A_579 = tpu.memref_slice %arg2[%dma_start3A_577, %dma_start3A_578] : memref<10000x128xf32, #tpu.memory_space<hbm>> -> memref<10000x128xf32, #tpu.memory_space<hbm>>
      tpu.enqueue_indirect_dma source(%dma_start3A_579 : memref<10000x128xf32, #tpu.memory_space<hbm>>) target(%arg10 : memref<128x128xf32, #tpu.memory_space<vmem>>) offsets(%dma_start3A_576 : memref<128xi32, #tpu.memory_space<vmem>>) semaphore(%arg13 : memref<!tpu.dma_semaphore, #tpu.memory_space<semaphore_mem>>)
      %get3A_580 = arith.constant 11 : i32
      %get3A_581 = arith.index_cast %get3A_580 : i32 to index
      %get3A_582 = arith.constant 0 : index
      %get3A_583 = tpu.vector_load %arg9[%get3A_581, %get3A_582] {strides = array<i32>} : memref<16x128xi32, #tpu.memory_space<vmem>>, vector<16xi32>,
      tpu.vector_store_idx %arg12[%get3A_583], %broadcast_in_dim3A_34 {add = true} : memref<10112xf32, #tpu.memory_space<vmem>>[vector<16xi32>], vector<16xf32>,
      %get3A_584 = arith.constant 11 : i32
      %get3A_585 = arith.index_cast %get3A_584 : i32 to index
      %get3A_586 = arith.constant 16 : index
      %get3A_587 = tpu.vector_load %arg9[%get3A_585, %get3A_586] {strides = array<i32>} : memref<16x128xi32, #tpu.memory_space<vmem>>, vector<16xi32>,
      tpu.vector_store_idx %arg12[%get3A_587], %broadcast_in_dim3A_34 {add = true} : memref<10112xf32, #tpu.memory_space<vmem>>[vector<16xi32>], vector<16xf32>,
      %get3A_588 = arith.constant 11 : i32
      %get3A_589 = arith.index_cast %get3A_588 : i32 to index
      %get3A_590 = arith.constant 32 : index
      %get3A_591 = tpu.vector_load %arg9[%get3A_589, %get3A_590] {strides = array<i32>} : memref<16x128xi32, #tpu.memory_space<vmem>>, vector<16xi32>,
      tpu.vector_store_idx %arg12[%get3A_591], %broadcast_in_dim3A_34 {add = true} : memref<10112xf32, #tpu.memory_space<vmem>>[vector<16xi32>], vector<16xf32>,
      %get3A_592 = arith.constant 11 : i32
      %get3A_593 = arith.index_cast %get3A_592 : i32 to index
      %get3A_594 = arith.constant 48 : index
      %get3A_595 = tpu.vector_load %arg9[%get3A_593, %get3A_594] {strides = array<i32>} : memref<16x128xi32, #tpu.memory_space<vmem>>, vector<16xi32>,
      tpu.vector_store_idx %arg12[%get3A_595], %broadcast_in_dim3A_34 {add = true} : memref<10112xf32, #tpu.memory_space<vmem>>[vector<16xi32>], vector<16xf32>,
      %get3A_596 = arith.constant 11 : i32
      %get3A_597 = arith.index_cast %get3A_596 : i32 to index
      %get3A_598 = arith.constant 64 : index
      %get3A_599 = tpu.vector_load %arg9[%get3A_597, %get3A_598] {strides = array<i32>} : memref<16x128xi32, #tpu.memory_space<vmem>>, vector<16xi32>,
      tpu.vector_store_idx %arg12[%get3A_599], %broadcast_in_dim3A_34 {add = true} : memref<10112xf32, #tpu.memory_space<vmem>>[vector<16xi32>], vector<16xf32>,
      %get3A_600 = arith.constant 11 : i32
      %get3A_601 = arith.index_cast %get3A_600 : i32 to index
      %get3A_602 = arith.constant 80 : index
      %get3A_603 = tpu.vector_load %arg9[%get3A_601, %get3A_602] {strides = array<i32>} : memref<16x128xi32, #tpu.memory_space<vmem>>, vector<16xi32>,
      tpu.vector_store_idx %arg12[%get3A_603], %broadcast_in_dim3A_34 {add = true} : memref<10112xf32, #tpu.memory_space<vmem>>[vector<16xi32>], vector<16xf32>,
      %get3A_604 = arith.constant 11 : i32
      %get3A_605 = arith.index_cast %get3A_604 : i32 to index
      %get3A_606 = arith.constant 96 : index
      %get3A_607 = tpu.vector_load %arg9[%get3A_605, %get3A_606] {strides = array<i32>} : memref<16x128xi32, #tpu.memory_space<vmem>>, vector<16xi32>,
      tpu.vector_store_idx %arg12[%get3A_607], %broadcast_in_dim3A_34 {add = true} : memref<10112xf32, #tpu.memory_space<vmem>>[vector<16xi32>], vector<16xf32>,
      %get3A_608 = arith.constant 11 : i32
      %get3A_609 = arith.index_cast %get3A_608 : i32 to index
      %get3A_610 = arith.constant 112 : index
      %get3A_611 = tpu.vector_load %arg9[%get3A_609, %get3A_610] {strides = array<i32>} : memref<16x128xi32, #tpu.memory_space<vmem>>, vector<16xi32>,
      tpu.vector_store_idx %arg12[%get3A_611], %broadcast_in_dim3A_34 {add = true} : memref<10112xf32, #tpu.memory_space<vmem>>[vector<16xi32>], vector<16xf32>,
      %dma_wait3A_612 = arith.constant 11 : i32
      %dma_wait3A_613 = arith.constant 0 : i32
      %dma_wait3A_614 = tpu.memref_slice %arg8[%dma_wait3A_612, %dma_wait3A_613] : memref<16x128xi32, #tpu.memory_space<vmem>> -> memref<1x128xi32, #tpu.memory_space<vmem>>
      %dma_wait3A_615 = tpu.memref_squeeze %dma_wait3A_614 : memref<1x128xi32, #tpu.memory_space<vmem>> -> memref<128xi32, #tpu.memory_space<vmem>>
      %dma_wait3A_616 = arith.constant 0 : i32
      %dma_wait3A_617 = arith.constant 0 : i32
      %dma_wait3A_618 = tpu.memref_slice %arg2[%dma_wait3A_616, %dma_wait3A_617] : memref<10000x128xf32, #tpu.memory_space<hbm>> -> memref<10000x128xf32, #tpu.memory_space<hbm>>
      tpu.wait_indirect_dma semaphore(%arg14 : memref<!tpu.dma_semaphore, #tpu.memory_space<semaphore_mem>>) src(%dma_wait3A_618 : memref<10000x128xf32, #tpu.memory_space<hbm>>) dst(%arg11 : memref<128x128xf32, #tpu.memory_space<vmem>>)
      %run_scoped3A_619 = arith.constant 11 : i32
      "tpu.region"() ({
        %run_scoped3A_801 = tpu.sem_alloc : memref<!tpu.dma_semaphore, #tpu.memory_space<semaphore_mem>>
        %dma_start3A_802 = arith.constant 0 : i32
        %dma_start3A_803 = tpu.memref_slice %arg9[%run_scoped3A_619, %dma_start3A_802] : memref<16x128xi32, #tpu.memory_space<vmem>> -> memref<1x128xi32, #tpu.memory_space<vmem>>
        %dma_start3A_804 = tpu.memref_squeeze %dma_start3A_803 : memref<1x128xi32, #tpu.memory_space<vmem>> -> memref<128xi32, #tpu.memory_space<vmem>>
        %dma_start3A_805 = arith.constant 0 : i32
        %dma_start3A_806 = arith.constant 0 : i32
        %dma_start3A_807 = tpu.memref_slice %arg7[%dma_start3A_805, %dma_start3A_806] : memref<10112x128xf32, #tpu.memory_space<vmem_shared>> -> memref<10112x128xf32, #tpu.memory_space<vmem_shared>>
        tpu.enqueue_indirect_dma source(%arg11 : memref<128x128xf32, #tpu.memory_space<vmem>>) target(%dma_start3A_807 : memref<10112x128xf32, #tpu.memory_space<vmem_shared>>) offsets(%dma_start3A_804 : memref<128xi32, #tpu.memory_space<vmem>>) semaphore(%run_scoped3A_801 : memref<!tpu.dma_semaphore, #tpu.memory_space<semaphore_mem>>) {add = true}
        %dma_wait3A_808 = arith.constant 0 : i32
        %dma_wait3A_809 = tpu.memref_slice %arg9[%run_scoped3A_619, %dma_wait3A_808] : memref<16x128xi32, #tpu.memory_space<vmem>> -> memref<1x128xi32, #tpu.memory_space<vmem>>
        %dma_wait3A_810 = tpu.memref_squeeze %dma_wait3A_809 : memref<1x128xi32, #tpu.memory_space<vmem>> -> memref<128xi32, #tpu.memory_space<vmem>>
        %dma_wait3A_811 = arith.constant 0 : i32
        %dma_wait3A_812 = arith.constant 0 : i32
        %dma_wait3A_813 = tpu.memref_slice %arg7[%dma_wait3A_811, %dma_wait3A_812] : memref<10112x128xf32, #tpu.memory_space<vmem_shared>> -> memref<10112x128xf32, #tpu.memory_space<vmem_shared>>
        tpu.wait_indirect_dma semaphore(%run_scoped3A_801 : memref<!tpu.dma_semaphore, #tpu.memory_space<semaphore_mem>>) src(%arg11 : memref<128x128xf32, #tpu.memory_space<vmem>>) dst(%dma_wait3A_813 : memref<10112x128xf32, #tpu.memory_space<vmem_shared>>)
        tpu.yield
      }) : () -> ()
      %dma_start3A_620 = arith.constant 13 : i32
      %dma_start3A_621 = arith.constant 0 : i32
      %dma_start3A_622 = tpu.memref_slice %arg8[%dma_start3A_620, %dma_start3A_621] : memref<16x128xi32, #tpu.memory_space<vmem>> -> memref<1x128xi32, #tpu.memory_space<vmem>>
      %dma_start3A_623 = tpu.memref_squeeze %dma_start3A_622 : memref<1x128xi32, #tpu.memory_space<vmem>> -> memref<128xi32, #tpu.memory_space<vmem>>
      %dma_start3A_624 = arith.constant 0 : i32
      %dma_start3A_625 = arith.constant 0 : i32
      %dma_start3A_626 = tpu.memref_slice %arg2[%dma_start3A_624, %dma_start3A_625] : memref<10000x128xf32, #tpu.memory_space<hbm>> -> memref<10000x128xf32, #tpu.memory_space<hbm>>
      tpu.enqueue_indirect_dma source(%dma_start3A_626 : memref<10000x128xf32, #tpu.memory_space<hbm>>) target(%arg11 : memref<128x128xf32, #tpu.memory_space<vmem>>) offsets(%dma_start3A_623 : memref<128xi32, #tpu.memory_space<vmem>>) semaphore(%arg14 : memref<!tpu.dma_semaphore, #tpu.memory_space<semaphore_mem>>)
      %get3A_627 = arith.constant 12 : i32
      %get3A_628 = arith.index_cast %get3A_627 : i32 to index
      %get3A_629 = arith.constant 0 : index
      %get3A_630 = tpu.vector_load %arg9[%get3A_628, %get3A_629] {strides = array<i32>} : memref<16x128xi32, #tpu.memory_space<vmem>>, vector<16xi32>,
      tpu.vector_store_idx %arg12[%get3A_630], %broadcast_in_dim3A_34 {add = true} : memref<10112xf32, #tpu.memory_space<vmem>>[vector<16xi32>], vector<16xf32>,
      %get3A_631 = arith.constant 12 : i32
      %get3A_632 = arith.index_cast %get3A_631 : i32 to index
      %get3A_633 = arith.constant 16 : index
      %get3A_634 = tpu.vector_load %arg9[%get3A_632, %get3A_633] {strides = array<i32>} : memref<16x128xi32, #tpu.memory_space<vmem>>, vector<16xi32>,
      tpu.vector_store_idx %arg12[%get3A_634], %broadcast_in_dim3A_34 {add = true} : memref<10112xf32, #tpu.memory_space<vmem>>[vector<16xi32>], vector<16xf32>,
      %get3A_635 = arith.constant 12 : i32
      %get3A_636 = arith.index_cast %get3A_635 : i32 to index
      %get3A_637 = arith.constant 32 : index
      %get3A_638 = tpu.vector_load %arg9[%get3A_636, %get3A_637] {strides = array<i32>} : memref<16x128xi32, #tpu.memory_space<vmem>>, vector<16xi32>,
      tpu.vector_store_idx %arg12[%get3A_638], %broadcast_in_dim3A_34 {add = true} : memref<10112xf32, #tpu.memory_space<vmem>>[vector<16xi32>], vector<16xf32>,
      %get3A_639 = arith.constant 12 : i32
      %get3A_640 = arith.index_cast %get3A_639 : i32 to index
      %get3A_641 = arith.constant 48 : index
      %get3A_642 = tpu.vector_load %arg9[%get3A_640, %get3A_641] {strides = array<i32>} : memref<16x128xi32, #tpu.memory_space<vmem>>, vector<16xi32>,
      tpu.vector_store_idx %arg12[%get3A_642], %broadcast_in_dim3A_34 {add = true} : memref<10112xf32, #tpu.memory_space<vmem>>[vector<16xi32>], vector<16xf32>,
      %get3A_643 = arith.constant 12 : i32
      %get3A_644 = arith.index_cast %get3A_643 : i32 to index
      %get3A_645 = arith.constant 64 : index
      %get3A_646 = tpu.vector_load %arg9[%get3A_644, %get3A_645] {strides = array<i32>} : memref<16x128xi32, #tpu.memory_space<vmem>>, vector<16xi32>,
      tpu.vector_store_idx %arg12[%get3A_646], %broadcast_in_dim3A_34 {add = true} : memref<10112xf32, #tpu.memory_space<vmem>>[vector<16xi32>], vector<16xf32>,
      %get3A_647 = arith.constant 12 : i32
      %get3A_648 = arith.index_cast %get3A_647 : i32 to index
      %get3A_649 = arith.constant 80 : index
      %get3A_650 = tpu.vector_load %arg9[%get3A_648, %get3A_649] {strides = array<i32>} : memref<16x128xi32, #tpu.memory_space<vmem>>, vector<16xi32>,
      tpu.vector_store_idx %arg12[%get3A_650], %broadcast_in_dim3A_34 {add = true} : memref<10112xf32, #tpu.memory_space<vmem>>[vector<16xi32>], vector<16xf32>,
      %get3A_651 = arith.constant 12 : i32
      %get3A_652 = arith.index_cast %get3A_651 : i32 to index
      %get3A_653 = arith.constant 96 : index
      %get3A_654 = tpu.vector_load %arg9[%get3A_652, %get3A_653] {strides = array<i32>} : memref<16x128xi32, #tpu.memory_space<vmem>>, vector<16xi32>,
      tpu.vector_store_idx %arg12[%get3A_654], %broadcast_in_dim3A_34 {add = true} : memref<10112xf32, #tpu.memory_space<vmem>>[vector<16xi32>], vector<16xf32>,
      %get3A_655 = arith.constant 12 : i32
      %get3A_656 = arith.index_cast %get3A_655 : i32 to index
      %get3A_657 = arith.constant 112 : index
      %get3A_658 = tpu.vector_load %arg9[%get3A_656, %get3A_657] {strides = array<i32>} : memref<16x128xi32, #tpu.memory_space<vmem>>, vector<16xi32>,
      tpu.vector_store_idx %arg12[%get3A_658], %broadcast_in_dim3A_34 {add = true} : memref<10112xf32, #tpu.memory_space<vmem>>[vector<16xi32>], vector<16xf32>,
      %dma_wait3A_659 = arith.constant 12 : i32
      %dma_wait3A_660 = arith.constant 0 : i32
      %dma_wait3A_661 = tpu.memref_slice %arg8[%dma_wait3A_659, %dma_wait3A_660] : memref<16x128xi32, #tpu.memory_space<vmem>> -> memref<1x128xi32, #tpu.memory_space<vmem>>
      %dma_wait3A_662 = tpu.memref_squeeze %dma_wait3A_661 : memref<1x128xi32, #tpu.memory_space<vmem>> -> memref<128xi32, #tpu.memory_space<vmem>>
      %dma_wait3A_663 = arith.constant 0 : i32
      %dma_wait3A_664 = arith.constant 0 : i32
      %dma_wait3A_665 = tpu.memref_slice %arg2[%dma_wait3A_663, %dma_wait3A_664] : memref<10000x128xf32, #tpu.memory_space<hbm>> -> memref<10000x128xf32, #tpu.memory_space<hbm>>
      tpu.wait_indirect_dma semaphore(%arg13 : memref<!tpu.dma_semaphore, #tpu.memory_space<semaphore_mem>>) src(%dma_wait3A_665 : memref<10000x128xf32, #tpu.memory_space<hbm>>) dst(%arg10 : memref<128x128xf32, #tpu.memory_space<vmem>>)
      %run_scoped3A_666 = arith.constant 12 : i32
      "tpu.region"() ({
        %run_scoped3A_801 = tpu.sem_alloc : memref<!tpu.dma_semaphore, #tpu.memory_space<semaphore_mem>>
        %dma_start3A_802 = arith.constant 0 : i32
        %dma_start3A_803 = tpu.memref_slice %arg9[%run_scoped3A_666, %dma_start3A_802] : memref<16x128xi32, #tpu.memory_space<vmem>> -> memref<1x128xi32, #tpu.memory_space<vmem>>
        %dma_start3A_804 = tpu.memref_squeeze %dma_start3A_803 : memref<1x128xi32, #tpu.memory_space<vmem>> -> memref<128xi32, #tpu.memory_space<vmem>>
        %dma_start3A_805 = arith.constant 0 : i32
        %dma_start3A_806 = arith.constant 0 : i32
        %dma_start3A_807 = tpu.memref_slice %arg7[%dma_start3A_805, %dma_start3A_806] : memref<10112x128xf32, #tpu.memory_space<vmem_shared>> -> memref<10112x128xf32, #tpu.memory_space<vmem_shared>>
        tpu.enqueue_indirect_dma source(%arg10 : memref<128x128xf32, #tpu.memory_space<vmem>>) target(%dma_start3A_807 : memref<10112x128xf32, #tpu.memory_space<vmem_shared>>) offsets(%dma_start3A_804 : memref<128xi32, #tpu.memory_space<vmem>>) semaphore(%run_scoped3A_801 : memref<!tpu.dma_semaphore, #tpu.memory_space<semaphore_mem>>) {add = true}
        %dma_wait3A_808 = arith.constant 0 : i32
        %dma_wait3A_809 = tpu.memref_slice %arg9[%run_scoped3A_666, %dma_wait3A_808] : memref<16x128xi32, #tpu.memory_space<vmem>> -> memref<1x128xi32, #tpu.memory_space<vmem>>
        %dma_wait3A_810 = tpu.memref_squeeze %dma_wait3A_809 : memref<1x128xi32, #tpu.memory_space<vmem>> -> memref<128xi32, #tpu.memory_space<vmem>>
        %dma_wait3A_811 = arith.constant 0 : i32
        %dma_wait3A_812 = arith.constant 0 : i32
        %dma_wait3A_813 = tpu.memref_slice %arg7[%dma_wait3A_811, %dma_wait3A_812] : memref<10112x128xf32, #tpu.memory_space<vmem_shared>> -> memref<10112x128xf32, #tpu.memory_space<vmem_shared>>
        tpu.wait_indirect_dma semaphore(%run_scoped3A_801 : memref<!tpu.dma_semaphore, #tpu.memory_space<semaphore_mem>>) src(%arg10 : memref<128x128xf32, #tpu.memory_space<vmem>>) dst(%dma_wait3A_813 : memref<10112x128xf32, #tpu.memory_space<vmem_shared>>)
        tpu.yield
      }) : () -> ()
      %dma_start3A_667 = arith.constant 14 : i32
      %dma_start3A_668 = arith.constant 0 : i32
      %dma_start3A_669 = tpu.memref_slice %arg8[%dma_start3A_667, %dma_start3A_668] : memref<16x128xi32, #tpu.memory_space<vmem>> -> memref<1x128xi32, #tpu.memory_space<vmem>>
      %dma_start3A_670 = tpu.memref_squeeze %dma_start3A_669 : memref<1x128xi32, #tpu.memory_space<vmem>> -> memref<128xi32, #tpu.memory_space<vmem>>
      %dma_start3A_671 = arith.constant 0 : i32
      %dma_start3A_672 = arith.constant 0 : i32
      %dma_start3A_673 = tpu.memref_slice %arg2[%dma_start3A_671, %dma_start3A_672] : memref<10000x128xf32, #tpu.memory_space<hbm>> -> memref<10000x128xf32, #tpu.memory_space<hbm>>
      tpu.enqueue_indirect_dma source(%dma_start3A_673 : memref<10000x128xf32, #tpu.memory_space<hbm>>) target(%arg10 : memref<128x128xf32, #tpu.memory_space<vmem>>) offsets(%dma_start3A_670 : memref<128xi32, #tpu.memory_space<vmem>>) semaphore(%arg13 : memref<!tpu.dma_semaphore, #tpu.memory_space<semaphore_mem>>)
      %get3A_674 = arith.constant 13 : i32
      %get3A_675 = arith.index_cast %get3A_674 : i32 to index
      %get3A_676 = arith.constant 0 : index
      %get3A_677 = tpu.vector_load %arg9[%get3A_675, %get3A_676] {strides = array<i32>} : memref<16x128xi32, #tpu.memory_space<vmem>>, vector<16xi32>,
      tpu.vector_store_idx %arg12[%get3A_677], %broadcast_in_dim3A_34 {add = true} : memref<10112xf32, #tpu.memory_space<vmem>>[vector<16xi32>], vector<16xf32>,
      %get3A_678 = arith.constant 13 : i32
      %get3A_679 = arith.index_cast %get3A_678 : i32 to index
      %get3A_680 = arith.constant 16 : index
      %get3A_681 = tpu.vector_load %arg9[%get3A_679, %get3A_680] {strides = array<i32>} : memref<16x128xi32, #tpu.memory_space<vmem>>, vector<16xi32>,
      tpu.vector_store_idx %arg12[%get3A_681], %broadcast_in_dim3A_34 {add = true} : memref<10112xf32, #tpu.memory_space<vmem>>[vector<16xi32>], vector<16xf32>,
      %get3A_682 = arith.constant 13 : i32
      %get3A_683 = arith.index_cast %get3A_682 : i32 to index
      %get3A_684 = arith.constant 32 : index
      %get3A_685 = tpu.vector_load %arg9[%get3A_683, %get3A_684] {strides = array<i32>} : memref<16x128xi32, #tpu.memory_space<vmem>>, vector<16xi32>,
      tpu.vector_store_idx %arg12[%get3A_685], %broadcast_in_dim3A_34 {add = true} : memref<10112xf32, #tpu.memory_space<vmem>>[vector<16xi32>], vector<16xf32>,
      %get3A_686 = arith.constant 13 : i32
      %get3A_687 = arith.index_cast %get3A_686 : i32 to index
      %get3A_688 = arith.constant 48 : index
      %get3A_689 = tpu.vector_load %arg9[%get3A_687, %get3A_688] {strides = array<i32>} : memref<16x128xi32, #tpu.memory_space<vmem>>, vector<16xi32>,
      tpu.vector_store_idx %arg12[%get3A_689], %broadcast_in_dim3A_34 {add = true} : memref<10112xf32, #tpu.memory_space<vmem>>[vector<16xi32>], vector<16xf32>,
      %get3A_690 = arith.constant 13 : i32
      %get3A_691 = arith.index_cast %get3A_690 : i32 to index
      %get3A_692 = arith.constant 64 : index
      %get3A_693 = tpu.vector_load %arg9[%get3A_691, %get3A_692] {strides = array<i32>} : memref<16x128xi32, #tpu.memory_space<vmem>>, vector<16xi32>,
      tpu.vector_store_idx %arg12[%get3A_693], %broadcast_in_dim3A_34 {add = true} : memref<10112xf32, #tpu.memory_space<vmem>>[vector<16xi32>], vector<16xf32>,
      %get3A_694 = arith.constant 13 : i32
      %get3A_695 = arith.index_cast %get3A_694 : i32 to index
      %get3A_696 = arith.constant 80 : index
      %get3A_697 = tpu.vector_load %arg9[%get3A_695, %get3A_696] {strides = array<i32>} : memref<16x128xi32, #tpu.memory_space<vmem>>, vector<16xi32>,
      tpu.vector_store_idx %arg12[%get3A_697], %broadcast_in_dim3A_34 {add = true} : memref<10112xf32, #tpu.memory_space<vmem>>[vector<16xi32>], vector<16xf32>,
      %get3A_698 = arith.constant 13 : i32
      %get3A_699 = arith.index_cast %get3A_698 : i32 to index
      %get3A_700 = arith.constant 96 : index
      %get3A_701 = tpu.vector_load %arg9[%get3A_699, %get3A_700] {strides = array<i32>} : memref<16x128xi32, #tpu.memory_space<vmem>>, vector<16xi32>,
      tpu.vector_store_idx %arg12[%get3A_701], %broadcast_in_dim3A_34 {add = true} : memref<10112xf32, #tpu.memory_space<vmem>>[vector<16xi32>], vector<16xf32>,
      %get3A_702 = arith.constant 13 : i32
      %get3A_703 = arith.index_cast %get3A_702 : i32 to index
      %get3A_704 = arith.constant 112 : index
      %get3A_705 = tpu.vector_load %arg9[%get3A_703, %get3A_704] {strides = array<i32>} : memref<16x128xi32, #tpu.memory_space<vmem>>, vector<16xi32>,
      tpu.vector_store_idx %arg12[%get3A_705], %broadcast_in_dim3A_34 {add = true} : memref<10112xf32, #tpu.memory_space<vmem>>[vector<16xi32>], vector<16xf32>,
      %dma_wait3A_706 = arith.constant 13 : i32
      %dma_wait3A_707 = arith.constant 0 : i32
      %dma_wait3A_708 = tpu.memref_slice %arg8[%dma_wait3A_706, %dma_wait3A_707] : memref<16x128xi32, #tpu.memory_space<vmem>> -> memref<1x128xi32, #tpu.memory_space<vmem>>
      %dma_wait3A_709 = tpu.memref_squeeze %dma_wait3A_708 : memref<1x128xi32, #tpu.memory_space<vmem>> -> memref<128xi32, #tpu.memory_space<vmem>>
      %dma_wait3A_710 = arith.constant 0 : i32
      %dma_wait3A_711 = arith.constant 0 : i32
      %dma_wait3A_712 = tpu.memref_slice %arg2[%dma_wait3A_710, %dma_wait3A_711] : memref<10000x128xf32, #tpu.memory_space<hbm>> -> memref<10000x128xf32, #tpu.memory_space<hbm>>
      tpu.wait_indirect_dma semaphore(%arg14 : memref<!tpu.dma_semaphore, #tpu.memory_space<semaphore_mem>>) src(%dma_wait3A_712 : memref<10000x128xf32, #tpu.memory_space<hbm>>) dst(%arg11 : memref<128x128xf32, #tpu.memory_space<vmem>>)
      %run_scoped3A_713 = arith.constant 13 : i32
      "tpu.region"() ({
        %run_scoped3A_801 = tpu.sem_alloc : memref<!tpu.dma_semaphore, #tpu.memory_space<semaphore_mem>>
        %dma_start3A_802 = arith.constant 0 : i32
        %dma_start3A_803 = tpu.memref_slice %arg9[%run_scoped3A_713, %dma_start3A_802] : memref<16x128xi32, #tpu.memory_space<vmem>> -> memref<1x128xi32, #tpu.memory_space<vmem>>
        %dma_start3A_804 = tpu.memref_squeeze %dma_start3A_803 : memref<1x128xi32, #tpu.memory_space<vmem>> -> memref<128xi32, #tpu.memory_space<vmem>>
        %dma_start3A_805 = arith.constant 0 : i32
        %dma_start3A_806 = arith.constant 0 : i32
        %dma_start3A_807 = tpu.memref_slice %arg7[%dma_start3A_805, %dma_start3A_806] : memref<10112x128xf32, #tpu.memory_space<vmem_shared>> -> memref<10112x128xf32, #tpu.memory_space<vmem_shared>>
        tpu.enqueue_indirect_dma source(%arg11 : memref<128x128xf32, #tpu.memory_space<vmem>>) target(%dma_start3A_807 : memref<10112x128xf32, #tpu.memory_space<vmem_shared>>) offsets(%dma_start3A_804 : memref<128xi32, #tpu.memory_space<vmem>>) semaphore(%run_scoped3A_801 : memref<!tpu.dma_semaphore, #tpu.memory_space<semaphore_mem>>) {add = true}
        %dma_wait3A_808 = arith.constant 0 : i32
        %dma_wait3A_809 = tpu.memref_slice %arg9[%run_scoped3A_713, %dma_wait3A_808] : memref<16x128xi32, #tpu.memory_space<vmem>> -> memref<1x128xi32, #tpu.memory_space<vmem>>
        %dma_wait3A_810 = tpu.memref_squeeze %dma_wait3A_809 : memref<1x128xi32, #tpu.memory_space<vmem>> -> memref<128xi32, #tpu.memory_space<vmem>>
        %dma_wait3A_811 = arith.constant 0 : i32
        %dma_wait3A_812 = arith.constant 0 : i32
        %dma_wait3A_813 = tpu.memref_slice %arg7[%dma_wait3A_811, %dma_wait3A_812] : memref<10112x128xf32, #tpu.memory_space<vmem_shared>> -> memref<10112x128xf32, #tpu.memory_space<vmem_shared>>
        tpu.wait_indirect_dma semaphore(%run_scoped3A_801 : memref<!tpu.dma_semaphore, #tpu.memory_space<semaphore_mem>>) src(%arg11 : memref<128x128xf32, #tpu.memory_space<vmem>>) dst(%dma_wait3A_813 : memref<10112x128xf32, #tpu.memory_space<vmem_shared>>)
        tpu.yield
      }) : () -> ()
      %dma_start3A_714 = arith.constant 15 : i32
      %dma_start3A_715 = arith.constant 0 : i32
      %dma_start3A_716 = tpu.memref_slice %arg8[%dma_start3A_714, %dma_start3A_715] : memref<16x128xi32, #tpu.memory_space<vmem>> -> memref<1x128xi32, #tpu.memory_space<vmem>>
      %dma_start3A_717 = tpu.memref_squeeze %dma_start3A_716 : memref<1x128xi32, #tpu.memory_space<vmem>> -> memref<128xi32, #tpu.memory_space<vmem>>
      %dma_start3A_718 = arith.constant 0 : i32
      %dma_start3A_719 = arith.constant 0 : i32
      %dma_start3A_720 = tpu.memref_slice %arg2[%dma_start3A_718, %dma_start3A_719] : memref<10000x128xf32, #tpu.memory_space<hbm>> -> memref<10000x128xf32, #tpu.memory_space<hbm>>
      tpu.enqueue_indirect_dma source(%dma_start3A_720 : memref<10000x128xf32, #tpu.memory_space<hbm>>) target(%arg11 : memref<128x128xf32, #tpu.memory_space<vmem>>) offsets(%dma_start3A_717 : memref<128xi32, #tpu.memory_space<vmem>>) semaphore(%arg14 : memref<!tpu.dma_semaphore, #tpu.memory_space<semaphore_mem>>)
      %get3A_721 = arith.constant 14 : i32
      %get3A_722 = arith.index_cast %get3A_721 : i32 to index
      %get3A_723 = arith.constant 0 : index
      %get3A_724 = tpu.vector_load %arg9[%get3A_722, %get3A_723] {strides = array<i32>} : memref<16x128xi32, #tpu.memory_space<vmem>>, vector<16xi32>,
      tpu.vector_store_idx %arg12[%get3A_724], %broadcast_in_dim3A_34 {add = true} : memref<10112xf32, #tpu.memory_space<vmem>>[vector<16xi32>], vector<16xf32>,
      %get3A_725 = arith.constant 14 : i32
      %get3A_726 = arith.index_cast %get3A_725 : i32 to index
      %get3A_727 = arith.constant 16 : index
      %get3A_728 = tpu.vector_load %arg9[%get3A_726, %get3A_727] {strides = array<i32>} : memref<16x128xi32, #tpu.memory_space<vmem>>, vector<16xi32>,
      tpu.vector_store_idx %arg12[%get3A_728], %broadcast_in_dim3A_34 {add = true} : memref<10112xf32, #tpu.memory_space<vmem>>[vector<16xi32>], vector<16xf32>,
      %get3A_729 = arith.constant 14 : i32
      %get3A_730 = arith.index_cast %get3A_729 : i32 to index
      %get3A_731 = arith.constant 32 : index
      %get3A_732 = tpu.vector_load %arg9[%get3A_730, %get3A_731] {strides = array<i32>} : memref<16x128xi32, #tpu.memory_space<vmem>>, vector<16xi32>,
      tpu.vector_store_idx %arg12[%get3A_732], %broadcast_in_dim3A_34 {add = true} : memref<10112xf32, #tpu.memory_space<vmem>>[vector<16xi32>], vector<16xf32>,
      %get3A_733 = arith.constant 14 : i32
      %get3A_734 = arith.index_cast %get3A_733 : i32 to index
      %get3A_735 = arith.constant 48 : index
      %get3A_736 = tpu.vector_load %arg9[%get3A_734, %get3A_735] {strides = array<i32>} : memref<16x128xi32, #tpu.memory_space<vmem>>, vector<16xi32>,
      tpu.vector_store_idx %arg12[%get3A_736], %broadcast_in_dim3A_34 {add = true} : memref<10112xf32, #tpu.memory_space<vmem>>[vector<16xi32>], vector<16xf32>,
      %get3A_737 = arith.constant 14 : i32
      %get3A_738 = arith.index_cast %get3A_737 : i32 to index
      %get3A_739 = arith.constant 64 : index
      %get3A_740 = tpu.vector_load %arg9[%get3A_738, %get3A_739] {strides = array<i32>} : memref<16x128xi32, #tpu.memory_space<vmem>>, vector<16xi32>,
      tpu.vector_store_idx %arg12[%get3A_740], %broadcast_in_dim3A_34 {add = true} : memref<10112xf32, #tpu.memory_space<vmem>>[vector<16xi32>], vector<16xf32>,
      %get3A_741 = arith.constant 14 : i32
      %get3A_742 = arith.index_cast %get3A_741 : i32 to index
      %get3A_743 = arith.constant 80 : index
      %get3A_744 = tpu.vector_load %arg9[%get3A_742, %get3A_743] {strides = array<i32>} : memref<16x128xi32, #tpu.memory_space<vmem>>, vector<16xi32>,
      tpu.vector_store_idx %arg12[%get3A_744], %broadcast_in_dim3A_34 {add = true} : memref<10112xf32, #tpu.memory_space<vmem>>[vector<16xi32>], vector<16xf32>,
      %get3A_745 = arith.constant 14 : i32
      %get3A_746 = arith.index_cast %get3A_745 : i32 to index
      %get3A_747 = arith.constant 96 : index
      %get3A_748 = tpu.vector_load %arg9[%get3A_746, %get3A_747] {strides = array<i32>} : memref<16x128xi32, #tpu.memory_space<vmem>>, vector<16xi32>,
      tpu.vector_store_idx %arg12[%get3A_748], %broadcast_in_dim3A_34 {add = true} : memref<10112xf32, #tpu.memory_space<vmem>>[vector<16xi32>], vector<16xf32>,
      %get3A_749 = arith.constant 14 : i32
      %get3A_750 = arith.index_cast %get3A_749 : i32 to index
      %get3A_751 = arith.constant 112 : index
      %get3A_752 = tpu.vector_load %arg9[%get3A_750, %get3A_751] {strides = array<i32>} : memref<16x128xi32, #tpu.memory_space<vmem>>, vector<16xi32>,
      tpu.vector_store_idx %arg12[%get3A_752], %broadcast_in_dim3A_34 {add = true} : memref<10112xf32, #tpu.memory_space<vmem>>[vector<16xi32>], vector<16xf32>,
      %dma_wait3A_753 = arith.constant 14 : i32
      %dma_wait3A_754 = arith.constant 0 : i32
      %dma_wait3A_755 = tpu.memref_slice %arg8[%dma_wait3A_753, %dma_wait3A_754] : memref<16x128xi32, #tpu.memory_space<vmem>> -> memref<1x128xi32, #tpu.memory_space<vmem>>
      %dma_wait3A_756 = tpu.memref_squeeze %dma_wait3A_755 : memref<1x128xi32, #tpu.memory_space<vmem>> -> memref<128xi32, #tpu.memory_space<vmem>>
      %dma_wait3A_757 = arith.constant 0 : i32
      %dma_wait3A_758 = arith.constant 0 : i32
      %dma_wait3A_759 = tpu.memref_slice %arg2[%dma_wait3A_757, %dma_wait3A_758] : memref<10000x128xf32, #tpu.memory_space<hbm>> -> memref<10000x128xf32, #tpu.memory_space<hbm>>
      tpu.wait_indirect_dma semaphore(%arg13 : memref<!tpu.dma_semaphore, #tpu.memory_space<semaphore_mem>>) src(%dma_wait3A_759 : memref<10000x128xf32, #tpu.memory_space<hbm>>) dst(%arg10 : memref<128x128xf32, #tpu.memory_space<vmem>>)
      %run_scoped3A_760 = arith.constant 14 : i32
      "tpu.region"() ({
        %run_scoped3A_801 = tpu.sem_alloc : memref<!tpu.dma_semaphore, #tpu.memory_space<semaphore_mem>>
        %dma_start3A_802 = arith.constant 0 : i32
        %dma_start3A_803 = tpu.memref_slice %arg9[%run_scoped3A_760, %dma_start3A_802] : memref<16x128xi32, #tpu.memory_space<vmem>> -> memref<1x128xi32, #tpu.memory_space<vmem>>
        %dma_start3A_804 = tpu.memref_squeeze %dma_start3A_803 : memref<1x128xi32, #tpu.memory_space<vmem>> -> memref<128xi32, #tpu.memory_space<vmem>>
        %dma_start3A_805 = arith.constant 0 : i32
        %dma_start3A_806 = arith.constant 0 : i32
        %dma_start3A_807 = tpu.memref_slice %arg7[%dma_start3A_805, %dma_start3A_806] : memref<10112x128xf32, #tpu.memory_space<vmem_shared>> -> memref<10112x128xf32, #tpu.memory_space<vmem_shared>>
        tpu.enqueue_indirect_dma source(%arg10 : memref<128x128xf32, #tpu.memory_space<vmem>>) target(%dma_start3A_807 : memref<10112x128xf32, #tpu.memory_space<vmem_shared>>) offsets(%dma_start3A_804 : memref<128xi32, #tpu.memory_space<vmem>>) semaphore(%run_scoped3A_801 : memref<!tpu.dma_semaphore, #tpu.memory_space<semaphore_mem>>) {add = true}
        %dma_wait3A_808 = arith.constant 0 : i32
        %dma_wait3A_809 = tpu.memref_slice %arg9[%run_scoped3A_760, %dma_wait3A_808] : memref<16x128xi32, #tpu.memory_space<vmem>> -> memref<1x128xi32, #tpu.memory_space<vmem>>
        %dma_wait3A_810 = tpu.memref_squeeze %dma_wait3A_809 : memref<1x128xi32, #tpu.memory_space<vmem>> -> memref<128xi32, #tpu.memory_space<vmem>>
        %dma_wait3A_811 = arith.constant 0 : i32
        %dma_wait3A_812 = arith.constant 0 : i32
        %dma_wait3A_813 = tpu.memref_slice %arg7[%dma_wait3A_811, %dma_wait3A_812] : memref<10112x128xf32, #tpu.memory_space<vmem_shared>> -> memref<10112x128xf32, #tpu.memory_space<vmem_shared>>
        tpu.wait_indirect_dma semaphore(%run_scoped3A_801 : memref<!tpu.dma_semaphore, #tpu.memory_space<semaphore_mem>>) src(%arg10 : memref<128x128xf32, #tpu.memory_space<vmem>>) dst(%dma_wait3A_813 : memref<10112x128xf32, #tpu.memory_space<vmem_shared>>)
        tpu.yield
      }) : () -> ()
      %get3A_761 = arith.constant 15 : i32
      %get3A_762 = arith.index_cast %get3A_761 : i32 to index
      %get3A_763 = arith.constant 0 : index
      %get3A_764 = tpu.vector_load %arg9[%get3A_762, %get3A_763] {strides = array<i32>} : memref<16x128xi32, #tpu.memory_space<vmem>>, vector<16xi32>,
      tpu.vector_store_idx %arg12[%get3A_764], %broadcast_in_dim3A_34 {add = true} : memref<10112xf32, #tpu.memory_space<vmem>>[vector<16xi32>], vector<16xf32>,
      %get3A_765 = arith.constant 15 : i32
      %get3A_766 = arith.index_cast %get3A_765 : i32 to index
      %get3A_767 = arith.constant 16 : index
      %get3A_768 = tpu.vector_load %arg9[%get3A_766, %get3A_767] {strides = array<i32>} : memref<16x128xi32, #tpu.memory_space<vmem>>, vector<16xi32>,
      tpu.vector_store_idx %arg12[%get3A_768], %broadcast_in_dim3A_34 {add = true} : memref<10112xf32, #tpu.memory_space<vmem>>[vector<16xi32>], vector<16xf32>,
      %get3A_769 = arith.constant 15 : i32
      %get3A_770 = arith.index_cast %get3A_769 : i32 to index
      %get3A_771 = arith.constant 32 : index
      %get3A_772 = tpu.vector_load %arg9[%get3A_770, %get3A_771] {strides = array<i32>} : memref<16x128xi32, #tpu.memory_space<vmem>>, vector<16xi32>,
      tpu.vector_store_idx %arg12[%get3A_772], %broadcast_in_dim3A_34 {add = true} : memref<10112xf32, #tpu.memory_space<vmem>>[vector<16xi32>], vector<16xf32>,
      %get3A_773 = arith.constant 15 : i32
      %get3A_774 = arith.index_cast %get3A_773 : i32 to index
      %get3A_775 = arith.constant 48 : index
      %get3A_776 = tpu.vector_load %arg9[%get3A_774, %get3A_775] {strides = array<i32>} : memref<16x128xi32, #tpu.memory_space<vmem>>, vector<16xi32>,
      tpu.vector_store_idx %arg12[%get3A_776], %broadcast_in_dim3A_34 {add = true} : memref<10112xf32, #tpu.memory_space<vmem>>[vector<16xi32>], vector<16xf32>,
      %get3A_777 = arith.constant 15 : i32
      %get3A_778 = arith.index_cast %get3A_777 : i32 to index
      %get3A_779 = arith.constant 64 : index
      %get3A_780 = tpu.vector_load %arg9[%get3A_778, %get3A_779] {strides = array<i32>} : memref<16x128xi32, #tpu.memory_space<vmem>>, vector<16xi32>,
      tpu.vector_store_idx %arg12[%get3A_780], %broadcast_in_dim3A_34 {add = true} : memref<10112xf32, #tpu.memory_space<vmem>>[vector<16xi32>], vector<16xf32>,
      %get3A_781 = arith.constant 15 : i32
      %get3A_782 = arith.index_cast %get3A_781 : i32 to index
      %get3A_783 = arith.constant 80 : index
      %get3A_784 = tpu.vector_load %arg9[%get3A_782, %get3A_783] {strides = array<i32>} : memref<16x128xi32, #tpu.memory_space<vmem>>, vector<16xi32>,
      tpu.vector_store_idx %arg12[%get3A_784], %broadcast_in_dim3A_34 {add = true} : memref<10112xf32, #tpu.memory_space<vmem>>[vector<16xi32>], vector<16xf32>,
      %get3A_785 = arith.constant 15 : i32
      %get3A_786 = arith.index_cast %get3A_785 : i32 to index
      %get3A_787 = arith.constant 96 : index
      %get3A_788 = tpu.vector_load %arg9[%get3A_786, %get3A_787] {strides = array<i32>} : memref<16x128xi32, #tpu.memory_space<vmem>>, vector<16xi32>,
      tpu.vector_store_idx %arg12[%get3A_788], %broadcast_in_dim3A_34 {add = true} : memref<10112xf32, #tpu.memory_space<vmem>>[vector<16xi32>], vector<16xf32>,
      %get3A_789 = arith.constant 15 : i32
      %get3A_790 = arith.index_cast %get3A_789 : i32 to index
      %get3A_791 = arith.constant 112 : index
      %get3A_792 = tpu.vector_load %arg9[%get3A_790, %get3A_791] {strides = array<i32>} : memref<16x128xi32, #tpu.memory_space<vmem>>, vector<16xi32>,
      tpu.vector_store_idx %arg12[%get3A_792], %broadcast_in_dim3A_34 {add = true} : memref<10112xf32, #tpu.memory_space<vmem>>[vector<16xi32>], vector<16xf32>,
      %dma_wait3A_793 = arith.constant 15 : i32
      %dma_wait3A_794 = arith.constant 0 : i32
      %dma_wait3A_795 = tpu.memref_slice %arg8[%dma_wait3A_793, %dma_wait3A_794] : memref<16x128xi32, #tpu.memory_space<vmem>> -> memref<1x128xi32, #tpu.memory_space<vmem>>
      %dma_wait3A_796 = tpu.memref_squeeze %dma_wait3A_795 : memref<1x128xi32, #tpu.memory_space<vmem>> -> memref<128xi32, #tpu.memory_space<vmem>>
      %dma_wait3A_797 = arith.constant 0 : i32
      %dma_wait3A_798 = arith.constant 0 : i32
      %dma_wait3A_799 = tpu.memref_slice %arg2[%dma_wait3A_797, %dma_wait3A_798] : memref<10000x128xf32, #tpu.memory_space<hbm>> -> memref<10000x128xf32, #tpu.memory_space<hbm>>
      tpu.wait_indirect_dma semaphore(%arg14 : memref<!tpu.dma_semaphore, #tpu.memory_space<semaphore_mem>>) src(%dma_wait3A_799 : memref<10000x128xf32, #tpu.memory_space<hbm>>) dst(%arg11 : memref<128x128xf32, #tpu.memory_space<vmem>>)
      %run_scoped3A_800 = arith.constant 15 : i32
      "tpu.region"() ({
        %run_scoped3A_801 = tpu.sem_alloc : memref<!tpu.dma_semaphore, #tpu.memory_space<semaphore_mem>>
        %dma_start3A_802 = arith.constant 0 : i32
        %dma_start3A_803 = tpu.memref_slice %arg9[%run_scoped3A_800, %dma_start3A_802] : memref<16x128xi32, #tpu.memory_space<vmem>> -> memref<1x128xi32, #tpu.memory_space<vmem>>
        %dma_start3A_804 = tpu.memref_squeeze %dma_start3A_803 : memref<1x128xi32, #tpu.memory_space<vmem>> -> memref<128xi32, #tpu.memory_space<vmem>>
        %dma_start3A_805 = arith.constant 0 : i32
        %dma_start3A_806 = arith.constant 0 : i32
        %dma_start3A_807 = tpu.memref_slice %arg7[%dma_start3A_805, %dma_start3A_806] : memref<10112x128xf32, #tpu.memory_space<vmem_shared>> -> memref<10112x128xf32, #tpu.memory_space<vmem_shared>>
        tpu.enqueue_indirect_dma source(%arg11 : memref<128x128xf32, #tpu.memory_space<vmem>>) target(%dma_start3A_807 : memref<10112x128xf32, #tpu.memory_space<vmem_shared>>) offsets(%dma_start3A_804 : memref<128xi32, #tpu.memory_space<vmem>>) semaphore(%run_scoped3A_801 : memref<!tpu.dma_semaphore, #tpu.memory_space<semaphore_mem>>) {add = true}
        %dma_wait3A_808 = arith.constant 0 : i32
        %dma_wait3A_809 = tpu.memref_slice %arg9[%run_scoped3A_800, %dma_wait3A_808] : memref<16x128xi32, #tpu.memory_space<vmem>> -> memref<1x128xi32, #tpu.memory_space<vmem>>
        %dma_wait3A_810 = tpu.memref_squeeze %dma_wait3A_809 : memref<1x128xi32, #tpu.memory_space<vmem>> -> memref<128xi32, #tpu.memory_space<vmem>>
        %dma_wait3A_811 = arith.constant 0 : i32
        %dma_wait3A_812 = arith.constant 0 : i32
        %dma_wait3A_813 = tpu.memref_slice %arg7[%dma_wait3A_811, %dma_wait3A_812] : memref<10112x128xf32, #tpu.memory_space<vmem_shared>> -> memref<10112x128xf32, #tpu.memory_space<vmem_shared>>
        tpu.wait_indirect_dma semaphore(%run_scoped3A_801 : memref<!tpu.dma_semaphore, #tpu.memory_space<semaphore_mem>>) src(%arg11 : memref<128x128xf32, #tpu.memory_space<vmem>>) dst(%dma_wait3A_813 : memref<10112x128xf32, #tpu.memory_space<vmem_shared>>)
        tpu.yield
      }) : () -> ()
    }
    %scan3A_40 = arith.constant 5 : i32
    %barrier3A_41 = arith.constant 0 : index
    tpu.barrier barrier_id(%barrier3A_41)
    %mul3A_42 = arith.constant 632 : i32
    %mul3A_43 = arith.muli %arg1, %mul3A_42 : i32
    %mul3A_44 = arith.constant 632 : i32
    %mul3A_45 = arith.muli %arg1, %mul3A_44 : i32
    "tpu.region"() ({
      %run_scoped3A = tpu.sem_alloc : memref<!tpu.dma_semaphore, #tpu.memory_space<semaphore_mem>>
      %dma_start3A = arith.constant 0 : i32
      %dma_start3A_48 = tpu.memref_slice %arg5[%arg0, %mul3A_45, %dma_start3A] : memref<2x10112x128xf32, #tpu.memory_space<hbm>> -> memref<1x632x128xf32, #tpu.memory_space<hbm>>
      %dma_start3A_49 = tpu.memref_squeeze %dma_start3A_48 : memref<1x632x128xf32, #tpu.memory_space<hbm>> -> memref<632x128xf32, #tpu.memory_space<hbm>>
      %dma_start3A_50 = arith.constant 0 : i32
      %dma_start3A_51 = tpu.memref_slice %arg7[%mul3A_43, %dma_start3A_50] : memref<10112x128xf32, #tpu.memory_space<vmem_shared>> -> memref<632x128xf32, #tpu.memory_space<vmem_shared>>
      tpu.enqueue_dma source(%dma_start3A_51 : memref<632x128xf32, #tpu.memory_space<vmem_shared>>) target(%dma_start3A_49 : memref<632x128xf32, #tpu.memory_space<hbm>>) target_semaphore(%run_scoped3A : memref<!tpu.dma_semaphore, #tpu.memory_space<semaphore_mem>>)
      %dma_wait3A = arith.constant 0 : i32
      %dma_wait3A_52 = tpu.memref_slice %arg5[%arg0, %mul3A_45, %dma_wait3A] : memref<2x10112x128xf32, #tpu.memory_space<hbm>> -> memref<1x632x128xf32, #tpu.memory_space<hbm>>
      %dma_wait3A_53 = tpu.memref_squeeze %dma_wait3A_52 : memref<1x632x128xf32, #tpu.memory_space<hbm>> -> memref<632x128xf32, #tpu.memory_space<hbm>>
      %dma_wait3A_54 = arith.constant 0 : i32
      %dma_wait3A_55 = tpu.memref_slice %arg7[%mul3A_43, %dma_wait3A_54] : memref<10112x128xf32, #tpu.memory_space<vmem_shared>> -> memref<632x128xf32, #tpu.memory_space<vmem_shared>>
      tpu.wait_dma2 semaphore(%run_scoped3A : memref<!tpu.dma_semaphore, #tpu.memory_space<semaphore_mem>>) src(%dma_wait3A_55 : memref<632x128xf32, #tpu.memory_space<vmem_shared>>) dst(%dma_wait3A_53 : memref<632x128xf32, #tpu.memory_space<hbm>>)
      tpu.yield
    }) : () -> ()
    %mul3A_46 = arith.constant 10112 : i32
    %mul3A_47 = arith.muli %add3A, %mul3A_46 : i32
    "tpu.region"() ({
      %run_scoped3A = tpu.sem_alloc : memref<!tpu.dma_semaphore, #tpu.memory_space<semaphore_mem>>
      %dma_start3A = tpu.memref_slice %arg6[%mul3A_47] : memref<324608xf32, #tpu.memory_space<hbm>> -> memref<10112xf32, #tpu.memory_space<hbm>>
      %dma_start3A_48 = tpu.memref_slice %arg6[%mul3A_47] : memref<324608xf32, #tpu.memory_space<hbm>> -> memref<10112xf32, #tpu.memory_space<hbm>>
      tpu.enqueue_dma source(%arg12 : memref<10112xf32, #tpu.memory_space<vmem>>) target(%dma_start3A_48 : memref<10112xf32, #tpu.memory_space<hbm>>) target_semaphore(%run_scoped3A : memref<!tpu.dma_semaphore, #tpu.memory_space<semaphore_mem>>)
      %dma_wait3A = tpu.memref_slice %arg6[%mul3A_47] : memref<324608xf32, #tpu.memory_space<hbm>> -> memref<10112xf32, #tpu.memory_space<hbm>>
      %dma_wait3A_49 = tpu.memref_slice %arg6[%mul3A_47] : memref<324608xf32, #tpu.memory_space<hbm>> -> memref<10112xf32, #tpu.memory_space<hbm>>
      tpu.wait_dma2 semaphore(%run_scoped3A : memref<!tpu.dma_semaphore, #tpu.memory_space<semaphore_mem>>) src(%arg12 : memref<10112xf32, #tpu.memory_space<vmem>>) dst(%dma_wait3A_49 : memref<10112xf32, #tpu.memory_space<hbm>>)
      tpu.yield
    }) : () -> ()
    return
  }
}

module attributes {stable_mosaic.version = 14 : i64} {
  func.func @_tc_body(%arg0: i32, %arg1: memref<2xf32, #tpu.memory_space<smem>>, %arg2: memref<2x1024x128xf32, #tpu.memory_space<vmem>>, %arg3: memref<324608xf32, #tpu.memory_space<vmem>>, %arg4: memref<128x128xf32, #tpu.memory_space<vmem>>, %arg5: memref<128x128xf32, #tpu.memory_space<vmem>>, %arg6: memref<1024x128xf32, #tpu.memory_space<vmem>>) attributes {dimension_semantics = [#tpu.dimension_semantics<arbitrary>], iteration_bounds = array<i64: 10>, scalar_prefetch = 0 : i64, scratch_operands = 0 : i64, tpu.core_type = #tpu.core_type<tc>, window_params = [{transform_indices = @transform_0, window_bounds = array<i64: 2>}, {transform_indices = @transform_1, window_bounds = array<i64: 2, 1024, 128>}, {pipeline_mode = #tpu.pipeline_mode<synchronous>, transform_indices = @transform_2, window_bounds = array<i64: 324608>}, {pipeline_mode = #tpu.pipeline_mode<synchronous>, transform_indices = @transform_3, window_bounds = array<i64: 128, 128>}, {pipeline_mode = #tpu.pipeline_mode<synchronous>, transform_indices = @transform_4, window_bounds = array<i64: 128, 128>}, {transform_indices = @transform_5, window_bounds = array<i64: 1024, 128>}]} {
    %get3A = arith.constant 0 : index
    %get3A_0 = memref.load %arg1[%get3A] : memref<2xf32, #tpu.memory_space<smem>>
    %get3A_1 = arith.constant 1 : index
    %get3A_2 = memref.load %arg1[%get3A_1] : memref<2xf32, #tpu.memory_space<smem>>
    %max3A = arith.maximumf %get3A_0, %get3A_2 : f32
    %sub3A = arith.subf %get3A_0, %max3A : f32
    %exp3A = math.exp %sub3A : f32
    %sub3A_3 = arith.subf %get3A_2, %max3A : f32
    %exp3A_4 = math.exp %sub3A_3 : f32
    %add3A = arith.addf %exp3A, %exp3A_4 : f32
    %div3A = arith.constant 1.000000e+00 : f32
    %div3A_5 = arith.divf %div3A, %add3A : f32
    %mul3A = arith.mulf %exp3A, %div3A_5 : f32
    %get3A_6 = arith.constant 0 : index
    %get3A_7 = arith.constant 0 : index
    %get3A_8 = vector.load %arg4[%get3A_6, %get3A_7] : memref<128x128xf32, #tpu.memory_space<vmem>>, vector<128x128xf32>
    %mul3A_9 = vector.broadcast %mul3A : f32 to vector<128x128xf32>
    %mul3A_10 = arith.mulf %mul3A_9, %get3A_8 : vector<128x128xf32>
    %mul3A_11 = arith.mulf %exp3A_4, %div3A_5 : f32
    %get3A_12 = arith.constant 0 : index
    %get3A_13 = arith.constant 0 : index
    %get3A_14 = vector.load %arg5[%get3A_12, %get3A_13] : memref<128x128xf32, #tpu.memory_space<vmem>>, vector<128x128xf32>
    %mul3A_15 = vector.broadcast %mul3A_11 : f32 to vector<128x128xf32>
    %mul3A_16 = arith.mulf %mul3A_15, %get3A_14 : vector<128x128xf32>
    %add3A_17 = arith.addf %mul3A_10, %mul3A_16 : vector<128x128xf32>
    %get3A_18 = arith.constant 0 : index
    %get3A_19 = arith.constant 0 : index
    %get3A_20 = arith.constant 0 : index
    %get3A_21 = vector.load %arg2[%get3A_18, %get3A_19, %get3A_20] : memref<2x1024x128xf32, #tpu.memory_space<vmem>>, vector<1x1024x128xf32>
    %get3A_22 = vector.shape_cast %get3A_21 : vector<1x1024x128xf32> to vector<1024x128xf32>
    %get3A_23 = arith.constant 1 : index
    %get3A_24 = arith.constant 0 : index
    %get3A_25 = arith.constant 0 : index
    %get3A_26 = vector.load %arg2[%get3A_23, %get3A_24, %get3A_25] : memref<2x1024x128xf32, #tpu.memory_space<vmem>>, vector<1x1024x128xf32>
    %get3A_27 = vector.shape_cast %get3A_26 : vector<1x1024x128xf32> to vector<1024x128xf32>
    %add3A_28 = arith.addf %get3A_22, %get3A_27 : vector<1024x128xf32>
    %iota3A = tpu.iota {dimensions = array<i32: 0>} : vector<128x128xi32>
    %iota3A_29 = tpu.iota {dimensions = array<i32: 1>} : vector<128x128xi32>
    %eq3A = arith.cmpi eq, %iota3A, %iota3A_29 : vector<128x128xi32>
    %mul3A_30 = arith.constant 1024 : i32
    %mul3A_31 = arith.muli %arg0, %mul3A_30 : i32
    %add3A_32 = arith.constant 0 : i32
    %add3A_33 = arith.addi %mul3A_31, %add3A_32 : i32
    %get3A_34 = arith.index_cast %add3A_33 : i32 to index
    %get3A_35 = vector.load %arg3[%get3A_34] : memref<324608xf32, #tpu.memory_space<vmem>>, vector<128xf32>
    %mul3A_36 = arith.constant 1024 : i32
    %mul3A_37 = arith.muli %arg0, %mul3A_36 : i32
    %add3A_38 = arith.constant 10112 : i32
    %add3A_39 = arith.addi %add3A_38, %mul3A_37 : i32
    %add3A_40 = arith.constant 0 : i32
    %add3A_41 = arith.addi %add3A_39, %add3A_40 : i32
    %get3A_42 = arith.index_cast %add3A_41 : i32 to index
    %get3A_43 = vector.load %arg3[%get3A_42] : memref<324608xf32, #tpu.memory_space<vmem>>, vector<128xf32>
    %add3A_44 = arith.addf %get3A_35, %get3A_43 : vector<128xf32>
    %mul3A_45 = arith.constant 1024 : i32
    %mul3A_46 = arith.muli %arg0, %mul3A_45 : i32
    %add3A_47 = arith.constant 20224 : i32
    %add3A_48 = arith.addi %add3A_47, %mul3A_46 : i32
    %add3A_49 = arith.constant 0 : i32
    %add3A_50 = arith.addi %add3A_48, %add3A_49 : i32
    %get3A_51 = arith.index_cast %add3A_50 : i32 to index
    %get3A_52 = vector.load %arg3[%get3A_51] : memref<324608xf32, #tpu.memory_space<vmem>>, vector<128xf32>
    %add3A_53 = arith.addf %add3A_44, %get3A_52 : vector<128xf32>
    %mul3A_54 = arith.constant 1024 : i32
    %mul3A_55 = arith.muli %arg0, %mul3A_54 : i32
    %add3A_56 = arith.constant 30336 : i32
    %add3A_57 = arith.addi %add3A_56, %mul3A_55 : i32
    %add3A_58 = arith.constant 0 : i32
    %add3A_59 = arith.addi %add3A_57, %add3A_58 : i32
    %get3A_60 = arith.index_cast %add3A_59 : i32 to index
    %get3A_61 = vector.load %arg3[%get3A_60] : memref<324608xf32, #tpu.memory_space<vmem>>, vector<128xf32>
    %add3A_62 = arith.addf %add3A_53, %get3A_61 : vector<128xf32>
    %mul3A_63 = arith.constant 1024 : i32
    %mul3A_64 = arith.muli %arg0, %mul3A_63 : i32
    %add3A_65 = arith.constant 40448 : i32
    %add3A_66 = arith.addi %add3A_65, %mul3A_64 : i32
    %add3A_67 = arith.constant 0 : i32
    %add3A_68 = arith.addi %add3A_66, %add3A_67 : i32
    %get3A_69 = arith.index_cast %add3A_68 : i32 to index
    %get3A_70 = vector.load %arg3[%get3A_69] : memref<324608xf32, #tpu.memory_space<vmem>>, vector<128xf32>
    %add3A_71 = arith.addf %add3A_62, %get3A_70 : vector<128xf32>
    %mul3A_72 = arith.constant 1024 : i32
    %mul3A_73 = arith.muli %arg0, %mul3A_72 : i32
    %add3A_74 = arith.constant 50560 : i32
    %add3A_75 = arith.addi %add3A_74, %mul3A_73 : i32
    %add3A_76 = arith.constant 0 : i32
    %add3A_77 = arith.addi %add3A_75, %add3A_76 : i32
    %get3A_78 = arith.index_cast %add3A_77 : i32 to index
    %get3A_79 = vector.load %arg3[%get3A_78] : memref<324608xf32, #tpu.memory_space<vmem>>, vector<128xf32>
    %add3A_80 = arith.addf %add3A_71, %get3A_79 : vector<128xf32>
    %mul3A_81 = arith.constant 1024 : i32
    %mul3A_82 = arith.muli %arg0, %mul3A_81 : i32
    %add3A_83 = arith.constant 60672 : i32
    %add3A_84 = arith.addi %add3A_83, %mul3A_82 : i32
    %add3A_85 = arith.constant 0 : i32
    %add3A_86 = arith.addi %add3A_84, %add3A_85 : i32
    %get3A_87 = arith.index_cast %add3A_86 : i32 to index
    %get3A_88 = vector.load %arg3[%get3A_87] : memref<324608xf32, #tpu.memory_space<vmem>>, vector<128xf32>
    %add3A_89 = arith.addf %add3A_80, %get3A_88 : vector<128xf32>
    %mul3A_90 = arith.constant 1024 : i32
    %mul3A_91 = arith.muli %arg0, %mul3A_90 : i32
    %add3A_92 = arith.constant 70784 : i32
    %add3A_93 = arith.addi %add3A_92, %mul3A_91 : i32
    %add3A_94 = arith.constant 0 : i32
    %add3A_95 = arith.addi %add3A_93, %add3A_94 : i32
    %get3A_96 = arith.index_cast %add3A_95 : i32 to index
    %get3A_97 = vector.load %arg3[%get3A_96] : memref<324608xf32, #tpu.memory_space<vmem>>, vector<128xf32>
    %add3A_98 = arith.addf %add3A_89, %get3A_97 : vector<128xf32>
    %mul3A_99 = arith.constant 1024 : i32
    %mul3A_100 = arith.muli %arg0, %mul3A_99 : i32
    %add3A_101 = arith.constant 80896 : i32
    %add3A_102 = arith.addi %add3A_101, %mul3A_100 : i32
    %add3A_103 = arith.constant 0 : i32
    %add3A_104 = arith.addi %add3A_102, %add3A_103 : i32
    %get3A_105 = arith.index_cast %add3A_104 : i32 to index
    %get3A_106 = vector.load %arg3[%get3A_105] : memref<324608xf32, #tpu.memory_space<vmem>>, vector<128xf32>
    %add3A_107 = arith.addf %add3A_98, %get3A_106 : vector<128xf32>
    %mul3A_108 = arith.constant 1024 : i32
    %mul3A_109 = arith.muli %arg0, %mul3A_108 : i32
    %add3A_110 = arith.constant 91008 : i32
    %add3A_111 = arith.addi %add3A_110, %mul3A_109 : i32
    %add3A_112 = arith.constant 0 : i32
    %add3A_113 = arith.addi %add3A_111, %add3A_112 : i32
    %get3A_114 = arith.index_cast %add3A_113 : i32 to index
    %get3A_115 = vector.load %arg3[%get3A_114] : memref<324608xf32, #tpu.memory_space<vmem>>, vector<128xf32>
    %add3A_116 = arith.addf %add3A_107, %get3A_115 : vector<128xf32>
    %mul3A_117 = arith.constant 1024 : i32
    %mul3A_118 = arith.muli %arg0, %mul3A_117 : i32
    %add3A_119 = arith.constant 101120 : i32
    %add3A_120 = arith.addi %add3A_119, %mul3A_118 : i32
    %add3A_121 = arith.constant 0 : i32
    %add3A_122 = arith.addi %add3A_120, %add3A_121 : i32
    %get3A_123 = arith.index_cast %add3A_122 : i32 to index
    %get3A_124 = vector.load %arg3[%get3A_123] : memref<324608xf32, #tpu.memory_space<vmem>>, vector<128xf32>
    %add3A_125 = arith.addf %add3A_116, %get3A_124 : vector<128xf32>
    %mul3A_126 = arith.constant 1024 : i32
    %mul3A_127 = arith.muli %arg0, %mul3A_126 : i32
    %add3A_128 = arith.constant 111232 : i32
    %add3A_129 = arith.addi %add3A_128, %mul3A_127 : i32
    %add3A_130 = arith.constant 0 : i32
    %add3A_131 = arith.addi %add3A_129, %add3A_130 : i32
    %get3A_132 = arith.index_cast %add3A_131 : i32 to index
    %get3A_133 = vector.load %arg3[%get3A_132] : memref<324608xf32, #tpu.memory_space<vmem>>, vector<128xf32>
    %add3A_134 = arith.addf %add3A_125, %get3A_133 : vector<128xf32>
    %mul3A_135 = arith.constant 1024 : i32
    %mul3A_136 = arith.muli %arg0, %mul3A_135 : i32
    %add3A_137 = arith.constant 121344 : i32
    %add3A_138 = arith.addi %add3A_137, %mul3A_136 : i32
    %add3A_139 = arith.constant 0 : i32
    %add3A_140 = arith.addi %add3A_138, %add3A_139 : i32
    %get3A_141 = arith.index_cast %add3A_140 : i32 to index
    %get3A_142 = vector.load %arg3[%get3A_141] : memref<324608xf32, #tpu.memory_space<vmem>>, vector<128xf32>
    %add3A_143 = arith.addf %add3A_134, %get3A_142 : vector<128xf32>
    %mul3A_144 = arith.constant 1024 : i32
    %mul3A_145 = arith.muli %arg0, %mul3A_144 : i32
    %add3A_146 = arith.constant 131456 : i32
    %add3A_147 = arith.addi %add3A_146, %mul3A_145 : i32
    %add3A_148 = arith.constant 0 : i32
    %add3A_149 = arith.addi %add3A_147, %add3A_148 : i32
    %get3A_150 = arith.index_cast %add3A_149 : i32 to index
    %get3A_151 = vector.load %arg3[%get3A_150] : memref<324608xf32, #tpu.memory_space<vmem>>, vector<128xf32>
    %add3A_152 = arith.addf %add3A_143, %get3A_151 : vector<128xf32>
    %mul3A_153 = arith.constant 1024 : i32
    %mul3A_154 = arith.muli %arg0, %mul3A_153 : i32
    %add3A_155 = arith.constant 141568 : i32
    %add3A_156 = arith.addi %add3A_155, %mul3A_154 : i32
    %add3A_157 = arith.constant 0 : i32
    %add3A_158 = arith.addi %add3A_156, %add3A_157 : i32
    %get3A_159 = arith.index_cast %add3A_158 : i32 to index
    %get3A_160 = vector.load %arg3[%get3A_159] : memref<324608xf32, #tpu.memory_space<vmem>>, vector<128xf32>
    %add3A_161 = arith.addf %add3A_152, %get3A_160 : vector<128xf32>
    %mul3A_162 = arith.constant 1024 : i32
    %mul3A_163 = arith.muli %arg0, %mul3A_162 : i32
    %add3A_164 = arith.constant 151680 : i32
    %add3A_165 = arith.addi %add3A_164, %mul3A_163 : i32
    %add3A_166 = arith.constant 0 : i32
    %add3A_167 = arith.addi %add3A_165, %add3A_166 : i32
    %get3A_168 = arith.index_cast %add3A_167 : i32 to index
    %get3A_169 = vector.load %arg3[%get3A_168] : memref<324608xf32, #tpu.memory_space<vmem>>, vector<128xf32>
    %add3A_170 = arith.addf %add3A_161, %get3A_169 : vector<128xf32>
    %mul3A_171 = arith.constant 1024 : i32
    %mul3A_172 = arith.muli %arg0, %mul3A_171 : i32
    %add3A_173 = arith.constant 161792 : i32
    %add3A_174 = arith.addi %add3A_173, %mul3A_172 : i32
    %add3A_175 = arith.constant 0 : i32
    %add3A_176 = arith.addi %add3A_174, %add3A_175 : i32
    %get3A_177 = arith.index_cast %add3A_176 : i32 to index
    %get3A_178 = vector.load %arg3[%get3A_177] : memref<324608xf32, #tpu.memory_space<vmem>>, vector<128xf32>
    %add3A_179 = arith.addf %add3A_170, %get3A_178 : vector<128xf32>
    %mul3A_180 = arith.constant 1024 : i32
    %mul3A_181 = arith.muli %arg0, %mul3A_180 : i32
    %add3A_182 = arith.constant 171904 : i32
    %add3A_183 = arith.addi %add3A_182, %mul3A_181 : i32
    %add3A_184 = arith.constant 0 : i32
    %add3A_185 = arith.addi %add3A_183, %add3A_184 : i32
    %get3A_186 = arith.index_cast %add3A_185 : i32 to index
    %get3A_187 = vector.load %arg3[%get3A_186] : memref<324608xf32, #tpu.memory_space<vmem>>, vector<128xf32>
    %add3A_188 = arith.addf %add3A_179, %get3A_187 : vector<128xf32>
    %mul3A_189 = arith.constant 1024 : i32
    %mul3A_190 = arith.muli %arg0, %mul3A_189 : i32
    %add3A_191 = arith.constant 182016 : i32
    %add3A_192 = arith.addi %add3A_191, %mul3A_190 : i32
    %add3A_193 = arith.constant 0 : i32
    %add3A_194 = arith.addi %add3A_192, %add3A_193 : i32
    %get3A_195 = arith.index_cast %add3A_194 : i32 to index
    %get3A_196 = vector.load %arg3[%get3A_195] : memref<324608xf32, #tpu.memory_space<vmem>>, vector<128xf32>
    %add3A_197 = arith.addf %add3A_188, %get3A_196 : vector<128xf32>
    %mul3A_198 = arith.constant 1024 : i32
    %mul3A_199 = arith.muli %arg0, %mul3A_198 : i32
    %add3A_200 = arith.constant 192128 : i32
    %add3A_201 = arith.addi %add3A_200, %mul3A_199 : i32
    %add3A_202 = arith.constant 0 : i32
    %add3A_203 = arith.addi %add3A_201, %add3A_202 : i32
    %get3A_204 = arith.index_cast %add3A_203 : i32 to index
    %get3A_205 = vector.load %arg3[%get3A_204] : memref<324608xf32, #tpu.memory_space<vmem>>, vector<128xf32>
    %add3A_206 = arith.addf %add3A_197, %get3A_205 : vector<128xf32>
    %mul3A_207 = arith.constant 1024 : i32
    %mul3A_208 = arith.muli %arg0, %mul3A_207 : i32
    %add3A_209 = arith.constant 202240 : i32
    %add3A_210 = arith.addi %add3A_209, %mul3A_208 : i32
    %add3A_211 = arith.constant 0 : i32
    %add3A_212 = arith.addi %add3A_210, %add3A_211 : i32
    %get3A_213 = arith.index_cast %add3A_212 : i32 to index
    %get3A_214 = vector.load %arg3[%get3A_213] : memref<324608xf32, #tpu.memory_space<vmem>>, vector<128xf32>
    %add3A_215 = arith.addf %add3A_206, %get3A_214 : vector<128xf32>
    %mul3A_216 = arith.constant 1024 : i32
    %mul3A_217 = arith.muli %arg0, %mul3A_216 : i32
    %add3A_218 = arith.constant 212352 : i32
    %add3A_219 = arith.addi %add3A_218, %mul3A_217 : i32
    %add3A_220 = arith.constant 0 : i32
    %add3A_221 = arith.addi %add3A_219, %add3A_220 : i32
    %get3A_222 = arith.index_cast %add3A_221 : i32 to index
    %get3A_223 = vector.load %arg3[%get3A_222] : memref<324608xf32, #tpu.memory_space<vmem>>, vector<128xf32>
    %add3A_224 = arith.addf %add3A_215, %get3A_223 : vector<128xf32>
    %mul3A_225 = arith.constant 1024 : i32
    %mul3A_226 = arith.muli %arg0, %mul3A_225 : i32
    %add3A_227 = arith.constant 222464 : i32
    %add3A_228 = arith.addi %add3A_227, %mul3A_226 : i32
    %add3A_229 = arith.constant 0 : i32
    %add3A_230 = arith.addi %add3A_228, %add3A_229 : i32
    %get3A_231 = arith.index_cast %add3A_230 : i32 to index
    %get3A_232 = vector.load %arg3[%get3A_231] : memref<324608xf32, #tpu.memory_space<vmem>>, vector<128xf32>
    %add3A_233 = arith.addf %add3A_224, %get3A_232 : vector<128xf32>
    %mul3A_234 = arith.constant 1024 : i32
    %mul3A_235 = arith.muli %arg0, %mul3A_234 : i32
    %add3A_236 = arith.constant 232576 : i32
    %add3A_237 = arith.addi %add3A_236, %mul3A_235 : i32
    %add3A_238 = arith.constant 0 : i32
    %add3A_239 = arith.addi %add3A_237, %add3A_238 : i32
    %get3A_240 = arith.index_cast %add3A_239 : i32 to index
    %get3A_241 = vector.load %arg3[%get3A_240] : memref<324608xf32, #tpu.memory_space<vmem>>, vector<128xf32>
    %add3A_242 = arith.addf %add3A_233, %get3A_241 : vector<128xf32>
    %mul3A_243 = arith.constant 1024 : i32
    %mul3A_244 = arith.muli %arg0, %mul3A_243 : i32
    %add3A_245 = arith.constant 242688 : i32
    %add3A_246 = arith.addi %add3A_245, %mul3A_244 : i32
    %add3A_247 = arith.constant 0 : i32
    %add3A_248 = arith.addi %add3A_246, %add3A_247 : i32
    %get3A_249 = arith.index_cast %add3A_248 : i32 to index
    %get3A_250 = vector.load %arg3[%get3A_249] : memref<324608xf32, #tpu.memory_space<vmem>>, vector<128xf32>
    %add3A_251 = arith.addf %add3A_242, %get3A_250 : vector<128xf32>
    %mul3A_252 = arith.constant 1024 : i32
    %mul3A_253 = arith.muli %arg0, %mul3A_252 : i32
    %add3A_254 = arith.constant 252800 : i32
    %add3A_255 = arith.addi %add3A_254, %mul3A_253 : i32
    %add3A_256 = arith.constant 0 : i32
    %add3A_257 = arith.addi %add3A_255, %add3A_256 : i32
    %get3A_258 = arith.index_cast %add3A_257 : i32 to index
    %get3A_259 = vector.load %arg3[%get3A_258] : memref<324608xf32, #tpu.memory_space<vmem>>, vector<128xf32>
    %add3A_260 = arith.addf %add3A_251, %get3A_259 : vector<128xf32>
    %mul3A_261 = arith.constant 1024 : i32
    %mul3A_262 = arith.muli %arg0, %mul3A_261 : i32
    %add3A_263 = arith.constant 262912 : i32
    %add3A_264 = arith.addi %add3A_263, %mul3A_262 : i32
    %add3A_265 = arith.constant 0 : i32
    %add3A_266 = arith.addi %add3A_264, %add3A_265 : i32
    %get3A_267 = arith.index_cast %add3A_266 : i32 to index
    %get3A_268 = vector.load %arg3[%get3A_267] : memref<324608xf32, #tpu.memory_space<vmem>>, vector<128xf32>
    %add3A_269 = arith.addf %add3A_260, %get3A_268 : vector<128xf32>
    %mul3A_270 = arith.constant 1024 : i32
    %mul3A_271 = arith.muli %arg0, %mul3A_270 : i32
    %add3A_272 = arith.constant 273024 : i32
    %add3A_273 = arith.addi %add3A_272, %mul3A_271 : i32
    %add3A_274 = arith.constant 0 : i32
    %add3A_275 = arith.addi %add3A_273, %add3A_274 : i32
    %get3A_276 = arith.index_cast %add3A_275 : i32 to index
    %get3A_277 = vector.load %arg3[%get3A_276] : memref<324608xf32, #tpu.memory_space<vmem>>, vector<128xf32>
    %add3A_278 = arith.addf %add3A_269, %get3A_277 : vector<128xf32>
    %mul3A_279 = arith.constant 1024 : i32
    %mul3A_280 = arith.muli %arg0, %mul3A_279 : i32
    %add3A_281 = arith.constant 283136 : i32
    %add3A_282 = arith.addi %add3A_281, %mul3A_280 : i32
    %add3A_283 = arith.constant 0 : i32
    %add3A_284 = arith.addi %add3A_282, %add3A_283 : i32
    %get3A_285 = arith.index_cast %add3A_284 : i32 to index
    %get3A_286 = vector.load %arg3[%get3A_285] : memref<324608xf32, #tpu.memory_space<vmem>>, vector<128xf32>
    %add3A_287 = arith.addf %add3A_278, %get3A_286 : vector<128xf32>
    %mul3A_288 = arith.constant 1024 : i32
    %mul3A_289 = arith.muli %arg0, %mul3A_288 : i32
    %add3A_290 = arith.constant 293248 : i32
    %add3A_291 = arith.addi %add3A_290, %mul3A_289 : i32
    %add3A_292 = arith.constant 0 : i32
    %add3A_293 = arith.addi %add3A_291, %add3A_292 : i32
    %get3A_294 = arith.index_cast %add3A_293 : i32 to index
    %get3A_295 = vector.load %arg3[%get3A_294] : memref<324608xf32, #tpu.memory_space<vmem>>, vector<128xf32>
    %add3A_296 = arith.addf %add3A_287, %get3A_295 : vector<128xf32>
    %mul3A_297 = arith.constant 1024 : i32
    %mul3A_298 = arith.muli %arg0, %mul3A_297 : i32
    %add3A_299 = arith.constant 303360 : i32
    %add3A_300 = arith.addi %add3A_299, %mul3A_298 : i32
    %add3A_301 = arith.constant 0 : i32
    %add3A_302 = arith.addi %add3A_300, %add3A_301 : i32
    %get3A_303 = arith.index_cast %add3A_302 : i32 to index
    %get3A_304 = vector.load %arg3[%get3A_303] : memref<324608xf32, #tpu.memory_space<vmem>>, vector<128xf32>
    %add3A_305 = arith.addf %add3A_296, %get3A_304 : vector<128xf32>
    %mul3A_306 = arith.constant 1024 : i32
    %mul3A_307 = arith.muli %arg0, %mul3A_306 : i32
    %add3A_308 = arith.constant 313472 : i32
    %add3A_309 = arith.addi %add3A_308, %mul3A_307 : i32
    %add3A_310 = arith.constant 0 : i32
    %add3A_311 = arith.addi %add3A_309, %add3A_310 : i32
    %get3A_312 = arith.index_cast %add3A_311 : i32 to index
    %get3A_313 = vector.load %arg3[%get3A_312] : memref<324608xf32, #tpu.memory_space<vmem>>, vector<128xf32>
    %add3A_314 = arith.addf %add3A_305, %get3A_313 : vector<128xf32>
    %max3A_315 = arith.constant 1.000000e+00 : f32
    %max3A_316 = vector.broadcast %max3A_315 : f32 to vector<128xf32>
    %max3A_317 = arith.maximumf %add3A_314, %max3A_316 : vector<128xf32>
    %div3A_318 = arith.constant 1.000000e+00 : f32
    %div3A_319 = vector.broadcast %div3A_318 : f32 to vector<128xf32>
    %div3A_320 = arith.divf %div3A_319, %max3A_317 : vector<128xf32>
    %reshape3A = vector.shape_cast %div3A_320 : vector<128xf32> to vector<1x128xf32>
    %broadcast_in_dim3A = vector.shape_cast %reshape3A : vector<1x128xf32> to vector<1x128xf32>
    %broadcast_in_dim3A_321 = vector.broadcast %broadcast_in_dim3A : vector<1x128xf32> to vector<128x128xf32>
    %jit3A = arith.constant 0.000000e+00 : f32
    %broadcast_in_dim3A_322 = vector.broadcast %jit3A : f32 to vector<128x128xf32>
    %select_n3A = arith.select %eq3A, %broadcast_in_dim3A_321, %broadcast_in_dim3A_322 : vector<128x128xi1>, vector<128x128xf32>
    %slice3A = vector.extract_strided_slice %add3A_28 {offsets = [0, 0], sizes = [128, 128], strides = [1, 1]} : vector<1024x128xf32> to vector<128x128xf32>
    %dot_general3A = arith.constant dense<0.000000e+00> : vector<128x128xf32>
    %dot_general3A_323 = tpu.matmul %select_n3A, %slice3A, %dot_general3A {dimension_numbers = #tpu.dot_dimension_numbers<[1], [0], [0], [1], [0, 0, 1, 1], [], []>, transpose_lhs_hint = false} : vector<128x128xf32>, vector<128x128xf32>, vector<128x128xf32> -> vector<128x128xf32>
    %dot_general3A_324 = arith.constant dense<0.000000e+00> : vector<128x128xf32>
    %dot_general3A_325 = tpu.matmul %dot_general3A_323, %add3A_17, %dot_general3A_324 {dimension_numbers = #tpu.dot_dimension_numbers<[1], [0], [0], [1], [0, 0, 1, 1], [], []>, transpose_lhs_hint = false} : vector<128x128xf32>, vector<128x128xf32>, vector<128x128xf32> -> vector<128x128xf32>
    %swap3A = arith.constant 0 : index
    %swap3A_326 = arith.constant 0 : index
    %swap3A_327 = vector.load %arg6[%swap3A, %swap3A_326] : memref<1024x128xf32, #tpu.memory_space<vmem>>, vector<128x128xf32>
    tpu.vector_store %arg6[%swap3A, %swap3A_326], %dot_general3A_325 {strides = array<i32>} : memref<1024x128xf32, #tpu.memory_space<vmem>>, vector<128x128xf32>,
    %mul3A_328 = arith.constant 1024 : i32
    %mul3A_329 = arith.muli %arg0, %mul3A_328 : i32
    %add3A_330 = arith.constant 128 : i32
    %add3A_331 = arith.addi %mul3A_329, %add3A_330 : i32
    %get3A_332 = arith.index_cast %add3A_331 : i32 to index
    %get3A_333 = vector.load %arg3[%get3A_332] : memref<324608xf32, #tpu.memory_space<vmem>>, vector<128xf32>
    %mul3A_334 = arith.constant 1024 : i32
    %mul3A_335 = arith.muli %arg0, %mul3A_334 : i32
    %add3A_336 = arith.constant 10112 : i32
    %add3A_337 = arith.addi %add3A_336, %mul3A_335 : i32
    %add3A_338 = arith.constant 128 : i32
    %add3A_339 = arith.addi %add3A_337, %add3A_338 : i32
    %get3A_340 = arith.index_cast %add3A_339 : i32 to index
    %get3A_341 = vector.load %arg3[%get3A_340] : memref<324608xf32, #tpu.memory_space<vmem>>, vector<128xf32>
    %add3A_342 = arith.addf %get3A_333, %get3A_341 : vector<128xf32>
    %mul3A_343 = arith.constant 1024 : i32
    %mul3A_344 = arith.muli %arg0, %mul3A_343 : i32
    %add3A_345 = arith.constant 20224 : i32
    %add3A_346 = arith.addi %add3A_345, %mul3A_344 : i32
    %add3A_347 = arith.constant 128 : i32
    %add3A_348 = arith.addi %add3A_346, %add3A_347 : i32
    %get3A_349 = arith.index_cast %add3A_348 : i32 to index
    %get3A_350 = vector.load %arg3[%get3A_349] : memref<324608xf32, #tpu.memory_space<vmem>>, vector<128xf32>
    %add3A_351 = arith.addf %add3A_342, %get3A_350 : vector<128xf32>
    %mul3A_352 = arith.constant 1024 : i32
    %mul3A_353 = arith.muli %arg0, %mul3A_352 : i32
    %add3A_354 = arith.constant 30336 : i32
    %add3A_355 = arith.addi %add3A_354, %mul3A_353 : i32
    %add3A_356 = arith.constant 128 : i32
    %add3A_357 = arith.addi %add3A_355, %add3A_356 : i32
    %get3A_358 = arith.index_cast %add3A_357 : i32 to index
    %get3A_359 = vector.load %arg3[%get3A_358] : memref<324608xf32, #tpu.memory_space<vmem>>, vector<128xf32>
    %add3A_360 = arith.addf %add3A_351, %get3A_359 : vector<128xf32>
    %mul3A_361 = arith.constant 1024 : i32
    %mul3A_362 = arith.muli %arg0, %mul3A_361 : i32
    %add3A_363 = arith.constant 40448 : i32
    %add3A_364 = arith.addi %add3A_363, %mul3A_362 : i32
    %add3A_365 = arith.constant 128 : i32
    %add3A_366 = arith.addi %add3A_364, %add3A_365 : i32
    %get3A_367 = arith.index_cast %add3A_366 : i32 to index
    %get3A_368 = vector.load %arg3[%get3A_367] : memref<324608xf32, #tpu.memory_space<vmem>>, vector<128xf32>
    %add3A_369 = arith.addf %add3A_360, %get3A_368 : vector<128xf32>
    %mul3A_370 = arith.constant 1024 : i32
    %mul3A_371 = arith.muli %arg0, %mul3A_370 : i32
    %add3A_372 = arith.constant 50560 : i32
    %add3A_373 = arith.addi %add3A_372, %mul3A_371 : i32
    %add3A_374 = arith.constant 128 : i32
    %add3A_375 = arith.addi %add3A_373, %add3A_374 : i32
    %get3A_376 = arith.index_cast %add3A_375 : i32 to index
    %get3A_377 = vector.load %arg3[%get3A_376] : memref<324608xf32, #tpu.memory_space<vmem>>, vector<128xf32>
    %add3A_378 = arith.addf %add3A_369, %get3A_377 : vector<128xf32>
    %mul3A_379 = arith.constant 1024 : i32
    %mul3A_380 = arith.muli %arg0, %mul3A_379 : i32
    %add3A_381 = arith.constant 60672 : i32
    %add3A_382 = arith.addi %add3A_381, %mul3A_380 : i32
    %add3A_383 = arith.constant 128 : i32
    %add3A_384 = arith.addi %add3A_382, %add3A_383 : i32
    %get3A_385 = arith.index_cast %add3A_384 : i32 to index
    %get3A_386 = vector.load %arg3[%get3A_385] : memref<324608xf32, #tpu.memory_space<vmem>>, vector<128xf32>
    %add3A_387 = arith.addf %add3A_378, %get3A_386 : vector<128xf32>
    %mul3A_388 = arith.constant 1024 : i32
    %mul3A_389 = arith.muli %arg0, %mul3A_388 : i32
    %add3A_390 = arith.constant 70784 : i32
    %add3A_391 = arith.addi %add3A_390, %mul3A_389 : i32
    %add3A_392 = arith.constant 128 : i32
    %add3A_393 = arith.addi %add3A_391, %add3A_392 : i32
    %get3A_394 = arith.index_cast %add3A_393 : i32 to index
    %get3A_395 = vector.load %arg3[%get3A_394] : memref<324608xf32, #tpu.memory_space<vmem>>, vector<128xf32>
    %add3A_396 = arith.addf %add3A_387, %get3A_395 : vector<128xf32>
    %mul3A_397 = arith.constant 1024 : i32
    %mul3A_398 = arith.muli %arg0, %mul3A_397 : i32
    %add3A_399 = arith.constant 80896 : i32
    %add3A_400 = arith.addi %add3A_399, %mul3A_398 : i32
    %add3A_401 = arith.constant 128 : i32
    %add3A_402 = arith.addi %add3A_400, %add3A_401 : i32
    %get3A_403 = arith.index_cast %add3A_402 : i32 to index
    %get3A_404 = vector.load %arg3[%get3A_403] : memref<324608xf32, #tpu.memory_space<vmem>>, vector<128xf32>
    %add3A_405 = arith.addf %add3A_396, %get3A_404 : vector<128xf32>
    %mul3A_406 = arith.constant 1024 : i32
    %mul3A_407 = arith.muli %arg0, %mul3A_406 : i32
    %add3A_408 = arith.constant 91008 : i32
    %add3A_409 = arith.addi %add3A_408, %mul3A_407 : i32
    %add3A_410 = arith.constant 128 : i32
    %add3A_411 = arith.addi %add3A_409, %add3A_410 : i32
    %get3A_412 = arith.index_cast %add3A_411 : i32 to index
    %get3A_413 = vector.load %arg3[%get3A_412] : memref<324608xf32, #tpu.memory_space<vmem>>, vector<128xf32>
    %add3A_414 = arith.addf %add3A_405, %get3A_413 : vector<128xf32>
    %mul3A_415 = arith.constant 1024 : i32
    %mul3A_416 = arith.muli %arg0, %mul3A_415 : i32
    %add3A_417 = arith.constant 101120 : i32
    %add3A_418 = arith.addi %add3A_417, %mul3A_416 : i32
    %add3A_419 = arith.constant 128 : i32
    %add3A_420 = arith.addi %add3A_418, %add3A_419 : i32
    %get3A_421 = arith.index_cast %add3A_420 : i32 to index
    %get3A_422 = vector.load %arg3[%get3A_421] : memref<324608xf32, #tpu.memory_space<vmem>>, vector<128xf32>
    %add3A_423 = arith.addf %add3A_414, %get3A_422 : vector<128xf32>
    %mul3A_424 = arith.constant 1024 : i32
    %mul3A_425 = arith.muli %arg0, %mul3A_424 : i32
    %add3A_426 = arith.constant 111232 : i32
    %add3A_427 = arith.addi %add3A_426, %mul3A_425 : i32
    %add3A_428 = arith.constant 128 : i32
    %add3A_429 = arith.addi %add3A_427, %add3A_428 : i32
    %get3A_430 = arith.index_cast %add3A_429 : i32 to index
    %get3A_431 = vector.load %arg3[%get3A_430] : memref<324608xf32, #tpu.memory_space<vmem>>, vector<128xf32>
    %add3A_432 = arith.addf %add3A_423, %get3A_431 : vector<128xf32>
    %mul3A_433 = arith.constant 1024 : i32
    %mul3A_434 = arith.muli %arg0, %mul3A_433 : i32
    %add3A_435 = arith.constant 121344 : i32
    %add3A_436 = arith.addi %add3A_435, %mul3A_434 : i32
    %add3A_437 = arith.constant 128 : i32
    %add3A_438 = arith.addi %add3A_436, %add3A_437 : i32
    %get3A_439 = arith.index_cast %add3A_438 : i32 to index
    %get3A_440 = vector.load %arg3[%get3A_439] : memref<324608xf32, #tpu.memory_space<vmem>>, vector<128xf32>
    %add3A_441 = arith.addf %add3A_432, %get3A_440 : vector<128xf32>
    %mul3A_442 = arith.constant 1024 : i32
    %mul3A_443 = arith.muli %arg0, %mul3A_442 : i32
    %add3A_444 = arith.constant 131456 : i32
    %add3A_445 = arith.addi %add3A_444, %mul3A_443 : i32
    %add3A_446 = arith.constant 128 : i32
    %add3A_447 = arith.addi %add3A_445, %add3A_446 : i32
    %get3A_448 = arith.index_cast %add3A_447 : i32 to index
    %get3A_449 = vector.load %arg3[%get3A_448] : memref<324608xf32, #tpu.memory_space<vmem>>, vector<128xf32>
    %add3A_450 = arith.addf %add3A_441, %get3A_449 : vector<128xf32>
    %mul3A_451 = arith.constant 1024 : i32
    %mul3A_452 = arith.muli %arg0, %mul3A_451 : i32
    %add3A_453 = arith.constant 141568 : i32
    %add3A_454 = arith.addi %add3A_453, %mul3A_452 : i32
    %add3A_455 = arith.constant 128 : i32
    %add3A_456 = arith.addi %add3A_454, %add3A_455 : i32
    %get3A_457 = arith.index_cast %add3A_456 : i32 to index
    %get3A_458 = vector.load %arg3[%get3A_457] : memref<324608xf32, #tpu.memory_space<vmem>>, vector<128xf32>
    %add3A_459 = arith.addf %add3A_450, %get3A_458 : vector<128xf32>
    %mul3A_460 = arith.constant 1024 : i32
    %mul3A_461 = arith.muli %arg0, %mul3A_460 : i32
    %add3A_462 = arith.constant 151680 : i32
    %add3A_463 = arith.addi %add3A_462, %mul3A_461 : i32
    %add3A_464 = arith.constant 128 : i32
    %add3A_465 = arith.addi %add3A_463, %add3A_464 : i32
    %get3A_466 = arith.index_cast %add3A_465 : i32 to index
    %get3A_467 = vector.load %arg3[%get3A_466] : memref<324608xf32, #tpu.memory_space<vmem>>, vector<128xf32>
    %add3A_468 = arith.addf %add3A_459, %get3A_467 : vector<128xf32>
    %mul3A_469 = arith.constant 1024 : i32
    %mul3A_470 = arith.muli %arg0, %mul3A_469 : i32
    %add3A_471 = arith.constant 161792 : i32
    %add3A_472 = arith.addi %add3A_471, %mul3A_470 : i32
    %add3A_473 = arith.constant 128 : i32
    %add3A_474 = arith.addi %add3A_472, %add3A_473 : i32
    %get3A_475 = arith.index_cast %add3A_474 : i32 to index
    %get3A_476 = vector.load %arg3[%get3A_475] : memref<324608xf32, #tpu.memory_space<vmem>>, vector<128xf32>
    %add3A_477 = arith.addf %add3A_468, %get3A_476 : vector<128xf32>
    %mul3A_478 = arith.constant 1024 : i32
    %mul3A_479 = arith.muli %arg0, %mul3A_478 : i32
    %add3A_480 = arith.constant 171904 : i32
    %add3A_481 = arith.addi %add3A_480, %mul3A_479 : i32
    %add3A_482 = arith.constant 128 : i32
    %add3A_483 = arith.addi %add3A_481, %add3A_482 : i32
    %get3A_484 = arith.index_cast %add3A_483 : i32 to index
    %get3A_485 = vector.load %arg3[%get3A_484] : memref<324608xf32, #tpu.memory_space<vmem>>, vector<128xf32>
    %add3A_486 = arith.addf %add3A_477, %get3A_485 : vector<128xf32>
    %mul3A_487 = arith.constant 1024 : i32
    %mul3A_488 = arith.muli %arg0, %mul3A_487 : i32
    %add3A_489 = arith.constant 182016 : i32
    %add3A_490 = arith.addi %add3A_489, %mul3A_488 : i32
    %add3A_491 = arith.constant 128 : i32
    %add3A_492 = arith.addi %add3A_490, %add3A_491 : i32
    %get3A_493 = arith.index_cast %add3A_492 : i32 to index
    %get3A_494 = vector.load %arg3[%get3A_493] : memref<324608xf32, #tpu.memory_space<vmem>>, vector<128xf32>
    %add3A_495 = arith.addf %add3A_486, %get3A_494 : vector<128xf32>
    %mul3A_496 = arith.constant 1024 : i32
    %mul3A_497 = arith.muli %arg0, %mul3A_496 : i32
    %add3A_498 = arith.constant 192128 : i32
    %add3A_499 = arith.addi %add3A_498, %mul3A_497 : i32
    %add3A_500 = arith.constant 128 : i32
    %add3A_501 = arith.addi %add3A_499, %add3A_500 : i32
    %get3A_502 = arith.index_cast %add3A_501 : i32 to index
    %get3A_503 = vector.load %arg3[%get3A_502] : memref<324608xf32, #tpu.memory_space<vmem>>, vector<128xf32>
    %add3A_504 = arith.addf %add3A_495, %get3A_503 : vector<128xf32>
    %mul3A_505 = arith.constant 1024 : i32
    %mul3A_506 = arith.muli %arg0, %mul3A_505 : i32
    %add3A_507 = arith.constant 202240 : i32
    %add3A_508 = arith.addi %add3A_507, %mul3A_506 : i32
    %add3A_509 = arith.constant 128 : i32
    %add3A_510 = arith.addi %add3A_508, %add3A_509 : i32
    %get3A_511 = arith.index_cast %add3A_510 : i32 to index
    %get3A_512 = vector.load %arg3[%get3A_511] : memref<324608xf32, #tpu.memory_space<vmem>>, vector<128xf32>
    %add3A_513 = arith.addf %add3A_504, %get3A_512 : vector<128xf32>
    %mul3A_514 = arith.constant 1024 : i32
    %mul3A_515 = arith.muli %arg0, %mul3A_514 : i32
    %add3A_516 = arith.constant 212352 : i32
    %add3A_517 = arith.addi %add3A_516, %mul3A_515 : i32
    %add3A_518 = arith.constant 128 : i32
    %add3A_519 = arith.addi %add3A_517, %add3A_518 : i32
    %get3A_520 = arith.index_cast %add3A_519 : i32 to index
    %get3A_521 = vector.load %arg3[%get3A_520] : memref<324608xf32, #tpu.memory_space<vmem>>, vector<128xf32>
    %add3A_522 = arith.addf %add3A_513, %get3A_521 : vector<128xf32>
    %mul3A_523 = arith.constant 1024 : i32
    %mul3A_524 = arith.muli %arg0, %mul3A_523 : i32
    %add3A_525 = arith.constant 222464 : i32
    %add3A_526 = arith.addi %add3A_525, %mul3A_524 : i32
    %add3A_527 = arith.constant 128 : i32
    %add3A_528 = arith.addi %add3A_526, %add3A_527 : i32
    %get3A_529 = arith.index_cast %add3A_528 : i32 to index
    %get3A_530 = vector.load %arg3[%get3A_529] : memref<324608xf32, #tpu.memory_space<vmem>>, vector<128xf32>
    %add3A_531 = arith.addf %add3A_522, %get3A_530 : vector<128xf32>
    %mul3A_532 = arith.constant 1024 : i32
    %mul3A_533 = arith.muli %arg0, %mul3A_532 : i32
    %add3A_534 = arith.constant 232576 : i32
    %add3A_535 = arith.addi %add3A_534, %mul3A_533 : i32
    %add3A_536 = arith.constant 128 : i32
    %add3A_537 = arith.addi %add3A_535, %add3A_536 : i32
    %get3A_538 = arith.index_cast %add3A_537 : i32 to index
    %get3A_539 = vector.load %arg3[%get3A_538] : memref<324608xf32, #tpu.memory_space<vmem>>, vector<128xf32>
    %add3A_540 = arith.addf %add3A_531, %get3A_539 : vector<128xf32>
    %mul3A_541 = arith.constant 1024 : i32
    %mul3A_542 = arith.muli %arg0, %mul3A_541 : i32
    %add3A_543 = arith.constant 242688 : i32
    %add3A_544 = arith.addi %add3A_543, %mul3A_542 : i32
    %add3A_545 = arith.constant 128 : i32
    %add3A_546 = arith.addi %add3A_544, %add3A_545 : i32
    %get3A_547 = arith.index_cast %add3A_546 : i32 to index
    %get3A_548 = vector.load %arg3[%get3A_547] : memref<324608xf32, #tpu.memory_space<vmem>>, vector<128xf32>
    %add3A_549 = arith.addf %add3A_540, %get3A_548 : vector<128xf32>
    %mul3A_550 = arith.constant 1024 : i32
    %mul3A_551 = arith.muli %arg0, %mul3A_550 : i32
    %add3A_552 = arith.constant 252800 : i32
    %add3A_553 = arith.addi %add3A_552, %mul3A_551 : i32
    %add3A_554 = arith.constant 128 : i32
    %add3A_555 = arith.addi %add3A_553, %add3A_554 : i32
    %get3A_556 = arith.index_cast %add3A_555 : i32 to index
    %get3A_557 = vector.load %arg3[%get3A_556] : memref<324608xf32, #tpu.memory_space<vmem>>, vector<128xf32>
    %add3A_558 = arith.addf %add3A_549, %get3A_557 : vector<128xf32>
    %mul3A_559 = arith.constant 1024 : i32
    %mul3A_560 = arith.muli %arg0, %mul3A_559 : i32
    %add3A_561 = arith.constant 262912 : i32
    %add3A_562 = arith.addi %add3A_561, %mul3A_560 : i32
    %add3A_563 = arith.constant 128 : i32
    %add3A_564 = arith.addi %add3A_562, %add3A_563 : i32
    %get3A_565 = arith.index_cast %add3A_564 : i32 to index
    %get3A_566 = vector.load %arg3[%get3A_565] : memref<324608xf32, #tpu.memory_space<vmem>>, vector<128xf32>
    %add3A_567 = arith.addf %add3A_558, %get3A_566 : vector<128xf32>
    %mul3A_568 = arith.constant 1024 : i32
    %mul3A_569 = arith.muli %arg0, %mul3A_568 : i32
    %add3A_570 = arith.constant 273024 : i32
    %add3A_571 = arith.addi %add3A_570, %mul3A_569 : i32
    %add3A_572 = arith.constant 128 : i32
    %add3A_573 = arith.addi %add3A_571, %add3A_572 : i32
    %get3A_574 = arith.index_cast %add3A_573 : i32 to index
    %get3A_575 = vector.load %arg3[%get3A_574] : memref<324608xf32, #tpu.memory_space<vmem>>, vector<128xf32>
    %add3A_576 = arith.addf %add3A_567, %get3A_575 : vector<128xf32>
    %mul3A_577 = arith.constant 1024 : i32
    %mul3A_578 = arith.muli %arg0, %mul3A_577 : i32
    %add3A_579 = arith.constant 283136 : i32
    %add3A_580 = arith.addi %add3A_579, %mul3A_578 : i32
    %add3A_581 = arith.constant 128 : i32
    %add3A_582 = arith.addi %add3A_580, %add3A_581 : i32
    %get3A_583 = arith.index_cast %add3A_582 : i32 to index
    %get3A_584 = vector.load %arg3[%get3A_583] : memref<324608xf32, #tpu.memory_space<vmem>>, vector<128xf32>
    %add3A_585 = arith.addf %add3A_576, %get3A_584 : vector<128xf32>
    %mul3A_586 = arith.constant 1024 : i32
    %mul3A_587 = arith.muli %arg0, %mul3A_586 : i32
    %add3A_588 = arith.constant 293248 : i32
    %add3A_589 = arith.addi %add3A_588, %mul3A_587 : i32
    %add3A_590 = arith.constant 128 : i32
    %add3A_591 = arith.addi %add3A_589, %add3A_590 : i32
    %get3A_592 = arith.index_cast %add3A_591 : i32 to index
    %get3A_593 = vector.load %arg3[%get3A_592] : memref<324608xf32, #tpu.memory_space<vmem>>, vector<128xf32>
    %add3A_594 = arith.addf %add3A_585, %get3A_593 : vector<128xf32>
    %mul3A_595 = arith.constant 1024 : i32
    %mul3A_596 = arith.muli %arg0, %mul3A_595 : i32
    %add3A_597 = arith.constant 303360 : i32
    %add3A_598 = arith.addi %add3A_597, %mul3A_596 : i32
    %add3A_599 = arith.constant 128 : i32
    %add3A_600 = arith.addi %add3A_598, %add3A_599 : i32
    %get3A_601 = arith.index_cast %add3A_600 : i32 to index
    %get3A_602 = vector.load %arg3[%get3A_601] : memref<324608xf32, #tpu.memory_space<vmem>>, vector<128xf32>
    %add3A_603 = arith.addf %add3A_594, %get3A_602 : vector<128xf32>
    %mul3A_604 = arith.constant 1024 : i32
    %mul3A_605 = arith.muli %arg0, %mul3A_604 : i32
    %add3A_606 = arith.constant 313472 : i32
    %add3A_607 = arith.addi %add3A_606, %mul3A_605 : i32
    %add3A_608 = arith.constant 128 : i32
    %add3A_609 = arith.addi %add3A_607, %add3A_608 : i32
    %get3A_610 = arith.index_cast %add3A_609 : i32 to index
    %get3A_611 = vector.load %arg3[%get3A_610] : memref<324608xf32, #tpu.memory_space<vmem>>, vector<128xf32>
    %add3A_612 = arith.addf %add3A_603, %get3A_611 : vector<128xf32>
    %max3A_613 = arith.constant 1.000000e+00 : f32
    %max3A_614 = vector.broadcast %max3A_613 : f32 to vector<128xf32>
    %max3A_615 = arith.maximumf %add3A_612, %max3A_614 : vector<128xf32>
    %div3A_616 = arith.constant 1.000000e+00 : f32
    %div3A_617 = vector.broadcast %div3A_616 : f32 to vector<128xf32>
    %div3A_618 = arith.divf %div3A_617, %max3A_615 : vector<128xf32>
    %reshape3A_619 = vector.shape_cast %div3A_618 : vector<128xf32> to vector<1x128xf32>
    %broadcast_in_dim3A_620 = vector.shape_cast %reshape3A_619 : vector<1x128xf32> to vector<1x128xf32>
    %broadcast_in_dim3A_621 = vector.broadcast %broadcast_in_dim3A_620 : vector<1x128xf32> to vector<128x128xf32>
    %jit3A_622 = arith.constant 0.000000e+00 : f32
    %broadcast_in_dim3A_623 = vector.broadcast %jit3A_622 : f32 to vector<128x128xf32>
    %select_n3A_624 = arith.select %eq3A, %broadcast_in_dim3A_621, %broadcast_in_dim3A_623 : vector<128x128xi1>, vector<128x128xf32>
    %slice3A_625 = vector.extract_strided_slice %add3A_28 {offsets = [128, 0], sizes = [128, 128], strides = [1, 1]} : vector<1024x128xf32> to vector<128x128xf32>
    %dot_general3A_626 = arith.constant dense<0.000000e+00> : vector<128x128xf32>
    %dot_general3A_627 = tpu.matmul %select_n3A_624, %slice3A_625, %dot_general3A_626 {dimension_numbers = #tpu.dot_dimension_numbers<[1], [0], [0], [1], [0, 0, 1, 1], [], []>, transpose_lhs_hint = false} : vector<128x128xf32>, vector<128x128xf32>, vector<128x128xf32> -> vector<128x128xf32>
    %dot_general3A_628 = arith.constant dense<0.000000e+00> : vector<128x128xf32>
    %dot_general3A_629 = tpu.matmul %dot_general3A_627, %add3A_17, %dot_general3A_628 {dimension_numbers = #tpu.dot_dimension_numbers<[1], [0], [0], [1], [0, 0, 1, 1], [], []>, transpose_lhs_hint = false} : vector<128x128xf32>, vector<128x128xf32>, vector<128x128xf32> -> vector<128x128xf32>
    %swap3A_630 = arith.constant 128 : index
    %swap3A_631 = arith.constant 0 : index
    %swap3A_632 = vector.load %arg6[%swap3A_630, %swap3A_631] : memref<1024x128xf32, #tpu.memory_space<vmem>>, vector<128x128xf32>
    tpu.vector_store %arg6[%swap3A_630, %swap3A_631], %dot_general3A_629 {strides = array<i32>} : memref<1024x128xf32, #tpu.memory_space<vmem>>, vector<128x128xf32>,
    %mul3A_633 = arith.constant 1024 : i32
    %mul3A_634 = arith.muli %arg0, %mul3A_633 : i32
    %add3A_635 = arith.constant 256 : i32
    %add3A_636 = arith.addi %mul3A_634, %add3A_635 : i32
    %get3A_637 = arith.index_cast %add3A_636 : i32 to index
    %get3A_638 = vector.load %arg3[%get3A_637] : memref<324608xf32, #tpu.memory_space<vmem>>, vector<128xf32>
    %mul3A_639 = arith.constant 1024 : i32
    %mul3A_640 = arith.muli %arg0, %mul3A_639 : i32
    %add3A_641 = arith.constant 10112 : i32
    %add3A_642 = arith.addi %add3A_641, %mul3A_640 : i32
    %add3A_643 = arith.constant 256 : i32
    %add3A_644 = arith.addi %add3A_642, %add3A_643 : i32
    %get3A_645 = arith.index_cast %add3A_644 : i32 to index
    %get3A_646 = vector.load %arg3[%get3A_645] : memref<324608xf32, #tpu.memory_space<vmem>>, vector<128xf32>
    %add3A_647 = arith.addf %get3A_638, %get3A_646 : vector<128xf32>
    %mul3A_648 = arith.constant 1024 : i32
    %mul3A_649 = arith.muli %arg0, %mul3A_648 : i32
    %add3A_650 = arith.constant 20224 : i32
    %add3A_651 = arith.addi %add3A_650, %mul3A_649 : i32
    %add3A_652 = arith.constant 256 : i32
    %add3A_653 = arith.addi %add3A_651, %add3A_652 : i32
    %get3A_654 = arith.index_cast %add3A_653 : i32 to index
    %get3A_655 = vector.load %arg3[%get3A_654] : memref<324608xf32, #tpu.memory_space<vmem>>, vector<128xf32>
    %add3A_656 = arith.addf %add3A_647, %get3A_655 : vector<128xf32>
    %mul3A_657 = arith.constant 1024 : i32
    %mul3A_658 = arith.muli %arg0, %mul3A_657 : i32
    %add3A_659 = arith.constant 30336 : i32
    %add3A_660 = arith.addi %add3A_659, %mul3A_658 : i32
    %add3A_661 = arith.constant 256 : i32
    %add3A_662 = arith.addi %add3A_660, %add3A_661 : i32
    %get3A_663 = arith.index_cast %add3A_662 : i32 to index
    %get3A_664 = vector.load %arg3[%get3A_663] : memref<324608xf32, #tpu.memory_space<vmem>>, vector<128xf32>
    %add3A_665 = arith.addf %add3A_656, %get3A_664 : vector<128xf32>
    %mul3A_666 = arith.constant 1024 : i32
    %mul3A_667 = arith.muli %arg0, %mul3A_666 : i32
    %add3A_668 = arith.constant 40448 : i32
    %add3A_669 = arith.addi %add3A_668, %mul3A_667 : i32
    %add3A_670 = arith.constant 256 : i32
    %add3A_671 = arith.addi %add3A_669, %add3A_670 : i32
    %get3A_672 = arith.index_cast %add3A_671 : i32 to index
    %get3A_673 = vector.load %arg3[%get3A_672] : memref<324608xf32, #tpu.memory_space<vmem>>, vector<128xf32>
    %add3A_674 = arith.addf %add3A_665, %get3A_673 : vector<128xf32>
    %mul3A_675 = arith.constant 1024 : i32
    %mul3A_676 = arith.muli %arg0, %mul3A_675 : i32
    %add3A_677 = arith.constant 50560 : i32
    %add3A_678 = arith.addi %add3A_677, %mul3A_676 : i32
    %add3A_679 = arith.constant 256 : i32
    %add3A_680 = arith.addi %add3A_678, %add3A_679 : i32
    %get3A_681 = arith.index_cast %add3A_680 : i32 to index
    %get3A_682 = vector.load %arg3[%get3A_681] : memref<324608xf32, #tpu.memory_space<vmem>>, vector<128xf32>
    %add3A_683 = arith.addf %add3A_674, %get3A_682 : vector<128xf32>
    %mul3A_684 = arith.constant 1024 : i32
    %mul3A_685 = arith.muli %arg0, %mul3A_684 : i32
    %add3A_686 = arith.constant 60672 : i32
    %add3A_687 = arith.addi %add3A_686, %mul3A_685 : i32
    %add3A_688 = arith.constant 256 : i32
    %add3A_689 = arith.addi %add3A_687, %add3A_688 : i32
    %get3A_690 = arith.index_cast %add3A_689 : i32 to index
    %get3A_691 = vector.load %arg3[%get3A_690] : memref<324608xf32, #tpu.memory_space<vmem>>, vector<128xf32>
    %add3A_692 = arith.addf %add3A_683, %get3A_691 : vector<128xf32>
    %mul3A_693 = arith.constant 1024 : i32
    %mul3A_694 = arith.muli %arg0, %mul3A_693 : i32
    %add3A_695 = arith.constant 70784 : i32
    %add3A_696 = arith.addi %add3A_695, %mul3A_694 : i32
    %add3A_697 = arith.constant 256 : i32
    %add3A_698 = arith.addi %add3A_696, %add3A_697 : i32
    %get3A_699 = arith.index_cast %add3A_698 : i32 to index
    %get3A_700 = vector.load %arg3[%get3A_699] : memref<324608xf32, #tpu.memory_space<vmem>>, vector<128xf32>
    %add3A_701 = arith.addf %add3A_692, %get3A_700 : vector<128xf32>
    %mul3A_702 = arith.constant 1024 : i32
    %mul3A_703 = arith.muli %arg0, %mul3A_702 : i32
    %add3A_704 = arith.constant 80896 : i32
    %add3A_705 = arith.addi %add3A_704, %mul3A_703 : i32
    %add3A_706 = arith.constant 256 : i32
    %add3A_707 = arith.addi %add3A_705, %add3A_706 : i32
    %get3A_708 = arith.index_cast %add3A_707 : i32 to index
    %get3A_709 = vector.load %arg3[%get3A_708] : memref<324608xf32, #tpu.memory_space<vmem>>, vector<128xf32>
    %add3A_710 = arith.addf %add3A_701, %get3A_709 : vector<128xf32>
    %mul3A_711 = arith.constant 1024 : i32
    %mul3A_712 = arith.muli %arg0, %mul3A_711 : i32
    %add3A_713 = arith.constant 91008 : i32
    %add3A_714 = arith.addi %add3A_713, %mul3A_712 : i32
    %add3A_715 = arith.constant 256 : i32
    %add3A_716 = arith.addi %add3A_714, %add3A_715 : i32
    %get3A_717 = arith.index_cast %add3A_716 : i32 to index
    %get3A_718 = vector.load %arg3[%get3A_717] : memref<324608xf32, #tpu.memory_space<vmem>>, vector<128xf32>
    %add3A_719 = arith.addf %add3A_710, %get3A_718 : vector<128xf32>
    %mul3A_720 = arith.constant 1024 : i32
    %mul3A_721 = arith.muli %arg0, %mul3A_720 : i32
    %add3A_722 = arith.constant 101120 : i32
    %add3A_723 = arith.addi %add3A_722, %mul3A_721 : i32
    %add3A_724 = arith.constant 256 : i32
    %add3A_725 = arith.addi %add3A_723, %add3A_724 : i32
    %get3A_726 = arith.index_cast %add3A_725 : i32 to index
    %get3A_727 = vector.load %arg3[%get3A_726] : memref<324608xf32, #tpu.memory_space<vmem>>, vector<128xf32>
    %add3A_728 = arith.addf %add3A_719, %get3A_727 : vector<128xf32>
    %mul3A_729 = arith.constant 1024 : i32
    %mul3A_730 = arith.muli %arg0, %mul3A_729 : i32
    %add3A_731 = arith.constant 111232 : i32
    %add3A_732 = arith.addi %add3A_731, %mul3A_730 : i32
    %add3A_733 = arith.constant 256 : i32
    %add3A_734 = arith.addi %add3A_732, %add3A_733 : i32
    %get3A_735 = arith.index_cast %add3A_734 : i32 to index
    %get3A_736 = vector.load %arg3[%get3A_735] : memref<324608xf32, #tpu.memory_space<vmem>>, vector<128xf32>
    %add3A_737 = arith.addf %add3A_728, %get3A_736 : vector<128xf32>
    %mul3A_738 = arith.constant 1024 : i32
    %mul3A_739 = arith.muli %arg0, %mul3A_738 : i32
    %add3A_740 = arith.constant 121344 : i32
    %add3A_741 = arith.addi %add3A_740, %mul3A_739 : i32
    %add3A_742 = arith.constant 256 : i32
    %add3A_743 = arith.addi %add3A_741, %add3A_742 : i32
    %get3A_744 = arith.index_cast %add3A_743 : i32 to index
    %get3A_745 = vector.load %arg3[%get3A_744] : memref<324608xf32, #tpu.memory_space<vmem>>, vector<128xf32>
    %add3A_746 = arith.addf %add3A_737, %get3A_745 : vector<128xf32>
    %mul3A_747 = arith.constant 1024 : i32
    %mul3A_748 = arith.muli %arg0, %mul3A_747 : i32
    %add3A_749 = arith.constant 131456 : i32
    %add3A_750 = arith.addi %add3A_749, %mul3A_748 : i32
    %add3A_751 = arith.constant 256 : i32
    %add3A_752 = arith.addi %add3A_750, %add3A_751 : i32
    %get3A_753 = arith.index_cast %add3A_752 : i32 to index
    %get3A_754 = vector.load %arg3[%get3A_753] : memref<324608xf32, #tpu.memory_space<vmem>>, vector<128xf32>
    %add3A_755 = arith.addf %add3A_746, %get3A_754 : vector<128xf32>
    %mul3A_756 = arith.constant 1024 : i32
    %mul3A_757 = arith.muli %arg0, %mul3A_756 : i32
    %add3A_758 = arith.constant 141568 : i32
    %add3A_759 = arith.addi %add3A_758, %mul3A_757 : i32
    %add3A_760 = arith.constant 256 : i32
    %add3A_761 = arith.addi %add3A_759, %add3A_760 : i32
    %get3A_762 = arith.index_cast %add3A_761 : i32 to index
    %get3A_763 = vector.load %arg3[%get3A_762] : memref<324608xf32, #tpu.memory_space<vmem>>, vector<128xf32>
    %add3A_764 = arith.addf %add3A_755, %get3A_763 : vector<128xf32>
    %mul3A_765 = arith.constant 1024 : i32
    %mul3A_766 = arith.muli %arg0, %mul3A_765 : i32
    %add3A_767 = arith.constant 151680 : i32
    %add3A_768 = arith.addi %add3A_767, %mul3A_766 : i32
    %add3A_769 = arith.constant 256 : i32
    %add3A_770 = arith.addi %add3A_768, %add3A_769 : i32
    %get3A_771 = arith.index_cast %add3A_770 : i32 to index
    %get3A_772 = vector.load %arg3[%get3A_771] : memref<324608xf32, #tpu.memory_space<vmem>>, vector<128xf32>
    %add3A_773 = arith.addf %add3A_764, %get3A_772 : vector<128xf32>
    %mul3A_774 = arith.constant 1024 : i32
    %mul3A_775 = arith.muli %arg0, %mul3A_774 : i32
    %add3A_776 = arith.constant 161792 : i32
    %add3A_777 = arith.addi %add3A_776, %mul3A_775 : i32
    %add3A_778 = arith.constant 256 : i32
    %add3A_779 = arith.addi %add3A_777, %add3A_778 : i32
    %get3A_780 = arith.index_cast %add3A_779 : i32 to index
    %get3A_781 = vector.load %arg3[%get3A_780] : memref<324608xf32, #tpu.memory_space<vmem>>, vector<128xf32>
    %add3A_782 = arith.addf %add3A_773, %get3A_781 : vector<128xf32>
    %mul3A_783 = arith.constant 1024 : i32
    %mul3A_784 = arith.muli %arg0, %mul3A_783 : i32
    %add3A_785 = arith.constant 171904 : i32
    %add3A_786 = arith.addi %add3A_785, %mul3A_784 : i32
    %add3A_787 = arith.constant 256 : i32
    %add3A_788 = arith.addi %add3A_786, %add3A_787 : i32
    %get3A_789 = arith.index_cast %add3A_788 : i32 to index
    %get3A_790 = vector.load %arg3[%get3A_789] : memref<324608xf32, #tpu.memory_space<vmem>>, vector<128xf32>
    %add3A_791 = arith.addf %add3A_782, %get3A_790 : vector<128xf32>
    %mul3A_792 = arith.constant 1024 : i32
    %mul3A_793 = arith.muli %arg0, %mul3A_792 : i32
    %add3A_794 = arith.constant 182016 : i32
    %add3A_795 = arith.addi %add3A_794, %mul3A_793 : i32
    %add3A_796 = arith.constant 256 : i32
    %add3A_797 = arith.addi %add3A_795, %add3A_796 : i32
    %get3A_798 = arith.index_cast %add3A_797 : i32 to index
    %get3A_799 = vector.load %arg3[%get3A_798] : memref<324608xf32, #tpu.memory_space<vmem>>, vector<128xf32>
    %add3A_800 = arith.addf %add3A_791, %get3A_799 : vector<128xf32>
    %mul3A_801 = arith.constant 1024 : i32
    %mul3A_802 = arith.muli %arg0, %mul3A_801 : i32
    %add3A_803 = arith.constant 192128 : i32
    %add3A_804 = arith.addi %add3A_803, %mul3A_802 : i32
    %add3A_805 = arith.constant 256 : i32
    %add3A_806 = arith.addi %add3A_804, %add3A_805 : i32
    %get3A_807 = arith.index_cast %add3A_806 : i32 to index
    %get3A_808 = vector.load %arg3[%get3A_807] : memref<324608xf32, #tpu.memory_space<vmem>>, vector<128xf32>
    %add3A_809 = arith.addf %add3A_800, %get3A_808 : vector<128xf32>
    %mul3A_810 = arith.constant 1024 : i32
    %mul3A_811 = arith.muli %arg0, %mul3A_810 : i32
    %add3A_812 = arith.constant 202240 : i32
    %add3A_813 = arith.addi %add3A_812, %mul3A_811 : i32
    %add3A_814 = arith.constant 256 : i32
    %add3A_815 = arith.addi %add3A_813, %add3A_814 : i32
    %get3A_816 = arith.index_cast %add3A_815 : i32 to index
    %get3A_817 = vector.load %arg3[%get3A_816] : memref<324608xf32, #tpu.memory_space<vmem>>, vector<128xf32>
    %add3A_818 = arith.addf %add3A_809, %get3A_817 : vector<128xf32>
    %mul3A_819 = arith.constant 1024 : i32
    %mul3A_820 = arith.muli %arg0, %mul3A_819 : i32
    %add3A_821 = arith.constant 212352 : i32
    %add3A_822 = arith.addi %add3A_821, %mul3A_820 : i32
    %add3A_823 = arith.constant 256 : i32
    %add3A_824 = arith.addi %add3A_822, %add3A_823 : i32
    %get3A_825 = arith.index_cast %add3A_824 : i32 to index
    %get3A_826 = vector.load %arg3[%get3A_825] : memref<324608xf32, #tpu.memory_space<vmem>>, vector<128xf32>
    %add3A_827 = arith.addf %add3A_818, %get3A_826 : vector<128xf32>
    %mul3A_828 = arith.constant 1024 : i32
    %mul3A_829 = arith.muli %arg0, %mul3A_828 : i32
    %add3A_830 = arith.constant 222464 : i32
    %add3A_831 = arith.addi %add3A_830, %mul3A_829 : i32
    %add3A_832 = arith.constant 256 : i32
    %add3A_833 = arith.addi %add3A_831, %add3A_832 : i32
    %get3A_834 = arith.index_cast %add3A_833 : i32 to index
    %get3A_835 = vector.load %arg3[%get3A_834] : memref<324608xf32, #tpu.memory_space<vmem>>, vector<128xf32>
    %add3A_836 = arith.addf %add3A_827, %get3A_835 : vector<128xf32>
    %mul3A_837 = arith.constant 1024 : i32
    %mul3A_838 = arith.muli %arg0, %mul3A_837 : i32
    %add3A_839 = arith.constant 232576 : i32
    %add3A_840 = arith.addi %add3A_839, %mul3A_838 : i32
    %add3A_841 = arith.constant 256 : i32
    %add3A_842 = arith.addi %add3A_840, %add3A_841 : i32
    %get3A_843 = arith.index_cast %add3A_842 : i32 to index
    %get3A_844 = vector.load %arg3[%get3A_843] : memref<324608xf32, #tpu.memory_space<vmem>>, vector<128xf32>
    %add3A_845 = arith.addf %add3A_836, %get3A_844 : vector<128xf32>
    %mul3A_846 = arith.constant 1024 : i32
    %mul3A_847 = arith.muli %arg0, %mul3A_846 : i32
    %add3A_848 = arith.constant 242688 : i32
    %add3A_849 = arith.addi %add3A_848, %mul3A_847 : i32
    %add3A_850 = arith.constant 256 : i32
    %add3A_851 = arith.addi %add3A_849, %add3A_850 : i32
    %get3A_852 = arith.index_cast %add3A_851 : i32 to index
    %get3A_853 = vector.load %arg3[%get3A_852] : memref<324608xf32, #tpu.memory_space<vmem>>, vector<128xf32>
    %add3A_854 = arith.addf %add3A_845, %get3A_853 : vector<128xf32>
    %mul3A_855 = arith.constant 1024 : i32
    %mul3A_856 = arith.muli %arg0, %mul3A_855 : i32
    %add3A_857 = arith.constant 252800 : i32
    %add3A_858 = arith.addi %add3A_857, %mul3A_856 : i32
    %add3A_859 = arith.constant 256 : i32
    %add3A_860 = arith.addi %add3A_858, %add3A_859 : i32
    %get3A_861 = arith.index_cast %add3A_860 : i32 to index
    %get3A_862 = vector.load %arg3[%get3A_861] : memref<324608xf32, #tpu.memory_space<vmem>>, vector<128xf32>
    %add3A_863 = arith.addf %add3A_854, %get3A_862 : vector<128xf32>
    %mul3A_864 = arith.constant 1024 : i32
    %mul3A_865 = arith.muli %arg0, %mul3A_864 : i32
    %add3A_866 = arith.constant 262912 : i32
    %add3A_867 = arith.addi %add3A_866, %mul3A_865 : i32
    %add3A_868 = arith.constant 256 : i32
    %add3A_869 = arith.addi %add3A_867, %add3A_868 : i32
    %get3A_870 = arith.index_cast %add3A_869 : i32 to index
    %get3A_871 = vector.load %arg3[%get3A_870] : memref<324608xf32, #tpu.memory_space<vmem>>, vector<128xf32>
    %add3A_872 = arith.addf %add3A_863, %get3A_871 : vector<128xf32>
    %mul3A_873 = arith.constant 1024 : i32
    %mul3A_874 = arith.muli %arg0, %mul3A_873 : i32
    %add3A_875 = arith.constant 273024 : i32
    %add3A_876 = arith.addi %add3A_875, %mul3A_874 : i32
    %add3A_877 = arith.constant 256 : i32
    %add3A_878 = arith.addi %add3A_876, %add3A_877 : i32
    %get3A_879 = arith.index_cast %add3A_878 : i32 to index
    %get3A_880 = vector.load %arg3[%get3A_879] : memref<324608xf32, #tpu.memory_space<vmem>>, vector<128xf32>
    %add3A_881 = arith.addf %add3A_872, %get3A_880 : vector<128xf32>
    %mul3A_882 = arith.constant 1024 : i32
    %mul3A_883 = arith.muli %arg0, %mul3A_882 : i32
    %add3A_884 = arith.constant 283136 : i32
    %add3A_885 = arith.addi %add3A_884, %mul3A_883 : i32
    %add3A_886 = arith.constant 256 : i32
    %add3A_887 = arith.addi %add3A_885, %add3A_886 : i32
    %get3A_888 = arith.index_cast %add3A_887 : i32 to index
    %get3A_889 = vector.load %arg3[%get3A_888] : memref<324608xf32, #tpu.memory_space<vmem>>, vector<128xf32>
    %add3A_890 = arith.addf %add3A_881, %get3A_889 : vector<128xf32>
    %mul3A_891 = arith.constant 1024 : i32
    %mul3A_892 = arith.muli %arg0, %mul3A_891 : i32
    %add3A_893 = arith.constant 293248 : i32
    %add3A_894 = arith.addi %add3A_893, %mul3A_892 : i32
    %add3A_895 = arith.constant 256 : i32
    %add3A_896 = arith.addi %add3A_894, %add3A_895 : i32
    %get3A_897 = arith.index_cast %add3A_896 : i32 to index
    %get3A_898 = vector.load %arg3[%get3A_897] : memref<324608xf32, #tpu.memory_space<vmem>>, vector<128xf32>
    %add3A_899 = arith.addf %add3A_890, %get3A_898 : vector<128xf32>
    %mul3A_900 = arith.constant 1024 : i32
    %mul3A_901 = arith.muli %arg0, %mul3A_900 : i32
    %add3A_902 = arith.constant 303360 : i32
    %add3A_903 = arith.addi %add3A_902, %mul3A_901 : i32
    %add3A_904 = arith.constant 256 : i32
    %add3A_905 = arith.addi %add3A_903, %add3A_904 : i32
    %get3A_906 = arith.index_cast %add3A_905 : i32 to index
    %get3A_907 = vector.load %arg3[%get3A_906] : memref<324608xf32, #tpu.memory_space<vmem>>, vector<128xf32>
    %add3A_908 = arith.addf %add3A_899, %get3A_907 : vector<128xf32>
    %mul3A_909 = arith.constant 1024 : i32
    %mul3A_910 = arith.muli %arg0, %mul3A_909 : i32
    %add3A_911 = arith.constant 313472 : i32
    %add3A_912 = arith.addi %add3A_911, %mul3A_910 : i32
    %add3A_913 = arith.constant 256 : i32
    %add3A_914 = arith.addi %add3A_912, %add3A_913 : i32
    %get3A_915 = arith.index_cast %add3A_914 : i32 to index
    %get3A_916 = vector.load %arg3[%get3A_915] : memref<324608xf32, #tpu.memory_space<vmem>>, vector<128xf32>
    %add3A_917 = arith.addf %add3A_908, %get3A_916 : vector<128xf32>
    %max3A_918 = arith.constant 1.000000e+00 : f32
    %max3A_919 = vector.broadcast %max3A_918 : f32 to vector<128xf32>
    %max3A_920 = arith.maximumf %add3A_917, %max3A_919 : vector<128xf32>
    %div3A_921 = arith.constant 1.000000e+00 : f32
    %div3A_922 = vector.broadcast %div3A_921 : f32 to vector<128xf32>
    %div3A_923 = arith.divf %div3A_922, %max3A_920 : vector<128xf32>
    %reshape3A_924 = vector.shape_cast %div3A_923 : vector<128xf32> to vector<1x128xf32>
    %broadcast_in_dim3A_925 = vector.shape_cast %reshape3A_924 : vector<1x128xf32> to vector<1x128xf32>
    %broadcast_in_dim3A_926 = vector.broadcast %broadcast_in_dim3A_925 : vector<1x128xf32> to vector<128x128xf32>
    %jit3A_927 = arith.constant 0.000000e+00 : f32
    %broadcast_in_dim3A_928 = vector.broadcast %jit3A_927 : f32 to vector<128x128xf32>
    %select_n3A_929 = arith.select %eq3A, %broadcast_in_dim3A_926, %broadcast_in_dim3A_928 : vector<128x128xi1>, vector<128x128xf32>
    %slice3A_930 = vector.extract_strided_slice %add3A_28 {offsets = [256, 0], sizes = [128, 128], strides = [1, 1]} : vector<1024x128xf32> to vector<128x128xf32>
    %dot_general3A_931 = arith.constant dense<0.000000e+00> : vector<128x128xf32>
    %dot_general3A_932 = tpu.matmul %select_n3A_929, %slice3A_930, %dot_general3A_931 {dimension_numbers = #tpu.dot_dimension_numbers<[1], [0], [0], [1], [0, 0, 1, 1], [], []>, transpose_lhs_hint = false} : vector<128x128xf32>, vector<128x128xf32>, vector<128x128xf32> -> vector<128x128xf32>
    %dot_general3A_933 = arith.constant dense<0.000000e+00> : vector<128x128xf32>
    %dot_general3A_934 = tpu.matmul %dot_general3A_932, %add3A_17, %dot_general3A_933 {dimension_numbers = #tpu.dot_dimension_numbers<[1], [0], [0], [1], [0, 0, 1, 1], [], []>, transpose_lhs_hint = false} : vector<128x128xf32>, vector<128x128xf32>, vector<128x128xf32> -> vector<128x128xf32>
    %swap3A_935 = arith.constant 256 : index
    %swap3A_936 = arith.constant 0 : index
    %swap3A_937 = vector.load %arg6[%swap3A_935, %swap3A_936] : memref<1024x128xf32, #tpu.memory_space<vmem>>, vector<128x128xf32>
    tpu.vector_store %arg6[%swap3A_935, %swap3A_936], %dot_general3A_934 {strides = array<i32>} : memref<1024x128xf32, #tpu.memory_space<vmem>>, vector<128x128xf32>,
    %mul3A_938 = arith.constant 1024 : i32
    %mul3A_939 = arith.muli %arg0, %mul3A_938 : i32
    %add3A_940 = arith.constant 384 : i32
    %add3A_941 = arith.addi %mul3A_939, %add3A_940 : i32
    %get3A_942 = arith.index_cast %add3A_941 : i32 to index
    %get3A_943 = vector.load %arg3[%get3A_942] : memref<324608xf32, #tpu.memory_space<vmem>>, vector<128xf32>
    %mul3A_944 = arith.constant 1024 : i32
    %mul3A_945 = arith.muli %arg0, %mul3A_944 : i32
    %add3A_946 = arith.constant 10112 : i32
    %add3A_947 = arith.addi %add3A_946, %mul3A_945 : i32
    %add3A_948 = arith.constant 384 : i32
    %add3A_949 = arith.addi %add3A_947, %add3A_948 : i32
    %get3A_950 = arith.index_cast %add3A_949 : i32 to index
    %get3A_951 = vector.load %arg3[%get3A_950] : memref<324608xf32, #tpu.memory_space<vmem>>, vector<128xf32>
    %add3A_952 = arith.addf %get3A_943, %get3A_951 : vector<128xf32>
    %mul3A_953 = arith.constant 1024 : i32
    %mul3A_954 = arith.muli %arg0, %mul3A_953 : i32
    %add3A_955 = arith.constant 20224 : i32
    %add3A_956 = arith.addi %add3A_955, %mul3A_954 : i32
    %add3A_957 = arith.constant 384 : i32
    %add3A_958 = arith.addi %add3A_956, %add3A_957 : i32
    %get3A_959 = arith.index_cast %add3A_958 : i32 to index
    %get3A_960 = vector.load %arg3[%get3A_959] : memref<324608xf32, #tpu.memory_space<vmem>>, vector<128xf32>
    %add3A_961 = arith.addf %add3A_952, %get3A_960 : vector<128xf32>
    %mul3A_962 = arith.constant 1024 : i32
    %mul3A_963 = arith.muli %arg0, %mul3A_962 : i32
    %add3A_964 = arith.constant 30336 : i32
    %add3A_965 = arith.addi %add3A_964, %mul3A_963 : i32
    %add3A_966 = arith.constant 384 : i32
    %add3A_967 = arith.addi %add3A_965, %add3A_966 : i32
    %get3A_968 = arith.index_cast %add3A_967 : i32 to index
    %get3A_969 = vector.load %arg3[%get3A_968] : memref<324608xf32, #tpu.memory_space<vmem>>, vector<128xf32>
    %add3A_970 = arith.addf %add3A_961, %get3A_969 : vector<128xf32>
    %mul3A_971 = arith.constant 1024 : i32
    %mul3A_972 = arith.muli %arg0, %mul3A_971 : i32
    %add3A_973 = arith.constant 40448 : i32
    %add3A_974 = arith.addi %add3A_973, %mul3A_972 : i32
    %add3A_975 = arith.constant 384 : i32
    %add3A_976 = arith.addi %add3A_974, %add3A_975 : i32
    %get3A_977 = arith.index_cast %add3A_976 : i32 to index
    %get3A_978 = vector.load %arg3[%get3A_977] : memref<324608xf32, #tpu.memory_space<vmem>>, vector<128xf32>
    %add3A_979 = arith.addf %add3A_970, %get3A_978 : vector<128xf32>
    %mul3A_980 = arith.constant 1024 : i32
    %mul3A_981 = arith.muli %arg0, %mul3A_980 : i32
    %add3A_982 = arith.constant 50560 : i32
    %add3A_983 = arith.addi %add3A_982, %mul3A_981 : i32
    %add3A_984 = arith.constant 384 : i32
    %add3A_985 = arith.addi %add3A_983, %add3A_984 : i32
    %get3A_986 = arith.index_cast %add3A_985 : i32 to index
    %get3A_987 = vector.load %arg3[%get3A_986] : memref<324608xf32, #tpu.memory_space<vmem>>, vector<128xf32>
    %add3A_988 = arith.addf %add3A_979, %get3A_987 : vector<128xf32>
    %mul3A_989 = arith.constant 1024 : i32
    %mul3A_990 = arith.muli %arg0, %mul3A_989 : i32
    %add3A_991 = arith.constant 60672 : i32
    %add3A_992 = arith.addi %add3A_991, %mul3A_990 : i32
    %add3A_993 = arith.constant 384 : i32
    %add3A_994 = arith.addi %add3A_992, %add3A_993 : i32
    %get3A_995 = arith.index_cast %add3A_994 : i32 to index
    %get3A_996 = vector.load %arg3[%get3A_995] : memref<324608xf32, #tpu.memory_space<vmem>>, vector<128xf32>
    %add3A_997 = arith.addf %add3A_988, %get3A_996 : vector<128xf32>
    %mul3A_998 = arith.constant 1024 : i32
    %mul3A_999 = arith.muli %arg0, %mul3A_998 : i32
    %add3A_1000 = arith.constant 70784 : i32
    %add3A_1001 = arith.addi %add3A_1000, %mul3A_999 : i32
    %add3A_1002 = arith.constant 384 : i32
    %add3A_1003 = arith.addi %add3A_1001, %add3A_1002 : i32
    %get3A_1004 = arith.index_cast %add3A_1003 : i32 to index
    %get3A_1005 = vector.load %arg3[%get3A_1004] : memref<324608xf32, #tpu.memory_space<vmem>>, vector<128xf32>
    %add3A_1006 = arith.addf %add3A_997, %get3A_1005 : vector<128xf32>
    %mul3A_1007 = arith.constant 1024 : i32
    %mul3A_1008 = arith.muli %arg0, %mul3A_1007 : i32
    %add3A_1009 = arith.constant 80896 : i32
    %add3A_1010 = arith.addi %add3A_1009, %mul3A_1008 : i32
    %add3A_1011 = arith.constant 384 : i32
    %add3A_1012 = arith.addi %add3A_1010, %add3A_1011 : i32
    %get3A_1013 = arith.index_cast %add3A_1012 : i32 to index
    %get3A_1014 = vector.load %arg3[%get3A_1013] : memref<324608xf32, #tpu.memory_space<vmem>>, vector<128xf32>
    %add3A_1015 = arith.addf %add3A_1006, %get3A_1014 : vector<128xf32>
    %mul3A_1016 = arith.constant 1024 : i32
    %mul3A_1017 = arith.muli %arg0, %mul3A_1016 : i32
    %add3A_1018 = arith.constant 91008 : i32
    %add3A_1019 = arith.addi %add3A_1018, %mul3A_1017 : i32
    %add3A_1020 = arith.constant 384 : i32
    %add3A_1021 = arith.addi %add3A_1019, %add3A_1020 : i32
    %get3A_1022 = arith.index_cast %add3A_1021 : i32 to index
    %get3A_1023 = vector.load %arg3[%get3A_1022] : memref<324608xf32, #tpu.memory_space<vmem>>, vector<128xf32>
    %add3A_1024 = arith.addf %add3A_1015, %get3A_1023 : vector<128xf32>
    %mul3A_1025 = arith.constant 1024 : i32
    %mul3A_1026 = arith.muli %arg0, %mul3A_1025 : i32
    %add3A_1027 = arith.constant 101120 : i32
    %add3A_1028 = arith.addi %add3A_1027, %mul3A_1026 : i32
    %add3A_1029 = arith.constant 384 : i32
    %add3A_1030 = arith.addi %add3A_1028, %add3A_1029 : i32
    %get3A_1031 = arith.index_cast %add3A_1030 : i32 to index
    %get3A_1032 = vector.load %arg3[%get3A_1031] : memref<324608xf32, #tpu.memory_space<vmem>>, vector<128xf32>
    %add3A_1033 = arith.addf %add3A_1024, %get3A_1032 : vector<128xf32>
    %mul3A_1034 = arith.constant 1024 : i32
    %mul3A_1035 = arith.muli %arg0, %mul3A_1034 : i32
    %add3A_1036 = arith.constant 111232 : i32
    %add3A_1037 = arith.addi %add3A_1036, %mul3A_1035 : i32
    %add3A_1038 = arith.constant 384 : i32
    %add3A_1039 = arith.addi %add3A_1037, %add3A_1038 : i32
    %get3A_1040 = arith.index_cast %add3A_1039 : i32 to index
    %get3A_1041 = vector.load %arg3[%get3A_1040] : memref<324608xf32, #tpu.memory_space<vmem>>, vector<128xf32>
    %add3A_1042 = arith.addf %add3A_1033, %get3A_1041 : vector<128xf32>
    %mul3A_1043 = arith.constant 1024 : i32
    %mul3A_1044 = arith.muli %arg0, %mul3A_1043 : i32
    %add3A_1045 = arith.constant 121344 : i32
    %add3A_1046 = arith.addi %add3A_1045, %mul3A_1044 : i32
    %add3A_1047 = arith.constant 384 : i32
    %add3A_1048 = arith.addi %add3A_1046, %add3A_1047 : i32
    %get3A_1049 = arith.index_cast %add3A_1048 : i32 to index
    %get3A_1050 = vector.load %arg3[%get3A_1049] : memref<324608xf32, #tpu.memory_space<vmem>>, vector<128xf32>
    %add3A_1051 = arith.addf %add3A_1042, %get3A_1050 : vector<128xf32>
    %mul3A_1052 = arith.constant 1024 : i32
    %mul3A_1053 = arith.muli %arg0, %mul3A_1052 : i32
    %add3A_1054 = arith.constant 131456 : i32
    %add3A_1055 = arith.addi %add3A_1054, %mul3A_1053 : i32
    %add3A_1056 = arith.constant 384 : i32
    %add3A_1057 = arith.addi %add3A_1055, %add3A_1056 : i32
    %get3A_1058 = arith.index_cast %add3A_1057 : i32 to index
    %get3A_1059 = vector.load %arg3[%get3A_1058] : memref<324608xf32, #tpu.memory_space<vmem>>, vector<128xf32>
    %add3A_1060 = arith.addf %add3A_1051, %get3A_1059 : vector<128xf32>
    %mul3A_1061 = arith.constant 1024 : i32
    %mul3A_1062 = arith.muli %arg0, %mul3A_1061 : i32
    %add3A_1063 = arith.constant 141568 : i32
    %add3A_1064 = arith.addi %add3A_1063, %mul3A_1062 : i32
    %add3A_1065 = arith.constant 384 : i32
    %add3A_1066 = arith.addi %add3A_1064, %add3A_1065 : i32
    %get3A_1067 = arith.index_cast %add3A_1066 : i32 to index
    %get3A_1068 = vector.load %arg3[%get3A_1067] : memref<324608xf32, #tpu.memory_space<vmem>>, vector<128xf32>
    %add3A_1069 = arith.addf %add3A_1060, %get3A_1068 : vector<128xf32>
    %mul3A_1070 = arith.constant 1024 : i32
    %mul3A_1071 = arith.muli %arg0, %mul3A_1070 : i32
    %add3A_1072 = arith.constant 151680 : i32
    %add3A_1073 = arith.addi %add3A_1072, %mul3A_1071 : i32
    %add3A_1074 = arith.constant 384 : i32
    %add3A_1075 = arith.addi %add3A_1073, %add3A_1074 : i32
    %get3A_1076 = arith.index_cast %add3A_1075 : i32 to index
    %get3A_1077 = vector.load %arg3[%get3A_1076] : memref<324608xf32, #tpu.memory_space<vmem>>, vector<128xf32>
    %add3A_1078 = arith.addf %add3A_1069, %get3A_1077 : vector<128xf32>
    %mul3A_1079 = arith.constant 1024 : i32
    %mul3A_1080 = arith.muli %arg0, %mul3A_1079 : i32
    %add3A_1081 = arith.constant 161792 : i32
    %add3A_1082 = arith.addi %add3A_1081, %mul3A_1080 : i32
    %add3A_1083 = arith.constant 384 : i32
    %add3A_1084 = arith.addi %add3A_1082, %add3A_1083 : i32
    %get3A_1085 = arith.index_cast %add3A_1084 : i32 to index
    %get3A_1086 = vector.load %arg3[%get3A_1085] : memref<324608xf32, #tpu.memory_space<vmem>>, vector<128xf32>
    %add3A_1087 = arith.addf %add3A_1078, %get3A_1086 : vector<128xf32>
    %mul3A_1088 = arith.constant 1024 : i32
    %mul3A_1089 = arith.muli %arg0, %mul3A_1088 : i32
    %add3A_1090 = arith.constant 171904 : i32
    %add3A_1091 = arith.addi %add3A_1090, %mul3A_1089 : i32
    %add3A_1092 = arith.constant 384 : i32
    %add3A_1093 = arith.addi %add3A_1091, %add3A_1092 : i32
    %get3A_1094 = arith.index_cast %add3A_1093 : i32 to index
    %get3A_1095 = vector.load %arg3[%get3A_1094] : memref<324608xf32, #tpu.memory_space<vmem>>, vector<128xf32>
    %add3A_1096 = arith.addf %add3A_1087, %get3A_1095 : vector<128xf32>
    %mul3A_1097 = arith.constant 1024 : i32
    %mul3A_1098 = arith.muli %arg0, %mul3A_1097 : i32
    %add3A_1099 = arith.constant 182016 : i32
    %add3A_1100 = arith.addi %add3A_1099, %mul3A_1098 : i32
    %add3A_1101 = arith.constant 384 : i32
    %add3A_1102 = arith.addi %add3A_1100, %add3A_1101 : i32
    %get3A_1103 = arith.index_cast %add3A_1102 : i32 to index
    %get3A_1104 = vector.load %arg3[%get3A_1103] : memref<324608xf32, #tpu.memory_space<vmem>>, vector<128xf32>
    %add3A_1105 = arith.addf %add3A_1096, %get3A_1104 : vector<128xf32>
    %mul3A_1106 = arith.constant 1024 : i32
    %mul3A_1107 = arith.muli %arg0, %mul3A_1106 : i32
    %add3A_1108 = arith.constant 192128 : i32
    %add3A_1109 = arith.addi %add3A_1108, %mul3A_1107 : i32
    %add3A_1110 = arith.constant 384 : i32
    %add3A_1111 = arith.addi %add3A_1109, %add3A_1110 : i32
    %get3A_1112 = arith.index_cast %add3A_1111 : i32 to index
    %get3A_1113 = vector.load %arg3[%get3A_1112] : memref<324608xf32, #tpu.memory_space<vmem>>, vector<128xf32>
    %add3A_1114 = arith.addf %add3A_1105, %get3A_1113 : vector<128xf32>
    %mul3A_1115 = arith.constant 1024 : i32
    %mul3A_1116 = arith.muli %arg0, %mul3A_1115 : i32
    %add3A_1117 = arith.constant 202240 : i32
    %add3A_1118 = arith.addi %add3A_1117, %mul3A_1116 : i32
    %add3A_1119 = arith.constant 384 : i32
    %add3A_1120 = arith.addi %add3A_1118, %add3A_1119 : i32
    %get3A_1121 = arith.index_cast %add3A_1120 : i32 to index
    %get3A_1122 = vector.load %arg3[%get3A_1121] : memref<324608xf32, #tpu.memory_space<vmem>>, vector<128xf32>
    %add3A_1123 = arith.addf %add3A_1114, %get3A_1122 : vector<128xf32>
    %mul3A_1124 = arith.constant 1024 : i32
    %mul3A_1125 = arith.muli %arg0, %mul3A_1124 : i32
    %add3A_1126 = arith.constant 212352 : i32
    %add3A_1127 = arith.addi %add3A_1126, %mul3A_1125 : i32
    %add3A_1128 = arith.constant 384 : i32
    %add3A_1129 = arith.addi %add3A_1127, %add3A_1128 : i32
    %get3A_1130 = arith.index_cast %add3A_1129 : i32 to index
    %get3A_1131 = vector.load %arg3[%get3A_1130] : memref<324608xf32, #tpu.memory_space<vmem>>, vector<128xf32>
    %add3A_1132 = arith.addf %add3A_1123, %get3A_1131 : vector<128xf32>
    %mul3A_1133 = arith.constant 1024 : i32
    %mul3A_1134 = arith.muli %arg0, %mul3A_1133 : i32
    %add3A_1135 = arith.constant 222464 : i32
    %add3A_1136 = arith.addi %add3A_1135, %mul3A_1134 : i32
    %add3A_1137 = arith.constant 384 : i32
    %add3A_1138 = arith.addi %add3A_1136, %add3A_1137 : i32
    %get3A_1139 = arith.index_cast %add3A_1138 : i32 to index
    %get3A_1140 = vector.load %arg3[%get3A_1139] : memref<324608xf32, #tpu.memory_space<vmem>>, vector<128xf32>
    %add3A_1141 = arith.addf %add3A_1132, %get3A_1140 : vector<128xf32>
    %mul3A_1142 = arith.constant 1024 : i32
    %mul3A_1143 = arith.muli %arg0, %mul3A_1142 : i32
    %add3A_1144 = arith.constant 232576 : i32
    %add3A_1145 = arith.addi %add3A_1144, %mul3A_1143 : i32
    %add3A_1146 = arith.constant 384 : i32
    %add3A_1147 = arith.addi %add3A_1145, %add3A_1146 : i32
    %get3A_1148 = arith.index_cast %add3A_1147 : i32 to index
    %get3A_1149 = vector.load %arg3[%get3A_1148] : memref<324608xf32, #tpu.memory_space<vmem>>, vector<128xf32>
    %add3A_1150 = arith.addf %add3A_1141, %get3A_1149 : vector<128xf32>
    %mul3A_1151 = arith.constant 1024 : i32
    %mul3A_1152 = arith.muli %arg0, %mul3A_1151 : i32
    %add3A_1153 = arith.constant 242688 : i32
    %add3A_1154 = arith.addi %add3A_1153, %mul3A_1152 : i32
    %add3A_1155 = arith.constant 384 : i32
    %add3A_1156 = arith.addi %add3A_1154, %add3A_1155 : i32
    %get3A_1157 = arith.index_cast %add3A_1156 : i32 to index
    %get3A_1158 = vector.load %arg3[%get3A_1157] : memref<324608xf32, #tpu.memory_space<vmem>>, vector<128xf32>
    %add3A_1159 = arith.addf %add3A_1150, %get3A_1158 : vector<128xf32>
    %mul3A_1160 = arith.constant 1024 : i32
    %mul3A_1161 = arith.muli %arg0, %mul3A_1160 : i32
    %add3A_1162 = arith.constant 252800 : i32
    %add3A_1163 = arith.addi %add3A_1162, %mul3A_1161 : i32
    %add3A_1164 = arith.constant 384 : i32
    %add3A_1165 = arith.addi %add3A_1163, %add3A_1164 : i32
    %get3A_1166 = arith.index_cast %add3A_1165 : i32 to index
    %get3A_1167 = vector.load %arg3[%get3A_1166] : memref<324608xf32, #tpu.memory_space<vmem>>, vector<128xf32>
    %add3A_1168 = arith.addf %add3A_1159, %get3A_1167 : vector<128xf32>
    %mul3A_1169 = arith.constant 1024 : i32
    %mul3A_1170 = arith.muli %arg0, %mul3A_1169 : i32
    %add3A_1171 = arith.constant 262912 : i32
    %add3A_1172 = arith.addi %add3A_1171, %mul3A_1170 : i32
    %add3A_1173 = arith.constant 384 : i32
    %add3A_1174 = arith.addi %add3A_1172, %add3A_1173 : i32
    %get3A_1175 = arith.index_cast %add3A_1174 : i32 to index
    %get3A_1176 = vector.load %arg3[%get3A_1175] : memref<324608xf32, #tpu.memory_space<vmem>>, vector<128xf32>
    %add3A_1177 = arith.addf %add3A_1168, %get3A_1176 : vector<128xf32>
    %mul3A_1178 = arith.constant 1024 : i32
    %mul3A_1179 = arith.muli %arg0, %mul3A_1178 : i32
    %add3A_1180 = arith.constant 273024 : i32
    %add3A_1181 = arith.addi %add3A_1180, %mul3A_1179 : i32
    %add3A_1182 = arith.constant 384 : i32
    %add3A_1183 = arith.addi %add3A_1181, %add3A_1182 : i32
    %get3A_1184 = arith.index_cast %add3A_1183 : i32 to index
    %get3A_1185 = vector.load %arg3[%get3A_1184] : memref<324608xf32, #tpu.memory_space<vmem>>, vector<128xf32>
    %add3A_1186 = arith.addf %add3A_1177, %get3A_1185 : vector<128xf32>
    %mul3A_1187 = arith.constant 1024 : i32
    %mul3A_1188 = arith.muli %arg0, %mul3A_1187 : i32
    %add3A_1189 = arith.constant 283136 : i32
    %add3A_1190 = arith.addi %add3A_1189, %mul3A_1188 : i32
    %add3A_1191 = arith.constant 384 : i32
    %add3A_1192 = arith.addi %add3A_1190, %add3A_1191 : i32
    %get3A_1193 = arith.index_cast %add3A_1192 : i32 to index
    %get3A_1194 = vector.load %arg3[%get3A_1193] : memref<324608xf32, #tpu.memory_space<vmem>>, vector<128xf32>
    %add3A_1195 = arith.addf %add3A_1186, %get3A_1194 : vector<128xf32>
    %mul3A_1196 = arith.constant 1024 : i32
    %mul3A_1197 = arith.muli %arg0, %mul3A_1196 : i32
    %add3A_1198 = arith.constant 293248 : i32
    %add3A_1199 = arith.addi %add3A_1198, %mul3A_1197 : i32
    %add3A_1200 = arith.constant 384 : i32
    %add3A_1201 = arith.addi %add3A_1199, %add3A_1200 : i32
    %get3A_1202 = arith.index_cast %add3A_1201 : i32 to index
    %get3A_1203 = vector.load %arg3[%get3A_1202] : memref<324608xf32, #tpu.memory_space<vmem>>, vector<128xf32>
    %add3A_1204 = arith.addf %add3A_1195, %get3A_1203 : vector<128xf32>
    %mul3A_1205 = arith.constant 1024 : i32
    %mul3A_1206 = arith.muli %arg0, %mul3A_1205 : i32
    %add3A_1207 = arith.constant 303360 : i32
    %add3A_1208 = arith.addi %add3A_1207, %mul3A_1206 : i32
    %add3A_1209 = arith.constant 384 : i32
    %add3A_1210 = arith.addi %add3A_1208, %add3A_1209 : i32
    %get3A_1211 = arith.index_cast %add3A_1210 : i32 to index
    %get3A_1212 = vector.load %arg3[%get3A_1211] : memref<324608xf32, #tpu.memory_space<vmem>>, vector<128xf32>
    %add3A_1213 = arith.addf %add3A_1204, %get3A_1212 : vector<128xf32>
    %mul3A_1214 = arith.constant 1024 : i32
    %mul3A_1215 = arith.muli %arg0, %mul3A_1214 : i32
    %add3A_1216 = arith.constant 313472 : i32
    %add3A_1217 = arith.addi %add3A_1216, %mul3A_1215 : i32
    %add3A_1218 = arith.constant 384 : i32
    %add3A_1219 = arith.addi %add3A_1217, %add3A_1218 : i32
    %get3A_1220 = arith.index_cast %add3A_1219 : i32 to index
    %get3A_1221 = vector.load %arg3[%get3A_1220] : memref<324608xf32, #tpu.memory_space<vmem>>, vector<128xf32>
    %add3A_1222 = arith.addf %add3A_1213, %get3A_1221 : vector<128xf32>
    %max3A_1223 = arith.constant 1.000000e+00 : f32
    %max3A_1224 = vector.broadcast %max3A_1223 : f32 to vector<128xf32>
    %max3A_1225 = arith.maximumf %add3A_1222, %max3A_1224 : vector<128xf32>
    %div3A_1226 = arith.constant 1.000000e+00 : f32
    %div3A_1227 = vector.broadcast %div3A_1226 : f32 to vector<128xf32>
    %div3A_1228 = arith.divf %div3A_1227, %max3A_1225 : vector<128xf32>
    %reshape3A_1229 = vector.shape_cast %div3A_1228 : vector<128xf32> to vector<1x128xf32>
    %broadcast_in_dim3A_1230 = vector.shape_cast %reshape3A_1229 : vector<1x128xf32> to vector<1x128xf32>
    %broadcast_in_dim3A_1231 = vector.broadcast %broadcast_in_dim3A_1230 : vector<1x128xf32> to vector<128x128xf32>
    %jit3A_1232 = arith.constant 0.000000e+00 : f32
    %broadcast_in_dim3A_1233 = vector.broadcast %jit3A_1232 : f32 to vector<128x128xf32>
    %select_n3A_1234 = arith.select %eq3A, %broadcast_in_dim3A_1231, %broadcast_in_dim3A_1233 : vector<128x128xi1>, vector<128x128xf32>
    %slice3A_1235 = vector.extract_strided_slice %add3A_28 {offsets = [384, 0], sizes = [128, 128], strides = [1, 1]} : vector<1024x128xf32> to vector<128x128xf32>
    %dot_general3A_1236 = arith.constant dense<0.000000e+00> : vector<128x128xf32>
    %dot_general3A_1237 = tpu.matmul %select_n3A_1234, %slice3A_1235, %dot_general3A_1236 {dimension_numbers = #tpu.dot_dimension_numbers<[1], [0], [0], [1], [0, 0, 1, 1], [], []>, transpose_lhs_hint = false} : vector<128x128xf32>, vector<128x128xf32>, vector<128x128xf32> -> vector<128x128xf32>
    %dot_general3A_1238 = arith.constant dense<0.000000e+00> : vector<128x128xf32>
    %dot_general3A_1239 = tpu.matmul %dot_general3A_1237, %add3A_17, %dot_general3A_1238 {dimension_numbers = #tpu.dot_dimension_numbers<[1], [0], [0], [1], [0, 0, 1, 1], [], []>, transpose_lhs_hint = false} : vector<128x128xf32>, vector<128x128xf32>, vector<128x128xf32> -> vector<128x128xf32>
    %swap3A_1240 = arith.constant 384 : index
    %swap3A_1241 = arith.constant 0 : index
    %swap3A_1242 = vector.load %arg6[%swap3A_1240, %swap3A_1241] : memref<1024x128xf32, #tpu.memory_space<vmem>>, vector<128x128xf32>
    tpu.vector_store %arg6[%swap3A_1240, %swap3A_1241], %dot_general3A_1239 {strides = array<i32>} : memref<1024x128xf32, #tpu.memory_space<vmem>>, vector<128x128xf32>,
    %mul3A_1243 = arith.constant 1024 : i32
    %mul3A_1244 = arith.muli %arg0, %mul3A_1243 : i32
    %add3A_1245 = arith.constant 512 : i32
    %add3A_1246 = arith.addi %mul3A_1244, %add3A_1245 : i32
    %get3A_1247 = arith.index_cast %add3A_1246 : i32 to index
    %get3A_1248 = vector.load %arg3[%get3A_1247] : memref<324608xf32, #tpu.memory_space<vmem>>, vector<128xf32>
    %mul3A_1249 = arith.constant 1024 : i32
    %mul3A_1250 = arith.muli %arg0, %mul3A_1249 : i32
    %add3A_1251 = arith.constant 10112 : i32
    %add3A_1252 = arith.addi %add3A_1251, %mul3A_1250 : i32
    %add3A_1253 = arith.constant 512 : i32
    %add3A_1254 = arith.addi %add3A_1252, %add3A_1253 : i32
    %get3A_1255 = arith.index_cast %add3A_1254 : i32 to index
    %get3A_1256 = vector.load %arg3[%get3A_1255] : memref<324608xf32, #tpu.memory_space<vmem>>, vector<128xf32>
    %add3A_1257 = arith.addf %get3A_1248, %get3A_1256 : vector<128xf32>
    %mul3A_1258 = arith.constant 1024 : i32
    %mul3A_1259 = arith.muli %arg0, %mul3A_1258 : i32
    %add3A_1260 = arith.constant 20224 : i32
    %add3A_1261 = arith.addi %add3A_1260, %mul3A_1259 : i32
    %add3A_1262 = arith.constant 512 : i32
    %add3A_1263 = arith.addi %add3A_1261, %add3A_1262 : i32
    %get3A_1264 = arith.index_cast %add3A_1263 : i32 to index
    %get3A_1265 = vector.load %arg3[%get3A_1264] : memref<324608xf32, #tpu.memory_space<vmem>>, vector<128xf32>
    %add3A_1266 = arith.addf %add3A_1257, %get3A_1265 : vector<128xf32>
    %mul3A_1267 = arith.constant 1024 : i32
    %mul3A_1268 = arith.muli %arg0, %mul3A_1267 : i32
    %add3A_1269 = arith.constant 30336 : i32
    %add3A_1270 = arith.addi %add3A_1269, %mul3A_1268 : i32
    %add3A_1271 = arith.constant 512 : i32
    %add3A_1272 = arith.addi %add3A_1270, %add3A_1271 : i32
    %get3A_1273 = arith.index_cast %add3A_1272 : i32 to index
    %get3A_1274 = vector.load %arg3[%get3A_1273] : memref<324608xf32, #tpu.memory_space<vmem>>, vector<128xf32>
    %add3A_1275 = arith.addf %add3A_1266, %get3A_1274 : vector<128xf32>
    %mul3A_1276 = arith.constant 1024 : i32
    %mul3A_1277 = arith.muli %arg0, %mul3A_1276 : i32
    %add3A_1278 = arith.constant 40448 : i32
    %add3A_1279 = arith.addi %add3A_1278, %mul3A_1277 : i32
    %add3A_1280 = arith.constant 512 : i32
    %add3A_1281 = arith.addi %add3A_1279, %add3A_1280 : i32
    %get3A_1282 = arith.index_cast %add3A_1281 : i32 to index
    %get3A_1283 = vector.load %arg3[%get3A_1282] : memref<324608xf32, #tpu.memory_space<vmem>>, vector<128xf32>
    %add3A_1284 = arith.addf %add3A_1275, %get3A_1283 : vector<128xf32>
    %mul3A_1285 = arith.constant 1024 : i32
    %mul3A_1286 = arith.muli %arg0, %mul3A_1285 : i32
    %add3A_1287 = arith.constant 50560 : i32
    %add3A_1288 = arith.addi %add3A_1287, %mul3A_1286 : i32
    %add3A_1289 = arith.constant 512 : i32
    %add3A_1290 = arith.addi %add3A_1288, %add3A_1289 : i32
    %get3A_1291 = arith.index_cast %add3A_1290 : i32 to index
    %get3A_1292 = vector.load %arg3[%get3A_1291] : memref<324608xf32, #tpu.memory_space<vmem>>, vector<128xf32>
    %add3A_1293 = arith.addf %add3A_1284, %get3A_1292 : vector<128xf32>
    %mul3A_1294 = arith.constant 1024 : i32
    %mul3A_1295 = arith.muli %arg0, %mul3A_1294 : i32
    %add3A_1296 = arith.constant 60672 : i32
    %add3A_1297 = arith.addi %add3A_1296, %mul3A_1295 : i32
    %add3A_1298 = arith.constant 512 : i32
    %add3A_1299 = arith.addi %add3A_1297, %add3A_1298 : i32
    %get3A_1300 = arith.index_cast %add3A_1299 : i32 to index
    %get3A_1301 = vector.load %arg3[%get3A_1300] : memref<324608xf32, #tpu.memory_space<vmem>>, vector<128xf32>
    %add3A_1302 = arith.addf %add3A_1293, %get3A_1301 : vector<128xf32>
    %mul3A_1303 = arith.constant 1024 : i32
    %mul3A_1304 = arith.muli %arg0, %mul3A_1303 : i32
    %add3A_1305 = arith.constant 70784 : i32
    %add3A_1306 = arith.addi %add3A_1305, %mul3A_1304 : i32
    %add3A_1307 = arith.constant 512 : i32
    %add3A_1308 = arith.addi %add3A_1306, %add3A_1307 : i32
    %get3A_1309 = arith.index_cast %add3A_1308 : i32 to index
    %get3A_1310 = vector.load %arg3[%get3A_1309] : memref<324608xf32, #tpu.memory_space<vmem>>, vector<128xf32>
    %add3A_1311 = arith.addf %add3A_1302, %get3A_1310 : vector<128xf32>
    %mul3A_1312 = arith.constant 1024 : i32
    %mul3A_1313 = arith.muli %arg0, %mul3A_1312 : i32
    %add3A_1314 = arith.constant 80896 : i32
    %add3A_1315 = arith.addi %add3A_1314, %mul3A_1313 : i32
    %add3A_1316 = arith.constant 512 : i32
    %add3A_1317 = arith.addi %add3A_1315, %add3A_1316 : i32
    %get3A_1318 = arith.index_cast %add3A_1317 : i32 to index
    %get3A_1319 = vector.load %arg3[%get3A_1318] : memref<324608xf32, #tpu.memory_space<vmem>>, vector<128xf32>
    %add3A_1320 = arith.addf %add3A_1311, %get3A_1319 : vector<128xf32>
    %mul3A_1321 = arith.constant 1024 : i32
    %mul3A_1322 = arith.muli %arg0, %mul3A_1321 : i32
    %add3A_1323 = arith.constant 91008 : i32
    %add3A_1324 = arith.addi %add3A_1323, %mul3A_1322 : i32
    %add3A_1325 = arith.constant 512 : i32
    %add3A_1326 = arith.addi %add3A_1324, %add3A_1325 : i32
    %get3A_1327 = arith.index_cast %add3A_1326 : i32 to index
    %get3A_1328 = vector.load %arg3[%get3A_1327] : memref<324608xf32, #tpu.memory_space<vmem>>, vector<128xf32>
    %add3A_1329 = arith.addf %add3A_1320, %get3A_1328 : vector<128xf32>
    %mul3A_1330 = arith.constant 1024 : i32
    %mul3A_1331 = arith.muli %arg0, %mul3A_1330 : i32
    %add3A_1332 = arith.constant 101120 : i32
    %add3A_1333 = arith.addi %add3A_1332, %mul3A_1331 : i32
    %add3A_1334 = arith.constant 512 : i32
    %add3A_1335 = arith.addi %add3A_1333, %add3A_1334 : i32
    %get3A_1336 = arith.index_cast %add3A_1335 : i32 to index
    %get3A_1337 = vector.load %arg3[%get3A_1336] : memref<324608xf32, #tpu.memory_space<vmem>>, vector<128xf32>
    %add3A_1338 = arith.addf %add3A_1329, %get3A_1337 : vector<128xf32>
    %mul3A_1339 = arith.constant 1024 : i32
    %mul3A_1340 = arith.muli %arg0, %mul3A_1339 : i32
    %add3A_1341 = arith.constant 111232 : i32
    %add3A_1342 = arith.addi %add3A_1341, %mul3A_1340 : i32
    %add3A_1343 = arith.constant 512 : i32
    %add3A_1344 = arith.addi %add3A_1342, %add3A_1343 : i32
    %get3A_1345 = arith.index_cast %add3A_1344 : i32 to index
    %get3A_1346 = vector.load %arg3[%get3A_1345] : memref<324608xf32, #tpu.memory_space<vmem>>, vector<128xf32>
    %add3A_1347 = arith.addf %add3A_1338, %get3A_1346 : vector<128xf32>
    %mul3A_1348 = arith.constant 1024 : i32
    %mul3A_1349 = arith.muli %arg0, %mul3A_1348 : i32
    %add3A_1350 = arith.constant 121344 : i32
    %add3A_1351 = arith.addi %add3A_1350, %mul3A_1349 : i32
    %add3A_1352 = arith.constant 512 : i32
    %add3A_1353 = arith.addi %add3A_1351, %add3A_1352 : i32
    %get3A_1354 = arith.index_cast %add3A_1353 : i32 to index
    %get3A_1355 = vector.load %arg3[%get3A_1354] : memref<324608xf32, #tpu.memory_space<vmem>>, vector<128xf32>
    %add3A_1356 = arith.addf %add3A_1347, %get3A_1355 : vector<128xf32>
    %mul3A_1357 = arith.constant 1024 : i32
    %mul3A_1358 = arith.muli %arg0, %mul3A_1357 : i32
    %add3A_1359 = arith.constant 131456 : i32
    %add3A_1360 = arith.addi %add3A_1359, %mul3A_1358 : i32
    %add3A_1361 = arith.constant 512 : i32
    %add3A_1362 = arith.addi %add3A_1360, %add3A_1361 : i32
    %get3A_1363 = arith.index_cast %add3A_1362 : i32 to index
    %get3A_1364 = vector.load %arg3[%get3A_1363] : memref<324608xf32, #tpu.memory_space<vmem>>, vector<128xf32>
    %add3A_1365 = arith.addf %add3A_1356, %get3A_1364 : vector<128xf32>
    %mul3A_1366 = arith.constant 1024 : i32
    %mul3A_1367 = arith.muli %arg0, %mul3A_1366 : i32
    %add3A_1368 = arith.constant 141568 : i32
    %add3A_1369 = arith.addi %add3A_1368, %mul3A_1367 : i32
    %add3A_1370 = arith.constant 512 : i32
    %add3A_1371 = arith.addi %add3A_1369, %add3A_1370 : i32
    %get3A_1372 = arith.index_cast %add3A_1371 : i32 to index
    %get3A_1373 = vector.load %arg3[%get3A_1372] : memref<324608xf32, #tpu.memory_space<vmem>>, vector<128xf32>
    %add3A_1374 = arith.addf %add3A_1365, %get3A_1373 : vector<128xf32>
    %mul3A_1375 = arith.constant 1024 : i32
    %mul3A_1376 = arith.muli %arg0, %mul3A_1375 : i32
    %add3A_1377 = arith.constant 151680 : i32
    %add3A_1378 = arith.addi %add3A_1377, %mul3A_1376 : i32
    %add3A_1379 = arith.constant 512 : i32
    %add3A_1380 = arith.addi %add3A_1378, %add3A_1379 : i32
    %get3A_1381 = arith.index_cast %add3A_1380 : i32 to index
    %get3A_1382 = vector.load %arg3[%get3A_1381] : memref<324608xf32, #tpu.memory_space<vmem>>, vector<128xf32>
    %add3A_1383 = arith.addf %add3A_1374, %get3A_1382 : vector<128xf32>
    %mul3A_1384 = arith.constant 1024 : i32
    %mul3A_1385 = arith.muli %arg0, %mul3A_1384 : i32
    %add3A_1386 = arith.constant 161792 : i32
    %add3A_1387 = arith.addi %add3A_1386, %mul3A_1385 : i32
    %add3A_1388 = arith.constant 512 : i32
    %add3A_1389 = arith.addi %add3A_1387, %add3A_1388 : i32
    %get3A_1390 = arith.index_cast %add3A_1389 : i32 to index
    %get3A_1391 = vector.load %arg3[%get3A_1390] : memref<324608xf32, #tpu.memory_space<vmem>>, vector<128xf32>
    %add3A_1392 = arith.addf %add3A_1383, %get3A_1391 : vector<128xf32>
    %mul3A_1393 = arith.constant 1024 : i32
    %mul3A_1394 = arith.muli %arg0, %mul3A_1393 : i32
    %add3A_1395 = arith.constant 171904 : i32
    %add3A_1396 = arith.addi %add3A_1395, %mul3A_1394 : i32
    %add3A_1397 = arith.constant 512 : i32
    %add3A_1398 = arith.addi %add3A_1396, %add3A_1397 : i32
    %get3A_1399 = arith.index_cast %add3A_1398 : i32 to index
    %get3A_1400 = vector.load %arg3[%get3A_1399] : memref<324608xf32, #tpu.memory_space<vmem>>, vector<128xf32>
    %add3A_1401 = arith.addf %add3A_1392, %get3A_1400 : vector<128xf32>
    %mul3A_1402 = arith.constant 1024 : i32
    %mul3A_1403 = arith.muli %arg0, %mul3A_1402 : i32
    %add3A_1404 = arith.constant 182016 : i32
    %add3A_1405 = arith.addi %add3A_1404, %mul3A_1403 : i32
    %add3A_1406 = arith.constant 512 : i32
    %add3A_1407 = arith.addi %add3A_1405, %add3A_1406 : i32
    %get3A_1408 = arith.index_cast %add3A_1407 : i32 to index
    %get3A_1409 = vector.load %arg3[%get3A_1408] : memref<324608xf32, #tpu.memory_space<vmem>>, vector<128xf32>
    %add3A_1410 = arith.addf %add3A_1401, %get3A_1409 : vector<128xf32>
    %mul3A_1411 = arith.constant 1024 : i32
    %mul3A_1412 = arith.muli %arg0, %mul3A_1411 : i32
    %add3A_1413 = arith.constant 192128 : i32
    %add3A_1414 = arith.addi %add3A_1413, %mul3A_1412 : i32
    %add3A_1415 = arith.constant 512 : i32
    %add3A_1416 = arith.addi %add3A_1414, %add3A_1415 : i32
    %get3A_1417 = arith.index_cast %add3A_1416 : i32 to index
    %get3A_1418 = vector.load %arg3[%get3A_1417] : memref<324608xf32, #tpu.memory_space<vmem>>, vector<128xf32>
    %add3A_1419 = arith.addf %add3A_1410, %get3A_1418 : vector<128xf32>
    %mul3A_1420 = arith.constant 1024 : i32
    %mul3A_1421 = arith.muli %arg0, %mul3A_1420 : i32
    %add3A_1422 = arith.constant 202240 : i32
    %add3A_1423 = arith.addi %add3A_1422, %mul3A_1421 : i32
    %add3A_1424 = arith.constant 512 : i32
    %add3A_1425 = arith.addi %add3A_1423, %add3A_1424 : i32
    %get3A_1426 = arith.index_cast %add3A_1425 : i32 to index
    %get3A_1427 = vector.load %arg3[%get3A_1426] : memref<324608xf32, #tpu.memory_space<vmem>>, vector<128xf32>
    %add3A_1428 = arith.addf %add3A_1419, %get3A_1427 : vector<128xf32>
    %mul3A_1429 = arith.constant 1024 : i32
    %mul3A_1430 = arith.muli %arg0, %mul3A_1429 : i32
    %add3A_1431 = arith.constant 212352 : i32
    %add3A_1432 = arith.addi %add3A_1431, %mul3A_1430 : i32
    %add3A_1433 = arith.constant 512 : i32
    %add3A_1434 = arith.addi %add3A_1432, %add3A_1433 : i32
    %get3A_1435 = arith.index_cast %add3A_1434 : i32 to index
    %get3A_1436 = vector.load %arg3[%get3A_1435] : memref<324608xf32, #tpu.memory_space<vmem>>, vector<128xf32>
    %add3A_1437 = arith.addf %add3A_1428, %get3A_1436 : vector<128xf32>
    %mul3A_1438 = arith.constant 1024 : i32
    %mul3A_1439 = arith.muli %arg0, %mul3A_1438 : i32
    %add3A_1440 = arith.constant 222464 : i32
    %add3A_1441 = arith.addi %add3A_1440, %mul3A_1439 : i32
    %add3A_1442 = arith.constant 512 : i32
    %add3A_1443 = arith.addi %add3A_1441, %add3A_1442 : i32
    %get3A_1444 = arith.index_cast %add3A_1443 : i32 to index
    %get3A_1445 = vector.load %arg3[%get3A_1444] : memref<324608xf32, #tpu.memory_space<vmem>>, vector<128xf32>
    %add3A_1446 = arith.addf %add3A_1437, %get3A_1445 : vector<128xf32>
    %mul3A_1447 = arith.constant 1024 : i32
    %mul3A_1448 = arith.muli %arg0, %mul3A_1447 : i32
    %add3A_1449 = arith.constant 232576 : i32
    %add3A_1450 = arith.addi %add3A_1449, %mul3A_1448 : i32
    %add3A_1451 = arith.constant 512 : i32
    %add3A_1452 = arith.addi %add3A_1450, %add3A_1451 : i32
    %get3A_1453 = arith.index_cast %add3A_1452 : i32 to index
    %get3A_1454 = vector.load %arg3[%get3A_1453] : memref<324608xf32, #tpu.memory_space<vmem>>, vector<128xf32>
    %add3A_1455 = arith.addf %add3A_1446, %get3A_1454 : vector<128xf32>
    %mul3A_1456 = arith.constant 1024 : i32
    %mul3A_1457 = arith.muli %arg0, %mul3A_1456 : i32
    %add3A_1458 = arith.constant 242688 : i32
    %add3A_1459 = arith.addi %add3A_1458, %mul3A_1457 : i32
    %add3A_1460 = arith.constant 512 : i32
    %add3A_1461 = arith.addi %add3A_1459, %add3A_1460 : i32
    %get3A_1462 = arith.index_cast %add3A_1461 : i32 to index
    %get3A_1463 = vector.load %arg3[%get3A_1462] : memref<324608xf32, #tpu.memory_space<vmem>>, vector<128xf32>
    %add3A_1464 = arith.addf %add3A_1455, %get3A_1463 : vector<128xf32>
    %mul3A_1465 = arith.constant 1024 : i32
    %mul3A_1466 = arith.muli %arg0, %mul3A_1465 : i32
    %add3A_1467 = arith.constant 252800 : i32
    %add3A_1468 = arith.addi %add3A_1467, %mul3A_1466 : i32
    %add3A_1469 = arith.constant 512 : i32
    %add3A_1470 = arith.addi %add3A_1468, %add3A_1469 : i32
    %get3A_1471 = arith.index_cast %add3A_1470 : i32 to index
    %get3A_1472 = vector.load %arg3[%get3A_1471] : memref<324608xf32, #tpu.memory_space<vmem>>, vector<128xf32>
    %add3A_1473 = arith.addf %add3A_1464, %get3A_1472 : vector<128xf32>
    %mul3A_1474 = arith.constant 1024 : i32
    %mul3A_1475 = arith.muli %arg0, %mul3A_1474 : i32
    %add3A_1476 = arith.constant 262912 : i32
    %add3A_1477 = arith.addi %add3A_1476, %mul3A_1475 : i32
    %add3A_1478 = arith.constant 512 : i32
    %add3A_1479 = arith.addi %add3A_1477, %add3A_1478 : i32
    %get3A_1480 = arith.index_cast %add3A_1479 : i32 to index
    %get3A_1481 = vector.load %arg3[%get3A_1480] : memref<324608xf32, #tpu.memory_space<vmem>>, vector<128xf32>
    %add3A_1482 = arith.addf %add3A_1473, %get3A_1481 : vector<128xf32>
    %mul3A_1483 = arith.constant 1024 : i32
    %mul3A_1484 = arith.muli %arg0, %mul3A_1483 : i32
    %add3A_1485 = arith.constant 273024 : i32
    %add3A_1486 = arith.addi %add3A_1485, %mul3A_1484 : i32
    %add3A_1487 = arith.constant 512 : i32
    %add3A_1488 = arith.addi %add3A_1486, %add3A_1487 : i32
    %get3A_1489 = arith.index_cast %add3A_1488 : i32 to index
    %get3A_1490 = vector.load %arg3[%get3A_1489] : memref<324608xf32, #tpu.memory_space<vmem>>, vector<128xf32>
    %add3A_1491 = arith.addf %add3A_1482, %get3A_1490 : vector<128xf32>
    %mul3A_1492 = arith.constant 1024 : i32
    %mul3A_1493 = arith.muli %arg0, %mul3A_1492 : i32
    %add3A_1494 = arith.constant 283136 : i32
    %add3A_1495 = arith.addi %add3A_1494, %mul3A_1493 : i32
    %add3A_1496 = arith.constant 512 : i32
    %add3A_1497 = arith.addi %add3A_1495, %add3A_1496 : i32
    %get3A_1498 = arith.index_cast %add3A_1497 : i32 to index
    %get3A_1499 = vector.load %arg3[%get3A_1498] : memref<324608xf32, #tpu.memory_space<vmem>>, vector<128xf32>
    %add3A_1500 = arith.addf %add3A_1491, %get3A_1499 : vector<128xf32>
    %mul3A_1501 = arith.constant 1024 : i32
    %mul3A_1502 = arith.muli %arg0, %mul3A_1501 : i32
    %add3A_1503 = arith.constant 293248 : i32
    %add3A_1504 = arith.addi %add3A_1503, %mul3A_1502 : i32
    %add3A_1505 = arith.constant 512 : i32
    %add3A_1506 = arith.addi %add3A_1504, %add3A_1505 : i32
    %get3A_1507 = arith.index_cast %add3A_1506 : i32 to index
    %get3A_1508 = vector.load %arg3[%get3A_1507] : memref<324608xf32, #tpu.memory_space<vmem>>, vector<128xf32>
    %add3A_1509 = arith.addf %add3A_1500, %get3A_1508 : vector<128xf32>
    %mul3A_1510 = arith.constant 1024 : i32
    %mul3A_1511 = arith.muli %arg0, %mul3A_1510 : i32
    %add3A_1512 = arith.constant 303360 : i32
    %add3A_1513 = arith.addi %add3A_1512, %mul3A_1511 : i32
    %add3A_1514 = arith.constant 512 : i32
    %add3A_1515 = arith.addi %add3A_1513, %add3A_1514 : i32
    %get3A_1516 = arith.index_cast %add3A_1515 : i32 to index
    %get3A_1517 = vector.load %arg3[%get3A_1516] : memref<324608xf32, #tpu.memory_space<vmem>>, vector<128xf32>
    %add3A_1518 = arith.addf %add3A_1509, %get3A_1517 : vector<128xf32>
    %mul3A_1519 = arith.constant 1024 : i32
    %mul3A_1520 = arith.muli %arg0, %mul3A_1519 : i32
    %add3A_1521 = arith.constant 313472 : i32
    %add3A_1522 = arith.addi %add3A_1521, %mul3A_1520 : i32
    %add3A_1523 = arith.constant 512 : i32
    %add3A_1524 = arith.addi %add3A_1522, %add3A_1523 : i32
    %get3A_1525 = arith.index_cast %add3A_1524 : i32 to index
    %get3A_1526 = vector.load %arg3[%get3A_1525] : memref<324608xf32, #tpu.memory_space<vmem>>, vector<128xf32>
    %add3A_1527 = arith.addf %add3A_1518, %get3A_1526 : vector<128xf32>
    %max3A_1528 = arith.constant 1.000000e+00 : f32
    %max3A_1529 = vector.broadcast %max3A_1528 : f32 to vector<128xf32>
    %max3A_1530 = arith.maximumf %add3A_1527, %max3A_1529 : vector<128xf32>
    %div3A_1531 = arith.constant 1.000000e+00 : f32
    %div3A_1532 = vector.broadcast %div3A_1531 : f32 to vector<128xf32>
    %div3A_1533 = arith.divf %div3A_1532, %max3A_1530 : vector<128xf32>
    %reshape3A_1534 = vector.shape_cast %div3A_1533 : vector<128xf32> to vector<1x128xf32>
    %broadcast_in_dim3A_1535 = vector.shape_cast %reshape3A_1534 : vector<1x128xf32> to vector<1x128xf32>
    %broadcast_in_dim3A_1536 = vector.broadcast %broadcast_in_dim3A_1535 : vector<1x128xf32> to vector<128x128xf32>
    %jit3A_1537 = arith.constant 0.000000e+00 : f32
    %broadcast_in_dim3A_1538 = vector.broadcast %jit3A_1537 : f32 to vector<128x128xf32>
    %select_n3A_1539 = arith.select %eq3A, %broadcast_in_dim3A_1536, %broadcast_in_dim3A_1538 : vector<128x128xi1>, vector<128x128xf32>
    %slice3A_1540 = vector.extract_strided_slice %add3A_28 {offsets = [512, 0], sizes = [128, 128], strides = [1, 1]} : vector<1024x128xf32> to vector<128x128xf32>
    %dot_general3A_1541 = arith.constant dense<0.000000e+00> : vector<128x128xf32>
    %dot_general3A_1542 = tpu.matmul %select_n3A_1539, %slice3A_1540, %dot_general3A_1541 {dimension_numbers = #tpu.dot_dimension_numbers<[1], [0], [0], [1], [0, 0, 1, 1], [], []>, transpose_lhs_hint = false} : vector<128x128xf32>, vector<128x128xf32>, vector<128x128xf32> -> vector<128x128xf32>
    %dot_general3A_1543 = arith.constant dense<0.000000e+00> : vector<128x128xf32>
    %dot_general3A_1544 = tpu.matmul %dot_general3A_1542, %add3A_17, %dot_general3A_1543 {dimension_numbers = #tpu.dot_dimension_numbers<[1], [0], [0], [1], [0, 0, 1, 1], [], []>, transpose_lhs_hint = false} : vector<128x128xf32>, vector<128x128xf32>, vector<128x128xf32> -> vector<128x128xf32>
    %swap3A_1545 = arith.constant 512 : index
    %swap3A_1546 = arith.constant 0 : index
    %swap3A_1547 = vector.load %arg6[%swap3A_1545, %swap3A_1546] : memref<1024x128xf32, #tpu.memory_space<vmem>>, vector<128x128xf32>
    tpu.vector_store %arg6[%swap3A_1545, %swap3A_1546], %dot_general3A_1544 {strides = array<i32>} : memref<1024x128xf32, #tpu.memory_space<vmem>>, vector<128x128xf32>,
    %mul3A_1548 = arith.constant 1024 : i32
    %mul3A_1549 = arith.muli %arg0, %mul3A_1548 : i32
    %add3A_1550 = arith.constant 640 : i32
    %add3A_1551 = arith.addi %mul3A_1549, %add3A_1550 : i32
    %get3A_1552 = arith.index_cast %add3A_1551 : i32 to index
    %get3A_1553 = vector.load %arg3[%get3A_1552] : memref<324608xf32, #tpu.memory_space<vmem>>, vector<128xf32>
    %mul3A_1554 = arith.constant 1024 : i32
    %mul3A_1555 = arith.muli %arg0, %mul3A_1554 : i32
    %add3A_1556 = arith.constant 10112 : i32
    %add3A_1557 = arith.addi %add3A_1556, %mul3A_1555 : i32
    %add3A_1558 = arith.constant 640 : i32
    %add3A_1559 = arith.addi %add3A_1557, %add3A_1558 : i32
    %get3A_1560 = arith.index_cast %add3A_1559 : i32 to index
    %get3A_1561 = vector.load %arg3[%get3A_1560] : memref<324608xf32, #tpu.memory_space<vmem>>, vector<128xf32>
    %add3A_1562 = arith.addf %get3A_1553, %get3A_1561 : vector<128xf32>
    %mul3A_1563 = arith.constant 1024 : i32
    %mul3A_1564 = arith.muli %arg0, %mul3A_1563 : i32
    %add3A_1565 = arith.constant 20224 : i32
    %add3A_1566 = arith.addi %add3A_1565, %mul3A_1564 : i32
    %add3A_1567 = arith.constant 640 : i32
    %add3A_1568 = arith.addi %add3A_1566, %add3A_1567 : i32
    %get3A_1569 = arith.index_cast %add3A_1568 : i32 to index
    %get3A_1570 = vector.load %arg3[%get3A_1569] : memref<324608xf32, #tpu.memory_space<vmem>>, vector<128xf32>
    %add3A_1571 = arith.addf %add3A_1562, %get3A_1570 : vector<128xf32>
    %mul3A_1572 = arith.constant 1024 : i32
    %mul3A_1573 = arith.muli %arg0, %mul3A_1572 : i32
    %add3A_1574 = arith.constant 30336 : i32
    %add3A_1575 = arith.addi %add3A_1574, %mul3A_1573 : i32
    %add3A_1576 = arith.constant 640 : i32
    %add3A_1577 = arith.addi %add3A_1575, %add3A_1576 : i32
    %get3A_1578 = arith.index_cast %add3A_1577 : i32 to index
    %get3A_1579 = vector.load %arg3[%get3A_1578] : memref<324608xf32, #tpu.memory_space<vmem>>, vector<128xf32>
    %add3A_1580 = arith.addf %add3A_1571, %get3A_1579 : vector<128xf32>
    %mul3A_1581 = arith.constant 1024 : i32
    %mul3A_1582 = arith.muli %arg0, %mul3A_1581 : i32
    %add3A_1583 = arith.constant 40448 : i32
    %add3A_1584 = arith.addi %add3A_1583, %mul3A_1582 : i32
    %add3A_1585 = arith.constant 640 : i32
    %add3A_1586 = arith.addi %add3A_1584, %add3A_1585 : i32
    %get3A_1587 = arith.index_cast %add3A_1586 : i32 to index
    %get3A_1588 = vector.load %arg3[%get3A_1587] : memref<324608xf32, #tpu.memory_space<vmem>>, vector<128xf32>
    %add3A_1589 = arith.addf %add3A_1580, %get3A_1588 : vector<128xf32>
    %mul3A_1590 = arith.constant 1024 : i32
    %mul3A_1591 = arith.muli %arg0, %mul3A_1590 : i32
    %add3A_1592 = arith.constant 50560 : i32
    %add3A_1593 = arith.addi %add3A_1592, %mul3A_1591 : i32
    %add3A_1594 = arith.constant 640 : i32
    %add3A_1595 = arith.addi %add3A_1593, %add3A_1594 : i32
    %get3A_1596 = arith.index_cast %add3A_1595 : i32 to index
    %get3A_1597 = vector.load %arg3[%get3A_1596] : memref<324608xf32, #tpu.memory_space<vmem>>, vector<128xf32>
    %add3A_1598 = arith.addf %add3A_1589, %get3A_1597 : vector<128xf32>
    %mul3A_1599 = arith.constant 1024 : i32
    %mul3A_1600 = arith.muli %arg0, %mul3A_1599 : i32
    %add3A_1601 = arith.constant 60672 : i32
    %add3A_1602 = arith.addi %add3A_1601, %mul3A_1600 : i32
    %add3A_1603 = arith.constant 640 : i32
    %add3A_1604 = arith.addi %add3A_1602, %add3A_1603 : i32
    %get3A_1605 = arith.index_cast %add3A_1604 : i32 to index
    %get3A_1606 = vector.load %arg3[%get3A_1605] : memref<324608xf32, #tpu.memory_space<vmem>>, vector<128xf32>
    %add3A_1607 = arith.addf %add3A_1598, %get3A_1606 : vector<128xf32>
    %mul3A_1608 = arith.constant 1024 : i32
    %mul3A_1609 = arith.muli %arg0, %mul3A_1608 : i32
    %add3A_1610 = arith.constant 70784 : i32
    %add3A_1611 = arith.addi %add3A_1610, %mul3A_1609 : i32
    %add3A_1612 = arith.constant 640 : i32
    %add3A_1613 = arith.addi %add3A_1611, %add3A_1612 : i32
    %get3A_1614 = arith.index_cast %add3A_1613 : i32 to index
    %get3A_1615 = vector.load %arg3[%get3A_1614] : memref<324608xf32, #tpu.memory_space<vmem>>, vector<128xf32>
    %add3A_1616 = arith.addf %add3A_1607, %get3A_1615 : vector<128xf32>
    %mul3A_1617 = arith.constant 1024 : i32
    %mul3A_1618 = arith.muli %arg0, %mul3A_1617 : i32
    %add3A_1619 = arith.constant 80896 : i32
    %add3A_1620 = arith.addi %add3A_1619, %mul3A_1618 : i32
    %add3A_1621 = arith.constant 640 : i32
    %add3A_1622 = arith.addi %add3A_1620, %add3A_1621 : i32
    %get3A_1623 = arith.index_cast %add3A_1622 : i32 to index
    %get3A_1624 = vector.load %arg3[%get3A_1623] : memref<324608xf32, #tpu.memory_space<vmem>>, vector<128xf32>
    %add3A_1625 = arith.addf %add3A_1616, %get3A_1624 : vector<128xf32>
    %mul3A_1626 = arith.constant 1024 : i32
    %mul3A_1627 = arith.muli %arg0, %mul3A_1626 : i32
    %add3A_1628 = arith.constant 91008 : i32
    %add3A_1629 = arith.addi %add3A_1628, %mul3A_1627 : i32
    %add3A_1630 = arith.constant 640 : i32
    %add3A_1631 = arith.addi %add3A_1629, %add3A_1630 : i32
    %get3A_1632 = arith.index_cast %add3A_1631 : i32 to index
    %get3A_1633 = vector.load %arg3[%get3A_1632] : memref<324608xf32, #tpu.memory_space<vmem>>, vector<128xf32>
    %add3A_1634 = arith.addf %add3A_1625, %get3A_1633 : vector<128xf32>
    %mul3A_1635 = arith.constant 1024 : i32
    %mul3A_1636 = arith.muli %arg0, %mul3A_1635 : i32
    %add3A_1637 = arith.constant 101120 : i32
    %add3A_1638 = arith.addi %add3A_1637, %mul3A_1636 : i32
    %add3A_1639 = arith.constant 640 : i32
    %add3A_1640 = arith.addi %add3A_1638, %add3A_1639 : i32
    %get3A_1641 = arith.index_cast %add3A_1640 : i32 to index
    %get3A_1642 = vector.load %arg3[%get3A_1641] : memref<324608xf32, #tpu.memory_space<vmem>>, vector<128xf32>
    %add3A_1643 = arith.addf %add3A_1634, %get3A_1642 : vector<128xf32>
    %mul3A_1644 = arith.constant 1024 : i32
    %mul3A_1645 = arith.muli %arg0, %mul3A_1644 : i32
    %add3A_1646 = arith.constant 111232 : i32
    %add3A_1647 = arith.addi %add3A_1646, %mul3A_1645 : i32
    %add3A_1648 = arith.constant 640 : i32
    %add3A_1649 = arith.addi %add3A_1647, %add3A_1648 : i32
    %get3A_1650 = arith.index_cast %add3A_1649 : i32 to index
    %get3A_1651 = vector.load %arg3[%get3A_1650] : memref<324608xf32, #tpu.memory_space<vmem>>, vector<128xf32>
    %add3A_1652 = arith.addf %add3A_1643, %get3A_1651 : vector<128xf32>
    %mul3A_1653 = arith.constant 1024 : i32
    %mul3A_1654 = arith.muli %arg0, %mul3A_1653 : i32
    %add3A_1655 = arith.constant 121344 : i32
    %add3A_1656 = arith.addi %add3A_1655, %mul3A_1654 : i32
    %add3A_1657 = arith.constant 640 : i32
    %add3A_1658 = arith.addi %add3A_1656, %add3A_1657 : i32
    %get3A_1659 = arith.index_cast %add3A_1658 : i32 to index
    %get3A_1660 = vector.load %arg3[%get3A_1659] : memref<324608xf32, #tpu.memory_space<vmem>>, vector<128xf32>
    %add3A_1661 = arith.addf %add3A_1652, %get3A_1660 : vector<128xf32>
    %mul3A_1662 = arith.constant 1024 : i32
    %mul3A_1663 = arith.muli %arg0, %mul3A_1662 : i32
    %add3A_1664 = arith.constant 131456 : i32
    %add3A_1665 = arith.addi %add3A_1664, %mul3A_1663 : i32
    %add3A_1666 = arith.constant 640 : i32
    %add3A_1667 = arith.addi %add3A_1665, %add3A_1666 : i32
    %get3A_1668 = arith.index_cast %add3A_1667 : i32 to index
    %get3A_1669 = vector.load %arg3[%get3A_1668] : memref<324608xf32, #tpu.memory_space<vmem>>, vector<128xf32>
    %add3A_1670 = arith.addf %add3A_1661, %get3A_1669 : vector<128xf32>
    %mul3A_1671 = arith.constant 1024 : i32
    %mul3A_1672 = arith.muli %arg0, %mul3A_1671 : i32
    %add3A_1673 = arith.constant 141568 : i32
    %add3A_1674 = arith.addi %add3A_1673, %mul3A_1672 : i32
    %add3A_1675 = arith.constant 640 : i32
    %add3A_1676 = arith.addi %add3A_1674, %add3A_1675 : i32
    %get3A_1677 = arith.index_cast %add3A_1676 : i32 to index
    %get3A_1678 = vector.load %arg3[%get3A_1677] : memref<324608xf32, #tpu.memory_space<vmem>>, vector<128xf32>
    %add3A_1679 = arith.addf %add3A_1670, %get3A_1678 : vector<128xf32>
    %mul3A_1680 = arith.constant 1024 : i32
    %mul3A_1681 = arith.muli %arg0, %mul3A_1680 : i32
    %add3A_1682 = arith.constant 151680 : i32
    %add3A_1683 = arith.addi %add3A_1682, %mul3A_1681 : i32
    %add3A_1684 = arith.constant 640 : i32
    %add3A_1685 = arith.addi %add3A_1683, %add3A_1684 : i32
    %get3A_1686 = arith.index_cast %add3A_1685 : i32 to index
    %get3A_1687 = vector.load %arg3[%get3A_1686] : memref<324608xf32, #tpu.memory_space<vmem>>, vector<128xf32>
    %add3A_1688 = arith.addf %add3A_1679, %get3A_1687 : vector<128xf32>
    %mul3A_1689 = arith.constant 1024 : i32
    %mul3A_1690 = arith.muli %arg0, %mul3A_1689 : i32
    %add3A_1691 = arith.constant 161792 : i32
    %add3A_1692 = arith.addi %add3A_1691, %mul3A_1690 : i32
    %add3A_1693 = arith.constant 640 : i32
    %add3A_1694 = arith.addi %add3A_1692, %add3A_1693 : i32
    %get3A_1695 = arith.index_cast %add3A_1694 : i32 to index
    %get3A_1696 = vector.load %arg3[%get3A_1695] : memref<324608xf32, #tpu.memory_space<vmem>>, vector<128xf32>
    %add3A_1697 = arith.addf %add3A_1688, %get3A_1696 : vector<128xf32>
    %mul3A_1698 = arith.constant 1024 : i32
    %mul3A_1699 = arith.muli %arg0, %mul3A_1698 : i32
    %add3A_1700 = arith.constant 171904 : i32
    %add3A_1701 = arith.addi %add3A_1700, %mul3A_1699 : i32
    %add3A_1702 = arith.constant 640 : i32
    %add3A_1703 = arith.addi %add3A_1701, %add3A_1702 : i32
    %get3A_1704 = arith.index_cast %add3A_1703 : i32 to index
    %get3A_1705 = vector.load %arg3[%get3A_1704] : memref<324608xf32, #tpu.memory_space<vmem>>, vector<128xf32>
    %add3A_1706 = arith.addf %add3A_1697, %get3A_1705 : vector<128xf32>
    %mul3A_1707 = arith.constant 1024 : i32
    %mul3A_1708 = arith.muli %arg0, %mul3A_1707 : i32
    %add3A_1709 = arith.constant 182016 : i32
    %add3A_1710 = arith.addi %add3A_1709, %mul3A_1708 : i32
    %add3A_1711 = arith.constant 640 : i32
    %add3A_1712 = arith.addi %add3A_1710, %add3A_1711 : i32
    %get3A_1713 = arith.index_cast %add3A_1712 : i32 to index
    %get3A_1714 = vector.load %arg3[%get3A_1713] : memref<324608xf32, #tpu.memory_space<vmem>>, vector<128xf32>
    %add3A_1715 = arith.addf %add3A_1706, %get3A_1714 : vector<128xf32>
    %mul3A_1716 = arith.constant 1024 : i32
    %mul3A_1717 = arith.muli %arg0, %mul3A_1716 : i32
    %add3A_1718 = arith.constant 192128 : i32
    %add3A_1719 = arith.addi %add3A_1718, %mul3A_1717 : i32
    %add3A_1720 = arith.constant 640 : i32
    %add3A_1721 = arith.addi %add3A_1719, %add3A_1720 : i32
    %get3A_1722 = arith.index_cast %add3A_1721 : i32 to index
    %get3A_1723 = vector.load %arg3[%get3A_1722] : memref<324608xf32, #tpu.memory_space<vmem>>, vector<128xf32>
    %add3A_1724 = arith.addf %add3A_1715, %get3A_1723 : vector<128xf32>
    %mul3A_1725 = arith.constant 1024 : i32
    %mul3A_1726 = arith.muli %arg0, %mul3A_1725 : i32
    %add3A_1727 = arith.constant 202240 : i32
    %add3A_1728 = arith.addi %add3A_1727, %mul3A_1726 : i32
    %add3A_1729 = arith.constant 640 : i32
    %add3A_1730 = arith.addi %add3A_1728, %add3A_1729 : i32
    %get3A_1731 = arith.index_cast %add3A_1730 : i32 to index
    %get3A_1732 = vector.load %arg3[%get3A_1731] : memref<324608xf32, #tpu.memory_space<vmem>>, vector<128xf32>
    %add3A_1733 = arith.addf %add3A_1724, %get3A_1732 : vector<128xf32>
    %mul3A_1734 = arith.constant 1024 : i32
    %mul3A_1735 = arith.muli %arg0, %mul3A_1734 : i32
    %add3A_1736 = arith.constant 212352 : i32
    %add3A_1737 = arith.addi %add3A_1736, %mul3A_1735 : i32
    %add3A_1738 = arith.constant 640 : i32
    %add3A_1739 = arith.addi %add3A_1737, %add3A_1738 : i32
    %get3A_1740 = arith.index_cast %add3A_1739 : i32 to index
    %get3A_1741 = vector.load %arg3[%get3A_1740] : memref<324608xf32, #tpu.memory_space<vmem>>, vector<128xf32>
    %add3A_1742 = arith.addf %add3A_1733, %get3A_1741 : vector<128xf32>
    %mul3A_1743 = arith.constant 1024 : i32
    %mul3A_1744 = arith.muli %arg0, %mul3A_1743 : i32
    %add3A_1745 = arith.constant 222464 : i32
    %add3A_1746 = arith.addi %add3A_1745, %mul3A_1744 : i32
    %add3A_1747 = arith.constant 640 : i32
    %add3A_1748 = arith.addi %add3A_1746, %add3A_1747 : i32
    %get3A_1749 = arith.index_cast %add3A_1748 : i32 to index
    %get3A_1750 = vector.load %arg3[%get3A_1749] : memref<324608xf32, #tpu.memory_space<vmem>>, vector<128xf32>
    %add3A_1751 = arith.addf %add3A_1742, %get3A_1750 : vector<128xf32>
    %mul3A_1752 = arith.constant 1024 : i32
    %mul3A_1753 = arith.muli %arg0, %mul3A_1752 : i32
    %add3A_1754 = arith.constant 232576 : i32
    %add3A_1755 = arith.addi %add3A_1754, %mul3A_1753 : i32
    %add3A_1756 = arith.constant 640 : i32
    %add3A_1757 = arith.addi %add3A_1755, %add3A_1756 : i32
    %get3A_1758 = arith.index_cast %add3A_1757 : i32 to index
    %get3A_1759 = vector.load %arg3[%get3A_1758] : memref<324608xf32, #tpu.memory_space<vmem>>, vector<128xf32>
    %add3A_1760 = arith.addf %add3A_1751, %get3A_1759 : vector<128xf32>
    %mul3A_1761 = arith.constant 1024 : i32
    %mul3A_1762 = arith.muli %arg0, %mul3A_1761 : i32
    %add3A_1763 = arith.constant 242688 : i32
    %add3A_1764 = arith.addi %add3A_1763, %mul3A_1762 : i32
    %add3A_1765 = arith.constant 640 : i32
    %add3A_1766 = arith.addi %add3A_1764, %add3A_1765 : i32
    %get3A_1767 = arith.index_cast %add3A_1766 : i32 to index
    %get3A_1768 = vector.load %arg3[%get3A_1767] : memref<324608xf32, #tpu.memory_space<vmem>>, vector<128xf32>
    %add3A_1769 = arith.addf %add3A_1760, %get3A_1768 : vector<128xf32>
    %mul3A_1770 = arith.constant 1024 : i32
    %mul3A_1771 = arith.muli %arg0, %mul3A_1770 : i32
    %add3A_1772 = arith.constant 252800 : i32
    %add3A_1773 = arith.addi %add3A_1772, %mul3A_1771 : i32
    %add3A_1774 = arith.constant 640 : i32
    %add3A_1775 = arith.addi %add3A_1773, %add3A_1774 : i32
    %get3A_1776 = arith.index_cast %add3A_1775 : i32 to index
    %get3A_1777 = vector.load %arg3[%get3A_1776] : memref<324608xf32, #tpu.memory_space<vmem>>, vector<128xf32>
    %add3A_1778 = arith.addf %add3A_1769, %get3A_1777 : vector<128xf32>
    %mul3A_1779 = arith.constant 1024 : i32
    %mul3A_1780 = arith.muli %arg0, %mul3A_1779 : i32
    %add3A_1781 = arith.constant 262912 : i32
    %add3A_1782 = arith.addi %add3A_1781, %mul3A_1780 : i32
    %add3A_1783 = arith.constant 640 : i32
    %add3A_1784 = arith.addi %add3A_1782, %add3A_1783 : i32
    %get3A_1785 = arith.index_cast %add3A_1784 : i32 to index
    %get3A_1786 = vector.load %arg3[%get3A_1785] : memref<324608xf32, #tpu.memory_space<vmem>>, vector<128xf32>
    %add3A_1787 = arith.addf %add3A_1778, %get3A_1786 : vector<128xf32>
    %mul3A_1788 = arith.constant 1024 : i32
    %mul3A_1789 = arith.muli %arg0, %mul3A_1788 : i32
    %add3A_1790 = arith.constant 273024 : i32
    %add3A_1791 = arith.addi %add3A_1790, %mul3A_1789 : i32
    %add3A_1792 = arith.constant 640 : i32
    %add3A_1793 = arith.addi %add3A_1791, %add3A_1792 : i32
    %get3A_1794 = arith.index_cast %add3A_1793 : i32 to index
    %get3A_1795 = vector.load %arg3[%get3A_1794] : memref<324608xf32, #tpu.memory_space<vmem>>, vector<128xf32>
    %add3A_1796 = arith.addf %add3A_1787, %get3A_1795 : vector<128xf32>
    %mul3A_1797 = arith.constant 1024 : i32
    %mul3A_1798 = arith.muli %arg0, %mul3A_1797 : i32
    %add3A_1799 = arith.constant 283136 : i32
    %add3A_1800 = arith.addi %add3A_1799, %mul3A_1798 : i32
    %add3A_1801 = arith.constant 640 : i32
    %add3A_1802 = arith.addi %add3A_1800, %add3A_1801 : i32
    %get3A_1803 = arith.index_cast %add3A_1802 : i32 to index
    %get3A_1804 = vector.load %arg3[%get3A_1803] : memref<324608xf32, #tpu.memory_space<vmem>>, vector<128xf32>
    %add3A_1805 = arith.addf %add3A_1796, %get3A_1804 : vector<128xf32>
    %mul3A_1806 = arith.constant 1024 : i32
    %mul3A_1807 = arith.muli %arg0, %mul3A_1806 : i32
    %add3A_1808 = arith.constant 293248 : i32
    %add3A_1809 = arith.addi %add3A_1808, %mul3A_1807 : i32
    %add3A_1810 = arith.constant 640 : i32
    %add3A_1811 = arith.addi %add3A_1809, %add3A_1810 : i32
    %get3A_1812 = arith.index_cast %add3A_1811 : i32 to index
    %get3A_1813 = vector.load %arg3[%get3A_1812] : memref<324608xf32, #tpu.memory_space<vmem>>, vector<128xf32>
    %add3A_1814 = arith.addf %add3A_1805, %get3A_1813 : vector<128xf32>
    %mul3A_1815 = arith.constant 1024 : i32
    %mul3A_1816 = arith.muli %arg0, %mul3A_1815 : i32
    %add3A_1817 = arith.constant 303360 : i32
    %add3A_1818 = arith.addi %add3A_1817, %mul3A_1816 : i32
    %add3A_1819 = arith.constant 640 : i32
    %add3A_1820 = arith.addi %add3A_1818, %add3A_1819 : i32
    %get3A_1821 = arith.index_cast %add3A_1820 : i32 to index
    %get3A_1822 = vector.load %arg3[%get3A_1821] : memref<324608xf32, #tpu.memory_space<vmem>>, vector<128xf32>
    %add3A_1823 = arith.addf %add3A_1814, %get3A_1822 : vector<128xf32>
    %mul3A_1824 = arith.constant 1024 : i32
    %mul3A_1825 = arith.muli %arg0, %mul3A_1824 : i32
    %add3A_1826 = arith.constant 313472 : i32
    %add3A_1827 = arith.addi %add3A_1826, %mul3A_1825 : i32
    %add3A_1828 = arith.constant 640 : i32
    %add3A_1829 = arith.addi %add3A_1827, %add3A_1828 : i32
    %get3A_1830 = arith.index_cast %add3A_1829 : i32 to index
    %get3A_1831 = vector.load %arg3[%get3A_1830] : memref<324608xf32, #tpu.memory_space<vmem>>, vector<128xf32>
    %add3A_1832 = arith.addf %add3A_1823, %get3A_1831 : vector<128xf32>
    %max3A_1833 = arith.constant 1.000000e+00 : f32
    %max3A_1834 = vector.broadcast %max3A_1833 : f32 to vector<128xf32>
    %max3A_1835 = arith.maximumf %add3A_1832, %max3A_1834 : vector<128xf32>
    %div3A_1836 = arith.constant 1.000000e+00 : f32
    %div3A_1837 = vector.broadcast %div3A_1836 : f32 to vector<128xf32>
    %div3A_1838 = arith.divf %div3A_1837, %max3A_1835 : vector<128xf32>
    %reshape3A_1839 = vector.shape_cast %div3A_1838 : vector<128xf32> to vector<1x128xf32>
    %broadcast_in_dim3A_1840 = vector.shape_cast %reshape3A_1839 : vector<1x128xf32> to vector<1x128xf32>
    %broadcast_in_dim3A_1841 = vector.broadcast %broadcast_in_dim3A_1840 : vector<1x128xf32> to vector<128x128xf32>
    %jit3A_1842 = arith.constant 0.000000e+00 : f32
    %broadcast_in_dim3A_1843 = vector.broadcast %jit3A_1842 : f32 to vector<128x128xf32>
    %select_n3A_1844 = arith.select %eq3A, %broadcast_in_dim3A_1841, %broadcast_in_dim3A_1843 : vector<128x128xi1>, vector<128x128xf32>
    %slice3A_1845 = vector.extract_strided_slice %add3A_28 {offsets = [640, 0], sizes = [128, 128], strides = [1, 1]} : vector<1024x128xf32> to vector<128x128xf32>
    %dot_general3A_1846 = arith.constant dense<0.000000e+00> : vector<128x128xf32>
    %dot_general3A_1847 = tpu.matmul %select_n3A_1844, %slice3A_1845, %dot_general3A_1846 {dimension_numbers = #tpu.dot_dimension_numbers<[1], [0], [0], [1], [0, 0, 1, 1], [], []>, transpose_lhs_hint = false} : vector<128x128xf32>, vector<128x128xf32>, vector<128x128xf32> -> vector<128x128xf32>
    %dot_general3A_1848 = arith.constant dense<0.000000e+00> : vector<128x128xf32>
    %dot_general3A_1849 = tpu.matmul %dot_general3A_1847, %add3A_17, %dot_general3A_1848 {dimension_numbers = #tpu.dot_dimension_numbers<[1], [0], [0], [1], [0, 0, 1, 1], [], []>, transpose_lhs_hint = false} : vector<128x128xf32>, vector<128x128xf32>, vector<128x128xf32> -> vector<128x128xf32>
    %swap3A_1850 = arith.constant 640 : index
    %swap3A_1851 = arith.constant 0 : index
    %swap3A_1852 = vector.load %arg6[%swap3A_1850, %swap3A_1851] : memref<1024x128xf32, #tpu.memory_space<vmem>>, vector<128x128xf32>
    tpu.vector_store %arg6[%swap3A_1850, %swap3A_1851], %dot_general3A_1849 {strides = array<i32>} : memref<1024x128xf32, #tpu.memory_space<vmem>>, vector<128x128xf32>,
    %mul3A_1853 = arith.constant 1024 : i32
    %mul3A_1854 = arith.muli %arg0, %mul3A_1853 : i32
    %add3A_1855 = arith.constant 768 : i32
    %add3A_1856 = arith.addi %mul3A_1854, %add3A_1855 : i32
    %get3A_1857 = arith.index_cast %add3A_1856 : i32 to index
    %get3A_1858 = vector.load %arg3[%get3A_1857] : memref<324608xf32, #tpu.memory_space<vmem>>, vector<128xf32>
    %mul3A_1859 = arith.constant 1024 : i32
    %mul3A_1860 = arith.muli %arg0, %mul3A_1859 : i32
    %add3A_1861 = arith.constant 10112 : i32
    %add3A_1862 = arith.addi %add3A_1861, %mul3A_1860 : i32
    %add3A_1863 = arith.constant 768 : i32
    %add3A_1864 = arith.addi %add3A_1862, %add3A_1863 : i32
    %get3A_1865 = arith.index_cast %add3A_1864 : i32 to index
    %get3A_1866 = vector.load %arg3[%get3A_1865] : memref<324608xf32, #tpu.memory_space<vmem>>, vector<128xf32>
    %add3A_1867 = arith.addf %get3A_1858, %get3A_1866 : vector<128xf32>
    %mul3A_1868 = arith.constant 1024 : i32
    %mul3A_1869 = arith.muli %arg0, %mul3A_1868 : i32
    %add3A_1870 = arith.constant 20224 : i32
    %add3A_1871 = arith.addi %add3A_1870, %mul3A_1869 : i32
    %add3A_1872 = arith.constant 768 : i32
    %add3A_1873 = arith.addi %add3A_1871, %add3A_1872 : i32
    %get3A_1874 = arith.index_cast %add3A_1873 : i32 to index
    %get3A_1875 = vector.load %arg3[%get3A_1874] : memref<324608xf32, #tpu.memory_space<vmem>>, vector<128xf32>
    %add3A_1876 = arith.addf %add3A_1867, %get3A_1875 : vector<128xf32>
    %mul3A_1877 = arith.constant 1024 : i32
    %mul3A_1878 = arith.muli %arg0, %mul3A_1877 : i32
    %add3A_1879 = arith.constant 30336 : i32
    %add3A_1880 = arith.addi %add3A_1879, %mul3A_1878 : i32
    %add3A_1881 = arith.constant 768 : i32
    %add3A_1882 = arith.addi %add3A_1880, %add3A_1881 : i32
    %get3A_1883 = arith.index_cast %add3A_1882 : i32 to index
    %get3A_1884 = vector.load %arg3[%get3A_1883] : memref<324608xf32, #tpu.memory_space<vmem>>, vector<128xf32>
    %add3A_1885 = arith.addf %add3A_1876, %get3A_1884 : vector<128xf32>
    %mul3A_1886 = arith.constant 1024 : i32
    %mul3A_1887 = arith.muli %arg0, %mul3A_1886 : i32
    %add3A_1888 = arith.constant 40448 : i32
    %add3A_1889 = arith.addi %add3A_1888, %mul3A_1887 : i32
    %add3A_1890 = arith.constant 768 : i32
    %add3A_1891 = arith.addi %add3A_1889, %add3A_1890 : i32
    %get3A_1892 = arith.index_cast %add3A_1891 : i32 to index
    %get3A_1893 = vector.load %arg3[%get3A_1892] : memref<324608xf32, #tpu.memory_space<vmem>>, vector<128xf32>
    %add3A_1894 = arith.addf %add3A_1885, %get3A_1893 : vector<128xf32>
    %mul3A_1895 = arith.constant 1024 : i32
    %mul3A_1896 = arith.muli %arg0, %mul3A_1895 : i32
    %add3A_1897 = arith.constant 50560 : i32
    %add3A_1898 = arith.addi %add3A_1897, %mul3A_1896 : i32
    %add3A_1899 = arith.constant 768 : i32
    %add3A_1900 = arith.addi %add3A_1898, %add3A_1899 : i32
    %get3A_1901 = arith.index_cast %add3A_1900 : i32 to index
    %get3A_1902 = vector.load %arg3[%get3A_1901] : memref<324608xf32, #tpu.memory_space<vmem>>, vector<128xf32>
    %add3A_1903 = arith.addf %add3A_1894, %get3A_1902 : vector<128xf32>
    %mul3A_1904 = arith.constant 1024 : i32
    %mul3A_1905 = arith.muli %arg0, %mul3A_1904 : i32
    %add3A_1906 = arith.constant 60672 : i32
    %add3A_1907 = arith.addi %add3A_1906, %mul3A_1905 : i32
    %add3A_1908 = arith.constant 768 : i32
    %add3A_1909 = arith.addi %add3A_1907, %add3A_1908 : i32
    %get3A_1910 = arith.index_cast %add3A_1909 : i32 to index
    %get3A_1911 = vector.load %arg3[%get3A_1910] : memref<324608xf32, #tpu.memory_space<vmem>>, vector<128xf32>
    %add3A_1912 = arith.addf %add3A_1903, %get3A_1911 : vector<128xf32>
    %mul3A_1913 = arith.constant 1024 : i32
    %mul3A_1914 = arith.muli %arg0, %mul3A_1913 : i32
    %add3A_1915 = arith.constant 70784 : i32
    %add3A_1916 = arith.addi %add3A_1915, %mul3A_1914 : i32
    %add3A_1917 = arith.constant 768 : i32
    %add3A_1918 = arith.addi %add3A_1916, %add3A_1917 : i32
    %get3A_1919 = arith.index_cast %add3A_1918 : i32 to index
    %get3A_1920 = vector.load %arg3[%get3A_1919] : memref<324608xf32, #tpu.memory_space<vmem>>, vector<128xf32>
    %add3A_1921 = arith.addf %add3A_1912, %get3A_1920 : vector<128xf32>
    %mul3A_1922 = arith.constant 1024 : i32
    %mul3A_1923 = arith.muli %arg0, %mul3A_1922 : i32
    %add3A_1924 = arith.constant 80896 : i32
    %add3A_1925 = arith.addi %add3A_1924, %mul3A_1923 : i32
    %add3A_1926 = arith.constant 768 : i32
    %add3A_1927 = arith.addi %add3A_1925, %add3A_1926 : i32
    %get3A_1928 = arith.index_cast %add3A_1927 : i32 to index
    %get3A_1929 = vector.load %arg3[%get3A_1928] : memref<324608xf32, #tpu.memory_space<vmem>>, vector<128xf32>
    %add3A_1930 = arith.addf %add3A_1921, %get3A_1929 : vector<128xf32>
    %mul3A_1931 = arith.constant 1024 : i32
    %mul3A_1932 = arith.muli %arg0, %mul3A_1931 : i32
    %add3A_1933 = arith.constant 91008 : i32
    %add3A_1934 = arith.addi %add3A_1933, %mul3A_1932 : i32
    %add3A_1935 = arith.constant 768 : i32
    %add3A_1936 = arith.addi %add3A_1934, %add3A_1935 : i32
    %get3A_1937 = arith.index_cast %add3A_1936 : i32 to index
    %get3A_1938 = vector.load %arg3[%get3A_1937] : memref<324608xf32, #tpu.memory_space<vmem>>, vector<128xf32>
    %add3A_1939 = arith.addf %add3A_1930, %get3A_1938 : vector<128xf32>
    %mul3A_1940 = arith.constant 1024 : i32
    %mul3A_1941 = arith.muli %arg0, %mul3A_1940 : i32
    %add3A_1942 = arith.constant 101120 : i32
    %add3A_1943 = arith.addi %add3A_1942, %mul3A_1941 : i32
    %add3A_1944 = arith.constant 768 : i32
    %add3A_1945 = arith.addi %add3A_1943, %add3A_1944 : i32
    %get3A_1946 = arith.index_cast %add3A_1945 : i32 to index
    %get3A_1947 = vector.load %arg3[%get3A_1946] : memref<324608xf32, #tpu.memory_space<vmem>>, vector<128xf32>
    %add3A_1948 = arith.addf %add3A_1939, %get3A_1947 : vector<128xf32>
    %mul3A_1949 = arith.constant 1024 : i32
    %mul3A_1950 = arith.muli %arg0, %mul3A_1949 : i32
    %add3A_1951 = arith.constant 111232 : i32
    %add3A_1952 = arith.addi %add3A_1951, %mul3A_1950 : i32
    %add3A_1953 = arith.constant 768 : i32
    %add3A_1954 = arith.addi %add3A_1952, %add3A_1953 : i32
    %get3A_1955 = arith.index_cast %add3A_1954 : i32 to index
    %get3A_1956 = vector.load %arg3[%get3A_1955] : memref<324608xf32, #tpu.memory_space<vmem>>, vector<128xf32>
    %add3A_1957 = arith.addf %add3A_1948, %get3A_1956 : vector<128xf32>
    %mul3A_1958 = arith.constant 1024 : i32
    %mul3A_1959 = arith.muli %arg0, %mul3A_1958 : i32
    %add3A_1960 = arith.constant 121344 : i32
    %add3A_1961 = arith.addi %add3A_1960, %mul3A_1959 : i32
    %add3A_1962 = arith.constant 768 : i32
    %add3A_1963 = arith.addi %add3A_1961, %add3A_1962 : i32
    %get3A_1964 = arith.index_cast %add3A_1963 : i32 to index
    %get3A_1965 = vector.load %arg3[%get3A_1964] : memref<324608xf32, #tpu.memory_space<vmem>>, vector<128xf32>
    %add3A_1966 = arith.addf %add3A_1957, %get3A_1965 : vector<128xf32>
    %mul3A_1967 = arith.constant 1024 : i32
    %mul3A_1968 = arith.muli %arg0, %mul3A_1967 : i32
    %add3A_1969 = arith.constant 131456 : i32
    %add3A_1970 = arith.addi %add3A_1969, %mul3A_1968 : i32
    %add3A_1971 = arith.constant 768 : i32
    %add3A_1972 = arith.addi %add3A_1970, %add3A_1971 : i32
    %get3A_1973 = arith.index_cast %add3A_1972 : i32 to index
    %get3A_1974 = vector.load %arg3[%get3A_1973] : memref<324608xf32, #tpu.memory_space<vmem>>, vector<128xf32>
    %add3A_1975 = arith.addf %add3A_1966, %get3A_1974 : vector<128xf32>
    %mul3A_1976 = arith.constant 1024 : i32
    %mul3A_1977 = arith.muli %arg0, %mul3A_1976 : i32
    %add3A_1978 = arith.constant 141568 : i32
    %add3A_1979 = arith.addi %add3A_1978, %mul3A_1977 : i32
    %add3A_1980 = arith.constant 768 : i32
    %add3A_1981 = arith.addi %add3A_1979, %add3A_1980 : i32
    %get3A_1982 = arith.index_cast %add3A_1981 : i32 to index
    %get3A_1983 = vector.load %arg3[%get3A_1982] : memref<324608xf32, #tpu.memory_space<vmem>>, vector<128xf32>
    %add3A_1984 = arith.addf %add3A_1975, %get3A_1983 : vector<128xf32>
    %mul3A_1985 = arith.constant 1024 : i32
    %mul3A_1986 = arith.muli %arg0, %mul3A_1985 : i32
    %add3A_1987 = arith.constant 151680 : i32
    %add3A_1988 = arith.addi %add3A_1987, %mul3A_1986 : i32
    %add3A_1989 = arith.constant 768 : i32
    %add3A_1990 = arith.addi %add3A_1988, %add3A_1989 : i32
    %get3A_1991 = arith.index_cast %add3A_1990 : i32 to index
    %get3A_1992 = vector.load %arg3[%get3A_1991] : memref<324608xf32, #tpu.memory_space<vmem>>, vector<128xf32>
    %add3A_1993 = arith.addf %add3A_1984, %get3A_1992 : vector<128xf32>
    %mul3A_1994 = arith.constant 1024 : i32
    %mul3A_1995 = arith.muli %arg0, %mul3A_1994 : i32
    %add3A_1996 = arith.constant 161792 : i32
    %add3A_1997 = arith.addi %add3A_1996, %mul3A_1995 : i32
    %add3A_1998 = arith.constant 768 : i32
    %add3A_1999 = arith.addi %add3A_1997, %add3A_1998 : i32
    %get3A_2000 = arith.index_cast %add3A_1999 : i32 to index
    %get3A_2001 = vector.load %arg3[%get3A_2000] : memref<324608xf32, #tpu.memory_space<vmem>>, vector<128xf32>
    %add3A_2002 = arith.addf %add3A_1993, %get3A_2001 : vector<128xf32>
    %mul3A_2003 = arith.constant 1024 : i32
    %mul3A_2004 = arith.muli %arg0, %mul3A_2003 : i32
    %add3A_2005 = arith.constant 171904 : i32
    %add3A_2006 = arith.addi %add3A_2005, %mul3A_2004 : i32
    %add3A_2007 = arith.constant 768 : i32
    %add3A_2008 = arith.addi %add3A_2006, %add3A_2007 : i32
    %get3A_2009 = arith.index_cast %add3A_2008 : i32 to index
    %get3A_2010 = vector.load %arg3[%get3A_2009] : memref<324608xf32, #tpu.memory_space<vmem>>, vector<128xf32>
    %add3A_2011 = arith.addf %add3A_2002, %get3A_2010 : vector<128xf32>
    %mul3A_2012 = arith.constant 1024 : i32
    %mul3A_2013 = arith.muli %arg0, %mul3A_2012 : i32
    %add3A_2014 = arith.constant 182016 : i32
    %add3A_2015 = arith.addi %add3A_2014, %mul3A_2013 : i32
    %add3A_2016 = arith.constant 768 : i32
    %add3A_2017 = arith.addi %add3A_2015, %add3A_2016 : i32
    %get3A_2018 = arith.index_cast %add3A_2017 : i32 to index
    %get3A_2019 = vector.load %arg3[%get3A_2018] : memref<324608xf32, #tpu.memory_space<vmem>>, vector<128xf32>
    %add3A_2020 = arith.addf %add3A_2011, %get3A_2019 : vector<128xf32>
    %mul3A_2021 = arith.constant 1024 : i32
    %mul3A_2022 = arith.muli %arg0, %mul3A_2021 : i32
    %add3A_2023 = arith.constant 192128 : i32
    %add3A_2024 = arith.addi %add3A_2023, %mul3A_2022 : i32
    %add3A_2025 = arith.constant 768 : i32
    %add3A_2026 = arith.addi %add3A_2024, %add3A_2025 : i32
    %get3A_2027 = arith.index_cast %add3A_2026 : i32 to index
    %get3A_2028 = vector.load %arg3[%get3A_2027] : memref<324608xf32, #tpu.memory_space<vmem>>, vector<128xf32>
    %add3A_2029 = arith.addf %add3A_2020, %get3A_2028 : vector<128xf32>
    %mul3A_2030 = arith.constant 1024 : i32
    %mul3A_2031 = arith.muli %arg0, %mul3A_2030 : i32
    %add3A_2032 = arith.constant 202240 : i32
    %add3A_2033 = arith.addi %add3A_2032, %mul3A_2031 : i32
    %add3A_2034 = arith.constant 768 : i32
    %add3A_2035 = arith.addi %add3A_2033, %add3A_2034 : i32
    %get3A_2036 = arith.index_cast %add3A_2035 : i32 to index
    %get3A_2037 = vector.load %arg3[%get3A_2036] : memref<324608xf32, #tpu.memory_space<vmem>>, vector<128xf32>
    %add3A_2038 = arith.addf %add3A_2029, %get3A_2037 : vector<128xf32>
    %mul3A_2039 = arith.constant 1024 : i32
    %mul3A_2040 = arith.muli %arg0, %mul3A_2039 : i32
    %add3A_2041 = arith.constant 212352 : i32
    %add3A_2042 = arith.addi %add3A_2041, %mul3A_2040 : i32
    %add3A_2043 = arith.constant 768 : i32
    %add3A_2044 = arith.addi %add3A_2042, %add3A_2043 : i32
    %get3A_2045 = arith.index_cast %add3A_2044 : i32 to index
    %get3A_2046 = vector.load %arg3[%get3A_2045] : memref<324608xf32, #tpu.memory_space<vmem>>, vector<128xf32>
    %add3A_2047 = arith.addf %add3A_2038, %get3A_2046 : vector<128xf32>
    %mul3A_2048 = arith.constant 1024 : i32
    %mul3A_2049 = arith.muli %arg0, %mul3A_2048 : i32
    %add3A_2050 = arith.constant 222464 : i32
    %add3A_2051 = arith.addi %add3A_2050, %mul3A_2049 : i32
    %add3A_2052 = arith.constant 768 : i32
    %add3A_2053 = arith.addi %add3A_2051, %add3A_2052 : i32
    %get3A_2054 = arith.index_cast %add3A_2053 : i32 to index
    %get3A_2055 = vector.load %arg3[%get3A_2054] : memref<324608xf32, #tpu.memory_space<vmem>>, vector<128xf32>
    %add3A_2056 = arith.addf %add3A_2047, %get3A_2055 : vector<128xf32>
    %mul3A_2057 = arith.constant 1024 : i32
    %mul3A_2058 = arith.muli %arg0, %mul3A_2057 : i32
    %add3A_2059 = arith.constant 232576 : i32
    %add3A_2060 = arith.addi %add3A_2059, %mul3A_2058 : i32
    %add3A_2061 = arith.constant 768 : i32
    %add3A_2062 = arith.addi %add3A_2060, %add3A_2061 : i32
    %get3A_2063 = arith.index_cast %add3A_2062 : i32 to index
    %get3A_2064 = vector.load %arg3[%get3A_2063] : memref<324608xf32, #tpu.memory_space<vmem>>, vector<128xf32>
    %add3A_2065 = arith.addf %add3A_2056, %get3A_2064 : vector<128xf32>
    %mul3A_2066 = arith.constant 1024 : i32
    %mul3A_2067 = arith.muli %arg0, %mul3A_2066 : i32
    %add3A_2068 = arith.constant 242688 : i32
    %add3A_2069 = arith.addi %add3A_2068, %mul3A_2067 : i32
    %add3A_2070 = arith.constant 768 : i32
    %add3A_2071 = arith.addi %add3A_2069, %add3A_2070 : i32
    %get3A_2072 = arith.index_cast %add3A_2071 : i32 to index
    %get3A_2073 = vector.load %arg3[%get3A_2072] : memref<324608xf32, #tpu.memory_space<vmem>>, vector<128xf32>
    %add3A_2074 = arith.addf %add3A_2065, %get3A_2073 : vector<128xf32>
    %mul3A_2075 = arith.constant 1024 : i32
    %mul3A_2076 = arith.muli %arg0, %mul3A_2075 : i32
    %add3A_2077 = arith.constant 252800 : i32
    %add3A_2078 = arith.addi %add3A_2077, %mul3A_2076 : i32
    %add3A_2079 = arith.constant 768 : i32
    %add3A_2080 = arith.addi %add3A_2078, %add3A_2079 : i32
    %get3A_2081 = arith.index_cast %add3A_2080 : i32 to index
    %get3A_2082 = vector.load %arg3[%get3A_2081] : memref<324608xf32, #tpu.memory_space<vmem>>, vector<128xf32>
    %add3A_2083 = arith.addf %add3A_2074, %get3A_2082 : vector<128xf32>
    %mul3A_2084 = arith.constant 1024 : i32
    %mul3A_2085 = arith.muli %arg0, %mul3A_2084 : i32
    %add3A_2086 = arith.constant 262912 : i32
    %add3A_2087 = arith.addi %add3A_2086, %mul3A_2085 : i32
    %add3A_2088 = arith.constant 768 : i32
    %add3A_2089 = arith.addi %add3A_2087, %add3A_2088 : i32
    %get3A_2090 = arith.index_cast %add3A_2089 : i32 to index
    %get3A_2091 = vector.load %arg3[%get3A_2090] : memref<324608xf32, #tpu.memory_space<vmem>>, vector<128xf32>
    %add3A_2092 = arith.addf %add3A_2083, %get3A_2091 : vector<128xf32>
    %mul3A_2093 = arith.constant 1024 : i32
    %mul3A_2094 = arith.muli %arg0, %mul3A_2093 : i32
    %add3A_2095 = arith.constant 273024 : i32
    %add3A_2096 = arith.addi %add3A_2095, %mul3A_2094 : i32
    %add3A_2097 = arith.constant 768 : i32
    %add3A_2098 = arith.addi %add3A_2096, %add3A_2097 : i32
    %get3A_2099 = arith.index_cast %add3A_2098 : i32 to index
    %get3A_2100 = vector.load %arg3[%get3A_2099] : memref<324608xf32, #tpu.memory_space<vmem>>, vector<128xf32>
    %add3A_2101 = arith.addf %add3A_2092, %get3A_2100 : vector<128xf32>
    %mul3A_2102 = arith.constant 1024 : i32
    %mul3A_2103 = arith.muli %arg0, %mul3A_2102 : i32
    %add3A_2104 = arith.constant 283136 : i32
    %add3A_2105 = arith.addi %add3A_2104, %mul3A_2103 : i32
    %add3A_2106 = arith.constant 768 : i32
    %add3A_2107 = arith.addi %add3A_2105, %add3A_2106 : i32
    %get3A_2108 = arith.index_cast %add3A_2107 : i32 to index
    %get3A_2109 = vector.load %arg3[%get3A_2108] : memref<324608xf32, #tpu.memory_space<vmem>>, vector<128xf32>
    %add3A_2110 = arith.addf %add3A_2101, %get3A_2109 : vector<128xf32>
    %mul3A_2111 = arith.constant 1024 : i32
    %mul3A_2112 = arith.muli %arg0, %mul3A_2111 : i32
    %add3A_2113 = arith.constant 293248 : i32
    %add3A_2114 = arith.addi %add3A_2113, %mul3A_2112 : i32
    %add3A_2115 = arith.constant 768 : i32
    %add3A_2116 = arith.addi %add3A_2114, %add3A_2115 : i32
    %get3A_2117 = arith.index_cast %add3A_2116 : i32 to index
    %get3A_2118 = vector.load %arg3[%get3A_2117] : memref<324608xf32, #tpu.memory_space<vmem>>, vector<128xf32>
    %add3A_2119 = arith.addf %add3A_2110, %get3A_2118 : vector<128xf32>
    %mul3A_2120 = arith.constant 1024 : i32
    %mul3A_2121 = arith.muli %arg0, %mul3A_2120 : i32
    %add3A_2122 = arith.constant 303360 : i32
    %add3A_2123 = arith.addi %add3A_2122, %mul3A_2121 : i32
    %add3A_2124 = arith.constant 768 : i32
    %add3A_2125 = arith.addi %add3A_2123, %add3A_2124 : i32
    %get3A_2126 = arith.index_cast %add3A_2125 : i32 to index
    %get3A_2127 = vector.load %arg3[%get3A_2126] : memref<324608xf32, #tpu.memory_space<vmem>>, vector<128xf32>
    %add3A_2128 = arith.addf %add3A_2119, %get3A_2127 : vector<128xf32>
    %mul3A_2129 = arith.constant 1024 : i32
    %mul3A_2130 = arith.muli %arg0, %mul3A_2129 : i32
    %add3A_2131 = arith.constant 313472 : i32
    %add3A_2132 = arith.addi %add3A_2131, %mul3A_2130 : i32
    %add3A_2133 = arith.constant 768 : i32
    %add3A_2134 = arith.addi %add3A_2132, %add3A_2133 : i32
    %get3A_2135 = arith.index_cast %add3A_2134 : i32 to index
    %get3A_2136 = vector.load %arg3[%get3A_2135] : memref<324608xf32, #tpu.memory_space<vmem>>, vector<128xf32>
    %add3A_2137 = arith.addf %add3A_2128, %get3A_2136 : vector<128xf32>
    %max3A_2138 = arith.constant 1.000000e+00 : f32
    %max3A_2139 = vector.broadcast %max3A_2138 : f32 to vector<128xf32>
    %max3A_2140 = arith.maximumf %add3A_2137, %max3A_2139 : vector<128xf32>
    %div3A_2141 = arith.constant 1.000000e+00 : f32
    %div3A_2142 = vector.broadcast %div3A_2141 : f32 to vector<128xf32>
    %div3A_2143 = arith.divf %div3A_2142, %max3A_2140 : vector<128xf32>
    %reshape3A_2144 = vector.shape_cast %div3A_2143 : vector<128xf32> to vector<1x128xf32>
    %broadcast_in_dim3A_2145 = vector.shape_cast %reshape3A_2144 : vector<1x128xf32> to vector<1x128xf32>
    %broadcast_in_dim3A_2146 = vector.broadcast %broadcast_in_dim3A_2145 : vector<1x128xf32> to vector<128x128xf32>
    %jit3A_2147 = arith.constant 0.000000e+00 : f32
    %broadcast_in_dim3A_2148 = vector.broadcast %jit3A_2147 : f32 to vector<128x128xf32>
    %select_n3A_2149 = arith.select %eq3A, %broadcast_in_dim3A_2146, %broadcast_in_dim3A_2148 : vector<128x128xi1>, vector<128x128xf32>
    %slice3A_2150 = vector.extract_strided_slice %add3A_28 {offsets = [768, 0], sizes = [128, 128], strides = [1, 1]} : vector<1024x128xf32> to vector<128x128xf32>
    %dot_general3A_2151 = arith.constant dense<0.000000e+00> : vector<128x128xf32>
    %dot_general3A_2152 = tpu.matmul %select_n3A_2149, %slice3A_2150, %dot_general3A_2151 {dimension_numbers = #tpu.dot_dimension_numbers<[1], [0], [0], [1], [0, 0, 1, 1], [], []>, transpose_lhs_hint = false} : vector<128x128xf32>, vector<128x128xf32>, vector<128x128xf32> -> vector<128x128xf32>
    %dot_general3A_2153 = arith.constant dense<0.000000e+00> : vector<128x128xf32>
    %dot_general3A_2154 = tpu.matmul %dot_general3A_2152, %add3A_17, %dot_general3A_2153 {dimension_numbers = #tpu.dot_dimension_numbers<[1], [0], [0], [1], [0, 0, 1, 1], [], []>, transpose_lhs_hint = false} : vector<128x128xf32>, vector<128x128xf32>, vector<128x128xf32> -> vector<128x128xf32>
    %swap3A_2155 = arith.constant 768 : index
    %swap3A_2156 = arith.constant 0 : index
    %swap3A_2157 = vector.load %arg6[%swap3A_2155, %swap3A_2156] : memref<1024x128xf32, #tpu.memory_space<vmem>>, vector<128x128xf32>
    tpu.vector_store %arg6[%swap3A_2155, %swap3A_2156], %dot_general3A_2154 {strides = array<i32>} : memref<1024x128xf32, #tpu.memory_space<vmem>>, vector<128x128xf32>,
    %mul3A_2158 = arith.constant 1024 : i32
    %mul3A_2159 = arith.muli %arg0, %mul3A_2158 : i32
    %add3A_2160 = arith.constant 896 : i32
    %add3A_2161 = arith.addi %mul3A_2159, %add3A_2160 : i32
    %get3A_2162 = arith.index_cast %add3A_2161 : i32 to index
    %get3A_2163 = vector.load %arg3[%get3A_2162] : memref<324608xf32, #tpu.memory_space<vmem>>, vector<128xf32>
    %mul3A_2164 = arith.constant 1024 : i32
    %mul3A_2165 = arith.muli %arg0, %mul3A_2164 : i32
    %add3A_2166 = arith.constant 10112 : i32
    %add3A_2167 = arith.addi %add3A_2166, %mul3A_2165 : i32
    %add3A_2168 = arith.constant 896 : i32
    %add3A_2169 = arith.addi %add3A_2167, %add3A_2168 : i32
    %get3A_2170 = arith.index_cast %add3A_2169 : i32 to index
    %get3A_2171 = vector.load %arg3[%get3A_2170] : memref<324608xf32, #tpu.memory_space<vmem>>, vector<128xf32>
    %add3A_2172 = arith.addf %get3A_2163, %get3A_2171 : vector<128xf32>
    %mul3A_2173 = arith.constant 1024 : i32
    %mul3A_2174 = arith.muli %arg0, %mul3A_2173 : i32
    %add3A_2175 = arith.constant 20224 : i32
    %add3A_2176 = arith.addi %add3A_2175, %mul3A_2174 : i32
    %add3A_2177 = arith.constant 896 : i32
    %add3A_2178 = arith.addi %add3A_2176, %add3A_2177 : i32
    %get3A_2179 = arith.index_cast %add3A_2178 : i32 to index
    %get3A_2180 = vector.load %arg3[%get3A_2179] : memref<324608xf32, #tpu.memory_space<vmem>>, vector<128xf32>
    %add3A_2181 = arith.addf %add3A_2172, %get3A_2180 : vector<128xf32>
    %mul3A_2182 = arith.constant 1024 : i32
    %mul3A_2183 = arith.muli %arg0, %mul3A_2182 : i32
    %add3A_2184 = arith.constant 30336 : i32
    %add3A_2185 = arith.addi %add3A_2184, %mul3A_2183 : i32
    %add3A_2186 = arith.constant 896 : i32
    %add3A_2187 = arith.addi %add3A_2185, %add3A_2186 : i32
    %get3A_2188 = arith.index_cast %add3A_2187 : i32 to index
    %get3A_2189 = vector.load %arg3[%get3A_2188] : memref<324608xf32, #tpu.memory_space<vmem>>, vector<128xf32>
    %add3A_2190 = arith.addf %add3A_2181, %get3A_2189 : vector<128xf32>
    %mul3A_2191 = arith.constant 1024 : i32
    %mul3A_2192 = arith.muli %arg0, %mul3A_2191 : i32
    %add3A_2193 = arith.constant 40448 : i32
    %add3A_2194 = arith.addi %add3A_2193, %mul3A_2192 : i32
    %add3A_2195 = arith.constant 896 : i32
    %add3A_2196 = arith.addi %add3A_2194, %add3A_2195 : i32
    %get3A_2197 = arith.index_cast %add3A_2196 : i32 to index
    %get3A_2198 = vector.load %arg3[%get3A_2197] : memref<324608xf32, #tpu.memory_space<vmem>>, vector<128xf32>
    %add3A_2199 = arith.addf %add3A_2190, %get3A_2198 : vector<128xf32>
    %mul3A_2200 = arith.constant 1024 : i32
    %mul3A_2201 = arith.muli %arg0, %mul3A_2200 : i32
    %add3A_2202 = arith.constant 50560 : i32
    %add3A_2203 = arith.addi %add3A_2202, %mul3A_2201 : i32
    %add3A_2204 = arith.constant 896 : i32
    %add3A_2205 = arith.addi %add3A_2203, %add3A_2204 : i32
    %get3A_2206 = arith.index_cast %add3A_2205 : i32 to index
    %get3A_2207 = vector.load %arg3[%get3A_2206] : memref<324608xf32, #tpu.memory_space<vmem>>, vector<128xf32>
    %add3A_2208 = arith.addf %add3A_2199, %get3A_2207 : vector<128xf32>
    %mul3A_2209 = arith.constant 1024 : i32
    %mul3A_2210 = arith.muli %arg0, %mul3A_2209 : i32
    %add3A_2211 = arith.constant 60672 : i32
    %add3A_2212 = arith.addi %add3A_2211, %mul3A_2210 : i32
    %add3A_2213 = arith.constant 896 : i32
    %add3A_2214 = arith.addi %add3A_2212, %add3A_2213 : i32
    %get3A_2215 = arith.index_cast %add3A_2214 : i32 to index
    %get3A_2216 = vector.load %arg3[%get3A_2215] : memref<324608xf32, #tpu.memory_space<vmem>>, vector<128xf32>
    %add3A_2217 = arith.addf %add3A_2208, %get3A_2216 : vector<128xf32>
    %mul3A_2218 = arith.constant 1024 : i32
    %mul3A_2219 = arith.muli %arg0, %mul3A_2218 : i32
    %add3A_2220 = arith.constant 70784 : i32
    %add3A_2221 = arith.addi %add3A_2220, %mul3A_2219 : i32
    %add3A_2222 = arith.constant 896 : i32
    %add3A_2223 = arith.addi %add3A_2221, %add3A_2222 : i32
    %get3A_2224 = arith.index_cast %add3A_2223 : i32 to index
    %get3A_2225 = vector.load %arg3[%get3A_2224] : memref<324608xf32, #tpu.memory_space<vmem>>, vector<128xf32>
    %add3A_2226 = arith.addf %add3A_2217, %get3A_2225 : vector<128xf32>
    %mul3A_2227 = arith.constant 1024 : i32
    %mul3A_2228 = arith.muli %arg0, %mul3A_2227 : i32
    %add3A_2229 = arith.constant 80896 : i32
    %add3A_2230 = arith.addi %add3A_2229, %mul3A_2228 : i32
    %add3A_2231 = arith.constant 896 : i32
    %add3A_2232 = arith.addi %add3A_2230, %add3A_2231 : i32
    %get3A_2233 = arith.index_cast %add3A_2232 : i32 to index
    %get3A_2234 = vector.load %arg3[%get3A_2233] : memref<324608xf32, #tpu.memory_space<vmem>>, vector<128xf32>
    %add3A_2235 = arith.addf %add3A_2226, %get3A_2234 : vector<128xf32>
    %mul3A_2236 = arith.constant 1024 : i32
    %mul3A_2237 = arith.muli %arg0, %mul3A_2236 : i32
    %add3A_2238 = arith.constant 91008 : i32
    %add3A_2239 = arith.addi %add3A_2238, %mul3A_2237 : i32
    %add3A_2240 = arith.constant 896 : i32
    %add3A_2241 = arith.addi %add3A_2239, %add3A_2240 : i32
    %get3A_2242 = arith.index_cast %add3A_2241 : i32 to index
    %get3A_2243 = vector.load %arg3[%get3A_2242] : memref<324608xf32, #tpu.memory_space<vmem>>, vector<128xf32>
    %add3A_2244 = arith.addf %add3A_2235, %get3A_2243 : vector<128xf32>
    %mul3A_2245 = arith.constant 1024 : i32
    %mul3A_2246 = arith.muli %arg0, %mul3A_2245 : i32
    %add3A_2247 = arith.constant 101120 : i32
    %add3A_2248 = arith.addi %add3A_2247, %mul3A_2246 : i32
    %add3A_2249 = arith.constant 896 : i32
    %add3A_2250 = arith.addi %add3A_2248, %add3A_2249 : i32
    %get3A_2251 = arith.index_cast %add3A_2250 : i32 to index
    %get3A_2252 = vector.load %arg3[%get3A_2251] : memref<324608xf32, #tpu.memory_space<vmem>>, vector<128xf32>
    %add3A_2253 = arith.addf %add3A_2244, %get3A_2252 : vector<128xf32>
    %mul3A_2254 = arith.constant 1024 : i32
    %mul3A_2255 = arith.muli %arg0, %mul3A_2254 : i32
    %add3A_2256 = arith.constant 111232 : i32
    %add3A_2257 = arith.addi %add3A_2256, %mul3A_2255 : i32
    %add3A_2258 = arith.constant 896 : i32
    %add3A_2259 = arith.addi %add3A_2257, %add3A_2258 : i32
    %get3A_2260 = arith.index_cast %add3A_2259 : i32 to index
    %get3A_2261 = vector.load %arg3[%get3A_2260] : memref<324608xf32, #tpu.memory_space<vmem>>, vector<128xf32>
    %add3A_2262 = arith.addf %add3A_2253, %get3A_2261 : vector<128xf32>
    %mul3A_2263 = arith.constant 1024 : i32
    %mul3A_2264 = arith.muli %arg0, %mul3A_2263 : i32
    %add3A_2265 = arith.constant 121344 : i32
    %add3A_2266 = arith.addi %add3A_2265, %mul3A_2264 : i32
    %add3A_2267 = arith.constant 896 : i32
    %add3A_2268 = arith.addi %add3A_2266, %add3A_2267 : i32
    %get3A_2269 = arith.index_cast %add3A_2268 : i32 to index
    %get3A_2270 = vector.load %arg3[%get3A_2269] : memref<324608xf32, #tpu.memory_space<vmem>>, vector<128xf32>
    %add3A_2271 = arith.addf %add3A_2262, %get3A_2270 : vector<128xf32>
    %mul3A_2272 = arith.constant 1024 : i32
    %mul3A_2273 = arith.muli %arg0, %mul3A_2272 : i32
    %add3A_2274 = arith.constant 131456 : i32
    %add3A_2275 = arith.addi %add3A_2274, %mul3A_2273 : i32
    %add3A_2276 = arith.constant 896 : i32
    %add3A_2277 = arith.addi %add3A_2275, %add3A_2276 : i32
    %get3A_2278 = arith.index_cast %add3A_2277 : i32 to index
    %get3A_2279 = vector.load %arg3[%get3A_2278] : memref<324608xf32, #tpu.memory_space<vmem>>, vector<128xf32>
    %add3A_2280 = arith.addf %add3A_2271, %get3A_2279 : vector<128xf32>
    %mul3A_2281 = arith.constant 1024 : i32
    %mul3A_2282 = arith.muli %arg0, %mul3A_2281 : i32
    %add3A_2283 = arith.constant 141568 : i32
    %add3A_2284 = arith.addi %add3A_2283, %mul3A_2282 : i32
    %add3A_2285 = arith.constant 896 : i32
    %add3A_2286 = arith.addi %add3A_2284, %add3A_2285 : i32
    %get3A_2287 = arith.index_cast %add3A_2286 : i32 to index
    %get3A_2288 = vector.load %arg3[%get3A_2287] : memref<324608xf32, #tpu.memory_space<vmem>>, vector<128xf32>
    %add3A_2289 = arith.addf %add3A_2280, %get3A_2288 : vector<128xf32>
    %mul3A_2290 = arith.constant 1024 : i32
    %mul3A_2291 = arith.muli %arg0, %mul3A_2290 : i32
    %add3A_2292 = arith.constant 151680 : i32
    %add3A_2293 = arith.addi %add3A_2292, %mul3A_2291 : i32
    %add3A_2294 = arith.constant 896 : i32
    %add3A_2295 = arith.addi %add3A_2293, %add3A_2294 : i32
    %get3A_2296 = arith.index_cast %add3A_2295 : i32 to index
    %get3A_2297 = vector.load %arg3[%get3A_2296] : memref<324608xf32, #tpu.memory_space<vmem>>, vector<128xf32>
    %add3A_2298 = arith.addf %add3A_2289, %get3A_2297 : vector<128xf32>
    %mul3A_2299 = arith.constant 1024 : i32
    %mul3A_2300 = arith.muli %arg0, %mul3A_2299 : i32
    %add3A_2301 = arith.constant 161792 : i32
    %add3A_2302 = arith.addi %add3A_2301, %mul3A_2300 : i32
    %add3A_2303 = arith.constant 896 : i32
    %add3A_2304 = arith.addi %add3A_2302, %add3A_2303 : i32
    %get3A_2305 = arith.index_cast %add3A_2304 : i32 to index
    %get3A_2306 = vector.load %arg3[%get3A_2305] : memref<324608xf32, #tpu.memory_space<vmem>>, vector<128xf32>
    %add3A_2307 = arith.addf %add3A_2298, %get3A_2306 : vector<128xf32>
    %mul3A_2308 = arith.constant 1024 : i32
    %mul3A_2309 = arith.muli %arg0, %mul3A_2308 : i32
    %add3A_2310 = arith.constant 171904 : i32
    %add3A_2311 = arith.addi %add3A_2310, %mul3A_2309 : i32
    %add3A_2312 = arith.constant 896 : i32
    %add3A_2313 = arith.addi %add3A_2311, %add3A_2312 : i32
    %get3A_2314 = arith.index_cast %add3A_2313 : i32 to index
    %get3A_2315 = vector.load %arg3[%get3A_2314] : memref<324608xf32, #tpu.memory_space<vmem>>, vector<128xf32>
    %add3A_2316 = arith.addf %add3A_2307, %get3A_2315 : vector<128xf32>
    %mul3A_2317 = arith.constant 1024 : i32
    %mul3A_2318 = arith.muli %arg0, %mul3A_2317 : i32
    %add3A_2319 = arith.constant 182016 : i32
    %add3A_2320 = arith.addi %add3A_2319, %mul3A_2318 : i32
    %add3A_2321 = arith.constant 896 : i32
    %add3A_2322 = arith.addi %add3A_2320, %add3A_2321 : i32
    %get3A_2323 = arith.index_cast %add3A_2322 : i32 to index
    %get3A_2324 = vector.load %arg3[%get3A_2323] : memref<324608xf32, #tpu.memory_space<vmem>>, vector<128xf32>
    %add3A_2325 = arith.addf %add3A_2316, %get3A_2324 : vector<128xf32>
    %mul3A_2326 = arith.constant 1024 : i32
    %mul3A_2327 = arith.muli %arg0, %mul3A_2326 : i32
    %add3A_2328 = arith.constant 192128 : i32
    %add3A_2329 = arith.addi %add3A_2328, %mul3A_2327 : i32
    %add3A_2330 = arith.constant 896 : i32
    %add3A_2331 = arith.addi %add3A_2329, %add3A_2330 : i32
    %get3A_2332 = arith.index_cast %add3A_2331 : i32 to index
    %get3A_2333 = vector.load %arg3[%get3A_2332] : memref<324608xf32, #tpu.memory_space<vmem>>, vector<128xf32>
    %add3A_2334 = arith.addf %add3A_2325, %get3A_2333 : vector<128xf32>
    %mul3A_2335 = arith.constant 1024 : i32
    %mul3A_2336 = arith.muli %arg0, %mul3A_2335 : i32
    %add3A_2337 = arith.constant 202240 : i32
    %add3A_2338 = arith.addi %add3A_2337, %mul3A_2336 : i32
    %add3A_2339 = arith.constant 896 : i32
    %add3A_2340 = arith.addi %add3A_2338, %add3A_2339 : i32
    %get3A_2341 = arith.index_cast %add3A_2340 : i32 to index
    %get3A_2342 = vector.load %arg3[%get3A_2341] : memref<324608xf32, #tpu.memory_space<vmem>>, vector<128xf32>
    %add3A_2343 = arith.addf %add3A_2334, %get3A_2342 : vector<128xf32>
    %mul3A_2344 = arith.constant 1024 : i32
    %mul3A_2345 = arith.muli %arg0, %mul3A_2344 : i32
    %add3A_2346 = arith.constant 212352 : i32
    %add3A_2347 = arith.addi %add3A_2346, %mul3A_2345 : i32
    %add3A_2348 = arith.constant 896 : i32
    %add3A_2349 = arith.addi %add3A_2347, %add3A_2348 : i32
    %get3A_2350 = arith.index_cast %add3A_2349 : i32 to index
    %get3A_2351 = vector.load %arg3[%get3A_2350] : memref<324608xf32, #tpu.memory_space<vmem>>, vector<128xf32>
    %add3A_2352 = arith.addf %add3A_2343, %get3A_2351 : vector<128xf32>
    %mul3A_2353 = arith.constant 1024 : i32
    %mul3A_2354 = arith.muli %arg0, %mul3A_2353 : i32
    %add3A_2355 = arith.constant 222464 : i32
    %add3A_2356 = arith.addi %add3A_2355, %mul3A_2354 : i32
    %add3A_2357 = arith.constant 896 : i32
    %add3A_2358 = arith.addi %add3A_2356, %add3A_2357 : i32
    %get3A_2359 = arith.index_cast %add3A_2358 : i32 to index
    %get3A_2360 = vector.load %arg3[%get3A_2359] : memref<324608xf32, #tpu.memory_space<vmem>>, vector<128xf32>
    %add3A_2361 = arith.addf %add3A_2352, %get3A_2360 : vector<128xf32>
    %mul3A_2362 = arith.constant 1024 : i32
    %mul3A_2363 = arith.muli %arg0, %mul3A_2362 : i32
    %add3A_2364 = arith.constant 232576 : i32
    %add3A_2365 = arith.addi %add3A_2364, %mul3A_2363 : i32
    %add3A_2366 = arith.constant 896 : i32
    %add3A_2367 = arith.addi %add3A_2365, %add3A_2366 : i32
    %get3A_2368 = arith.index_cast %add3A_2367 : i32 to index
    %get3A_2369 = vector.load %arg3[%get3A_2368] : memref<324608xf32, #tpu.memory_space<vmem>>, vector<128xf32>
    %add3A_2370 = arith.addf %add3A_2361, %get3A_2369 : vector<128xf32>
    %mul3A_2371 = arith.constant 1024 : i32
    %mul3A_2372 = arith.muli %arg0, %mul3A_2371 : i32
    %add3A_2373 = arith.constant 242688 : i32
    %add3A_2374 = arith.addi %add3A_2373, %mul3A_2372 : i32
    %add3A_2375 = arith.constant 896 : i32
    %add3A_2376 = arith.addi %add3A_2374, %add3A_2375 : i32
    %get3A_2377 = arith.index_cast %add3A_2376 : i32 to index
    %get3A_2378 = vector.load %arg3[%get3A_2377] : memref<324608xf32, #tpu.memory_space<vmem>>, vector<128xf32>
    %add3A_2379 = arith.addf %add3A_2370, %get3A_2378 : vector<128xf32>
    %mul3A_2380 = arith.constant 1024 : i32
    %mul3A_2381 = arith.muli %arg0, %mul3A_2380 : i32
    %add3A_2382 = arith.constant 252800 : i32
    %add3A_2383 = arith.addi %add3A_2382, %mul3A_2381 : i32
    %add3A_2384 = arith.constant 896 : i32
    %add3A_2385 = arith.addi %add3A_2383, %add3A_2384 : i32
    %get3A_2386 = arith.index_cast %add3A_2385 : i32 to index
    %get3A_2387 = vector.load %arg3[%get3A_2386] : memref<324608xf32, #tpu.memory_space<vmem>>, vector<128xf32>
    %add3A_2388 = arith.addf %add3A_2379, %get3A_2387 : vector<128xf32>
    %mul3A_2389 = arith.constant 1024 : i32
    %mul3A_2390 = arith.muli %arg0, %mul3A_2389 : i32
    %add3A_2391 = arith.constant 262912 : i32
    %add3A_2392 = arith.addi %add3A_2391, %mul3A_2390 : i32
    %add3A_2393 = arith.constant 896 : i32
    %add3A_2394 = arith.addi %add3A_2392, %add3A_2393 : i32
    %get3A_2395 = arith.index_cast %add3A_2394 : i32 to index
    %get3A_2396 = vector.load %arg3[%get3A_2395] : memref<324608xf32, #tpu.memory_space<vmem>>, vector<128xf32>
    %add3A_2397 = arith.addf %add3A_2388, %get3A_2396 : vector<128xf32>
    %mul3A_2398 = arith.constant 1024 : i32
    %mul3A_2399 = arith.muli %arg0, %mul3A_2398 : i32
    %add3A_2400 = arith.constant 273024 : i32
    %add3A_2401 = arith.addi %add3A_2400, %mul3A_2399 : i32
    %add3A_2402 = arith.constant 896 : i32
    %add3A_2403 = arith.addi %add3A_2401, %add3A_2402 : i32
    %get3A_2404 = arith.index_cast %add3A_2403 : i32 to index
    %get3A_2405 = vector.load %arg3[%get3A_2404] : memref<324608xf32, #tpu.memory_space<vmem>>, vector<128xf32>
    %add3A_2406 = arith.addf %add3A_2397, %get3A_2405 : vector<128xf32>
    %mul3A_2407 = arith.constant 1024 : i32
    %mul3A_2408 = arith.muli %arg0, %mul3A_2407 : i32
    %add3A_2409 = arith.constant 283136 : i32
    %add3A_2410 = arith.addi %add3A_2409, %mul3A_2408 : i32
    %add3A_2411 = arith.constant 896 : i32
    %add3A_2412 = arith.addi %add3A_2410, %add3A_2411 : i32
    %get3A_2413 = arith.index_cast %add3A_2412 : i32 to index
    %get3A_2414 = vector.load %arg3[%get3A_2413] : memref<324608xf32, #tpu.memory_space<vmem>>, vector<128xf32>
    %add3A_2415 = arith.addf %add3A_2406, %get3A_2414 : vector<128xf32>
    %mul3A_2416 = arith.constant 1024 : i32
    %mul3A_2417 = arith.muli %arg0, %mul3A_2416 : i32
    %add3A_2418 = arith.constant 293248 : i32
    %add3A_2419 = arith.addi %add3A_2418, %mul3A_2417 : i32
    %add3A_2420 = arith.constant 896 : i32
    %add3A_2421 = arith.addi %add3A_2419, %add3A_2420 : i32
    %get3A_2422 = arith.index_cast %add3A_2421 : i32 to index
    %get3A_2423 = vector.load %arg3[%get3A_2422] : memref<324608xf32, #tpu.memory_space<vmem>>, vector<128xf32>
    %add3A_2424 = arith.addf %add3A_2415, %get3A_2423 : vector<128xf32>
    %mul3A_2425 = arith.constant 1024 : i32
    %mul3A_2426 = arith.muli %arg0, %mul3A_2425 : i32
    %add3A_2427 = arith.constant 303360 : i32
    %add3A_2428 = arith.addi %add3A_2427, %mul3A_2426 : i32
    %add3A_2429 = arith.constant 896 : i32
    %add3A_2430 = arith.addi %add3A_2428, %add3A_2429 : i32
    %get3A_2431 = arith.index_cast %add3A_2430 : i32 to index
    %get3A_2432 = vector.load %arg3[%get3A_2431] : memref<324608xf32, #tpu.memory_space<vmem>>, vector<128xf32>
    %add3A_2433 = arith.addf %add3A_2424, %get3A_2432 : vector<128xf32>
    %mul3A_2434 = arith.constant 1024 : i32
    %mul3A_2435 = arith.muli %arg0, %mul3A_2434 : i32
    %add3A_2436 = arith.constant 313472 : i32
    %add3A_2437 = arith.addi %add3A_2436, %mul3A_2435 : i32
    %add3A_2438 = arith.constant 896 : i32
    %add3A_2439 = arith.addi %add3A_2437, %add3A_2438 : i32
    %get3A_2440 = arith.index_cast %add3A_2439 : i32 to index
    %get3A_2441 = vector.load %arg3[%get3A_2440] : memref<324608xf32, #tpu.memory_space<vmem>>, vector<128xf32>
    %add3A_2442 = arith.addf %add3A_2433, %get3A_2441 : vector<128xf32>
    %max3A_2443 = arith.constant 1.000000e+00 : f32
    %max3A_2444 = vector.broadcast %max3A_2443 : f32 to vector<128xf32>
    %max3A_2445 = arith.maximumf %add3A_2442, %max3A_2444 : vector<128xf32>
    %div3A_2446 = arith.constant 1.000000e+00 : f32
    %div3A_2447 = vector.broadcast %div3A_2446 : f32 to vector<128xf32>
    %div3A_2448 = arith.divf %div3A_2447, %max3A_2445 : vector<128xf32>
    %reshape3A_2449 = vector.shape_cast %div3A_2448 : vector<128xf32> to vector<1x128xf32>
    %broadcast_in_dim3A_2450 = vector.shape_cast %reshape3A_2449 : vector<1x128xf32> to vector<1x128xf32>
    %broadcast_in_dim3A_2451 = vector.broadcast %broadcast_in_dim3A_2450 : vector<1x128xf32> to vector<128x128xf32>
    %jit3A_2452 = arith.constant 0.000000e+00 : f32
    %broadcast_in_dim3A_2453 = vector.broadcast %jit3A_2452 : f32 to vector<128x128xf32>
    %select_n3A_2454 = arith.select %eq3A, %broadcast_in_dim3A_2451, %broadcast_in_dim3A_2453 : vector<128x128xi1>, vector<128x128xf32>
    %slice3A_2455 = vector.extract_strided_slice %add3A_28 {offsets = [896, 0], sizes = [128, 128], strides = [1, 1]} : vector<1024x128xf32> to vector<128x128xf32>
    %dot_general3A_2456 = arith.constant dense<0.000000e+00> : vector<128x128xf32>
    %dot_general3A_2457 = tpu.matmul %select_n3A_2454, %slice3A_2455, %dot_general3A_2456 {dimension_numbers = #tpu.dot_dimension_numbers<[1], [0], [0], [1], [0, 0, 1, 1], [], []>, transpose_lhs_hint = false} : vector<128x128xf32>, vector<128x128xf32>, vector<128x128xf32> -> vector<128x128xf32>
    %dot_general3A_2458 = arith.constant dense<0.000000e+00> : vector<128x128xf32>
    %dot_general3A_2459 = tpu.matmul %dot_general3A_2457, %add3A_17, %dot_general3A_2458 {dimension_numbers = #tpu.dot_dimension_numbers<[1], [0], [0], [1], [0, 0, 1, 1], [], []>, transpose_lhs_hint = false} : vector<128x128xf32>, vector<128x128xf32>, vector<128x128xf32> -> vector<128x128xf32>
    %swap3A_2460 = arith.constant 896 : index
    %swap3A_2461 = arith.constant 0 : index
    %swap3A_2462 = vector.load %arg6[%swap3A_2460, %swap3A_2461] : memref<1024x128xf32, #tpu.memory_space<vmem>>, vector<128x128xf32>
    tpu.vector_store %arg6[%swap3A_2460, %swap3A_2461], %dot_general3A_2459 {strides = array<i32>} : memref<1024x128xf32, #tpu.memory_space<vmem>>, vector<128x128xf32>,
    return
  }
  func.func @transform_0(%arg0: i32) -> i32 {
    %c0_i32 = arith.constant 0 : i32
    %c0_i32_0 = arith.constant 0 : i32
    return %c0_i32 : i32
  }
  func.func @transform_1(%arg0: i32) -> (i32, i32, i32) {
    %c0_i32 = arith.constant 0 : i32
    %c0_i32_0 = arith.constant 0 : i32
    %c0_i32_1 = arith.constant 0 : i32
    return %c0_i32, %arg0, %c0_i32_0 : i32, i32, i32
  }
  func.func @transform_2(%arg0: i32) -> i32 {
    %c0_i32 = arith.constant 0 : i32
    %c0_i32_0 = arith.constant 0 : i32
    return %c0_i32 : i32
  }
  func.func @transform_3(%arg0: i32) -> (i32, i32) {
    %c0_i32 = arith.constant 0 : i32
    %c0_i32_0 = arith.constant 0 : i32
    %c0_i32_1 = arith.constant 0 : i32
    return %c0_i32, %c0_i32_0 : i32, i32
  }
  func.func @transform_4(%arg0: i32) -> (i32, i32) {
    %c0_i32 = arith.constant 0 : i32
    %c0_i32_0 = arith.constant 0 : i32
    %c0_i32_1 = arith.constant 0 : i32
    return %c0_i32, %c0_i32_0 : i32, i32
  }
  func.func @transform_5(%arg0: i32) -> (i32, i32) {
    %c0_i32 = arith.constant 0 : i32
    %c0_i32_0 = arith.constant 0 : i32
    return %arg0, %c0_i32 : i32, i32
  }
}

</mosaic_0001>

<sc_bundles>
// kernel: kernel.4.cloned.1.call-start
scs
__scs_entry_jumppad:
0x0: {  	(pc) =	sbr.rel $0x88, $3  }
0x1: {  	(tag) =	ssettag $0x0;
	lr =	simm.s32 $0x1  }
0x2: {  	[smem:$0x3F9C] =	sst lr;
	_ =	strace $0xD0000000  }
0x3: {  	_ = 	snop  }
0x4: {  	_ = 	snop  }
0x5: {  	_ = 	snop  }
0x6: {  	_ = 	snop  }
0x7: {  	_ = 	snop  }
__scs_overlays_trampoline_lowered:
0x8: {  	[smem:$0x3FAB] =	sst s0  }
0x9: {  	[smem:$0x3FAC] =	sst s1  }
0xa: {  	[smem:$0x3FAD] =	sst s2  }
0xb: {  	[smem:$0x3FAE] =	sst s3  }
0xc: {  	[smem:$0x3FAF] =	sst s4  }
0xd: {  	[smem:$0x3FB0] =	sst s5  }
0xe: {  	[smem:$0x3FB1] =	sst s6  }
0xf: {  	[smem:$0x3FB2] =	sst s7  }
0x10: {  	[smem:$0x3FB3] =	sst s8  }
0x11: {  	[smem:$0x3FB4] =	sst s9;
	s0 =	simm.s32 @!p0 $0x0  }
0x12: {  	s1 =	sld [smem:$0x3F9A];
	s0 =	simm.s32 @p0 $0x1  }
0x13: {  	[smem:$0x3FB5] =	sst s0;
	s0 =	simm.s32 @!p1 $0x0  }
0x14: {  	s2 =	sld [smem:$0x3F99];
	s0 =	simm.s32 @p1 $0x1  }
0x15: {  	[smem:$0x3FB6] =	sst s0;
	s0 =	simm.s32 @!p2 $0x0  }
0x16: {  	s3 =	sld [smem:$0x3FDB];
	s0 =	simm.s32 @p2 $0x1  }
0x17: {  	s4 =	simm.s32 $0x1BF5;
	[smem:$0x3FB8] =	sst s0  }
0x18: {  	s0 =	sld [smem:$0x3F9B];
	_ =	swait.ge [sflag:s4], $0x0  }
0x19: {  	s7 =	sld [smem:$0x3F9C]  }
0x1a: {  	s8 =	sadd.s32 $0xFFFFE003, lr  }
0x1b: {  	s9 =	sadd.s32 $0xFFFFFEF7, lr;
	s5 =	simm.s32 $0xFFFFFFFF;
	p2 =	slt.u32 s8, $0xFFFFF086  }
0x1c: {  	p1 =	slt.u32 s9, $0xF7A;
	s5 =	simm.s32 @!p2 $0x0  }
0x1d: {  	s5 =	simm.s32 @p1 $0x1;
	p0 =	seq.s32 s7, s2  }
0x1e: {  	s7 =	smul.u32 @!p0 $0xF7A, s2;
	p2 =	seq.s32 @!p0 s5, $0x0  }
0x1f: {  	s9 =	smul.u32 $0xF7A, s1;
	s8 =	simm.s32 @!p0 $0x1BF5;
	p2 =	por !p2, p0  }
0x20: {  	[sflag:s8] =	ssyncset.s32 @!p0 $0xFFFFF086;
	s6 =	sadd.s32 @!p0 s3, s7;
	s7 =	simm.s32 @!p0 $0x108  }
0x21: {  	s3 =	sadd.s32 s3, s9;
	s6 =	sadd.s32 @!p0 $0x88, s6;
	s7 =	simm.s32 @p2 $0x1082  }
0x22: {  	[simem:s7], [sflag:s8] =	dma.local @!p0 [hbm:s6], $0xF7A  }
0x23: {  	s9 =	sor.u32 $0xD0000000, s2;
	s6 =	simm.s32 $0x108;
	_ =	swait.ge @!p0 [sflag:s8], $0x0  }
0x24: {  	s3 =	sadd.s32 $0x88, s3;
	s6 =	simm.s32 @!p1 $0x1082;
	[sflag:s4] =	ssyncset.s32 $0xFFFFF086  }
0x25: {  	[simem:s6], [sflag:s4] =	dma.local [hbm:s3], $0xF7A  }
0x26: {  	[smem:$0x3F9C] =	sst s1;
	(tag) =	ssettag s2;
	_ =	strace s9  }
0x27: {  	s1 =	sld [smem:$0x3FAC]  }
0x28: {  	s2 =	sld [smem:$0x3FAD]  }
0x29: {  	s4 =	sld [smem:$0x3FAF]  }
0x2a: {  	p0 =	seq.s32 s5, $0x0;
	s5 =	sld [smem:$0x3FB0]  }
0x2b: {  	s6 =	sld [smem:$0x3FB1]  }
0x2c: {  	s7 =	sld [smem:$0x3FB2]  }
0x2d: {  	s3 =	simm.s32 $0x108;
	s8 =	sld [smem:$0x3FB3]  }
0x2e: {  	s3 =	simm.s32 @!p0 $0x1082;
	s9 =	sld [smem:$0x3FB4]  }
0x2f: {  	lr =	sadd.s32 s0, s3;
	s0 =	sld [smem:$0x3FAB]  }
0x30: {  	s3 =	sld [smem:$0x3FAE]  }
0x31: {  	[smem:$0x3FB7] =	sst s10  }
0x32: {  	s10 =	sld [smem:$0x3FB5];
	_ =	sdelay $0x3  }
0x33: {  	p0 =	seq.s32 s10, $0x1;
	s10 =	sld [smem:$0x3FB7];
	_ =	sdelay $0x3  }
0x34: {  	[smem:$0x3FB7] =	sst s10  }
0x35: {  	s10 =	sld [smem:$0x3FB6];
	_ =	sdelay $0x3  }
0x36: {  	p1 =	seq.s32 s10, $0x1;
	s10 =	sld [smem:$0x3FB7];
	_ =	sdelay $0x3  }
0x37: {  	[smem:$0x3FB7] =	sst s10  }
0x38: {  	s10 =	sld [smem:$0x3FB8]  }
0x39: {  	_ = 	snop;
	(pc) =	sbr.ind lr, $3  }
0x3a: {  	_ = 	snop  }
0x3b: {  	_ = 	snop  }
0x3c: {  	p2 =	seq.s32 s10, $0x1;
	s10 =	sld [smem:$0x3FB7]  }
0x3d: {  	_ =	shalt  }
0x3e: {  	_ =	shalt  }
0x3f: {  	_ =	shalt  }
0x40: {  	_ =	shalt  }
0x41: {  	_ =	shalt  }
0x42: {  	_ =	shalt  }
0x43: {  	_ =	shalt  }
0x44: {  	_ =	shalt  }
0x45: {  	_ =	shalt  }
0x46: {  	_ =	shalt  }
0x47: {  	_ =	shalt  }
0x48: {  	_ =	shalt  }
0x49: {  	_ =	shalt  }
0x4a: {  	_ =	shalt  }
0x4b: {  	_ =	shalt  }
0x4c: {  	_ =	shalt  }
0x4d: {  	_ =	shalt  }
0x4e: {  	_ =	shalt  }
0x4f: {  	_ =	shalt  }
0x50: {  	_ =	shalt  }
0x51: {  	_ =	shalt  }
0x52: {  	_ =	shalt  }
0x53: {  	_ =	shalt  }
0x54: {  	_ =	shalt  }
0x55: {  	_ =	shalt  }
0x56: {  	_ =	shalt  }
0x57: {  	_ =	shalt  }
0x58: {  	_ =	shalt  }
0x59: {  	_ =	shalt  }
0x5a: {  	_ =	shalt  }
0x5b: {  	_ =	shalt  }
0x5c: {  	_ =	shalt  }
0x5d: {  	_ =	shalt  }
0x5e: {  	_ =	shalt  }
0x5f: {  	_ =	shalt  }
0x60: {  	_ =	shalt  }
0x61: {  	_ =	shalt  }
0x62: {  	_ =	shalt  }
0x63: {  	_ =	shalt  }
0x64: {  	_ =	shalt  }
0x65: {  	_ =	shalt  }
0x66: {  	_ =	shalt  }
0x67: {  	_ =	shalt  }
0x68: {  	_ =	shalt  }
0x69: {  	_ =	shalt  }
0x6a: {  	_ =	shalt  }
0x6b: {  	_ =	shalt  }
0x6c: {  	_ =	shalt  }
0x6d: {  	_ =	shalt  }
0x6e: {  	_ =	shalt  }
0x6f: {  	_ =	shalt  }
0x70: {  	_ =	shalt  }
0x71: {  	_ =	shalt  }
0x72: {  	_ =	shalt  }
0x73: {  	_ =	shalt  }
0x74: {  	_ =	shalt  }
0x75: {  	_ =	shalt  }
0x76: {  	_ =	shalt  }
0x77: {  	_ =	shalt  }
0x78: {  	_ =	shalt  }
0x79: {  	_ =	shalt  }
0x7a: {  	_ =	shalt  }
0x7b: {  	_ =	shalt  }
0x7c: {  	_ =	shalt  }
0x7d: {  	_ =	shalt  }
0x7e: {  	_ =	shalt  }
0x7f: {  	_ =	shalt  }
0x80: {  	_ =	shalt  }
0x81: {  	_ =	shalt  }
0x82: {  	_ =	shalt  }
0x83: {  	_ =	shalt  }
0x84: {  	_ =	shalt  }
0x85: {  	_ =	shalt  }
0x86: {  	_ =	shalt  }
0x87: {  	_ =	shalt  }
.Lfunc_end0:
.L_simem_size_0:
called_computation_lowered:
.L_overlay_start_0:
0x88: {  	s2 =	sld [smem:$0x3FD9]  }
0x89: {  	s3 =	sld [smem:$0x3FFE];
	_ =	sdelay $0x1  }
0x8a: {  	s1 =	srdreg.scid  }
0x8b: {  	s0 =	sand.u32 $0x1, s1  }
0x8c: {  	s17 =	sshll.u32 s0, $0xA;
	s2 =	sadd.s32 s3, s2  }
0x8d: {  	s2 =	sadd.s32 s2, s17  }
0x8e: {  	[smem:$0x3FC3] =	sst s2  }
0x8f: {  	_ = 	snop  }
0x90: {  	s2 =	sld [smem:$0x3FC9]  }
0x91: {  	s18 =	sld [smem:$0x3FD0];
	(tm) =	ssettm $0x1  }
0x92: {  	s4 =	sld [smem:$0x3FFB];
	_ =	sdelay $0x3  }
0x93: {  	_ =	strace s4  }
0x94: {  	s4 =	sld [smem:$0x3FFC];
	_ =	sdelay $0x3  }
0x95: {  	_ =	strace s4  }
0x96: {  	s4 =	sld [smem:$0x3FFD];
	_ =	sdelay $0x3  }
0x97: {  	_ =	strace s4  }
0x98: {  	_ =	strace $0x8FFFFFFF  }
0x99: {  	s19 =	sld [smem:$0x3FDB];
	_ =	sdelay $0x1  }
0x9a: {  	s5 =	simm.s32 $_scs_section_size  }
0x9b: {  	s6 =	simm.s32 $_size__tile_overlayer_lowered;
	s7 =	simm.s32 $_tile_overlayer_lowered  }
0x9c: {  	s22 =	simm.s32 $0x1BFF;
	s21 =	sshll.u32 s7, $0x1;
	s4 =	sadd.s32 s5, s19  }
0x9d: {  	s8 =	simm.s32 $0x0;
	s20 =	sshll.u32 s6, $0x1;
	s6 =	sadd.s32 s21, s4  }
0x9e: {  	[timem:s8], [sflag:s22] =	dma.local [hbm:s6], s20  }
0x9f: {  	_ =	swait.ge [sflag:s22], s20  }
0xa0: {  	s5 =	ssub.s32 $0x0, s20;
	[sflag:s22] =	ssyncset.done $0x0  }
0xa1: {  	[sflag:s22] =	ssyncadd.s32 s5;
	_ =	sdelay $0x1  }
0xa2: {  	s23 =	simm.s32 $0x1B8B  }
0xa3: {  	_ =	swait.ge [sflag:s23], $0x1  }
0xa4: {  	[sflag:s23] =	ssyncset.done $0x0  }
0xa5: {  	s25 =	simm.s32 $0x1B8E;
	s24 =	sld [smem:$0x3FFE];
	[sflag:s23] =	ssyncadd.s32 $0xFFFFFFFF  }
0xa6: {  	s26 =	simm.s32 $execute0_lowered;
	[smem:$0x3FD2] =	sst s25  }
0xa7: {  	s6 =	sshll.u32 s26, $0x1;
	_ =	strace $0x80000046;
	[dreg:$0x1] =	wrdreg $0xFFFFFFFF  }
0xa8: {  	s28 =	simm.s32 $_size_execute0_lowered;
	s4 =	sadd.s32 s4, s6;
	[dreg:$0x0] =	wrdreg $0x0  }
0xa9: {  	s6 =	sshll.u32 s28, $0x1;
	[dreg:$0x2] =	wrdreg s4  }
0xaa: {  	[dreg:$0x3] =	wrdreg s6  }
0xab: {  	[dreg:$0x4] =	wrdreg $0xC0  }
0xac: {  	_ =	task [dreg:s8], $0x5FFFF  }
0xad: {  	[dreg:$0x1] =	wrdreg $0xFFFFFFFF  }
0xae: {  	[dreg:$0x0] =	wrdreg $0x60  }
0xaf: {  	[dreg:$0x2] =	wrdreg s2  }
0xb0: {  	[dreg:$0x3] =	wrdreg s18  }
0xb1: {  	[dreg:$0x4] =	wrdreg s24  }
0xb2: {  	[dreg:$0x5] =	wrdreg $0x0  }
0xb3: {  	[dreg:$0x6] =	wrdreg $0x9  }
0xb4: {  	_ =	task.clear_ibuf [dreg:s8], $0x7FFFF;
	_ =	strace $0x90000046  }
0xb5: {  	s29 =	simm.s32 $0x9;
	_ =	strace $0x80000048  }
0xb6: {  	_ =	swait.ge [sflag:s29], $0x1  }
0xb7: {  	[sflag:s29] =	ssyncadd.s32 $0xFFFFFFFF  }
0xb8: {  	_ =	strace $0x90000048  }
0xb9: {  	_ =	sfence  }
0xba: {  	s30 =	sld [smem:$0x0];
	_ =	sdelay $0x2  }
0xbb: {  	s31 =	sshll.u32 s1, $0xD;
	s1 =	sshrl.u32 s1, $0x2  }
0xbc: {  	s3 =	sand.u32 $0x4000, s31;
	s1 =	sadd.s32 s1, s30  }
0xbd: {  	s0 =	sor.u32 s3, s0;
	s1 =	sshll.u32 s1, $0x11  }
0xbe: {  	s0 =	sor.u32 s1, s0  }
0xbf: {  	s0 =	sadd.s32 $0x8F2B, s0  }
0xc0: {  	[sflag:s0] =	ssyncadd.remote.s32 $0x1  }
0xc1: {  	_ =	sfence.sel $0xFFFF  }
0xc2: {  	[dreg:$0x0] =	wrdreg $0xFFFFFFFF;
	(pc) =	sbr.abs _section_cstart, $3  }
0xc3: {  	[dreg:$0x1] =	wrdreg $0xFFFFFFFF  }
0xc4: {  	_ =	task.clear_ibuf [dreg:s8], $0x2FFFF;
	_ =	strace $0x9FFFFFFF  }
0xc5: {  	(tm) =	ssettm $0x7FFFFFFF  }
tec
execute0_lowered:
.L_overlay_start_1:
0x0: {  	(tag) =	ssettag $0x1  }
0x1: {  	s0 =	rddreg [dreg:$0x0]  }
0x2: {  	s1 =	rddreg [dreg:$0x1]  }
0x3: {  	s2 =	rddreg [dreg:$0x2]  }
0x4: {  	s4 =	srdreg.scid;
	s3 =	rddreg [dreg:$0x3]  }
0x5: {  	s11 =	stileid.u32;
	s25 =	simm.s32 $0x13C80;
	s13 =	simm.s32 $0x13D80  }
0x6: {  	s15 =	simm.s32 $0x14500;
	s16 =	simm.s32 $0x13E00;
	s7 =	smul.u32 $0x2800, s11  }
0x7: {  	s28 =	simm.s32 $0x14900;
	s29 =	simm.s32 $0x14200;
	s18 =	smul.u32 $0x13C00, s11  }
0x8: {  	s30 =	simm.s32 $0x14980;
	s5 =	sand.u32 $0x1, s4;
	s20 =	smul.u32 $0x4F000, s11  }
0x9: {  	s31 =	simm.s32 $0x14280;
	s4 =	simm.s32 $0x0;
	s6 =	smul.u32 $0x28000, s5  }
0xa: {  	[smem:$0x7FF] =	sst s4;
	s8 =	smul.u32 $0x13C000, s5;
	s9 =	sshll.u32 s5, $0x4  }
0xb: {  	s5 =	ssub.s32 $0x2, s5;
	_ =	strace $0x80000047;
	[dreg:$0x7] =	wrdreg s25  }
0xc: {  	s9 =	sor.u32 s11, s9;
	s21 =	sshrl.u32 s5, $0x1;
	[dreg:$0xa] =	wrdreg s13  }
0xd: {  	s22 =	sshrl.u32 s20, $0x2;
	s11 =	simm.s32 $0x14480;
	[dreg:$0xb] =	wrdreg s15  }
0xe: {  	[dreg:$0xc] =	wrdreg s16;
	s13 =	simm.s32 $0x14C00;
	s20 =	simm.s32 $0x14600  }
0xf: {  	s15 =	simm.s32 $0x13C00;
	s16 =	simm.s32 $0x14400;
	s25 =	simm.s32 $0x14000  }
0x10: {  	s6 =	sadd.s32 s7, s6;
	s7 =	sadd.s32 s18, s8;
	[dreg:$0x9] =	wrdreg s11  }
0x11: {  	s19 =	smul.u32 $0x4F0, s9;
	s8 =	ssub.s32 s5, s21;
	[dreg:$0xf] =	wrdreg s20  }
0x12: {  	s5 =	sadd.s32 s22, s3;
	s9 =	simm.s32 $0x13D00;
	[dreg:$0x14] =	wrdreg s25  }
0x13: {  	s18 =	simm.s32 $0x14580;
	s21 =	simm.s32 $0x13F00;
	[dreg:$0x8] =	wrdreg s9  }
0x14: {  	s22 =	simm.s32 $0x14680;
	s20 =	simm.s32 $0x1;
	[dreg:$0x1b] =	wrdreg s5  }
0x15: {  	s25 =	simm.s32 $0x14880;
	s6 =	sshrl.u32 s6, $0x3;
	[dreg:$0xd] =	wrdreg s18  }
0x16: {  	s7 =	sshrl.u32 s7, $0x3;
	s24 =	sadd.s32 $0x4000, s5;
	[dreg:$0x10] =	wrdreg s21  }
0x17: {  	s26 =	sadd.s32 $0x8000, s5;
	s12 =	sadd.s32 $0x10000, s5;
	[dreg:$0x11] =	wrdreg s22  }
0x18: {  	s17 =	smax.u32 s8, $0x1;
	s18 =	simm.s32 $0x18C00;
	[dreg:$0x16] =	wrdreg s24  }
0x19: {  	s21 =	simm.s32 $0x2;
	s22 =	simm.s32 $0x14080;
	[dreg:$0x17] =	wrdreg s26  }
0x1a: {  	s8 =	simm.s32 $0x14B00;
	s10 =	sadd.s32 s6, s2;
	[dreg:$0x19] =	wrdreg s12  }
0x1b: {  	s7 =	sadd.s32 s7, s2;
	s1 =	sadd.s32 s6, s1;
	[dreg:$0x1d] =	wrdreg s17  }
0x1c: {  	s2 =	sadd.s32 s19, s2;
	s19 =	simm.s32 $0x13E80;
	[dreg:$0x6] =	wrdreg s1  }
0x1d: {  	s9 =	simm.s32 $0x14B80;
	s24 =	simm.s32 $0x14700;
	[dreg:$0xe] =	wrdreg s19  }
0x1e: {  	s17 =	simm.s32 $0x80;
	s26 =	simm.s32 $0x14780;
	[dreg:$0x13] =	wrdreg s24  }
0x1f: {  	s6 =	simm.s32 $0x14A80;
	s23 =	sadd.s32 $0xC00, s10;
	[dreg:$0x15] =	wrdreg s26  }
0x20: {  	s10 =	sadd.s32 $0xC000, s5;
	s14 =	sadd.s32 $0xAC00, s7;
	[dreg:$0x5] =	wrdreg s23  }
0x21: {  	s2 =	sadd.s32 $0x59C00, s2;
	s19 =	simm.s32 $0x1CC00;
	[dreg:$0x18] =	wrdreg s10  }
0x22: {  	s24 =	simm.s32 $0x14100;
	s26 =	simm.s32 $0x14180;
	[dreg:$0x1a] =	wrdreg s14  }
0x23: {  	s1 =	simm.s32 $0x14A00;
	s7 =	simm.s32 $0x14380;
	[dreg:$0x1c] =	wrdreg s2  }
0x24: {  	s14 =	simm.s32 $0x3;
	s23 =	simm.s32 $0x13F80;
	s2 =	simm.s32 $0x14300  }
0x25: {  	v0 =	vimm.f32 $0.0e+00;
	v1 =	vimm.f32 $1.000000000e+00;
	s10 =	simm.s32 $0x0;
	[dreg:$0x12] =	wrdreg s23;
	s23 =	simm.s32 $0x14800  }
.LBB2_1:
0x26: {  	s11 =	simm.s32 $0x0;
	s12 =	simm.s32 $0x200  }
.LBB2_2:
0x27: {  	p0 =	sne.s32 s12, $0x9C00;
	[tilespmem:s11+$0x1CC70] =	vst v0  }
0x28: {  	[tilespmem:s11+$0x1CC00] =	vst v0  }
0x29: {  	[tilespmem:s11+$0x1CC10] =	vst v0  }
.Ltmp0:
0x2a: {  	[tilespmem:s11+$0x1CC20] =	vst v0;
	(pc) =	sbr.rel @p0 .LBB2_2-.Ltmp0, $4  }
0x2b: {  	[tilespmem:s11+$0x1CC30] =	vst v0  }
0x2c: {  	[tilespmem:s11+$0x1CC40] =	vst v0  }
0x2d: {  	[tilespmem:s11+$0x1CC50] =	vst v0  }
0x2e: {  	[tilespmem:s11+$0x1CC60] =	vst v0;
	s11 =	sshra.s32 s12, $0x2;
	s12 =	sadd.s32 $0x200, s12  }
0x2f: {  	[tilespmem:s11+$0x1CC70] =	vst v0  }
0x30: {  	[tilespmem:s11+$0x1CC00] =	vst v0  }
0x31: {  	[tilespmem:s11+$0x1CC10] =	vst v0  }
0x32: {  	[tilespmem:s11+$0x1CC20] =	vst v0  }
0x33: {  	[tilespmem:s11+$0x1CC30] =	vst v0  }
0x34: {  	[tilespmem:s11+$0x1CC40] =	vst v0  }
0x35: {  	[tilespmem:s11+$0x1CC50] =	vst v0  }
0x36: {  	[tilespmem:s11+$0x1CC60] =	vst v0;
	s11 =	simm.s32 $0x0;
	s12 =	simm.s32 $0x200  }
.LBB2_4:
0x37: {  	p0 =	sne.s32 s12, $0xFE00;
	[tilespmem:s11+$0x14C70] =	vst v0  }
0x38: {  	[tilespmem:s11+$0x14C00] =	vst v0  }
0x39: {  	[tilespmem:s11+$0x14C10] =	vst v0  }
.Ltmp1:
0x3a: {  	[tilespmem:s11+$0x14C20] =	vst v0;
	(pc) =	sbr.rel @p0 .LBB2_4-.Ltmp1, $4  }
0x3b: {  	[tilespmem:s11+$0x14C30] =	vst v0  }
0x3c: {  	[tilespmem:s11+$0x14C40] =	vst v0  }
0x3d: {  	[tilespmem:s11+$0x14C50] =	vst v0  }
0x3e: {  	[tilespmem:s11+$0x14C60] =	vst v0;
	s11 =	sshra.s32 s12, $0x2;
	s12 =	sadd.s32 $0x200, s12  }
0x3f: {  	[tilespmem:s11+$0x14C70] =	vst v0  }
0x40: {  	[tilespmem:s11+$0x14C00] =	vst v0  }
0x41: {  	[tilespmem:s11+$0x14C10] =	vst v0  }
0x42: {  	[tilespmem:s11+$0x14C20] =	vst v0  }
0x43: {  	[tilespmem:s11+$0x14C30] =	vst v0  }
0x44: {  	[tilespmem:s11+$0x14C40] =	vst v0  }
0x45: {  	[tilespmem:s11+$0x14C50] =	vst v0  }
0x46: {  	[tilespmem:s11+$0x14C60] =	vst v0;
	s5 =	rddreg [dreg:$0x1b]  }
0x47: {  	[spmem:s5] =	stream.linear.scatter [tilespmem:s13], [sflag:$0x3], $0x4000, $0x38;
	[tilespmem:$0x1F380] =	vst v63  }
0x48: {  	_ =	swait.ge [sflag:s14], $0x4000  }
0x49: {  	[sflag:s14] =	ssyncset.done $0x0  }
0x4a: {  	s5 =	rddreg [dreg:$0x16];
	[sflag:s14] =	ssyncadd.s32 $0xFFFFC000  }
0x4b: {  	[spmem:s5] =	stream.linear.scatter [tilespmem:s13], [sflag:$0x3], $0x4000, $0x38;
	[tilespmem:$0x1F380] =	vst v63  }
0x4c: {  	_ =	swait.ge [sflag:s14], $0x4000  }
0x4d: {  	[sflag:s14] =	ssyncset.done $0x0  }
0x4e: {  	s12 =	rddreg [dreg:$0x17];
	[sflag:s14] =	ssyncadd.s32 $0xFFFFC000  }
0x4f: {  	[spmem:s12] =	stream.linear.scatter [tilespmem:s13], [sflag:$0x3], $0x4000, $0x38;
	[tilespmem:$0x1F380] =	vst v63  }
0x50: {  	_ =	swait.ge [sflag:s14], $0x4000  }
0x51: {  	[sflag:s14] =	ssyncset.done $0x0  }
0x52: {  	s5 =	rddreg [dreg:$0x18];
	[sflag:s14] =	ssyncadd.s32 $0xFFFFC000  }
0x53: {  	[spmem:s5] =	stream.linear.scatter [tilespmem:s13], [sflag:$0x3], $0x4000, $0x38;
	[tilespmem:$0x1F380] =	vst v63  }
0x54: {  	_ =	swait.ge [sflag:s14], $0x4000  }
0x55: {  	[sflag:s14] =	ssyncset.done $0x0  }
0x56: {  	s12 =	rddreg [dreg:$0x19];
	[sflag:s14] =	ssyncadd.s32 $0xFFFFC000  }
0x57: {  	[spmem:s12] =	stream.linear.scatter [tilespmem:s13], [sflag:$0x3], $0x3C00, $0x38;
	[tilespmem:$0x1F380] =	vst v63  }
0x58: {  	_ =	swait.ge [sflag:s14], $0x3C00  }
0x59: {  	[sflag:s14] =	ssyncset.done $0x0  }
0x5a: {  	[sflag:s14] =	ssyncadd.s32 $0xFFFFC400  }
0x5b: {  	s11 =	simm.s32 $0x0;
	[bflag:$0x0] =	sbarrier.arrive $0xFFFF  }
.LBB2_6:
0x5c: {  	s12 =	rddreg [dreg:$0x6]  }
0x5d: {  	s12 =	sadd.s32 s11, s12  }
0x5e: {  	[tilespmem:s15], [sflag:$0x3] =	stream.linear.gather [hbm4b:s12+s4], $0x800, $0x38;
	[tilespmem:$0x1F380] =	vst v63  }
0x5f: {  	_ =	swait.ge [sflag:s14], $0x800  }
0x60: {  	s5 =	rddreg [dreg:$0x5];
	[sflag:s14] =	ssyncset.done $0x0  }
0x61: {  	[sflag:s14] =	ssyncadd.s32 $0xFFFFF800;
	s12 =	sadd.s32 s11, s5  }
0x62: {  	[tilespmem:s16], [sflag:$0x3] =	stream.linear.gather [hbm4b:s12+s4], $0x800, $0x38;
	[tilespmem:$0x1F380] =	vst v63  }
0x63: {  	_ =	swait.ge [sflag:s14], $0x800  }
0x64: {  	[sflag:s14] =	ssyncset.done $0x0  }
0x65: {  	[sflag:s14] =	ssyncadd.s32 $0xFFFFF800  }
0x66: {  	[tilespmem:s13], [sflag:$0x1] =	stream.indirect.gather [hbm4b:s0+s17], $0x80, s15, s17, $0xb8;
	[tilespmem:$0x1F380] =	vst v63  }
0x67: {  	s5 =	rddreg [dreg:$0x7]  }
0x68: {  	[tilespmem:s18], [sflag:$0x2] =	stream.indirect.gather [hbm4b:s0+s17], $0x80, s5, s17, $0xb8;
	[tilespmem:$0x1F380] =	vst v63  }
0x69: {  	v2 =	vld [tilespmem:$0x14400];
	_ =	sdelay $0x7  }
0x6a: {  	[tilespmem:v2+s19+$0x0] =	vst.idx.add.f32.msk $0xffff, v1  }
0x6b: {  	v2 =	vld [tilespmem:$0x14410];
	_ =	sdelay $0x7  }
0x6c: {  	[tilespmem:v2+s19+$0x0] =	vst.idx.add.f32.msk $0xffff, v1  }
0x6d: {  	v2 =	vld [tilespmem:$0x14420];
	_ =	sdelay $0x7  }
0x6e: {  	[tilespmem:v2+s19+$0x0] =	vst.idx.add.f32.msk $0xffff, v1  }
0x6f: {  	v2 =	vld [tilespmem:$0x14430];
	_ =	sdelay $0x7  }
0x70: {  	[tilespmem:v2+s19+$0x0] =	vst.idx.add.f32.msk $0xffff, v1  }
0x71: {  	v2 =	vld [tilespmem:$0x14440];
	_ =	sdelay $0x7  }
0x72: {  	[tilespmem:v2+s19+$0x0] =	vst.idx.add.f32.msk $0xffff, v1  }
0x73: {  	v2 =	vld [tilespmem:$0x14450];
	_ =	sdelay $0x7  }
0x74: {  	[tilespmem:v2+s19+$0x0] =	vst.idx.add.f32.msk $0xffff, v1  }
0x75: {  	v2 =	vld [tilespmem:$0x14460];
	_ =	sdelay $0x7  }
0x76: {  	[tilespmem:v2+s19+$0x0] =	vst.idx.add.f32.msk $0xffff, v1  }
0x77: {  	v2 =	vld [tilespmem:$0x14470];
	_ =	sdelay $0x7  }
0x78: {  	[tilespmem:v2+s19+$0x0] =	vst.idx.add.f32.msk $0xffff, v1  }
0x79: {  	_ =	swait.ge [sflag:s20], $0x4000  }
0x7a: {  	[sflag:s20] =	ssyncset.done $0x0  }
0x7b: {  	[sflag:s20] =	ssyncadd.s32 $0xFFFFC000  }
0x7c: {  	[spmem:s3] =	stream.indirect.scatter.add.f32 [tilespmem:s13], [sflag:$0x3], $0x80, s16, s17, $0xb8;
	[tilespmem:$0x1F380] =	vst v63  }
0x7d: {  	_ =	swait.ge [sflag:s14], $0x4000  }
0x7e: {  	[sflag:s14] =	ssyncset.done $0x0  }
0x7f: {  	s5 =	rddreg [dreg:$0x8];
	[sflag:s14] =	ssyncadd.s32 $0xFFFFC000  }
0x80: {  	[tilespmem:s13], [sflag:$0x1] =	stream.indirect.gather [hbm4b:s0+s17], $0x80, s5, s17, $0xb8;
	[tilespmem:$0x1F380] =	vst v63  }
0x81: {  	v2 =	vld [tilespmem:$0x14480];
	_ =	sdelay $0x7  }
0x82: {  	[tilespmem:v2+s19+$0x0] =	vst.idx.add.f32.msk $0xffff, v1  }
0x83: {  	v2 =	vld [tilespmem:$0x14490];
	_ =	sdelay $0x7  }
0x84: {  	[tilespmem:v2+s19+$0x0] =	vst.idx.add.f32.msk $0xffff, v1  }
0x85: {  	v2 =	vld [tilespmem:$0x144A0];
	_ =	sdelay $0x7  }
0x86: {  	[tilespmem:v2+s19+$0x0] =	vst.idx.add.f32.msk $0xffff, v1  }
0x87: {  	v2 =	vld [tilespmem:$0x144B0];
	_ =	sdelay $0x7  }
0x88: {  	[tilespmem:v2+s19+$0x0] =	vst.idx.add.f32.msk $0xffff, v1  }
0x89: {  	v2 =	vld [tilespmem:$0x144C0];
	_ =	sdelay $0x7  }
0x8a: {  	[tilespmem:v2+s19+$0x0] =	vst.idx.add.f32.msk $0xffff, v1  }
0x8b: {  	v2 =	vld [tilespmem:$0x144D0];
	_ =	sdelay $0x7  }
0x8c: {  	[tilespmem:v2+s19+$0x0] =	vst.idx.add.f32.msk $0xffff, v1  }
0x8d: {  	v2 =	vld [tilespmem:$0x144E0];
	_ =	sdelay $0x7  }
0x8e: {  	[tilespmem:v2+s19+$0x0] =	vst.idx.add.f32.msk $0xffff, v1  }
0x8f: {  	v2 =	vld [tilespmem:$0x144F0];
	_ =	sdelay $0x7  }
0x90: {  	[tilespmem:v2+s19+$0x0] =	vst.idx.add.f32.msk $0xffff, v1  }
0x91: {  	_ =	swait.ge [sflag:s21], $0x4000  }
0x92: {  	[sflag:s21] =	ssyncset.done $0x0  }
0x93: {  	s5 =	rddreg [dreg:$0x9];
	[sflag:s21] =	ssyncadd.s32 $0xFFFFC000  }
0x94: {  	[spmem:s3] =	stream.indirect.scatter.add.f32 [tilespmem:s18], [sflag:$0x3], $0x80, s5, s17, $0xb8;
	[tilespmem:$0x1F380] =	vst v63  }
0x95: {  	_ =	swait.ge [sflag:s14], $0x4000  }
0x96: {  	[sflag:s14] =	ssyncset.done $0x0  }
0x97: {  	s5 =	rddreg [dreg:$0xa];
	[sflag:s14] =	ssyncadd.s32 $0xFFFFC000  }
0x98: {  	[tilespmem:s18], [sflag:$0x2] =	stream.indirect.gather [hbm4b:s0+s17], $0x80, s5, s17, $0xb8;
	[tilespmem:$0x1F380] =	vst v63  }
0x99: {  	v2 =	vld [tilespmem:$0x14500];
	_ =	sdelay $0x7  }
0x9a: {  	[tilespmem:v2+s19+$0x0] =	vst.idx.add.f32.msk $0xffff, v1  }
0x9b: {  	v2 =	vld [tilespmem:$0x14510];
	_ =	sdelay $0x7  }
0x9c: {  	[tilespmem:v2+s19+$0x0] =	vst.idx.add.f32.msk $0xffff, v1  }
0x9d: {  	v2 =	vld [tilespmem:$0x14520];
	_ =	sdelay $0x7  }
0x9e: {  	[tilespmem:v2+s19+$0x0] =	vst.idx.add.f32.msk $0xffff, v1  }
0x9f: {  	v2 =	vld [tilespmem:$0x14530];
	_ =	sdelay $0x7  }
0xa0: {  	[tilespmem:v2+s19+$0x0] =	vst.idx.add.f32.msk $0xffff, v1  }
0xa1: {  	v2 =	vld [tilespmem:$0x14540];
	_ =	sdelay $0x7  }
0xa2: {  	[tilespmem:v2+s19+$0x0] =	vst.idx.add.f32.msk $0xffff, v1  }
0xa3: {  	v2 =	vld [tilespmem:$0x14550];
	_ =	sdelay $0x7  }
0xa4: {  	[tilespmem:v2+s19+$0x0] =	vst.idx.add.f32.msk $0xffff, v1  }
0xa5: {  	v2 =	vld [tilespmem:$0x14560];
	_ =	sdelay $0x7  }
0xa6: {  	[tilespmem:v2+s19+$0x0] =	vst.idx.add.f32.msk $0xffff, v1  }
0xa7: {  	v2 =	vld [tilespmem:$0x14570];
	_ =	sdelay $0x7  }
0xa8: {  	[tilespmem:v2+s19+$0x0] =	vst.idx.add.f32.msk $0xffff, v1  }
0xa9: {  	_ =	swait.ge [sflag:s20], $0x4000  }
0xaa: {  	[sflag:s20] =	ssyncset.done $0x0  }
0xab: {  	s5 =	rddreg [dreg:$0xb];
	[sflag:s20] =	ssyncadd.s32 $0xFFFFC000  }
0xac: {  	[spmem:s3] =	stream.indirect.scatter.add.f32 [tilespmem:s13], [sflag:$0x3], $0x80, s5, s17, $0xb8;
	[tilespmem:$0x1F380] =	vst v63  }
0xad: {  	_ =	swait.ge [sflag:s14], $0x4000  }
0xae: {  	[sflag:s14] =	ssyncset.done $0x0  }
0xaf: {  	s5 =	rddreg [dreg:$0xc];
	[sflag:s14] =	ssyncadd.s32 $0xFFFFC000  }
0xb0: {  	[tilespmem:s13], [sflag:$0x1] =	stream.indirect.gather [hbm4b:s0+s17], $0x80, s5, s17, $0xb8;
	[tilespmem:$0x1F380] =	vst v63  }
0xb1: {  	v2 =	vld [tilespmem:$0x14580];
	_ =	sdelay $0x7  }
0xb2: {  	[tilespmem:v2+s19+$0x0] =	vst.idx.add.f32.msk $0xffff, v1  }
0xb3: {  	v2 =	vld [tilespmem:$0x14590];
	_ =	sdelay $0x7  }
0xb4: {  	[tilespmem:v2+s19+$0x0] =	vst.idx.add.f32.msk $0xffff, v1  }
0xb5: {  	v2 =	vld [tilespmem:$0x145A0];
	_ =	sdelay $0x7  }
0xb6: {  	[tilespmem:v2+s19+$0x0] =	vst.idx.add.f32.msk $0xffff, v1  }
0xb7: {  	v2 =	vld [tilespmem:$0x145B0];
	_ =	sdelay $0x7  }
0xb8: {  	[tilespmem:v2+s19+$0x0] =	vst.idx.add.f32.msk $0xffff, v1  }
0xb9: {  	v2 =	vld [tilespmem:$0x145C0];
	_ =	sdelay $0x7  }
0xba: {  	[tilespmem:v2+s19+$0x0] =	vst.idx.add.f32.msk $0xffff, v1  }
0xbb: {  	v2 =	vld [tilespmem:$0x145D0];
	_ =	sdelay $0x7  }
0xbc: {  	[tilespmem:v2+s19+$0x0] =	vst.idx.add.f32.msk $0xffff, v1  }
0xbd: {  	v2 =	vld [tilespmem:$0x145E0];
	_ =	sdelay $0x7  }
0xbe: {  	[tilespmem:v2+s19+$0x0] =	vst.idx.add.f32.msk $0xffff, v1  }
0xbf: {  	v2 =	vld [tilespmem:$0x145F0];
	_ =	sdelay $0x7  }
0xc0: {  	[tilespmem:v2+s19+$0x0] =	vst.idx.add.f32.msk $0xffff, v1  }
0xc1: {  	_ =	swait.ge [sflag:s21], $0x4000  }
0xc2: {  	[sflag:s21] =	ssyncset.done $0x0  }
0xc3: {  	s5 =	rddreg [dreg:$0xd];
	[sflag:s21] =	ssyncadd.s32 $0xFFFFC000  }
0xc4: {  	[spmem:s3] =	stream.indirect.scatter.add.f32 [tilespmem:s18], [sflag:$0x3], $0x80, s5, s17, $0xb8;
	[tilespmem:$0x1F380] =	vst v63  }
0xc5: {  	_ =	swait.ge [sflag:s14], $0x4000  }
0xc6: {  	[sflag:s14] =	ssyncset.done $0x0  }
0xc7: {  	s5 =	rddreg [dreg:$0xe];
	[sflag:s14] =	ssyncadd.s32 $0xFFFFC000  }
0xc8: {  	[tilespmem:s18], [sflag:$0x2] =	stream.indirect.gather [hbm4b:s0+s17], $0x80, s5, s17, $0xb8;
	[tilespmem:$0x1F380] =	vst v63  }
0xc9: {  	v2 =	vld [tilespmem:$0x14600];
	_ =	sdelay $0x7  }
0xca: {  	[tilespmem:v2+s19+$0x0] =	vst.idx.add.f32.msk $0xffff, v1  }
0xcb: {  	v2 =	vld [tilespmem:$0x14610];
	_ =	sdelay $0x7  }
0xcc: {  	[tilespmem:v2+s19+$0x0] =	vst.idx.add.f32.msk $0xffff, v1  }
0xcd: {  	v2 =	vld [tilespmem:$0x14620];
	_ =	sdelay $0x7  }
0xce: {  	[tilespmem:v2+s19+$0x0] =	vst.idx.add.f32.msk $0xffff, v1  }
0xcf: {  	v2 =	vld [tilespmem:$0x14630];
	_ =	sdelay $0x7  }
0xd0: {  	[tilespmem:v2+s19+$0x0] =	vst.idx.add.f32.msk $0xffff, v1  }
0xd1: {  	v2 =	vld [tilespmem:$0x14640];
	_ =	sdelay $0x7  }
0xd2: {  	[tilespmem:v2+s19+$0x0] =	vst.idx.add.f32.msk $0xffff, v1  }
0xd3: {  	v2 =	vld [tilespmem:$0x14650];
	_ =	sdelay $0x7  }
0xd4: {  	[tilespmem:v2+s19+$0x0] =	vst.idx.add.f32.msk $0xffff, v1  }
0xd5: {  	v2 =	vld [tilespmem:$0x14660];
	_ =	sdelay $0x7  }
0xd6: {  	[tilespmem:v2+s19+$0x0] =	vst.idx.add.f32.msk $0xffff, v1  }
0xd7: {  	v2 =	vld [tilespmem:$0x14670];
	_ =	sdelay $0x7  }
0xd8: {  	[tilespmem:v2+s19+$0x0] =	vst.idx.add.f32.msk $0xffff, v1  }
0xd9: {  	_ =	swait.ge [sflag:s20], $0x4000  }
0xda: {  	[sflag:s20] =	ssyncset.done $0x0  }
0xdb: {  	s5 =	rddreg [dreg:$0xf];
	[sflag:s20] =	ssyncadd.s32 $0xFFFFC000  }
0xdc: {  	[spmem:s3] =	stream.indirect.scatter.add.f32 [tilespmem:s13], [sflag:$0x3], $0x80, s5, s17, $0xb8;
	[tilespmem:$0x1F380] =	vst v63  }
0xdd: {  	_ =	swait.ge [sflag:s14], $0x4000  }
0xde: {  	[sflag:s14] =	ssyncset.done $0x0  }
0xdf: {  	s5 =	rddreg [dreg:$0x10];
	[sflag:s14] =	ssyncadd.s32 $0xFFFFC000  }
0xe0: {  	[tilespmem:s13], [sflag:$0x1] =	stream.indirect.gather [hbm4b:s0+s17], $0x80, s5, s17, $0xb8;
	[tilespmem:$0x1F380] =	vst v63  }
0xe1: {  	v2 =	vld [tilespmem:$0x14680];
	_ =	sdelay $0x7  }
0xe2: {  	[tilespmem:v2+s19+$0x0] =	vst.idx.add.f32.msk $0xffff, v1  }
0xe3: {  	v2 =	vld [tilespmem:$0x14690];
	_ =	sdelay $0x7  }
0xe4: {  	[tilespmem:v2+s19+$0x0] =	vst.idx.add.f32.msk $0xffff, v1  }
0xe5: {  	v2 =	vld [tilespmem:$0x146A0];
	_ =	sdelay $0x7  }
0xe6: {  	[tilespmem:v2+s19+$0x0] =	vst.idx.add.f32.msk $0xffff, v1  }
0xe7: {  	v2 =	vld [tilespmem:$0x146B0];
	_ =	sdelay $0x7  }
0xe8: {  	[tilespmem:v2+s19+$0x0] =	vst.idx.add.f32.msk $0xffff, v1  }
0xe9: {  	v2 =	vld [tilespmem:$0x146C0];
	_ =	sdelay $0x7  }
0xea: {  	[tilespmem:v2+s19+$0x0] =	vst.idx.add.f32.msk $0xffff, v1  }
0xeb: {  	v2 =	vld [tilespmem:$0x146D0];
	_ =	sdelay $0x7  }
0xec: {  	[tilespmem:v2+s19+$0x0] =	vst.idx.add.f32.msk $0xffff, v1  }
0xed: {  	v2 =	vld [tilespmem:$0x146E0];
	_ =	sdelay $0x7  }
0xee: {  	[tilespmem:v2+s19+$0x0] =	vst.idx.add.f32.msk $0xffff, v1  }
0xef: {  	v2 =	vld [tilespmem:$0x146F0];
	_ =	sdelay $0x7  }
0xf0: {  	[tilespmem:v2+s19+$0x0] =	vst.idx.add.f32.msk $0xffff, v1  }
0xf1: {  	_ =	swait.ge [sflag:s21], $0x4000  }
0xf2: {  	[sflag:s21] =	ssyncset.done $0x0  }
0xf3: {  	s5 =	rddreg [dreg:$0x11];
	[sflag:s21] =	ssyncadd.s32 $0xFFFFC000  }
0xf4: {  	[spmem:s3] =	stream.indirect.scatter.add.f32 [tilespmem:s18], [sflag:$0x3], $0x80, s5, s17, $0xb8;
	[tilespmem:$0x1F380] =	vst v63  }
0xf5: {  	_ =	swait.ge [sflag:s14], $0x4000  }
0xf6: {  	[sflag:s14] =	ssyncset.done $0x0  }
0xf7: {  	s5 =	rddreg [dreg:$0x12];
	[sflag:s14] =	ssyncadd.s32 $0xFFFFC000  }
0xf8: {  	[tilespmem:s18], [sflag:$0x2] =	stream.indirect.gather [hbm4b:s0+s17], $0x80, s5, s17, $0xb8;
	[tilespmem:$0x1F380] =	vst v63  }
0xf9: {  	v2 =	vld [tilespmem:$0x14700];
	_ =	sdelay $0x7  }
0xfa: {  	[tilespmem:v2+s19+$0x0] =	vst.idx.add.f32.msk $0xffff, v1  }
0xfb: {  	v2 =	vld [tilespmem:$0x14710];
	_ =	sdelay $0x7  }
0xfc: {  	[tilespmem:v2+s19+$0x0] =	vst.idx.add.f32.msk $0xffff, v1  }
0xfd: {  	v2 =	vld [tilespmem:$0x14720];
	_ =	sdelay $0x7  }
0xfe: {  	[tilespmem:v2+s19+$0x0] =	vst.idx.add.f32.msk $0xffff, v1  }
0xff: {  	v2 =	vld [tilespmem:$0x14730];
	_ =	sdelay $0x7  }
0x100: {  	[tilespmem:v2+s19+$0x0] =	vst.idx.add.f32.msk $0xffff, v1  }
0x101: {  	v2 =	vld [tilespmem:$0x14740];
	_ =	sdelay $0x7  }
0x102: {  	[tilespmem:v2+s19+$0x0] =	vst.idx.add.f32.msk $0xffff, v1  }
0x103: {  	v2 =	vld [tilespmem:$0x14750];
	_ =	sdelay $0x7  }
0x104: {  	[tilespmem:v2+s19+$0x0] =	vst.idx.add.f32.msk $0xffff, v1  }
0x105: {  	v2 =	vld [tilespmem:$0x14760];
	_ =	sdelay $0x7  }
0x106: {  	[tilespmem:v2+s19+$0x0] =	vst.idx.add.f32.msk $0xffff, v1  }
0x107: {  	v2 =	vld [tilespmem:$0x14770];
	_ =	sdelay $0x7  }
0x108: {  	[tilespmem:v2+s19+$0x0] =	vst.idx.add.f32.msk $0xffff, v1  }
0x109: {  	_ =	swait.ge [sflag:s20], $0x4000  }
0x10a: {  	[sflag:s20] =	ssyncset.done $0x0  }
0x10b: {  	s5 =	rddreg [dreg:$0x13];
	[sflag:s20] =	ssyncadd.s32 $0xFFFFC000  }
0x10c: {  	[spmem:s3] =	stream.indirect.scatter.add.f32 [tilespmem:s13], [sflag:$0x3], $0x80, s5, s17, $0xb8;
	[tilespmem:$0x1F380] =	vst v63  }
0x10d: {  	_ =	swait.ge [sflag:s14], $0x4000  }
0x10e: {  	[sflag:s14] =	ssyncset.done $0x0  }
0x10f: {  	s5 =	rddreg [dreg:$0x14];
	[sflag:s14] =	ssyncadd.s32 $0xFFFFC000  }
0x110: {  	[tilespmem:s13], [sflag:$0x1] =	stream.indirect.gather [hbm4b:s0+s17], $0x80, s5, s17, $0xb8;
	[tilespmem:$0x1F380] =	vst v63  }
0x111: {  	v2 =	vld [tilespmem:$0x14780];
	_ =	sdelay $0x7  }
0x112: {  	[tilespmem:v2+s19+$0x0] =	vst.idx.add.f32.msk $0xffff, v1  }
0x113: {  	v2 =	vld [tilespmem:$0x14790];
	_ =	sdelay $0x7  }
0x114: {  	[tilespmem:v2+s19+$0x0] =	vst.idx.add.f32.msk $0xffff, v1  }
0x115: {  	v2 =	vld [tilespmem:$0x147A0];
	_ =	sdelay $0x7  }
0x116: {  	[tilespmem:v2+s19+$0x0] =	vst.idx.add.f32.msk $0xffff, v1  }
0x117: {  	v2 =	vld [tilespmem:$0x147B0];
	_ =	sdelay $0x7  }
0x118: {  	[tilespmem:v2+s19+$0x0] =	vst.idx.add.f32.msk $0xffff, v1  }
0x119: {  	v2 =	vld [tilespmem:$0x147C0];
	_ =	sdelay $0x7  }
0x11a: {  	[tilespmem:v2+s19+$0x0] =	vst.idx.add.f32.msk $0xffff, v1  }
0x11b: {  	v2 =	vld [tilespmem:$0x147D0];
	_ =	sdelay $0x7  }
0x11c: {  	[tilespmem:v2+s19+$0x0] =	vst.idx.add.f32.msk $0xffff, v1  }
0x11d: {  	v2 =	vld [tilespmem:$0x147E0];
	_ =	sdelay $0x7  }
0x11e: {  	[tilespmem:v2+s19+$0x0] =	vst.idx.add.f32.msk $0xffff, v1  }
0x11f: {  	v2 =	vld [tilespmem:$0x147F0];
	_ =	sdelay $0x7  }
0x120: {  	[tilespmem:v2+s19+$0x0] =	vst.idx.add.f32.msk $0xffff, v1  }
0x121: {  	_ =	swait.ge [sflag:s21], $0x4000  }
0x122: {  	[sflag:s21] =	ssyncset.done $0x0  }
0x123: {  	s5 =	rddreg [dreg:$0x15];
	[sflag:s21] =	ssyncadd.s32 $0xFFFFC000  }
0x124: {  	[spmem:s3] =	stream.indirect.scatter.add.f32 [tilespmem:s18], [sflag:$0x3], $0x80, s5, s17, $0xb8;
	[tilespmem:$0x1F380] =	vst v63  }
0x125: {  	_ =	swait.ge [sflag:s14], $0x4000  }
0x126: {  	[sflag:s14] =	ssyncset.done $0x0  }
0x127: {  	[sflag:s14] =	ssyncadd.s32 $0xFFFFC000  }
0x128: {  	[tilespmem:s18], [sflag:$0x2] =	stream.indirect.gather [hbm4b:s0+s17], $0x80, s22, s17, $0xb8;
	[tilespmem:$0x1F380] =	vst v63  }
0x129: {  	v2 =	vld [tilespmem:$0x14800];
	_ =	sdelay $0x7  }
0x12a: {  	[tilespmem:v2+s19+$0x0] =	vst.idx.add.f32.msk $0xffff, v1  }
0x12b: {  	v2 =	vld [tilespmem:$0x14810];
	_ =	sdelay $0x7  }
0x12c: {  	[tilespmem:v2+s19+$0x0] =	vst.idx.add.f32.msk $0xffff, v1  }
0x12d: {  	v2 =	vld [tilespmem:$0x14820];
	_ =	sdelay $0x7  }
0x12e: {  	[tilespmem:v2+s19+$0x0] =	vst.idx.add.f32.msk $0xffff, v1  }
0x12f: {  	v2 =	vld [tilespmem:$0x14830];
	_ =	sdelay $0x7  }
0x130: {  	[tilespmem:v2+s19+$0x0] =	vst.idx.add.f32.msk $0xffff, v1  }
0x131: {  	v2 =	vld [tilespmem:$0x14840];
	_ =	sdelay $0x7  }
0x132: {  	[tilespmem:v2+s19+$0x0] =	vst.idx.add.f32.msk $0xffff, v1  }
0x133: {  	v2 =	vld [tilespmem:$0x14850];
	_ =	sdelay $0x7  }
0x134: {  	[tilespmem:v2+s19+$0x0] =	vst.idx.add.f32.msk $0xffff, v1  }
0x135: {  	v2 =	vld [tilespmem:$0x14860];
	_ =	sdelay $0x7  }
0x136: {  	[tilespmem:v2+s19+$0x0] =	vst.idx.add.f32.msk $0xffff, v1  }
0x137: {  	v2 =	vld [tilespmem:$0x14870];
	_ =	sdelay $0x7  }
0x138: {  	[tilespmem:v2+s19+$0x0] =	vst.idx.add.f32.msk $0xffff, v1  }
0x139: {  	_ =	swait.ge [sflag:s20], $0x4000  }
0x13a: {  	[sflag:s20] =	ssyncset.done $0x0  }
0x13b: {  	[sflag:s20] =	ssyncadd.s32 $0xFFFFC000  }
0x13c: {  	[spmem:s3] =	stream.indirect.scatter.add.f32 [tilespmem:s13], [sflag:$0x3], $0x80, s23, s17, $0xb8;
	[tilespmem:$0x1F380] =	vst v63  }
0x13d: {  	_ =	swait.ge [sflag:s14], $0x4000  }
0x13e: {  	[sflag:s14] =	ssyncset.done $0x0  }
0x13f: {  	[sflag:s14] =	ssyncadd.s32 $0xFFFFC000  }
0x140: {  	[tilespmem:s13], [sflag:$0x1] =	stream.indirect.gather [hbm4b:s0+s17], $0x80, s24, s17, $0xb8;
	[tilespmem:$0x1F380] =	vst v63  }
0x141: {  	v2 =	vld [tilespmem:$0x14880];
	_ =	sdelay $0x7  }
0x142: {  	[tilespmem:v2+s19+$0x0] =	vst.idx.add.f32.msk $0xffff, v1  }
0x143: {  	v2 =	vld [tilespmem:$0x14890];
	_ =	sdelay $0x7  }
0x144: {  	[tilespmem:v2+s19+$0x0] =	vst.idx.add.f32.msk $0xffff, v1  }
0x145: {  	v2 =	vld [tilespmem:$0x148A0];
	_ =	sdelay $0x7  }
0x146: {  	[tilespmem:v2+s19+$0x0] =	vst.idx.add.f32.msk $0xffff, v1  }
0x147: {  	v2 =	vld [tilespmem:$0x148B0];
	_ =	sdelay $0x7  }
0x148: {  	[tilespmem:v2+s19+$0x0] =	vst.idx.add.f32.msk $0xffff, v1  }
0x149: {  	v2 =	vld [tilespmem:$0x148C0];
	_ =	sdelay $0x7  }
0x14a: {  	[tilespmem:v2+s19+$0x0] =	vst.idx.add.f32.msk $0xffff, v1  }
0x14b: {  	v2 =	vld [tilespmem:$0x148D0];
	_ =	sdelay $0x7  }
0x14c: {  	[tilespmem:v2+s19+$0x0] =	vst.idx.add.f32.msk $0xffff, v1  }
0x14d: {  	v2 =	vld [tilespmem:$0x148E0];
	_ =	sdelay $0x7  }
0x14e: {  	[tilespmem:v2+s19+$0x0] =	vst.idx.add.f32.msk $0xffff, v1  }
0x14f: {  	v2 =	vld [tilespmem:$0x148F0];
	_ =	sdelay $0x7  }
0x150: {  	[tilespmem:v2+s19+$0x0] =	vst.idx.add.f32.msk $0xffff, v1  }
0x151: {  	_ =	swait.ge [sflag:s21], $0x4000  }
0x152: {  	[sflag:s21] =	ssyncset.done $0x0  }
0x153: {  	[sflag:s21] =	ssyncadd.s32 $0xFFFFC000  }
0x154: {  	[spmem:s3] =	stream.indirect.scatter.add.f32 [tilespmem:s18], [sflag:$0x3], $0x80, s25, s17, $0xb8;
	[tilespmem:$0x1F380] =	vst v63  }
0x155: {  	_ =	swait.ge [sflag:s14], $0x4000  }
0x156: {  	[sflag:s14] =	ssyncset.done $0x0  }
0x157: {  	[sflag:s14] =	ssyncadd.s32 $0xFFFFC000  }
0x158: {  	[tilespmem:s18], [sflag:$0x2] =	stream.indirect.gather [hbm4b:s0+s17], $0x80, s26, s17, $0xb8;
	[tilespmem:$0x1F380] =	vst v63  }
0x159: {  	v2 =	vld [tilespmem:$0x14900];
	_ =	sdelay $0x7  }
0x15a: {  	[tilespmem:v2+s19+$0x0] =	vst.idx.add.f32.msk $0xffff, v1  }
0x15b: {  	v2 =	vld [tilespmem:$0x14910];
	_ =	sdelay $0x7  }
0x15c: {  	[tilespmem:v2+s19+$0x0] =	vst.idx.add.f32.msk $0xffff, v1  }
0x15d: {  	v2 =	vld [tilespmem:$0x14920];
	_ =	sdelay $0x7  }
0x15e: {  	[tilespmem:v2+s19+$0x0] =	vst.idx.add.f32.msk $0xffff, v1  }
0x15f: {  	v2 =	vld [tilespmem:$0x14930];
	_ =	sdelay $0x7  }
0x160: {  	[tilespmem:v2+s19+$0x0] =	vst.idx.add.f32.msk $0xffff, v1  }
0x161: {  	v2 =	vld [tilespmem:$0x14940];
	_ =	sdelay $0x7  }
0x162: {  	[tilespmem:v2+s19+$0x0] =	vst.idx.add.f32.msk $0xffff, v1  }
0x163: {  	v2 =	vld [tilespmem:$0x14950];
	_ =	sdelay $0x7  }
0x164: {  	[tilespmem:v2+s19+$0x0] =	vst.idx.add.f32.msk $0xffff, v1  }
0x165: {  	v2 =	vld [tilespmem:$0x14960];
	_ =	sdelay $0x7  }
0x166: {  	[tilespmem:v2+s19+$0x0] =	vst.idx.add.f32.msk $0xffff, v1  }
0x167: {  	v2 =	vld [tilespmem:$0x14970];
	_ =	sdelay $0x7  }
0x168: {  	[tilespmem:v2+s19+$0x0] =	vst.idx.add.f32.msk $0xffff, v1  }
0x169: {  	_ =	swait.ge [sflag:s20], $0x4000  }
0x16a: {  	[sflag:s20] =	ssyncset.done $0x0  }
0x16b: {  	[sflag:s20] =	ssyncadd.s32 $0xFFFFC000  }
0x16c: {  	[spmem:s3] =	stream.indirect.scatter.add.f32 [tilespmem:s13], [sflag:$0x3], $0x80, s28, s17, $0xb8;
	[tilespmem:$0x1F380] =	vst v63  }
0x16d: {  	_ =	swait.ge [sflag:s14], $0x4000  }
0x16e: {  	[sflag:s14] =	ssyncset.done $0x0  }
0x16f: {  	[sflag:s14] =	ssyncadd.s32 $0xFFFFC000  }
0x170: {  	[tilespmem:s13], [sflag:$0x1] =	stream.indirect.gather [hbm4b:s0+s17], $0x80, s29, s17, $0xb8;
	[tilespmem:$0x1F380] =	vst v63  }
0x171: {  	v2 =	vld [tilespmem:$0x14980];
	_ =	sdelay $0x7  }
0x172: {  	[tilespmem:v2+s19+$0x0] =	vst.idx.add.f32.msk $0xffff, v1  }
0x173: {  	v2 =	vld [tilespmem:$0x14990];
	_ =	sdelay $0x7  }
0x174: {  	[tilespmem:v2+s19+$0x0] =	vst.idx.add.f32.msk $0xffff, v1  }
0x175: {  	v2 =	vld [tilespmem:$0x149A0];
	_ =	sdelay $0x7  }
0x176: {  	[tilespmem:v2+s19+$0x0] =	vst.idx.add.f32.msk $0xffff, v1  }
0x177: {  	v2 =	vld [tilespmem:$0x149B0];
	_ =	sdelay $0x7  }
0x178: {  	[tilespmem:v2+s19+$0x0] =	vst.idx.add.f32.msk $0xffff, v1  }
0x179: {  	v2 =	vld [tilespmem:$0x149C0];
	_ =	sdelay $0x7  }
0x17a: {  	[tilespmem:v2+s19+$0x0] =	vst.idx.add.f32.msk $0xffff, v1  }
0x17b: {  	v2 =	vld [tilespmem:$0x149D0];
	_ =	sdelay $0x7  }
0x17c: {  	[tilespmem:v2+s19+$0x0] =	vst.idx.add.f32.msk $0xffff, v1  }
0x17d: {  	v2 =	vld [tilespmem:$0x149E0];
	_ =	sdelay $0x7  }
0x17e: {  	[tilespmem:v2+s19+$0x0] =	vst.idx.add.f32.msk $0xffff, v1  }
0x17f: {  	v2 =	vld [tilespmem:$0x149F0];
	_ =	sdelay $0x7  }
0x180: {  	[tilespmem:v2+s19+$0x0] =	vst.idx.add.f32.msk $0xffff, v1  }
0x181: {  	_ =	swait.ge [sflag:s21], $0x4000  }
0x182: {  	[sflag:s21] =	ssyncset.done $0x0  }
0x183: {  	[sflag:s21] =	ssyncadd.s32 $0xFFFFC000  }
0x184: {  	[spmem:s3] =	stream.indirect.scatter.add.f32 [tilespmem:s18], [sflag:$0x3], $0x80, s30, s17, $0xb8;
	[tilespmem:$0x1F380] =	vst v63  }
0x185: {  	_ =	swait.ge [sflag:s14], $0x4000  }
0x186: {  	[sflag:s14] =	ssyncset.done $0x0  }
0x187: {  	[sflag:s14] =	ssyncadd.s32 $0xFFFFC000  }
0x188: {  	[tilespmem:s18], [sflag:$0x2] =	stream.indirect.gather [hbm4b:s0+s17], $0x80, s31, s17, $0xb8;
	[tilespmem:$0x1F380] =	vst v63  }
0x189: {  	v2 =	vld [tilespmem:$0x14A00];
	_ =	sdelay $0x7  }
0x18a: {  	[tilespmem:v2+s19+$0x0] =	vst.idx.add.f32.msk $0xffff, v1  }
0x18b: {  	v2 =	vld [tilespmem:$0x14A10];
	_ =	sdelay $0x7  }
0x18c: {  	[tilespmem:v2+s19+$0x0] =	vst.idx.add.f32.msk $0xffff, v1  }
0x18d: {  	v2 =	vld [tilespmem:$0x14A20];
	_ =	sdelay $0x7  }
0x18e: {  	[tilespmem:v2+s19+$0x0] =	vst.idx.add.f32.msk $0xffff, v1  }
0x18f: {  	v2 =	vld [tilespmem:$0x14A30];
	_ =	sdelay $0x7  }
0x190: {  	[tilespmem:v2+s19+$0x0] =	vst.idx.add.f32.msk $0xffff, v1  }
0x191: {  	v2 =	vld [tilespmem:$0x14A40];
	_ =	sdelay $0x7  }
0x192: {  	[tilespmem:v2+s19+$0x0] =	vst.idx.add.f32.msk $0xffff, v1  }
0x193: {  	v2 =	vld [tilespmem:$0x14A50];
	_ =	sdelay $0x7  }
0x194: {  	[tilespmem:v2+s19+$0x0] =	vst.idx.add.f32.msk $0xffff, v1  }
0x195: {  	v2 =	vld [tilespmem:$0x14A60];
	_ =	sdelay $0x7  }
0x196: {  	[tilespmem:v2+s19+$0x0] =	vst.idx.add.f32.msk $0xffff, v1  }
0x197: {  	v2 =	vld [tilespmem:$0x14A70];
	_ =	sdelay $0x7  }
0x198: {  	[tilespmem:v2+s19+$0x0] =	vst.idx.add.f32.msk $0xffff, v1  }
0x199: {  	_ =	swait.ge [sflag:s20], $0x4000  }
0x19a: {  	[sflag:s20] =	ssyncset.done $0x0  }
0x19b: {  	[sflag:s20] =	ssyncadd.s32 $0xFFFFC000  }
0x19c: {  	[spmem:s3] =	stream.indirect.scatter.add.f32 [tilespmem:s13], [sflag:$0x3], $0x80, s1, s17, $0xb8;
	[tilespmem:$0x1F380] =	vst v63  }
0x19d: {  	_ =	swait.ge [sflag:s14], $0x4000  }
0x19e: {  	[sflag:s14] =	ssyncset.done $0x0  }
0x19f: {  	[sflag:s14] =	ssyncadd.s32 $0xFFFFC000  }
0x1a0: {  	[tilespmem:s13], [sflag:$0x1] =	stream.indirect.gather [hbm4b:s0+s17], $0x80, s2, s17, $0xb8;
	[tilespmem:$0x1F380] =	vst v63  }
0x1a1: {  	v2 =	vld [tilespmem:$0x14A80];
	_ =	sdelay $0x7  }
0x1a2: {  	[tilespmem:v2+s19+$0x0] =	vst.idx.add.f32.msk $0xffff, v1  }
0x1a3: {  	v2 =	vld [tilespmem:$0x14A90];
	_ =	sdelay $0x7  }
0x1a4: {  	[tilespmem:v2+s19+$0x0] =	vst.idx.add.f32.msk $0xffff, v1  }
0x1a5: {  	v2 =	vld [tilespmem:$0x14AA0];
	_ =	sdelay $0x7  }
0x1a6: {  	[tilespmem:v2+s19+$0x0] =	vst.idx.add.f32.msk $0xffff, v1  }
0x1a7: {  	v2 =	vld [tilespmem:$0x14AB0];
	_ =	sdelay $0x7  }
0x1a8: {  	[tilespmem:v2+s19+$0x0] =	vst.idx.add.f32.msk $0xffff, v1  }
0x1a9: {  	v2 =	vld [tilespmem:$0x14AC0];
	_ =	sdelay $0x7  }
0x1aa: {  	[tilespmem:v2+s19+$0x0] =	vst.idx.add.f32.msk $0xffff, v1  }
0x1ab: {  	v2 =	vld [tilespmem:$0x14AD0];
	_ =	sdelay $0x7  }
0x1ac: {  	[tilespmem:v2+s19+$0x0] =	vst.idx.add.f32.msk $0xffff, v1  }
0x1ad: {  	v2 =	vld [tilespmem:$0x14AE0];
	_ =	sdelay $0x7  }
0x1ae: {  	[tilespmem:v2+s19+$0x0] =	vst.idx.add.f32.msk $0xffff, v1  }
0x1af: {  	v2 =	vld [tilespmem:$0x14AF0];
	_ =	sdelay $0x7  }
0x1b0: {  	[tilespmem:v2+s19+$0x0] =	vst.idx.add.f32.msk $0xffff, v1  }
0x1b1: {  	_ =	swait.ge [sflag:s21], $0x4000  }
0x1b2: {  	[sflag:s21] =	ssyncset.done $0x0  }
0x1b3: {  	[sflag:s21] =	ssyncadd.s32 $0xFFFFC000  }
0x1b4: {  	[spmem:s3] =	stream.indirect.scatter.add.f32 [tilespmem:s18], [sflag:$0x3], $0x80, s6, s17, $0xb8;
	[tilespmem:$0x1F380] =	vst v63  }
0x1b5: {  	_ =	swait.ge [sflag:s14], $0x4000  }
0x1b6: {  	[sflag:s14] =	ssyncset.done $0x0  }
0x1b7: {  	[sflag:s14] =	ssyncadd.s32 $0xFFFFC000  }
0x1b8: {  	[tilespmem:s18], [sflag:$0x2] =	stream.indirect.gather [hbm4b:s0+s17], $0x80, s7, s17, $0xb8;
	[tilespmem:$0x1F380] =	vst v63  }
0x1b9: {  	v2 =	vld [tilespmem:$0x14B00];
	_ =	sdelay $0x7  }
0x1ba: {  	[tilespmem:v2+s19+$0x0] =	vst.idx.add.f32.msk $0xffff, v1  }
0x1bb: {  	v2 =	vld [tilespmem:$0x14B10];
	_ =	sdelay $0x7  }
0x1bc: {  	[tilespmem:v2+s19+$0x0] =	vst.idx.add.f32.msk $0xffff, v1  }
0x1bd: {  	v2 =	vld [tilespmem:$0x14B20];
	_ =	sdelay $0x7  }
0x1be: {  	[tilespmem:v2+s19+$0x0] =	vst.idx.add.f32.msk $0xffff, v1  }
0x1bf: {  	v2 =	vld [tilespmem:$0x14B30];
	_ =	sdelay $0x7  }
0x1c0: {  	[tilespmem:v2+s19+$0x0] =	vst.idx.add.f32.msk $0xffff, v1  }
0x1c1: {  	v2 =	vld [tilespmem:$0x14B40];
	_ =	sdelay $0x7  }
0x1c2: {  	[tilespmem:v2+s19+$0x0] =	vst.idx.add.f32.msk $0xffff, v1  }
0x1c3: {  	v2 =	vld [tilespmem:$0x14B50];
	_ =	sdelay $0x7  }
0x1c4: {  	[tilespmem:v2+s19+$0x0] =	vst.idx.add.f32.msk $0xffff, v1  }
0x1c5: {  	v2 =	vld [tilespmem:$0x14B60];
	_ =	sdelay $0x7  }
0x1c6: {  	[tilespmem:v2+s19+$0x0] =	vst.idx.add.f32.msk $0xffff, v1  }
0x1c7: {  	v2 =	vld [tilespmem:$0x14B70];
	_ =	sdelay $0x7  }
0x1c8: {  	[tilespmem:v2+s19+$0x0] =	vst.idx.add.f32.msk $0xffff, v1  }
0x1c9: {  	_ =	swait.ge [sflag:s20], $0x4000  }
0x1ca: {  	[sflag:s20] =	ssyncset.done $0x0  }
0x1cb: {  	[sflag:s20] =	ssyncadd.s32 $0xFFFFC000  }
0x1cc: {  	[spmem:s3] =	stream.indirect.scatter.add.f32 [tilespmem:s13], [sflag:$0x3], $0x80, s8, s17, $0xb8;
	[tilespmem:$0x1F380] =	vst v63  }
0x1cd: {  	_ =	swait.ge [sflag:s14], $0x4000  }
0x1ce: {  	[sflag:s14] =	ssyncset.done $0x0  }
0x1cf: {  	[sflag:s14] =	ssyncadd.s32 $0xFFFFC000  }
0x1d0: {  	v2 =	vld [tilespmem:$0x14B80];
	_ =	sdelay $0x7  }
0x1d1: {  	[tilespmem:v2+s19+$0x0] =	vst.idx.add.f32.msk $0xffff, v1  }
0x1d2: {  	v2 =	vld [tilespmem:$0x14B90];
	_ =	sdelay $0x7  }
0x1d3: {  	[tilespmem:v2+s19+$0x0] =	vst.idx.add.f32.msk $0xffff, v1  }
0x1d4: {  	v2 =	vld [tilespmem:$0x14BA0];
	_ =	sdelay $0x7  }
0x1d5: {  	[tilespmem:v2+s19+$0x0] =	vst.idx.add.f32.msk $0xffff, v1  }
0x1d6: {  	v2 =	vld [tilespmem:$0x14BB0];
	_ =	sdelay $0x7  }
0x1d7: {  	[tilespmem:v2+s19+$0x0] =	vst.idx.add.f32.msk $0xffff, v1  }
0x1d8: {  	v2 =	vld [tilespmem:$0x14BC0];
	_ =	sdelay $0x7  }
0x1d9: {  	[tilespmem:v2+s19+$0x0] =	vst.idx.add.f32.msk $0xffff, v1  }
0x1da: {  	v2 =	vld [tilespmem:$0x14BD0];
	_ =	sdelay $0x7  }
0x1db: {  	[tilespmem:v2+s19+$0x0] =	vst.idx.add.f32.msk $0xffff, v1  }
0x1dc: {  	v2 =	vld [tilespmem:$0x14BE0];
	_ =	sdelay $0x7  }
0x1dd: {  	[tilespmem:v2+s19+$0x0] =	vst.idx.add.f32.msk $0xffff, v1  }
0x1de: {  	v2 =	vld [tilespmem:$0x14BF0];
	_ =	sdelay $0x7  }
0x1df: {  	[tilespmem:v2+s19+$0x0] =	vst.idx.add.f32.msk $0xffff, v1  }
0x1e0: {  	_ =	swait.ge [sflag:s21], $0x4000  }
0x1e1: {  	p0 =	sne.s32 s11, $0x400;
	[sflag:s21] =	ssyncset.done $0x0  }
.Ltmp2:
0x1e2: {  	[sflag:s21] =	ssyncadd.s32 $0xFFFFC000;
	(pc) =	sbr.rel @p0 .LBB2_6-.Ltmp2, $4  }
0x1e3: {  	[spmem:s3] =	stream.indirect.scatter.add.f32 [tilespmem:s18], [sflag:$0x3], $0x80, s9, s17, $0xb8;
	[tilespmem:$0x1F380] =	vst v63  }
0x1e4: {  	_ =	swait.ge [sflag:s14], $0x4000  }
0x1e5: {  	[sflag:s14] =	ssyncset.done $0x0  }
0x1e6: {  	s11 =	sadd.s32 $0x100, s11;
	[sflag:s14] =	ssyncadd.s32 $0xFFFFC000  }
0x1e7: {  	s11 =	stileid.u32;
	[bflag:$0x0] =	sbarrier.arrive $0xFFFF  }
0x1e8: {  	s11 =	sshll.u32 s11, $0x6;
	s5 =	rddreg [dreg:$0x1b]  }
0x1e9: {  	s11 =	sor.u32 $0x1C03, s11;
	s12 =	sshrl.u32 s5, $0x3;
	s5 =	rddreg [dreg:$0x1a]  }
0x1ea: {  	[hbm:s5], [sflag:s11] =	dma.local [spmem:s12], $0x2780  }
0x1eb: {  	_ =	swait.ge [sflag:s14], $0x2780  }
0x1ec: {  	[sflag:s14] =	ssyncset.done $0x0  }
0x1ed: {  	s11 =	rddreg [dreg:$0x1c];
	[sflag:s14] =	ssyncadd.s32 $0xFFFFD880  }
0x1ee: {  	[hbm4b:s11+s4] =	stream.linear.scatter [tilespmem:s19], [sflag:$0x3], $0x2780, $0x38;
	[tilespmem:$0x1F380] =	vst v63  }
0x1ef: {  	_ =	swait.ge [sflag:s14], $0x2780  }
0x1f0: {  	s10 =	sadd.s32 $0x1, s10;
	s12 =	rddreg [dreg:$0x1d]  }
0x1f1: {  	p0 =	sne.s32 s10, s12  }
.Ltmp3:
0x1f2: {  	_ = 	snop;
	(pc) =	sbr.rel @p0 .LBB2_1-.Ltmp3, $3  }
0x1f3: {  	_ =	sdelay $0x1  }
0x1f4: {  	[sflag:s14] =	ssyncset.done $0x0  }
0x1f5: {  	[sflag:s14] =	ssyncadd.s32 $0xFFFFD880  }
0x1f6: {  	_ =	sfence.sel $0x180000  }
0x1f7: {  	[bflag:$0x0] =	sbarrier.arrive $0xFFFF  }
0x1f8: {  	_ =	strace $0x90000047  }
0x1f9: {  	s0 =	stileid.u32;
	[bflag:$0x2] =	sbarrier.arrive $0xFFFF  }
0x1fa: {  	p0 =	sne.s32 s0, $0x0;
	s0 =	rddreg [dreg:$0x4]  }
0x1fb: {  	s0 =	sadd.s32 @!p0 $0x100000, s0  }
0x1fc: {  	[sflag:s0] =	ssyncadd.tile.s32 @!p0 $0x1;
	_ =	shalt  }
.Lfunc_end2:
_tile_overlayer_lowered:
.L_overlay_start_2:
0x1fd: {  	(tag) =	ssettag $0x2  }
0x1fe: {  	s0 =	rddreg [dreg:$0x0];
	s2 =	stileid.u32  }
0x1ff: {  	s1 =	rddreg [dreg:$0x1];
	p0 =	sne.s32 s2, $0x0  }
0x200: {  	s3 =	rddreg [dreg:$0x2];
	[bflag:$0x3] =	sbarrier.arrive $0xFFFF;
	s2 =	simm.s32 @!p0 $0x1C03  }
0x201: {  	[timem:s3], [sflag:s2] =	dma.local @!p0 [hbm:s0], s1  }
0x202: {  	s0 =	simm.s32 @!p0 $0x3  }
0x203: {  	_ =	swait.ge @!p0 [sflag:s0], s1  }
0x204: {  	s1 =	ssub.s32 @!p0 $0x0, s1;
	[sflag:s0] =	ssyncset.done @!p0 $0x0  }
0x205: {  	[sflag:s0] =	ssyncadd.s32 @!p0 s1  }
0x206: {  	[bflag:$0x3] =	sbarrier.arrive $0xFFFF  }
0x207: {  	_ =	shalt  }

</sc_bundles>
